<compile_context>
chip_gen: v7x
topology: tpu7x:2x2x1
jax: 0.10.2.dev20260603
libtpu: 0.0.44.dev20260713+nightly
codegen_flags: <defaults>
</compile_context>

<pallas_src>
import functools

import jax
import jax.numpy as jnp
from jax import lax
from jax.experimental import pallas as pl
from jax.experimental.pallas import tpu as pltpu
from jax.experimental.pallas import tpu_sc as plsc

NC = 2
NS = 16
NW = NC * NS
C = 128
RPT = 640
NP = NS * RPT


def _sc_mesh():
    return plsc.VectorSubcoreMesh(
        core_axis_name="c", subcore_axis_name="s", num_cores=NC, num_subcores=NS
    )


@functools.lru_cache(maxsize=None)
def _sc_aggregate_prog(ch, c, d):
    nzc = RPT // c

    chm1 = ch - 1
    assert ch % 2 == 0

    @functools.partial(
        pl.kernel,
        out_type=jax.ShapeDtypeStruct((NW, RPT, d), jnp.float32),
        mesh=_sc_mesh(),
        scratch_types=[
            pltpu.VMEM((c,), jnp.int32),
            pltpu.VMEM((c,), jnp.int32),
            pltpu.VMEM((c,), jnp.int32),
            pltpu.VMEM((c,), jnp.int32),
            pltpu.VMEM((c, d), jnp.float32),
            pltpu.VMEM((c, d), jnp.float32),
            pltpu.VMEM_SHARED((NP, d), jnp.float32),
            pltpu.SemaphoreType.DMA,
            pltpu.SemaphoreType.DMA,
            pltpu.SemaphoreType.DMA,
            pltpu.SemaphoreType.DMA,
            pltpu.SemaphoreType.DMA,
            pltpu.SemaphoreType.DMA,
        ],
    )
    def k(h_h, src_h, dst_h, zeros_h, out_h, s0, s1, d0, d1, rows0, rows1,
          agg_sp, g0, g1, is0, is1, id0, id1):
        core = lax.axis_index("c")
        sub = lax.axis_index("s")
        wid = core * NS + sub
        r0 = sub * RPT
        pltpu.sync_copy(zeros_h, rows0)
        for kk in range(nzc):
            pltpu.sync_copy(rows0, agg_sp.at[pl.ds(r0 + kk * c, c)])
        plsc.subcore_barrier()

        pltpu.sync_copy(src_h.at[wid, 0], s0)
        pltpu.sync_copy(dst_h.at[wid, 0], d0)
        pltpu.async_copy(h_h.at[s0], rows0, g0)
        pltpu.async_copy(src_h.at[wid, min(1, chm1)], s1, is1)
        pltpu.async_copy(dst_h.at[wid, min(1, chm1)], d1, id1)

        def body(i, carry):
            j0 = 2 * i
            pltpu.make_async_copy(h_h.at[s0], rows0, g0).wait()
            pltpu.make_async_copy(src_h.at[wid, 0], s1, is1).wait()
            pltpu.make_async_copy(dst_h.at[wid, 0], d1, id1).wait()
            pltpu.async_copy(h_h.at[s1], rows1, g1)
            pltpu.sync_copy(rows0, agg_sp.at[d0], add=True)
            jn2 = jnp.minimum(j0 + 2, chm1)
            pltpu.async_copy(src_h.at[wid, jn2], s0, is0)
            pltpu.async_copy(dst_h.at[wid, jn2], d0, id0)
            pltpu.make_async_copy(h_h.at[s1], rows1, g1).wait()
            pltpu.make_async_copy(src_h.at[wid, 0], s0, is0).wait()
            pltpu.make_async_copy(dst_h.at[wid, 0], d0, id0).wait()
            pltpu.async_copy(h_h.at[s0], rows0, g0)
            pltpu.sync_copy(rows1, agg_sp.at[d1], add=True)
            jn3 = jnp.minimum(j0 + 3, chm1)
            pltpu.async_copy(src_h.at[wid, jn3], s1, is1)
            pltpu.async_copy(dst_h.at[wid, jn3], d1, id1)
            return carry

        lax.fori_loop(0, ch // 2, body, 0)
        pltpu.make_async_copy(h_h.at[s0], rows0, g0).wait()
        pltpu.make_async_copy(src_h.at[wid, 0], s1, is1).wait()
        pltpu.make_async_copy(dst_h.at[wid, 0], d1, id1).wait()
        plsc.subcore_barrier()
        for kk in range(nzc):
            pltpu.sync_copy(agg_sp.at[pl.ds(r0 + kk * c, c)], rows0)
            pltpu.sync_copy(rows0, out_h.at[wid, pl.ds(kk * c, c)])

    return k


def _sc_aggregate(h, src3d, dst3d, zeros, d):
    _, ch, c = src3d.shape
    return _sc_aggregate_prog(ch, c, d)(h, src3d, dst3d, zeros)


def _tc_prep(x, dout_p):
    n, d = x.shape
    blk = 1000

    def body(x_ref, dg_ref, o_ref):
        deg = dg_ref[0][:, 0:1] + dg_ref[1][:, 0:1]
        norm = lax.rsqrt(jnp.maximum(deg, 1.0))
        o_ref[...] = x_ref[...] * norm

    return pl.pallas_call(
        body,
        grid=(n // blk,),
        in_specs=[
            pl.BlockSpec((blk, d), lambda i: (i, 0)),
            pl.BlockSpec((NC, blk, d), lambda i: (0, i, 0)),
        ],
        out_specs=pl.BlockSpec((blk, d), lambda i: (i, 0)),
        out_shape=jax.ShapeDtypeStruct((n, d), jnp.float32),
    )(x, dout_p)


def _tc_finish(parts, din_p, W, b2d, dout_p, n):
    d = parts.shape[2]
    h = W.shape[1]
    blk = 1000
    prep = dout_p is not None

    def body(*refs):
        if prep:
            p_ref, di_ref, W_ref, b_ref, do_ref, o_ref = refs
        else:
            p_ref, di_ref, W_ref, b_ref, o_ref = refs
        agg = p_ref[0] + p_ref[1]
        din = di_ref[0][:, 0:1] + di_ref[1][:, 0:1]
        agg = agg * lax.rsqrt(jnp.maximum(din, 1.0))
        y = jnp.dot(agg, W_ref[...], preferred_element_type=jnp.float32)
        y = jnp.maximum(y + b_ref[...], 0.0)
        if prep:
            dout = do_ref[0][:, 0:1] + do_ref[1][:, 0:1]
            y = y * lax.rsqrt(jnp.maximum(dout, 1.0))
        o_ref[...] = y

    in_specs = [
        pl.BlockSpec((NC, blk, d), lambda i: (0, i, 0)),
        pl.BlockSpec((NC, blk, d), lambda i: (0, i, 0)),
        pl.BlockSpec((d, h), lambda i: (0, 0)),
        pl.BlockSpec((1, h), lambda i: (0, 0)),
    ]
    args = [parts, din_p, W, b2d]
    if prep:
        in_specs.append(pl.BlockSpec((NC, blk, d), lambda i: (0, i, 0)))
        args.append(dout_p)
    return pl.pallas_call(
        body,
        grid=(n // blk,),
        in_specs=in_specs,
        out_specs=pl.BlockSpec((blk, h), lambda i: (i, 0)),
        out_shape=jax.ShapeDtypeStruct((n, h), jnp.float32),
    )(*args)


def kernel(inputs, edge_index, W1, b1, W2, b2):
    n, d = inputs.shape
    e = edge_index.shape[1]
    hdim = W1.shape[1]
    assert e % NW == 0 and n < NP
    ep = e // NW
    ch = -(-ep // C)
    ch += ch % 2
    epp = ch * C
    npad = epp - ep

    srcr = edge_index[0].reshape(NW, ep)
    dstr = edge_index[1].reshape(NW, ep)
    pad0 = jnp.zeros((NW, npad), jnp.int32)
    padn = jnp.full((NW, npad), n, jnp.int32)
    agg_src = jnp.concatenate([srcr, pad0], axis=1).reshape(NW, ch, C)
    deg_src = jnp.concatenate([srcr, padn], axis=1).reshape(NW, ch, C)
    dst3d = jnp.concatenate([dstr, padn], axis=1).reshape(NW, ch, C)
    ones_mat = jnp.ones((n, d), jnp.float32)
    zeros_agg = jnp.zeros((C, d), jnp.float32)

    din_p = _sc_aggregate(ones_mat, agg_src, dst3d, zeros_agg, d).reshape(NC, NP, d)
    dout_p = _sc_aggregate(ones_mat, agg_src, deg_src, zeros_agg, d).reshape(NC, NP, d)

    b1_2d = b1.reshape(1, hdim)
    b2_2d = b2.reshape(1, hdim)

    h0 = _tc_prep(inputs, dout_p)
    p1 = _sc_aggregate(h0, agg_src, dst3d, zeros_agg, d).reshape(NC, NP, d)
    h1 = _tc_finish(p1, din_p, W1, b1_2d, dout_p, n)
    p2 = _sc_aggregate(h1, agg_src, dst3d, zeros_agg, hdim).reshape(NC, NP, hdim)
    h2 = _tc_finish(p2, din_p, W2, b2_2d, None, n)
    return h2

# --- scband reference (transcript-rebuilt; emitter-appended) ---
"""Pipeline reference for scband-net-2216203125270 (READ-ONLY COPY).

The authoritative reference and input builder live on the scoring server;
editing this copy changes nothing except your own understanding.
"""

import jax, jax.numpy as jnp
import numpy as np

N = 10000
E = 320000
D = 128
H = 128


def setup_inputs(seed: int = 0) -> dict:
    key = jax.random.key(seed)
    k1, k2, k3, k4, k5, k6 = jax.random.split(key, 6)
    inputs = jax.random.normal(k1, (N, D), dtype=jnp.float32)
    edge_index = jax.random.randint(k2, (2, E), 0, N, dtype=jnp.int32)
    # GraphConv layer 1 weights (in_feats=128 -> n_hidden=128) and layer 2 (128 -> 128)
    W1 = jax.random.normal(k3, (D, H), dtype=jnp.float32) * (1.0 / np.sqrt(D))
    b1 = jnp.zeros((H,), dtype=jnp.float32)
    W2 = jax.random.normal(k4, (H, H), dtype=jnp.float32) * (1.0 / np.sqrt(H))
    b2 = jnp.zeros((H,), dtype=jnp.float32)
    return {"inputs": inputs, "edge_index": edge_index, "W1": W1, "b1": b1, "W2": W2, "b2": b2}


def _gcn_layer(x, src, dst, W, b, n_nodes):
    # DGL GraphConv with norm='both':
    # h = D_in^{-1/2} * A^T * (D_out^{-1/2} * x) * W + b
    ones = jnp.ones((src.shape[0],), dtype=jnp.float32)
    deg_out = jnp.zeros((n_nodes,), dtype=jnp.float32).at[src].add(ones)
    deg_in = jnp.zeros((n_nodes,), dtype=jnp.float32).at[dst].add(ones)
    norm_src = 1.0 / jnp.sqrt(jnp.clip(deg_out, 1.0))
    norm_dst = 1.0 / jnp.sqrt(jnp.clip(deg_in, 1.0))
    h = x * norm_src[:, None]
    agg = jnp.zeros((n_nodes, h.shape[1]), dtype=h.dtype).at[dst].add(h[src])
    agg = agg * norm_dst[:, None]
    return agg @ W + b


def reference(inputs, edge_index, W1, b1, W2, b2):
    src = edge_index[0]
    dst = edge_index[1]
    n_nodes = inputs.shape[0]
    # layer 1: GraphConv(activation=relu) then outer relu (idempotent), dropout p=0.0 -> identity
    h = _gcn_layer(inputs, src, dst, W1, b1, n_nodes)
    h = jax.nn.relu(h)
    # layer 2
    h = _gcn_layer(h, src, dst, W2, b2, n_nodes)
    h = jax.nn.relu(h)
    # n_classes is None -> no predict head
    return h

if __name__ == "__main__":
    import jax
    _d = setup_inputs()
    print(jax.jit(kernel)(*tuple(_d.values())))

</pallas_src>

<mosaic_0001>
#map = affine_map<(d0, d1) -> (0, 0)>
#map1 = affine_map<(d0, d1) -> (0, 0, 0)>
module attributes {stable_mosaic.version = 14 : i64} {
  func.func @k(%arg0: i32, %arg1: i32, %arg2: memref<10000x128xf32, #tpu.memory_space<hbm>>, %arg3: memref<32x80x128xi32, #tpu.memory_space<hbm>>, %arg4: memref<32x80x128xi32, #tpu.memory_space<hbm>>, %arg5: memref<128x128xf32, #tpu.memory_space<hbm>>, %arg6: memref<32x640x128xf32, #tpu.memory_space<hbm>>, %arg7: memref<128xi32, #tpu.memory_space<vmem>>, %arg8: memref<128xi32, #tpu.memory_space<vmem>>, %arg9: memref<128xi32, #tpu.memory_space<vmem>>, %arg10: memref<128xi32, #tpu.memory_space<vmem>>, %arg11: memref<128x128xf32, #tpu.memory_space<vmem>>, %arg12: memref<128x128xf32, #tpu.memory_space<vmem>>, %arg13: memref<10240x128xf32, #tpu.memory_space<vmem_shared>>, %arg14: memref<!tpu.dma_semaphore, #tpu.memory_space<semaphore_mem>>, %arg15: memref<!tpu.dma_semaphore, #tpu.memory_space<semaphore_mem>>, %arg16: memref<!tpu.dma_semaphore, #tpu.memory_space<semaphore_mem>>, %arg17: memref<!tpu.dma_semaphore, #tpu.memory_space<semaphore_mem>>, %arg18: memref<!tpu.dma_semaphore, #tpu.memory_space<semaphore_mem>>, %arg19: memref<!tpu.dma_semaphore, #tpu.memory_space<semaphore_mem>>) attributes {dimension_semantics = [#tpu.dimension_semantics<core_parallel>, #tpu.dimension_semantics<subcore_parallel>], iteration_bounds = array<i64: 2, 16>, scalar_prefetch = 0 : i64, scratch_operands = 13 : i64, tpu.core_type = #tpu.core_type<sc_vector_subcore>, window_params = [{transform_indices = #map}, {transform_indices = #map1}, {transform_indices = #map1}, {transform_indices = #map}, {transform_indices = #map1}]} {
    %mul3A = arith.constant 16 : i32
    %mul3A_0 = arith.muli %arg0, %mul3A : i32
    %add3A = arith.addi %mul3A_0, %arg1 : i32
    %mul3A_1 = arith.constant 640 : i32
    %mul3A_2 = arith.muli %arg1, %mul3A_1 : i32
    "tpu.region"() ({
      %run_scoped3A_62 = tpu.sem_alloc : memref<!tpu.dma_semaphore, #tpu.memory_space<semaphore_mem>>
      tpu.enqueue_dma source(%arg5 : memref<128x128xf32, #tpu.memory_space<hbm>>) target(%arg11 : memref<128x128xf32, #tpu.memory_space<vmem>>) target_semaphore(%run_scoped3A_62 : memref<!tpu.dma_semaphore, #tpu.memory_space<semaphore_mem>>)
      tpu.wait_dma2 semaphore(%run_scoped3A_62 : memref<!tpu.dma_semaphore, #tpu.memory_space<semaphore_mem>>) src(%arg5 : memref<128x128xf32, #tpu.memory_space<hbm>>) dst(%arg11 : memref<128x128xf32, #tpu.memory_space<vmem>>)
      tpu.yield
    }) : () -> ()
    %add3A_3 = arith.constant 0 : i32
    %add3A_4 = arith.addi %mul3A_2, %add3A_3 : i32
    "tpu.region"() ({
      %run_scoped3A_62 = tpu.sem_alloc : memref<!tpu.dma_semaphore, #tpu.memory_space<semaphore_mem>>
      %dma_start3A_63 = arith.constant 0 : i32
      %dma_start3A_64 = tpu.memref_slice %arg13[%add3A_4, %dma_start3A_63] : memref<10240x128xf32, #tpu.memory_space<vmem_shared>> -> memref<128x128xf32, #tpu.memory_space<vmem_shared>>
      %dma_start3A_65 = arith.constant 0 : i32
      %dma_start3A_66 = tpu.memref_slice %arg13[%add3A_4, %dma_start3A_65] : memref<10240x128xf32, #tpu.memory_space<vmem_shared>> -> memref<128x128xf32, #tpu.memory_space<vmem_shared>>
      tpu.enqueue_dma source(%arg11 : memref<128x128xf32, #tpu.memory_space<vmem>>) target(%dma_start3A_66 : memref<128x128xf32, #tpu.memory_space<vmem_shared>>) target_semaphore(%run_scoped3A_62 : memref<!tpu.dma_semaphore, #tpu.memory_space<semaphore_mem>>)
      %dma_wait3A_67 = arith.constant 0 : i32
      %dma_wait3A_68 = tpu.memref_slice %arg13[%add3A_4, %dma_wait3A_67] : memref<10240x128xf32, #tpu.memory_space<vmem_shared>> -> memref<128x128xf32, #tpu.memory_space<vmem_shared>>
      %dma_wait3A_69 = arith.constant 0 : i32
      %dma_wait3A_70 = tpu.memref_slice %arg13[%add3A_4, %dma_wait3A_69] : memref<10240x128xf32, #tpu.memory_space<vmem_shared>> -> memref<128x128xf32, #tpu.memory_space<vmem_shared>>
      tpu.wait_dma2 semaphore(%run_scoped3A_62 : memref<!tpu.dma_semaphore, #tpu.memory_space<semaphore_mem>>) src(%arg11 : memref<128x128xf32, #tpu.memory_space<vmem>>) dst(%dma_wait3A_70 : memref<128x128xf32, #tpu.memory_space<vmem_shared>>)
      tpu.yield
    }) : () -> ()
    %add3A_5 = arith.constant 128 : i32
    %add3A_6 = arith.addi %mul3A_2, %add3A_5 : i32
    "tpu.region"() ({
      %run_scoped3A_62 = tpu.sem_alloc : memref<!tpu.dma_semaphore, #tpu.memory_space<semaphore_mem>>
      %dma_start3A_63 = arith.constant 0 : i32
      %dma_start3A_64 = tpu.memref_slice %arg13[%add3A_6, %dma_start3A_63] : memref<10240x128xf32, #tpu.memory_space<vmem_shared>> -> memref<128x128xf32, #tpu.memory_space<vmem_shared>>
      %dma_start3A_65 = arith.constant 0 : i32
      %dma_start3A_66 = tpu.memref_slice %arg13[%add3A_6, %dma_start3A_65] : memref<10240x128xf32, #tpu.memory_space<vmem_shared>> -> memref<128x128xf32, #tpu.memory_space<vmem_shared>>
      tpu.enqueue_dma source(%arg11 : memref<128x128xf32, #tpu.memory_space<vmem>>) target(%dma_start3A_66 : memref<128x128xf32, #tpu.memory_space<vmem_shared>>) target_semaphore(%run_scoped3A_62 : memref<!tpu.dma_semaphore, #tpu.memory_space<semaphore_mem>>)
      %dma_wait3A_67 = arith.constant 0 : i32
      %dma_wait3A_68 = tpu.memref_slice %arg13[%add3A_6, %dma_wait3A_67] : memref<10240x128xf32, #tpu.memory_space<vmem_shared>> -> memref<128x128xf32, #tpu.memory_space<vmem_shared>>
      %dma_wait3A_69 = arith.constant 0 : i32
      %dma_wait3A_70 = tpu.memref_slice %arg13[%add3A_6, %dma_wait3A_69] : memref<10240x128xf32, #tpu.memory_space<vmem_shared>> -> memref<128x128xf32, #tpu.memory_space<vmem_shared>>
      tpu.wait_dma2 semaphore(%run_scoped3A_62 : memref<!tpu.dma_semaphore, #tpu.memory_space<semaphore_mem>>) src(%arg11 : memref<128x128xf32, #tpu.memory_space<vmem>>) dst(%dma_wait3A_70 : memref<128x128xf32, #tpu.memory_space<vmem_shared>>)
      tpu.yield
    }) : () -> ()
    %add3A_7 = arith.constant 256 : i32
    %add3A_8 = arith.addi %mul3A_2, %add3A_7 : i32
    "tpu.region"() ({
      %run_scoped3A_62 = tpu.sem_alloc : memref<!tpu.dma_semaphore, #tpu.memory_space<semaphore_mem>>
      %dma_start3A_63 = arith.constant 0 : i32
      %dma_start3A_64 = tpu.memref_slice %arg13[%add3A_8, %dma_start3A_63] : memref<10240x128xf32, #tpu.memory_space<vmem_shared>> -> memref<128x128xf32, #tpu.memory_space<vmem_shared>>
      %dma_start3A_65 = arith.constant 0 : i32
      %dma_start3A_66 = tpu.memref_slice %arg13[%add3A_8, %dma_start3A_65] : memref<10240x128xf32, #tpu.memory_space<vmem_shared>> -> memref<128x128xf32, #tpu.memory_space<vmem_shared>>
      tpu.enqueue_dma source(%arg11 : memref<128x128xf32, #tpu.memory_space<vmem>>) target(%dma_start3A_66 : memref<128x128xf32, #tpu.memory_space<vmem_shared>>) target_semaphore(%run_scoped3A_62 : memref<!tpu.dma_semaphore, #tpu.memory_space<semaphore_mem>>)
      %dma_wait3A_67 = arith.constant 0 : i32
      %dma_wait3A_68 = tpu.memref_slice %arg13[%add3A_8, %dma_wait3A_67] : memref<10240x128xf32, #tpu.memory_space<vmem_shared>> -> memref<128x128xf32, #tpu.memory_space<vmem_shared>>
      %dma_wait3A_69 = arith.constant 0 : i32
      %dma_wait3A_70 = tpu.memref_slice %arg13[%add3A_8, %dma_wait3A_69] : memref<10240x128xf32, #tpu.memory_space<vmem_shared>> -> memref<128x128xf32, #tpu.memory_space<vmem_shared>>
      tpu.wait_dma2 semaphore(%run_scoped3A_62 : memref<!tpu.dma_semaphore, #tpu.memory_space<semaphore_mem>>) src(%arg11 : memref<128x128xf32, #tpu.memory_space<vmem>>) dst(%dma_wait3A_70 : memref<128x128xf32, #tpu.memory_space<vmem_shared>>)
      tpu.yield
    }) : () -> ()
    %add3A_9 = arith.constant 384 : i32
    %add3A_10 = arith.addi %mul3A_2, %add3A_9 : i32
    "tpu.region"() ({
      %run_scoped3A_62 = tpu.sem_alloc : memref<!tpu.dma_semaphore, #tpu.memory_space<semaphore_mem>>
      %dma_start3A_63 = arith.constant 0 : i32
      %dma_start3A_64 = tpu.memref_slice %arg13[%add3A_10, %dma_start3A_63] : memref<10240x128xf32, #tpu.memory_space<vmem_shared>> -> memref<128x128xf32, #tpu.memory_space<vmem_shared>>
      %dma_start3A_65 = arith.constant 0 : i32
      %dma_start3A_66 = tpu.memref_slice %arg13[%add3A_10, %dma_start3A_65] : memref<10240x128xf32, #tpu.memory_space<vmem_shared>> -> memref<128x128xf32, #tpu.memory_space<vmem_shared>>
      tpu.enqueue_dma source(%arg11 : memref<128x128xf32, #tpu.memory_space<vmem>>) target(%dma_start3A_66 : memref<128x128xf32, #tpu.memory_space<vmem_shared>>) target_semaphore(%run_scoped3A_62 : memref<!tpu.dma_semaphore, #tpu.memory_space<semaphore_mem>>)
      %dma_wait3A_67 = arith.constant 0 : i32
      %dma_wait3A_68 = tpu.memref_slice %arg13[%add3A_10, %dma_wait3A_67] : memref<10240x128xf32, #tpu.memory_space<vmem_shared>> -> memref<128x128xf32, #tpu.memory_space<vmem_shared>>
      %dma_wait3A_69 = arith.constant 0 : i32
      %dma_wait3A_70 = tpu.memref_slice %arg13[%add3A_10, %dma_wait3A_69] : memref<10240x128xf32, #tpu.memory_space<vmem_shared>> -> memref<128x128xf32, #tpu.memory_space<vmem_shared>>
      tpu.wait_dma2 semaphore(%run_scoped3A_62 : memref<!tpu.dma_semaphore, #tpu.memory_space<semaphore_mem>>) src(%arg11 : memref<128x128xf32, #tpu.memory_space<vmem>>) dst(%dma_wait3A_70 : memref<128x128xf32, #tpu.memory_space<vmem_shared>>)
      tpu.yield
    }) : () -> ()
    %add3A_11 = arith.constant 512 : i32
    %add3A_12 = arith.addi %mul3A_2, %add3A_11 : i32
    "tpu.region"() ({
      %run_scoped3A_62 = tpu.sem_alloc : memref<!tpu.dma_semaphore, #tpu.memory_space<semaphore_mem>>
      %dma_start3A_63 = arith.constant 0 : i32
      %dma_start3A_64 = tpu.memref_slice %arg13[%add3A_12, %dma_start3A_63] : memref<10240x128xf32, #tpu.memory_space<vmem_shared>> -> memref<128x128xf32, #tpu.memory_space<vmem_shared>>
      %dma_start3A_65 = arith.constant 0 : i32
      %dma_start3A_66 = tpu.memref_slice %arg13[%add3A_12, %dma_start3A_65] : memref<10240x128xf32, #tpu.memory_space<vmem_shared>> -> memref<128x128xf32, #tpu.memory_space<vmem_shared>>
      tpu.enqueue_dma source(%arg11 : memref<128x128xf32, #tpu.memory_space<vmem>>) target(%dma_start3A_66 : memref<128x128xf32, #tpu.memory_space<vmem_shared>>) target_semaphore(%run_scoped3A_62 : memref<!tpu.dma_semaphore, #tpu.memory_space<semaphore_mem>>)
      %dma_wait3A_67 = arith.constant 0 : i32
      %dma_wait3A_68 = tpu.memref_slice %arg13[%add3A_12, %dma_wait3A_67] : memref<10240x128xf32, #tpu.memory_space<vmem_shared>> -> memref<128x128xf32, #tpu.memory_space<vmem_shared>>
      %dma_wait3A_69 = arith.constant 0 : i32
      %dma_wait3A_70 = tpu.memref_slice %arg13[%add3A_12, %dma_wait3A_69] : memref<10240x128xf32, #tpu.memory_space<vmem_shared>> -> memref<128x128xf32, #tpu.memory_space<vmem_shared>>
      tpu.wait_dma2 semaphore(%run_scoped3A_62 : memref<!tpu.dma_semaphore, #tpu.memory_space<semaphore_mem>>) src(%arg11 : memref<128x128xf32, #tpu.memory_space<vmem>>) dst(%dma_wait3A_70 : memref<128x128xf32, #tpu.memory_space<vmem_shared>>)
      tpu.yield
    }) : () -> ()
    %barrier3A = arith.constant 0 : index
    tpu.barrier barrier_id(%barrier3A)
    %run_scoped3A = arith.constant 0 : i32
    "tpu.region"() ({
      %run_scoped3A_62 = tpu.sem_alloc : memref<!tpu.dma_semaphore, #tpu.memory_space<semaphore_mem>>
      %dma_start3A_63 = arith.constant 0 : i32
      %dma_start3A_64 = tpu.memref_slice %arg3[%add3A, %run_scoped3A, %dma_start3A_63] : memref<32x80x128xi32, #tpu.memory_space<hbm>> -> memref<1x1x128xi32, #tpu.memory_space<hbm>>
      %dma_start3A_65 = tpu.memref_squeeze %dma_start3A_64 : memref<1x1x128xi32, #tpu.memory_space<hbm>> -> memref<128xi32, #tpu.memory_space<hbm>>
      %dma_start3A_66 = arith.constant 0 : i32
      %dma_start3A_67 = tpu.memref_slice %arg3[%add3A, %run_scoped3A, %dma_start3A_66] : memref<32x80x128xi32, #tpu.memory_space<hbm>> -> memref<1x1x128xi32, #tpu.memory_space<hbm>>
      %dma_start3A_68 = tpu.memref_squeeze %dma_start3A_67 : memref<1x1x128xi32, #tpu.memory_space<hbm>> -> memref<128xi32, #tpu.memory_space<hbm>>
      tpu.enqueue_dma source(%dma_start3A_68 : memref<128xi32, #tpu.memory_space<hbm>>) target(%arg7 : memref<128xi32, #tpu.memory_space<vmem>>) target_semaphore(%run_scoped3A_62 : memref<!tpu.dma_semaphore, #tpu.memory_space<semaphore_mem>>)
      %dma_wait3A_69 = arith.constant 0 : i32
      %dma_wait3A_70 = tpu.memref_slice %arg3[%add3A, %run_scoped3A, %dma_wait3A_69] : memref<32x80x128xi32, #tpu.memory_space<hbm>> -> memref<1x1x128xi32, #tpu.memory_space<hbm>>
      %dma_wait3A_71 = tpu.memref_squeeze %dma_wait3A_70 : memref<1x1x128xi32, #tpu.memory_space<hbm>> -> memref<128xi32, #tpu.memory_space<hbm>>
      %dma_wait3A_72 = arith.constant 0 : i32
      %dma_wait3A_73 = tpu.memref_slice %arg3[%add3A, %run_scoped3A, %dma_wait3A_72] : memref<32x80x128xi32, #tpu.memory_space<hbm>> -> memref<1x1x128xi32, #tpu.memory_space<hbm>>
      %dma_wait3A_74 = tpu.memref_squeeze %dma_wait3A_73 : memref<1x1x128xi32, #tpu.memory_space<hbm>> -> memref<128xi32, #tpu.memory_space<hbm>>
      tpu.wait_dma2 semaphore(%run_scoped3A_62 : memref<!tpu.dma_semaphore, #tpu.memory_space<semaphore_mem>>) src(%dma_wait3A_74 : memref<128xi32, #tpu.memory_space<hbm>>) dst(%arg7 : memref<128xi32, #tpu.memory_space<vmem>>)
      tpu.yield
    }) : () -> ()
    %run_scoped3A_13 = arith.constant 0 : i32
    "tpu.region"() ({
      %run_scoped3A_62 = tpu.sem_alloc : memref<!tpu.dma_semaphore, #tpu.memory_space<semaphore_mem>>
      %dma_start3A_63 = arith.constant 0 : i32
      %dma_start3A_64 = tpu.memref_slice %arg4[%add3A, %run_scoped3A_13, %dma_start3A_63] : memref<32x80x128xi32, #tpu.memory_space<hbm>> -> memref<1x1x128xi32, #tpu.memory_space<hbm>>
      %dma_start3A_65 = tpu.memref_squeeze %dma_start3A_64 : memref<1x1x128xi32, #tpu.memory_space<hbm>> -> memref<128xi32, #tpu.memory_space<hbm>>
      %dma_start3A_66 = arith.constant 0 : i32
      %dma_start3A_67 = tpu.memref_slice %arg4[%add3A, %run_scoped3A_13, %dma_start3A_66] : memref<32x80x128xi32, #tpu.memory_space<hbm>> -> memref<1x1x128xi32, #tpu.memory_space<hbm>>
      %dma_start3A_68 = tpu.memref_squeeze %dma_start3A_67 : memref<1x1x128xi32, #tpu.memory_space<hbm>> -> memref<128xi32, #tpu.memory_space<hbm>>
      tpu.enqueue_dma source(%dma_start3A_68 : memref<128xi32, #tpu.memory_space<hbm>>) target(%arg9 : memref<128xi32, #tpu.memory_space<vmem>>) target_semaphore(%run_scoped3A_62 : memref<!tpu.dma_semaphore, #tpu.memory_space<semaphore_mem>>)
      %dma_wait3A_69 = arith.constant 0 : i32
      %dma_wait3A_70 = tpu.memref_slice %arg4[%add3A, %run_scoped3A_13, %dma_wait3A_69] : memref<32x80x128xi32, #tpu.memory_space<hbm>> -> memref<1x1x128xi32, #tpu.memory_space<hbm>>
      %dma_wait3A_71 = tpu.memref_squeeze %dma_wait3A_70 : memref<1x1x128xi32, #tpu.memory_space<hbm>> -> memref<128xi32, #tpu.memory_space<hbm>>
      %dma_wait3A_72 = arith.constant 0 : i32
      %dma_wait3A_73 = tpu.memref_slice %arg4[%add3A, %run_scoped3A_13, %dma_wait3A_72] : memref<32x80x128xi32, #tpu.memory_space<hbm>> -> memref<1x1x128xi32, #tpu.memory_space<hbm>>
      %dma_wait3A_74 = tpu.memref_squeeze %dma_wait3A_73 : memref<1x1x128xi32, #tpu.memory_space<hbm>> -> memref<128xi32, #tpu.memory_space<hbm>>
      tpu.wait_dma2 semaphore(%run_scoped3A_62 : memref<!tpu.dma_semaphore, #tpu.memory_space<semaphore_mem>>) src(%dma_wait3A_74 : memref<128xi32, #tpu.memory_space<hbm>>) dst(%arg9 : memref<128xi32, #tpu.memory_space<vmem>>)
      tpu.yield
    }) : () -> ()
    %dma_start3A = arith.constant 0 : i32
    %dma_start3A_14 = arith.constant 0 : i32
    %dma_start3A_15 = tpu.memref_slice %arg2[%dma_start3A, %dma_start3A_14] : memref<10000x128xf32, #tpu.memory_space<hbm>> -> memref<10000x128xf32, #tpu.memory_space<hbm>>
    tpu.enqueue_indirect_dma source(%dma_start3A_15 : memref<10000x128xf32, #tpu.memory_space<hbm>>) target(%arg11 : memref<128x128xf32, #tpu.memory_space<vmem>>) offsets(%arg7 : memref<128xi32, #tpu.memory_space<vmem>>) semaphore(%arg14 : memref<!tpu.dma_semaphore, #tpu.memory_space<semaphore_mem>>)
    %dma_start3A_16 = arith.constant 1 : i32
    %dma_start3A_17 = arith.constant 0 : i32
    %dma_start3A_18 = tpu.memref_slice %arg3[%add3A, %dma_start3A_16, %dma_start3A_17] : memref<32x80x128xi32, #tpu.memory_space<hbm>> -> memref<1x1x128xi32, #tpu.memory_space<hbm>>
    %dma_start3A_19 = tpu.memref_squeeze %dma_start3A_18 : memref<1x1x128xi32, #tpu.memory_space<hbm>> -> memref<128xi32, #tpu.memory_space<hbm>>
    %dma_start3A_20 = arith.constant 0 : i32
    %dma_start3A_21 = tpu.memref_slice %arg3[%add3A, %dma_start3A_16, %dma_start3A_20] : memref<32x80x128xi32, #tpu.memory_space<hbm>> -> memref<1x1x128xi32, #tpu.memory_space<hbm>>
    %dma_start3A_22 = tpu.memref_squeeze %dma_start3A_21 : memref<1x1x128xi32, #tpu.memory_space<hbm>> -> memref<128xi32, #tpu.memory_space<hbm>>
    tpu.enqueue_dma source(%dma_start3A_22 : memref<128xi32, #tpu.memory_space<hbm>>) target(%arg8 : memref<128xi32, #tpu.memory_space<vmem>>) target_semaphore(%arg17 : memref<!tpu.dma_semaphore, #tpu.memory_space<semaphore_mem>>)
    %dma_start3A_23 = arith.constant 1 : i32
    %dma_start3A_24 = arith.constant 0 : i32
    %dma_start3A_25 = tpu.memref_slice %arg4[%add3A, %dma_start3A_23, %dma_start3A_24] : memref<32x80x128xi32, #tpu.memory_space<hbm>> -> memref<1x1x128xi32, #tpu.memory_space<hbm>>
    %dma_start3A_26 = tpu.memref_squeeze %dma_start3A_25 : memref<1x1x128xi32, #tpu.memory_space<hbm>> -> memref<128xi32, #tpu.memory_space<hbm>>
    %dma_start3A_27 = arith.constant 0 : i32
    %dma_start3A_28 = tpu.memref_slice %arg4[%add3A, %dma_start3A_23, %dma_start3A_27] : memref<32x80x128xi32, #tpu.memory_space<hbm>> -> memref<1x1x128xi32, #tpu.memory_space<hbm>>
    %dma_start3A_29 = tpu.memref_squeeze %dma_start3A_28 : memref<1x1x128xi32, #tpu.memory_space<hbm>> -> memref<128xi32, #tpu.memory_space<hbm>>
    tpu.enqueue_dma source(%dma_start3A_29 : memref<128xi32, #tpu.memory_space<hbm>>) target(%arg10 : memref<128xi32, #tpu.memory_space<vmem>>) target_semaphore(%arg19 : memref<!tpu.dma_semaphore, #tpu.memory_space<semaphore_mem>>)
    %scan3A = arith.constant 0 : i32
    %scan3A_30 = arith.constant 0 : i32
    %scan3A_31 = arith.constant 40 : i32
    %scan3A_32 = arith.addi %scan3A_30, %scan3A_31 : i32
    %scan3A_33 = arith.constant 1 : i32
    scf.for %scan3A_62 = %scan3A_30 to %scan3A_32 step %scan3A_33  : i32 {
      %mul3A_63 = arith.constant 2 : i32
      %mul3A_64 = arith.muli %mul3A_63, %scan3A_62 : i32
      %dma_wait3A_65 = arith.constant 0 : i32
      %dma_wait3A_66 = arith.constant 0 : i32
      %dma_wait3A_67 = tpu.memref_slice %arg2[%dma_wait3A_65, %dma_wait3A_66] : memref<10000x128xf32, #tpu.memory_space<hbm>> -> memref<10000x128xf32, #tpu.memory_space<hbm>>
      tpu.wait_indirect_dma semaphore(%arg14 : memref<!tpu.dma_semaphore, #tpu.memory_space<semaphore_mem>>) src(%dma_wait3A_67 : memref<10000x128xf32, #tpu.memory_space<hbm>>) dst(%arg11 : memref<128x128xf32, #tpu.memory_space<vmem>>)
      %dma_wait3A_68 = arith.constant 0 : i32
      %dma_wait3A_69 = arith.constant 0 : i32
      %dma_wait3A_70 = tpu.memref_slice %arg3[%add3A, %dma_wait3A_68, %dma_wait3A_69] : memref<32x80x128xi32, #tpu.memory_space<hbm>> -> memref<1x1x128xi32, #tpu.memory_space<hbm>>
      %dma_wait3A_71 = tpu.memref_squeeze %dma_wait3A_70 : memref<1x1x128xi32, #tpu.memory_space<hbm>> -> memref<128xi32, #tpu.memory_space<hbm>>
      %dma_wait3A_72 = arith.constant 0 : i32
      %dma_wait3A_73 = tpu.memref_slice %arg3[%add3A, %dma_wait3A_68, %dma_wait3A_72] : memref<32x80x128xi32, #tpu.memory_space<hbm>> -> memref<1x1x128xi32, #tpu.memory_space<hbm>>
      %dma_wait3A_74 = tpu.memref_squeeze %dma_wait3A_73 : memref<1x1x128xi32, #tpu.memory_space<hbm>> -> memref<128xi32, #tpu.memory_space<hbm>>
      tpu.wait_dma2 semaphore(%arg17 : memref<!tpu.dma_semaphore, #tpu.memory_space<semaphore_mem>>) src(%dma_wait3A_74 : memref<128xi32, #tpu.memory_space<hbm>>) dst(%arg8 : memref<128xi32, #tpu.memory_space<vmem>>)
      %dma_wait3A_75 = arith.constant 0 : i32
      %dma_wait3A_76 = arith.constant 0 : i32
      %dma_wait3A_77 = tpu.memref_slice %arg4[%add3A, %dma_wait3A_75, %dma_wait3A_76] : memref<32x80x128xi32, #tpu.memory_space<hbm>> -> memref<1x1x128xi32, #tpu.memory_space<hbm>>
      %dma_wait3A_78 = tpu.memref_squeeze %dma_wait3A_77 : memref<1x1x128xi32, #tpu.memory_space<hbm>> -> memref<128xi32, #tpu.memory_space<hbm>>
      %dma_wait3A_79 = arith.constant 0 : i32
      %dma_wait3A_80 = tpu.memref_slice %arg4[%add3A, %dma_wait3A_75, %dma_wait3A_79] : memref<32x80x128xi32, #tpu.memory_space<hbm>> -> memref<1x1x128xi32, #tpu.memory_space<hbm>>
      %dma_wait3A_81 = tpu.memref_squeeze %dma_wait3A_80 : memref<1x1x128xi32, #tpu.memory_space<hbm>> -> memref<128xi32, #tpu.memory_space<hbm>>
      tpu.wait_dma2 semaphore(%arg19 : memref<!tpu.dma_semaphore, #tpu.memory_space<semaphore_mem>>) src(%dma_wait3A_81 : memref<128xi32, #tpu.memory_space<hbm>>) dst(%arg10 : memref<128xi32, #tpu.memory_space<vmem>>)
      %dma_start3A_82 = arith.constant 0 : i32
      %dma_start3A_83 = arith.constant 0 : i32
      %dma_start3A_84 = tpu.memref_slice %arg2[%dma_start3A_82, %dma_start3A_83] : memref<10000x128xf32, #tpu.memory_space<hbm>> -> memref<10000x128xf32, #tpu.memory_space<hbm>>
      tpu.enqueue_indirect_dma source(%dma_start3A_84 : memref<10000x128xf32, #tpu.memory_space<hbm>>) target(%arg12 : memref<128x128xf32, #tpu.memory_space<vmem>>) offsets(%arg8 : memref<128xi32, #tpu.memory_space<vmem>>) semaphore(%arg15 : memref<!tpu.dma_semaphore, #tpu.memory_space<semaphore_mem>>)
      "tpu.region"() ({
        %run_scoped3A_136 = tpu.sem_alloc : memref<!tpu.dma_semaphore, #tpu.memory_space<semaphore_mem>>
        %dma_start3A_137 = arith.constant 0 : i32
        %dma_start3A_138 = arith.constant 0 : i32
        %dma_start3A_139 = tpu.memref_slice %arg13[%dma_start3A_137, %dma_start3A_138] : memref<10240x128xf32, #tpu.memory_space<vmem_shared>> -> memref<10240x128xf32, #tpu.memory_space<vmem_shared>>
        tpu.enqueue_indirect_dma source(%arg11 : memref<128x128xf32, #tpu.memory_space<vmem>>) target(%dma_start3A_139 : memref<10240x128xf32, #tpu.memory_space<vmem_shared>>) offsets(%arg9 : memref<128xi32, #tpu.memory_space<vmem>>) semaphore(%run_scoped3A_136 : memref<!tpu.dma_semaphore, #tpu.memory_space<semaphore_mem>>) {add = true}
        %dma_wait3A_140 = arith.constant 0 : i32
        %dma_wait3A_141 = arith.constant 0 : i32
        %dma_wait3A_142 = tpu.memref_slice %arg13[%dma_wait3A_140, %dma_wait3A_141] : memref<10240x128xf32, #tpu.memory_space<vmem_shared>> -> memref<10240x128xf32, #tpu.memory_space<vmem_shared>>
        tpu.wait_indirect_dma semaphore(%run_scoped3A_136 : memref<!tpu.dma_semaphore, #tpu.memory_space<semaphore_mem>>) src(%arg11 : memref<128x128xf32, #tpu.memory_space<vmem>>) dst(%dma_wait3A_142 : memref<10240x128xf32, #tpu.memory_space<vmem_shared>>)
        tpu.yield
      }) : () -> ()
      %add3A_85 = arith.constant 2 : i32
      %add3A_86 = arith.addi %mul3A_64, %add3A_85 : i32
      %min3A = arith.constant 79 : i32
      %min3A_87 = arith.minsi %add3A_86, %min3A : i32
      %dma_start3A_88 = arith.constant 0 : i32
      %dma_start3A_89 = tpu.memref_slice %arg3[%add3A, %min3A_87, %dma_start3A_88] : memref<32x80x128xi32, #tpu.memory_space<hbm>> -> memref<1x1x128xi32, #tpu.memory_space<hbm>>
      %dma_start3A_90 = tpu.memref_squeeze %dma_start3A_89 : memref<1x1x128xi32, #tpu.memory_space<hbm>> -> memref<128xi32, #tpu.memory_space<hbm>>
      %dma_start3A_91 = arith.constant 0 : i32
      %dma_start3A_92 = tpu.memref_slice %arg3[%add3A, %min3A_87, %dma_start3A_91] : memref<32x80x128xi32, #tpu.memory_space<hbm>> -> memref<1x1x128xi32, #tpu.memory_space<hbm>>
      %dma_start3A_93 = tpu.memref_squeeze %dma_start3A_92 : memref<1x1x128xi32, #tpu.memory_space<hbm>> -> memref<128xi32, #tpu.memory_space<hbm>>
      tpu.enqueue_dma source(%dma_start3A_93 : memref<128xi32, #tpu.memory_space<hbm>>) target(%arg7 : memref<128xi32, #tpu.memory_space<vmem>>) target_semaphore(%arg16 : memref<!tpu.dma_semaphore, #tpu.memory_space<semaphore_mem>>)
      %dma_start3A_94 = arith.constant 0 : i32
      %dma_start3A_95 = tpu.memref_slice %arg4[%add3A, %min3A_87, %dma_start3A_94] : memref<32x80x128xi32, #tpu.memory_space<hbm>> -> memref<1x1x128xi32, #tpu.memory_space<hbm>>
      %dma_start3A_96 = tpu.memref_squeeze %dma_start3A_95 : memref<1x1x128xi32, #tpu.memory_space<hbm>> -> memref<128xi32, #tpu.memory_space<hbm>>
      %dma_start3A_97 = arith.constant 0 : i32
      %dma_start3A_98 = tpu.memref_slice %arg4[%add3A, %min3A_87, %dma_start3A_97] : memref<32x80x128xi32, #tpu.memory_space<hbm>> -> memref<1x1x128xi32, #tpu.memory_space<hbm>>
      %dma_start3A_99 = tpu.memref_squeeze %dma_start3A_98 : memref<1x1x128xi32, #tpu.memory_space<hbm>> -> memref<128xi32, #tpu.memory_space<hbm>>
      tpu.enqueue_dma source(%dma_start3A_99 : memref<128xi32, #tpu.memory_space<hbm>>) target(%arg9 : memref<128xi32, #tpu.memory_space<vmem>>) target_semaphore(%arg18 : memref<!tpu.dma_semaphore, #tpu.memory_space<semaphore_mem>>)
      %dma_wait3A_100 = arith.constant 0 : i32
      %dma_wait3A_101 = arith.constant 0 : i32
      %dma_wait3A_102 = tpu.memref_slice %arg2[%dma_wait3A_100, %dma_wait3A_101] : memref<10000x128xf32, #tpu.memory_space<hbm>> -> memref<10000x128xf32, #tpu.memory_space<hbm>>
      tpu.wait_indirect_dma semaphore(%arg15 : memref<!tpu.dma_semaphore, #tpu.memory_space<semaphore_mem>>) src(%dma_wait3A_102 : memref<10000x128xf32, #tpu.memory_space<hbm>>) dst(%arg12 : memref<128x128xf32, #tpu.memory_space<vmem>>)
      %dma_wait3A_103 = arith.constant 0 : i32
      %dma_wait3A_104 = arith.constant 0 : i32
      %dma_wait3A_105 = tpu.memref_slice %arg3[%add3A, %dma_wait3A_103, %dma_wait3A_104] : memref<32x80x128xi32, #tpu.memory_space<hbm>> -> memref<1x1x128xi32, #tpu.memory_space<hbm>>
      %dma_wait3A_106 = tpu.memref_squeeze %dma_wait3A_105 : memref<1x1x128xi32, #tpu.memory_space<hbm>> -> memref<128xi32, #tpu.memory_space<hbm>>
      %dma_wait3A_107 = arith.constant 0 : i32
      %dma_wait3A_108 = tpu.memref_slice %arg3[%add3A, %dma_wait3A_103, %dma_wait3A_107] : memref<32x80x128xi32, #tpu.memory_space<hbm>> -> memref<1x1x128xi32, #tpu.memory_space<hbm>>
      %dma_wait3A_109 = tpu.memref_squeeze %dma_wait3A_108 : memref<1x1x128xi32, #tpu.memory_space<hbm>> -> memref<128xi32, #tpu.memory_space<hbm>>
      tpu.wait_dma2 semaphore(%arg16 : memref<!tpu.dma_semaphore, #tpu.memory_space<semaphore_mem>>) src(%dma_wait3A_109 : memref<128xi32, #tpu.memory_space<hbm>>) dst(%arg7 : memref<128xi32, #tpu.memory_space<vmem>>)
      %dma_wait3A_110 = arith.constant 0 : i32
      %dma_wait3A_111 = arith.constant 0 : i32
      %dma_wait3A_112 = tpu.memref_slice %arg4[%add3A, %dma_wait3A_110, %dma_wait3A_111] : memref<32x80x128xi32, #tpu.memory_space<hbm>> -> memref<1x1x128xi32, #tpu.memory_space<hbm>>
      %dma_wait3A_113 = tpu.memref_squeeze %dma_wait3A_112 : memref<1x1x128xi32, #tpu.memory_space<hbm>> -> memref<128xi32, #tpu.memory_space<hbm>>
      %dma_wait3A_114 = arith.constant 0 : i32
      %dma_wait3A_115 = tpu.memref_slice %arg4[%add3A, %dma_wait3A_110, %dma_wait3A_114] : memref<32x80x128xi32, #tpu.memory_space<hbm>> -> memref<1x1x128xi32, #tpu.memory_space<hbm>>
      %dma_wait3A_116 = tpu.memref_squeeze %dma_wait3A_115 : memref<1x1x128xi32, #tpu.memory_space<hbm>> -> memref<128xi32, #tpu.memory_space<hbm>>
      tpu.wait_dma2 semaphore(%arg18 : memref<!tpu.dma_semaphore, #tpu.memory_space<semaphore_mem>>) src(%dma_wait3A_116 : memref<128xi32, #tpu.memory_space<hbm>>) dst(%arg9 : memref<128xi32, #tpu.memory_space<vmem>>)
      %dma_start3A_117 = arith.constant 0 : i32
      %dma_start3A_118 = arith.constant 0 : i32
      %dma_start3A_119 = tpu.memref_slice %arg2[%dma_start3A_117, %dma_start3A_118] : memref<10000x128xf32, #tpu.memory_space<hbm>> -> memref<10000x128xf32, #tpu.memory_space<hbm>>
      tpu.enqueue_indirect_dma source(%dma_start3A_119 : memref<10000x128xf32, #tpu.memory_space<hbm>>) target(%arg11 : memref<128x128xf32, #tpu.memory_space<vmem>>) offsets(%arg7 : memref<128xi32, #tpu.memory_space<vmem>>) semaphore(%arg14 : memref<!tpu.dma_semaphore, #tpu.memory_space<semaphore_mem>>)
      "tpu.region"() ({
        %run_scoped3A_136 = tpu.sem_alloc : memref<!tpu.dma_semaphore, #tpu.memory_space<semaphore_mem>>
        %dma_start3A_137 = arith.constant 0 : i32
        %dma_start3A_138 = arith.constant 0 : i32
        %dma_start3A_139 = tpu.memref_slice %arg13[%dma_start3A_137, %dma_start3A_138] : memref<10240x128xf32, #tpu.memory_space<vmem_shared>> -> memref<10240x128xf32, #tpu.memory_space<vmem_shared>>
        tpu.enqueue_indirect_dma source(%arg12 : memref<128x128xf32, #tpu.memory_space<vmem>>) target(%dma_start3A_139 : memref<10240x128xf32, #tpu.memory_space<vmem_shared>>) offsets(%arg10 : memref<128xi32, #tpu.memory_space<vmem>>) semaphore(%run_scoped3A_136 : memref<!tpu.dma_semaphore, #tpu.memory_space<semaphore_mem>>) {add = true}
        %dma_wait3A_140 = arith.constant 0 : i32
        %dma_wait3A_141 = arith.constant 0 : i32
        %dma_wait3A_142 = tpu.memref_slice %arg13[%dma_wait3A_140, %dma_wait3A_141] : memref<10240x128xf32, #tpu.memory_space<vmem_shared>> -> memref<10240x128xf32, #tpu.memory_space<vmem_shared>>
        tpu.wait_indirect_dma semaphore(%run_scoped3A_136 : memref<!tpu.dma_semaphore, #tpu.memory_space<semaphore_mem>>) src(%arg12 : memref<128x128xf32, #tpu.memory_space<vmem>>) dst(%dma_wait3A_142 : memref<10240x128xf32, #tpu.memory_space<vmem_shared>>)
        tpu.yield
      }) : () -> ()
      %add3A_120 = arith.constant 3 : i32
      %add3A_121 = arith.addi %mul3A_64, %add3A_120 : i32
      %min3A_122 = arith.constant 79 : i32
      %min3A_123 = arith.minsi %add3A_121, %min3A_122 : i32
      %dma_start3A_124 = arith.constant 0 : i32
      %dma_start3A_125 = tpu.memref_slice %arg3[%add3A, %min3A_123, %dma_start3A_124] : memref<32x80x128xi32, #tpu.memory_space<hbm>> -> memref<1x1x128xi32, #tpu.memory_space<hbm>>
      %dma_start3A_126 = tpu.memref_squeeze %dma_start3A_125 : memref<1x1x128xi32, #tpu.memory_space<hbm>> -> memref<128xi32, #tpu.memory_space<hbm>>
      %dma_start3A_127 = arith.constant 0 : i32
      %dma_start3A_128 = tpu.memref_slice %arg3[%add3A, %min3A_123, %dma_start3A_127] : memref<32x80x128xi32, #tpu.memory_space<hbm>> -> memref<1x1x128xi32, #tpu.memory_space<hbm>>
      %dma_start3A_129 = tpu.memref_squeeze %dma_start3A_128 : memref<1x1x128xi32, #tpu.memory_space<hbm>> -> memref<128xi32, #tpu.memory_space<hbm>>
      tpu.enqueue_dma source(%dma_start3A_129 : memref<128xi32, #tpu.memory_space<hbm>>) target(%arg8 : memref<128xi32, #tpu.memory_space<vmem>>) target_semaphore(%arg17 : memref<!tpu.dma_semaphore, #tpu.memory_space<semaphore_mem>>)
      %dma_start3A_130 = arith.constant 0 : i32
      %dma_start3A_131 = tpu.memref_slice %arg4[%add3A, %min3A_123, %dma_start3A_130] : memref<32x80x128xi32, #tpu.memory_space<hbm>> -> memref<1x1x128xi32, #tpu.memory_space<hbm>>
      %dma_start3A_132 = tpu.memref_squeeze %dma_start3A_131 : memref<1x1x128xi32, #tpu.memory_space<hbm>> -> memref<128xi32, #tpu.memory_space<hbm>>
      %dma_start3A_133 = arith.constant 0 : i32
      %dma_start3A_134 = tpu.memref_slice %arg4[%add3A, %min3A_123, %dma_start3A_133] : memref<32x80x128xi32, #tpu.memory_space<hbm>> -> memref<1x1x128xi32, #tpu.memory_space<hbm>>
      %dma_start3A_135 = tpu.memref_squeeze %dma_start3A_134 : memref<1x1x128xi32, #tpu.memory_space<hbm>> -> memref<128xi32, #tpu.memory_space<hbm>>
      tpu.enqueue_dma source(%dma_start3A_135 : memref<128xi32, #tpu.memory_space<hbm>>) target(%arg10 : memref<128xi32, #tpu.memory_space<vmem>>) target_semaphore(%arg19 : memref<!tpu.dma_semaphore, #tpu.memory_space<semaphore_mem>>)
    }
    %scan3A_34 = arith.constant 40 : i32
    %dma_wait3A = arith.constant 0 : i32
    %dma_wait3A_35 = arith.constant 0 : i32
    %dma_wait3A_36 = tpu.memref_slice %arg2[%dma_wait3A, %dma_wait3A_35] : memref<10000x128xf32, #tpu.memory_space<hbm>> -> memref<10000x128xf32, #tpu.memory_space<hbm>>
    tpu.wait_indirect_dma semaphore(%arg14 : memref<!tpu.dma_semaphore, #tpu.memory_space<semaphore_mem>>) src(%dma_wait3A_36 : memref<10000x128xf32, #tpu.memory_space<hbm>>) dst(%arg11 : memref<128x128xf32, #tpu.memory_space<vmem>>)
    %dma_wait3A_37 = arith.constant 0 : i32
    %dma_wait3A_38 = arith.constant 0 : i32
    %dma_wait3A_39 = tpu.memref_slice %arg3[%add3A, %dma_wait3A_37, %dma_wait3A_38] : memref<32x80x128xi32, #tpu.memory_space<hbm>> -> memref<1x1x128xi32, #tpu.memory_space<hbm>>
    %dma_wait3A_40 = tpu.memref_squeeze %dma_wait3A_39 : memref<1x1x128xi32, #tpu.memory_space<hbm>> -> memref<128xi32, #tpu.memory_space<hbm>>
    %dma_wait3A_41 = arith.constant 0 : i32
    %dma_wait3A_42 = tpu.memref_slice %arg3[%add3A, %dma_wait3A_37, %dma_wait3A_41] : memref<32x80x128xi32, #tpu.memory_space<hbm>> -> memref<1x1x128xi32, #tpu.memory_space<hbm>>
    %dma_wait3A_43 = tpu.memref_squeeze %dma_wait3A_42 : memref<1x1x128xi32, #tpu.memory_space<hbm>> -> memref<128xi32, #tpu.memory_space<hbm>>
    tpu.wait_dma2 semaphore(%arg17 : memref<!tpu.dma_semaphore, #tpu.memory_space<semaphore_mem>>) src(%dma_wait3A_43 : memref<128xi32, #tpu.memory_space<hbm>>) dst(%arg8 : memref<128xi32, #tpu.memory_space<vmem>>)
    %dma_wait3A_44 = arith.constant 0 : i32
    %dma_wait3A_45 = arith.constant 0 : i32
    %dma_wait3A_46 = tpu.memref_slice %arg4[%add3A, %dma_wait3A_44, %dma_wait3A_45] : memref<32x80x128xi32, #tpu.memory_space<hbm>> -> memref<1x1x128xi32, #tpu.memory_space<hbm>>
    %dma_wait3A_47 = tpu.memref_squeeze %dma_wait3A_46 : memref<1x1x128xi32, #tpu.memory_space<hbm>> -> memref<128xi32, #tpu.memory_space<hbm>>
    %dma_wait3A_48 = arith.constant 0 : i32
    %dma_wait3A_49 = tpu.memref_slice %arg4[%add3A, %dma_wait3A_44, %dma_wait3A_48] : memref<32x80x128xi32, #tpu.memory_space<hbm>> -> memref<1x1x128xi32, #tpu.memory_space<hbm>>
    %dma_wait3A_50 = tpu.memref_squeeze %dma_wait3A_49 : memref<1x1x128xi32, #tpu.memory_space<hbm>> -> memref<128xi32, #tpu.memory_space<hbm>>
    tpu.wait_dma2 semaphore(%arg19 : memref<!tpu.dma_semaphore, #tpu.memory_space<semaphore_mem>>) src(%dma_wait3A_50 : memref<128xi32, #tpu.memory_space<hbm>>) dst(%arg10 : memref<128xi32, #tpu.memory_space<vmem>>)
    %barrier3A_51 = arith.constant 0 : index
    tpu.barrier barrier_id(%barrier3A_51)
    %add3A_52 = arith.constant 0 : i32
    %add3A_53 = arith.addi %mul3A_2, %add3A_52 : i32
    "tpu.region"() ({
      %run_scoped3A_62 = tpu.sem_alloc : memref<!tpu.dma_semaphore, #tpu.memory_space<semaphore_mem>>
      %dma_start3A_63 = arith.constant 0 : i32
      %dma_start3A_64 = tpu.memref_slice %arg13[%add3A_53, %dma_start3A_63] : memref<10240x128xf32, #tpu.memory_space<vmem_shared>> -> memref<128x128xf32, #tpu.memory_space<vmem_shared>>
      %dma_start3A_65 = arith.constant 0 : i32
      %dma_start3A_66 = tpu.memref_slice %arg13[%add3A_53, %dma_start3A_65] : memref<10240x128xf32, #tpu.memory_space<vmem_shared>> -> memref<128x128xf32, #tpu.memory_space<vmem_shared>>
      tpu.enqueue_dma source(%dma_start3A_66 : memref<128x128xf32, #tpu.memory_space<vmem_shared>>) target(%arg11 : memref<128x128xf32, #tpu.memory_space<vmem>>) target_semaphore(%run_scoped3A_62 : memref<!tpu.dma_semaphore, #tpu.memory_space<semaphore_mem>>)
      %dma_wait3A_67 = arith.constant 0 : i32
      %dma_wait3A_68 = tpu.memref_slice %arg13[%add3A_53, %dma_wait3A_67] : memref<10240x128xf32, #tpu.memory_space<vmem_shared>> -> memref<128x128xf32, #tpu.memory_space<vmem_shared>>
      %dma_wait3A_69 = arith.constant 0 : i32
      %dma_wait3A_70 = tpu.memref_slice %arg13[%add3A_53, %dma_wait3A_69] : memref<10240x128xf32, #tpu.memory_space<vmem_shared>> -> memref<128x128xf32, #tpu.memory_space<vmem_shared>>
      tpu.wait_dma2 semaphore(%run_scoped3A_62 : memref<!tpu.dma_semaphore, #tpu.memory_space<semaphore_mem>>) src(%dma_wait3A_70 : memref<128x128xf32, #tpu.memory_space<vmem_shared>>) dst(%arg11 : memref<128x128xf32, #tpu.memory_space<vmem>>)
      tpu.yield
    }) : () -> ()
    "tpu.region"() ({
      %run_scoped3A_62 = tpu.sem_alloc : memref<!tpu.dma_semaphore, #tpu.memory_space<semaphore_mem>>
      %dma_start3A_63 = arith.constant 0 : i32
      %dma_start3A_64 = arith.constant 0 : i32
      %dma_start3A_65 = tpu.memref_slice %arg6[%add3A, %dma_start3A_63, %dma_start3A_64] : memref<32x640x128xf32, #tpu.memory_space<hbm>> -> memref<1x128x128xf32, #tpu.memory_space<hbm>>
      %dma_start3A_66 = tpu.memref_squeeze %dma_start3A_65 : memref<1x128x128xf32, #tpu.memory_space<hbm>> -> memref<128x128xf32, #tpu.memory_space<hbm>>
      %dma_start3A_67 = arith.constant 0 : i32
      %dma_start3A_68 = arith.constant 0 : i32
      %dma_start3A_69 = tpu.memref_slice %arg6[%add3A, %dma_start3A_67, %dma_start3A_68] : memref<32x640x128xf32, #tpu.memory_space<hbm>> -> memref<1x128x128xf32, #tpu.memory_space<hbm>>
      %dma_start3A_70 = tpu.memref_squeeze %dma_start3A_69 : memref<1x128x128xf32, #tpu.memory_space<hbm>> -> memref<128x128xf32, #tpu.memory_space<hbm>>
      tpu.enqueue_dma source(%arg11 : memref<128x128xf32, #tpu.memory_space<vmem>>) target(%dma_start3A_70 : memref<128x128xf32, #tpu.memory_space<hbm>>) target_semaphore(%run_scoped3A_62 : memref<!tpu.dma_semaphore, #tpu.memory_space<semaphore_mem>>)
      %dma_wait3A_71 = arith.constant 0 : i32
      %dma_wait3A_72 = arith.constant 0 : i32
      %dma_wait3A_73 = tpu.memref_slice %arg6[%add3A, %dma_wait3A_71, %dma_wait3A_72] : memref<32x640x128xf32, #tpu.memory_space<hbm>> -> memref<1x128x128xf32, #tpu.memory_space<hbm>>
      %dma_wait3A_74 = tpu.memref_squeeze %dma_wait3A_73 : memref<1x128x128xf32, #tpu.memory_space<hbm>> -> memref<128x128xf32, #tpu.memory_space<hbm>>
      %dma_wait3A_75 = arith.constant 0 : i32
      %dma_wait3A_76 = arith.constant 0 : i32
      %dma_wait3A_77 = tpu.memref_slice %arg6[%add3A, %dma_wait3A_75, %dma_wait3A_76] : memref<32x640x128xf32, #tpu.memory_space<hbm>> -> memref<1x128x128xf32, #tpu.memory_space<hbm>>
      %dma_wait3A_78 = tpu.memref_squeeze %dma_wait3A_77 : memref<1x128x128xf32, #tpu.memory_space<hbm>> -> memref<128x128xf32, #tpu.memory_space<hbm>>
      tpu.wait_dma2 semaphore(%run_scoped3A_62 : memref<!tpu.dma_semaphore, #tpu.memory_space<semaphore_mem>>) src(%arg11 : memref<128x128xf32, #tpu.memory_space<vmem>>) dst(%dma_wait3A_78 : memref<128x128xf32, #tpu.memory_space<hbm>>)
      tpu.yield
    }) : () -> ()
    %add3A_54 = arith.constant 128 : i32
    %add3A_55 = arith.addi %mul3A_2, %add3A_54 : i32
    "tpu.region"() ({
      %run_scoped3A_62 = tpu.sem_alloc : memref<!tpu.dma_semaphore, #tpu.memory_space<semaphore_mem>>
      %dma_start3A_63 = arith.constant 0 : i32
      %dma_start3A_64 = tpu.memref_slice %arg13[%add3A_55, %dma_start3A_63] : memref<10240x128xf32, #tpu.memory_space<vmem_shared>> -> memref<128x128xf32, #tpu.memory_space<vmem_shared>>
      %dma_start3A_65 = arith.constant 0 : i32
      %dma_start3A_66 = tpu.memref_slice %arg13[%add3A_55, %dma_start3A_65] : memref<10240x128xf32, #tpu.memory_space<vmem_shared>> -> memref<128x128xf32, #tpu.memory_space<vmem_shared>>
      tpu.enqueue_dma source(%dma_start3A_66 : memref<128x128xf32, #tpu.memory_space<vmem_shared>>) target(%arg11 : memref<128x128xf32, #tpu.memory_space<vmem>>) target_semaphore(%run_scoped3A_62 : memref<!tpu.dma_semaphore, #tpu.memory_space<semaphore_mem>>)
      %dma_wait3A_67 = arith.constant 0 : i32
      %dma_wait3A_68 = tpu.memref_slice %arg13[%add3A_55, %dma_wait3A_67] : memref<10240x128xf32, #tpu.memory_space<vmem_shared>> -> memref<128x128xf32, #tpu.memory_space<vmem_shared>>
      %dma_wait3A_69 = arith.constant 0 : i32
      %dma_wait3A_70 = tpu.memref_slice %arg13[%add3A_55, %dma_wait3A_69] : memref<10240x128xf32, #tpu.memory_space<vmem_shared>> -> memref<128x128xf32, #tpu.memory_space<vmem_shared>>
      tpu.wait_dma2 semaphore(%run_scoped3A_62 : memref<!tpu.dma_semaphore, #tpu.memory_space<semaphore_mem>>) src(%dma_wait3A_70 : memref<128x128xf32, #tpu.memory_space<vmem_shared>>) dst(%arg11 : memref<128x128xf32, #tpu.memory_space<vmem>>)
      tpu.yield
    }) : () -> ()
    "tpu.region"() ({
      %run_scoped3A_62 = tpu.sem_alloc : memref<!tpu.dma_semaphore, #tpu.memory_space<semaphore_mem>>
      %dma_start3A_63 = arith.constant 128 : i32
      %dma_start3A_64 = arith.constant 0 : i32
      %dma_start3A_65 = tpu.memref_slice %arg6[%add3A, %dma_start3A_63, %dma_start3A_64] : memref<32x640x128xf32, #tpu.memory_space<hbm>> -> memref<1x128x128xf32, #tpu.memory_space<hbm>>
      %dma_start3A_66 = tpu.memref_squeeze %dma_start3A_65 : memref<1x128x128xf32, #tpu.memory_space<hbm>> -> memref<128x128xf32, #tpu.memory_space<hbm>>
      %dma_start3A_67 = arith.constant 128 : i32
      %dma_start3A_68 = arith.constant 0 : i32
      %dma_start3A_69 = tpu.memref_slice %arg6[%add3A, %dma_start3A_67, %dma_start3A_68] : memref<32x640x128xf32, #tpu.memory_space<hbm>> -> memref<1x128x128xf32, #tpu.memory_space<hbm>>
      %dma_start3A_70 = tpu.memref_squeeze %dma_start3A_69 : memref<1x128x128xf32, #tpu.memory_space<hbm>> -> memref<128x128xf32, #tpu.memory_space<hbm>>
      tpu.enqueue_dma source(%arg11 : memref<128x128xf32, #tpu.memory_space<vmem>>) target(%dma_start3A_70 : memref<128x128xf32, #tpu.memory_space<hbm>>) target_semaphore(%run_scoped3A_62 : memref<!tpu.dma_semaphore, #tpu.memory_space<semaphore_mem>>)
      %dma_wait3A_71 = arith.constant 128 : i32
      %dma_wait3A_72 = arith.constant 0 : i32
      %dma_wait3A_73 = tpu.memref_slice %arg6[%add3A, %dma_wait3A_71, %dma_wait3A_72] : memref<32x640x128xf32, #tpu.memory_space<hbm>> -> memref<1x128x128xf32, #tpu.memory_space<hbm>>
      %dma_wait3A_74 = tpu.memref_squeeze %dma_wait3A_73 : memref<1x128x128xf32, #tpu.memory_space<hbm>> -> memref<128x128xf32, #tpu.memory_space<hbm>>
      %dma_wait3A_75 = arith.constant 128 : i32
      %dma_wait3A_76 = arith.constant 0 : i32
      %dma_wait3A_77 = tpu.memref_slice %arg6[%add3A, %dma_wait3A_75, %dma_wait3A_76] : memref<32x640x128xf32, #tpu.memory_space<hbm>> -> memref<1x128x128xf32, #tpu.memory_space<hbm>>
      %dma_wait3A_78 = tpu.memref_squeeze %dma_wait3A_77 : memref<1x128x128xf32, #tpu.memory_space<hbm>> -> memref<128x128xf32, #tpu.memory_space<hbm>>
      tpu.wait_dma2 semaphore(%run_scoped3A_62 : memref<!tpu.dma_semaphore, #tpu.memory_space<semaphore_mem>>) src(%arg11 : memref<128x128xf32, #tpu.memory_space<vmem>>) dst(%dma_wait3A_78 : memref<128x128xf32, #tpu.memory_space<hbm>>)
      tpu.yield
    }) : () -> ()
    %add3A_56 = arith.constant 256 : i32
    %add3A_57 = arith.addi %mul3A_2, %add3A_56 : i32
    "tpu.region"() ({
      %run_scoped3A_62 = tpu.sem_alloc : memref<!tpu.dma_semaphore, #tpu.memory_space<semaphore_mem>>
      %dma_start3A_63 = arith.constant 0 : i32
      %dma_start3A_64 = tpu.memref_slice %arg13[%add3A_57, %dma_start3A_63] : memref<10240x128xf32, #tpu.memory_space<vmem_shared>> -> memref<128x128xf32, #tpu.memory_space<vmem_shared>>
      %dma_start3A_65 = arith.constant 0 : i32
      %dma_start3A_66 = tpu.memref_slice %arg13[%add3A_57, %dma_start3A_65] : memref<10240x128xf32, #tpu.memory_space<vmem_shared>> -> memref<128x128xf32, #tpu.memory_space<vmem_shared>>
      tpu.enqueue_dma source(%dma_start3A_66 : memref<128x128xf32, #tpu.memory_space<vmem_shared>>) target(%arg11 : memref<128x128xf32, #tpu.memory_space<vmem>>) target_semaphore(%run_scoped3A_62 : memref<!tpu.dma_semaphore, #tpu.memory_space<semaphore_mem>>)
      %dma_wait3A_67 = arith.constant 0 : i32
      %dma_wait3A_68 = tpu.memref_slice %arg13[%add3A_57, %dma_wait3A_67] : memref<10240x128xf32, #tpu.memory_space<vmem_shared>> -> memref<128x128xf32, #tpu.memory_space<vmem_shared>>
      %dma_wait3A_69 = arith.constant 0 : i32
      %dma_wait3A_70 = tpu.memref_slice %arg13[%add3A_57, %dma_wait3A_69] : memref<10240x128xf32, #tpu.memory_space<vmem_shared>> -> memref<128x128xf32, #tpu.memory_space<vmem_shared>>
      tpu.wait_dma2 semaphore(%run_scoped3A_62 : memref<!tpu.dma_semaphore, #tpu.memory_space<semaphore_mem>>) src(%dma_wait3A_70 : memref<128x128xf32, #tpu.memory_space<vmem_shared>>) dst(%arg11 : memref<128x128xf32, #tpu.memory_space<vmem>>)
      tpu.yield
    }) : () -> ()
    "tpu.region"() ({
      %run_scoped3A_62 = tpu.sem_alloc : memref<!tpu.dma_semaphore, #tpu.memory_space<semaphore_mem>>
      %dma_start3A_63 = arith.constant 256 : i32
      %dma_start3A_64 = arith.constant 0 : i32
      %dma_start3A_65 = tpu.memref_slice %arg6[%add3A, %dma_start3A_63, %dma_start3A_64] : memref<32x640x128xf32, #tpu.memory_space<hbm>> -> memref<1x128x128xf32, #tpu.memory_space<hbm>>
      %dma_start3A_66 = tpu.memref_squeeze %dma_start3A_65 : memref<1x128x128xf32, #tpu.memory_space<hbm>> -> memref<128x128xf32, #tpu.memory_space<hbm>>
      %dma_start3A_67 = arith.constant 256 : i32
      %dma_start3A_68 = arith.constant 0 : i32
      %dma_start3A_69 = tpu.memref_slice %arg6[%add3A, %dma_start3A_67, %dma_start3A_68] : memref<32x640x128xf32, #tpu.memory_space<hbm>> -> memref<1x128x128xf32, #tpu.memory_space<hbm>>
      %dma_start3A_70 = tpu.memref_squeeze %dma_start3A_69 : memref<1x128x128xf32, #tpu.memory_space<hbm>> -> memref<128x128xf32, #tpu.memory_space<hbm>>
      tpu.enqueue_dma source(%arg11 : memref<128x128xf32, #tpu.memory_space<vmem>>) target(%dma_start3A_70 : memref<128x128xf32, #tpu.memory_space<hbm>>) target_semaphore(%run_scoped3A_62 : memref<!tpu.dma_semaphore, #tpu.memory_space<semaphore_mem>>)
      %dma_wait3A_71 = arith.constant 256 : i32
      %dma_wait3A_72 = arith.constant 0 : i32
      %dma_wait3A_73 = tpu.memref_slice %arg6[%add3A, %dma_wait3A_71, %dma_wait3A_72] : memref<32x640x128xf32, #tpu.memory_space<hbm>> -> memref<1x128x128xf32, #tpu.memory_space<hbm>>
      %dma_wait3A_74 = tpu.memref_squeeze %dma_wait3A_73 : memref<1x128x128xf32, #tpu.memory_space<hbm>> -> memref<128x128xf32, #tpu.memory_space<hbm>>
      %dma_wait3A_75 = arith.constant 256 : i32
      %dma_wait3A_76 = arith.constant 0 : i32
      %dma_wait3A_77 = tpu.memref_slice %arg6[%add3A, %dma_wait3A_75, %dma_wait3A_76] : memref<32x640x128xf32, #tpu.memory_space<hbm>> -> memref<1x128x128xf32, #tpu.memory_space<hbm>>
      %dma_wait3A_78 = tpu.memref_squeeze %dma_wait3A_77 : memref<1x128x128xf32, #tpu.memory_space<hbm>> -> memref<128x128xf32, #tpu.memory_space<hbm>>
      tpu.wait_dma2 semaphore(%run_scoped3A_62 : memref<!tpu.dma_semaphore, #tpu.memory_space<semaphore_mem>>) src(%arg11 : memref<128x128xf32, #tpu.memory_space<vmem>>) dst(%dma_wait3A_78 : memref<128x128xf32, #tpu.memory_space<hbm>>)
      tpu.yield
    }) : () -> ()
    %add3A_58 = arith.constant 384 : i32
    %add3A_59 = arith.addi %mul3A_2, %add3A_58 : i32
    "tpu.region"() ({
      %run_scoped3A_62 = tpu.sem_alloc : memref<!tpu.dma_semaphore, #tpu.memory_space<semaphore_mem>>
      %dma_start3A_63 = arith.constant 0 : i32
      %dma_start3A_64 = tpu.memref_slice %arg13[%add3A_59, %dma_start3A_63] : memref<10240x128xf32, #tpu.memory_space<vmem_shared>> -> memref<128x128xf32, #tpu.memory_space<vmem_shared>>
      %dma_start3A_65 = arith.constant 0 : i32
      %dma_start3A_66 = tpu.memref_slice %arg13[%add3A_59, %dma_start3A_65] : memref<10240x128xf32, #tpu.memory_space<vmem_shared>> -> memref<128x128xf32, #tpu.memory_space<vmem_shared>>
      tpu.enqueue_dma source(%dma_start3A_66 : memref<128x128xf32, #tpu.memory_space<vmem_shared>>) target(%arg11 : memref<128x128xf32, #tpu.memory_space<vmem>>) target_semaphore(%run_scoped3A_62 : memref<!tpu.dma_semaphore, #tpu.memory_space<semaphore_mem>>)
      %dma_wait3A_67 = arith.constant 0 : i32
      %dma_wait3A_68 = tpu.memref_slice %arg13[%add3A_59, %dma_wait3A_67] : memref<10240x128xf32, #tpu.memory_space<vmem_shared>> -> memref<128x128xf32, #tpu.memory_space<vmem_shared>>
      %dma_wait3A_69 = arith.constant 0 : i32
      %dma_wait3A_70 = tpu.memref_slice %arg13[%add3A_59, %dma_wait3A_69] : memref<10240x128xf32, #tpu.memory_space<vmem_shared>> -> memref<128x128xf32, #tpu.memory_space<vmem_shared>>
      tpu.wait_dma2 semaphore(%run_scoped3A_62 : memref<!tpu.dma_semaphore, #tpu.memory_space<semaphore_mem>>) src(%dma_wait3A_70 : memref<128x128xf32, #tpu.memory_space<vmem_shared>>) dst(%arg11 : memref<128x128xf32, #tpu.memory_space<vmem>>)
      tpu.yield
    }) : () -> ()
    "tpu.region"() ({
      %run_scoped3A_62 = tpu.sem_alloc : memref<!tpu.dma_semaphore, #tpu.memory_space<semaphore_mem>>
      %dma_start3A_63 = arith.constant 384 : i32
      %dma_start3A_64 = arith.constant 0 : i32
      %dma_start3A_65 = tpu.memref_slice %arg6[%add3A, %dma_start3A_63, %dma_start3A_64] : memref<32x640x128xf32, #tpu.memory_space<hbm>> -> memref<1x128x128xf32, #tpu.memory_space<hbm>>
      %dma_start3A_66 = tpu.memref_squeeze %dma_start3A_65 : memref<1x128x128xf32, #tpu.memory_space<hbm>> -> memref<128x128xf32, #tpu.memory_space<hbm>>
      %dma_start3A_67 = arith.constant 384 : i32
      %dma_start3A_68 = arith.constant 0 : i32
      %dma_start3A_69 = tpu.memref_slice %arg6[%add3A, %dma_start3A_67, %dma_start3A_68] : memref<32x640x128xf32, #tpu.memory_space<hbm>> -> memref<1x128x128xf32, #tpu.memory_space<hbm>>
      %dma_start3A_70 = tpu.memref_squeeze %dma_start3A_69 : memref<1x128x128xf32, #tpu.memory_space<hbm>> -> memref<128x128xf32, #tpu.memory_space<hbm>>
      tpu.enqueue_dma source(%arg11 : memref<128x128xf32, #tpu.memory_space<vmem>>) target(%dma_start3A_70 : memref<128x128xf32, #tpu.memory_space<hbm>>) target_semaphore(%run_scoped3A_62 : memref<!tpu.dma_semaphore, #tpu.memory_space<semaphore_mem>>)
      %dma_wait3A_71 = arith.constant 384 : i32
      %dma_wait3A_72 = arith.constant 0 : i32
      %dma_wait3A_73 = tpu.memref_slice %arg6[%add3A, %dma_wait3A_71, %dma_wait3A_72] : memref<32x640x128xf32, #tpu.memory_space<hbm>> -> memref<1x128x128xf32, #tpu.memory_space<hbm>>
      %dma_wait3A_74 = tpu.memref_squeeze %dma_wait3A_73 : memref<1x128x128xf32, #tpu.memory_space<hbm>> -> memref<128x128xf32, #tpu.memory_space<hbm>>
      %dma_wait3A_75 = arith.constant 384 : i32
      %dma_wait3A_76 = arith.constant 0 : i32
      %dma_wait3A_77 = tpu.memref_slice %arg6[%add3A, %dma_wait3A_75, %dma_wait3A_76] : memref<32x640x128xf32, #tpu.memory_space<hbm>> -> memref<1x128x128xf32, #tpu.memory_space<hbm>>
      %dma_wait3A_78 = tpu.memref_squeeze %dma_wait3A_77 : memref<1x128x128xf32, #tpu.memory_space<hbm>> -> memref<128x128xf32, #tpu.memory_space<hbm>>
      tpu.wait_dma2 semaphore(%run_scoped3A_62 : memref<!tpu.dma_semaphore, #tpu.memory_space<semaphore_mem>>) src(%arg11 : memref<128x128xf32, #tpu.memory_space<vmem>>) dst(%dma_wait3A_78 : memref<128x128xf32, #tpu.memory_space<hbm>>)
      tpu.yield
    }) : () -> ()
    %add3A_60 = arith.constant 512 : i32
    %add3A_61 = arith.addi %mul3A_2, %add3A_60 : i32
    "tpu.region"() ({
      %run_scoped3A_62 = tpu.sem_alloc : memref<!tpu.dma_semaphore, #tpu.memory_space<semaphore_mem>>
      %dma_start3A_63 = arith.constant 0 : i32
      %dma_start3A_64 = tpu.memref_slice %arg13[%add3A_61, %dma_start3A_63] : memref<10240x128xf32, #tpu.memory_space<vmem_shared>> -> memref<128x128xf32, #tpu.memory_space<vmem_shared>>
      %dma_start3A_65 = arith.constant 0 : i32
      %dma_start3A_66 = tpu.memref_slice %arg13[%add3A_61, %dma_start3A_65] : memref<10240x128xf32, #tpu.memory_space<vmem_shared>> -> memref<128x128xf32, #tpu.memory_space<vmem_shared>>
      tpu.enqueue_dma source(%dma_start3A_66 : memref<128x128xf32, #tpu.memory_space<vmem_shared>>) target(%arg11 : memref<128x128xf32, #tpu.memory_space<vmem>>) target_semaphore(%run_scoped3A_62 : memref<!tpu.dma_semaphore, #tpu.memory_space<semaphore_mem>>)
      %dma_wait3A_67 = arith.constant 0 : i32
      %dma_wait3A_68 = tpu.memref_slice %arg13[%add3A_61, %dma_wait3A_67] : memref<10240x128xf32, #tpu.memory_space<vmem_shared>> -> memref<128x128xf32, #tpu.memory_space<vmem_shared>>
      %dma_wait3A_69 = arith.constant 0 : i32
      %dma_wait3A_70 = tpu.memref_slice %arg13[%add3A_61, %dma_wait3A_69] : memref<10240x128xf32, #tpu.memory_space<vmem_shared>> -> memref<128x128xf32, #tpu.memory_space<vmem_shared>>
      tpu.wait_dma2 semaphore(%run_scoped3A_62 : memref<!tpu.dma_semaphore, #tpu.memory_space<semaphore_mem>>) src(%dma_wait3A_70 : memref<128x128xf32, #tpu.memory_space<vmem_shared>>) dst(%arg11 : memref<128x128xf32, #tpu.memory_space<vmem>>)
      tpu.yield
    }) : () -> ()
    "tpu.region"() ({
      %run_scoped3A_62 = tpu.sem_alloc : memref<!tpu.dma_semaphore, #tpu.memory_space<semaphore_mem>>
      %dma_start3A_63 = arith.constant 512 : i32
      %dma_start3A_64 = arith.constant 0 : i32
      %dma_start3A_65 = tpu.memref_slice %arg6[%add3A, %dma_start3A_63, %dma_start3A_64] : memref<32x640x128xf32, #tpu.memory_space<hbm>> -> memref<1x128x128xf32, #tpu.memory_space<hbm>>
      %dma_start3A_66 = tpu.memref_squeeze %dma_start3A_65 : memref<1x128x128xf32, #tpu.memory_space<hbm>> -> memref<128x128xf32, #tpu.memory_space<hbm>>
      %dma_start3A_67 = arith.constant 512 : i32
      %dma_start3A_68 = arith.constant 0 : i32
      %dma_start3A_69 = tpu.memref_slice %arg6[%add3A, %dma_start3A_67, %dma_start3A_68] : memref<32x640x128xf32, #tpu.memory_space<hbm>> -> memref<1x128x128xf32, #tpu.memory_space<hbm>>
      %dma_start3A_70 = tpu.memref_squeeze %dma_start3A_69 : memref<1x128x128xf32, #tpu.memory_space<hbm>> -> memref<128x128xf32, #tpu.memory_space<hbm>>
      tpu.enqueue_dma source(%arg11 : memref<128x128xf32, #tpu.memory_space<vmem>>) target(%dma_start3A_70 : memref<128x128xf32, #tpu.memory_space<hbm>>) target_semaphore(%run_scoped3A_62 : memref<!tpu.dma_semaphore, #tpu.memory_space<semaphore_mem>>)
      %dma_wait3A_71 = arith.constant 512 : i32
      %dma_wait3A_72 = arith.constant 0 : i32
      %dma_wait3A_73 = tpu.memref_slice %arg6[%add3A, %dma_wait3A_71, %dma_wait3A_72] : memref<32x640x128xf32, #tpu.memory_space<hbm>> -> memref<1x128x128xf32, #tpu.memory_space<hbm>>
      %dma_wait3A_74 = tpu.memref_squeeze %dma_wait3A_73 : memref<1x128x128xf32, #tpu.memory_space<hbm>> -> memref<128x128xf32, #tpu.memory_space<hbm>>
      %dma_wait3A_75 = arith.constant 512 : i32
      %dma_wait3A_76 = arith.constant 0 : i32
      %dma_wait3A_77 = tpu.memref_slice %arg6[%add3A, %dma_wait3A_75, %dma_wait3A_76] : memref<32x640x128xf32, #tpu.memory_space<hbm>> -> memref<1x128x128xf32, #tpu.memory_space<hbm>>
      %dma_wait3A_78 = tpu.memref_squeeze %dma_wait3A_77 : memref<1x128x128xf32, #tpu.memory_space<hbm>> -> memref<128x128xf32, #tpu.memory_space<hbm>>
      tpu.wait_dma2 semaphore(%run_scoped3A_62 : memref<!tpu.dma_semaphore, #tpu.memory_space<semaphore_mem>>) src(%arg11 : memref<128x128xf32, #tpu.memory_space<vmem>>) dst(%dma_wait3A_78 : memref<128x128xf32, #tpu.memory_space<hbm>>)
      tpu.yield
    }) : () -> ()
    return
  }
}

#map = affine_map<(d0, d1) -> (0, 0)>
#map1 = affine_map<(d0, d1) -> (0, 0, 0)>
module attributes {stable_mosaic.version = 14 : i64} {
  func.func @k(%arg0: i32, %arg1: i32, %arg2: memref<10000x128xf32, #tpu.memory_space<hbm>>, %arg3: memref<32x80x128xi32, #tpu.memory_space<hbm>>, %arg4: memref<32x80x128xi32, #tpu.memory_space<hbm>>, %arg5: memref<128x128xf32, #tpu.memory_space<hbm>>, %arg6: memref<32x640x128xf32, #tpu.memory_space<hbm>>, %arg7: memref<128xi32, #tpu.memory_space<vmem>>, %arg8: memref<128xi32, #tpu.memory_space<vmem>>, %arg9: memref<128xi32, #tpu.memory_space<vmem>>, %arg10: memref<128xi32, #tpu.memory_space<vmem>>, %arg11: memref<128x128xf32, #tpu.memory_space<vmem>>, %arg12: memref<128x128xf32, #tpu.memory_space<vmem>>, %arg13: memref<10240x128xf32, #tpu.memory_space<vmem_shared>>, %arg14: memref<!tpu.dma_semaphore, #tpu.memory_space<semaphore_mem>>, %arg15: memref<!tpu.dma_semaphore, #tpu.memory_space<semaphore_mem>>, %arg16: memref<!tpu.dma_semaphore, #tpu.memory_space<semaphore_mem>>, %arg17: memref<!tpu.dma_semaphore, #tpu.memory_space<semaphore_mem>>, %arg18: memref<!tpu.dma_semaphore, #tpu.memory_space<semaphore_mem>>, %arg19: memref<!tpu.dma_semaphore, #tpu.memory_space<semaphore_mem>>) attributes {dimension_semantics = [#tpu.dimension_semantics<core_parallel>, #tpu.dimension_semantics<subcore_parallel>], iteration_bounds = array<i64: 2, 16>, scalar_prefetch = 0 : i64, scratch_operands = 13 : i64, tpu.core_type = #tpu.core_type<sc_vector_subcore>, window_params = [{transform_indices = #map}, {transform_indices = #map1}, {transform_indices = #map1}, {transform_indices = #map}, {transform_indices = #map1}]} {
    %mul3A = arith.constant 16 : i32
    %mul3A_0 = arith.muli %arg0, %mul3A : i32
    %add3A = arith.addi %mul3A_0, %arg1 : i32
    %mul3A_1 = arith.constant 640 : i32
    %mul3A_2 = arith.muli %arg1, %mul3A_1 : i32
    "tpu.region"() ({
      %run_scoped3A_62 = tpu.sem_alloc : memref<!tpu.dma_semaphore, #tpu.memory_space<semaphore_mem>>
      tpu.enqueue_dma source(%arg5 : memref<128x128xf32, #tpu.memory_space<hbm>>) target(%arg11 : memref<128x128xf32, #tpu.memory_space<vmem>>) target_semaphore(%run_scoped3A_62 : memref<!tpu.dma_semaphore, #tpu.memory_space<semaphore_mem>>)
      tpu.wait_dma2 semaphore(%run_scoped3A_62 : memref<!tpu.dma_semaphore, #tpu.memory_space<semaphore_mem>>) src(%arg5 : memref<128x128xf32, #tpu.memory_space<hbm>>) dst(%arg11 : memref<128x128xf32, #tpu.memory_space<vmem>>)
      tpu.yield
    }) : () -> ()
    %add3A_3 = arith.constant 0 : i32
    %add3A_4 = arith.addi %mul3A_2, %add3A_3 : i32
    "tpu.region"() ({
      %run_scoped3A_62 = tpu.sem_alloc : memref<!tpu.dma_semaphore, #tpu.memory_space<semaphore_mem>>
      %dma_start3A_63 = arith.constant 0 : i32
      %dma_start3A_64 = tpu.memref_slice %arg13[%add3A_4, %dma_start3A_63] : memref<10240x128xf32, #tpu.memory_space<vmem_shared>> -> memref<128x128xf32, #tpu.memory_space<vmem_shared>>
      %dma_start3A_65 = arith.constant 0 : i32
      %dma_start3A_66 = tpu.memref_slice %arg13[%add3A_4, %dma_start3A_65] : memref<10240x128xf32, #tpu.memory_space<vmem_shared>> -> memref<128x128xf32, #tpu.memory_space<vmem_shared>>
      tpu.enqueue_dma source(%arg11 : memref<128x128xf32, #tpu.memory_space<vmem>>) target(%dma_start3A_66 : memref<128x128xf32, #tpu.memory_space<vmem_shared>>) target_semaphore(%run_scoped3A_62 : memref<!tpu.dma_semaphore, #tpu.memory_space<semaphore_mem>>)
      %dma_wait3A_67 = arith.constant 0 : i32
      %dma_wait3A_68 = tpu.memref_slice %arg13[%add3A_4, %dma_wait3A_67] : memref<10240x128xf32, #tpu.memory_space<vmem_shared>> -> memref<128x128xf32, #tpu.memory_space<vmem_shared>>
      %dma_wait3A_69 = arith.constant 0 : i32
      %dma_wait3A_70 = tpu.memref_slice %arg13[%add3A_4, %dma_wait3A_69] : memref<10240x128xf32, #tpu.memory_space<vmem_shared>> -> memref<128x128xf32, #tpu.memory_space<vmem_shared>>
      tpu.wait_dma2 semaphore(%run_scoped3A_62 : memref<!tpu.dma_semaphore, #tpu.memory_space<semaphore_mem>>) src(%arg11 : memref<128x128xf32, #tpu.memory_space<vmem>>) dst(%dma_wait3A_70 : memref<128x128xf32, #tpu.memory_space<vmem_shared>>)
      tpu.yield
    }) : () -> ()
    %add3A_5 = arith.constant 128 : i32
    %add3A_6 = arith.addi %mul3A_2, %add3A_5 : i32
    "tpu.region"() ({
      %run_scoped3A_62 = tpu.sem_alloc : memref<!tpu.dma_semaphore, #tpu.memory_space<semaphore_mem>>
      %dma_start3A_63 = arith.constant 0 : i32
      %dma_start3A_64 = tpu.memref_slice %arg13[%add3A_6, %dma_start3A_63] : memref<10240x128xf32, #tpu.memory_space<vmem_shared>> -> memref<128x128xf32, #tpu.memory_space<vmem_shared>>
      %dma_start3A_65 = arith.constant 0 : i32
      %dma_start3A_66 = tpu.memref_slice %arg13[%add3A_6, %dma_start3A_65] : memref<10240x128xf32, #tpu.memory_space<vmem_shared>> -> memref<128x128xf32, #tpu.memory_space<vmem_shared>>
      tpu.enqueue_dma source(%arg11 : memref<128x128xf32, #tpu.memory_space<vmem>>) target(%dma_start3A_66 : memref<128x128xf32, #tpu.memory_space<vmem_shared>>) target_semaphore(%run_scoped3A_62 : memref<!tpu.dma_semaphore, #tpu.memory_space<semaphore_mem>>)
      %dma_wait3A_67 = arith.constant 0 : i32
      %dma_wait3A_68 = tpu.memref_slice %arg13[%add3A_6, %dma_wait3A_67] : memref<10240x128xf32, #tpu.memory_space<vmem_shared>> -> memref<128x128xf32, #tpu.memory_space<vmem_shared>>
      %dma_wait3A_69 = arith.constant 0 : i32
      %dma_wait3A_70 = tpu.memref_slice %arg13[%add3A_6, %dma_wait3A_69] : memref<10240x128xf32, #tpu.memory_space<vmem_shared>> -> memref<128x128xf32, #tpu.memory_space<vmem_shared>>
      tpu.wait_dma2 semaphore(%run_scoped3A_62 : memref<!tpu.dma_semaphore, #tpu.memory_space<semaphore_mem>>) src(%arg11 : memref<128x128xf32, #tpu.memory_space<vmem>>) dst(%dma_wait3A_70 : memref<128x128xf32, #tpu.memory_space<vmem_shared>>)
      tpu.yield
    }) : () -> ()
    %add3A_7 = arith.constant 256 : i32
    %add3A_8 = arith.addi %mul3A_2, %add3A_7 : i32
    "tpu.region"() ({
      %run_scoped3A_62 = tpu.sem_alloc : memref<!tpu.dma_semaphore, #tpu.memory_space<semaphore_mem>>
      %dma_start3A_63 = arith.constant 0 : i32
      %dma_start3A_64 = tpu.memref_slice %arg13[%add3A_8, %dma_start3A_63] : memref<10240x128xf32, #tpu.memory_space<vmem_shared>> -> memref<128x128xf32, #tpu.memory_space<vmem_shared>>
      %dma_start3A_65 = arith.constant 0 : i32
      %dma_start3A_66 = tpu.memref_slice %arg13[%add3A_8, %dma_start3A_65] : memref<10240x128xf32, #tpu.memory_space<vmem_shared>> -> memref<128x128xf32, #tpu.memory_space<vmem_shared>>
      tpu.enqueue_dma source(%arg11 : memref<128x128xf32, #tpu.memory_space<vmem>>) target(%dma_start3A_66 : memref<128x128xf32, #tpu.memory_space<vmem_shared>>) target_semaphore(%run_scoped3A_62 : memref<!tpu.dma_semaphore, #tpu.memory_space<semaphore_mem>>)
      %dma_wait3A_67 = arith.constant 0 : i32
      %dma_wait3A_68 = tpu.memref_slice %arg13[%add3A_8, %dma_wait3A_67] : memref<10240x128xf32, #tpu.memory_space<vmem_shared>> -> memref<128x128xf32, #tpu.memory_space<vmem_shared>>
      %dma_wait3A_69 = arith.constant 0 : i32
      %dma_wait3A_70 = tpu.memref_slice %arg13[%add3A_8, %dma_wait3A_69] : memref<10240x128xf32, #tpu.memory_space<vmem_shared>> -> memref<128x128xf32, #tpu.memory_space<vmem_shared>>
      tpu.wait_dma2 semaphore(%run_scoped3A_62 : memref<!tpu.dma_semaphore, #tpu.memory_space<semaphore_mem>>) src(%arg11 : memref<128x128xf32, #tpu.memory_space<vmem>>) dst(%dma_wait3A_70 : memref<128x128xf32, #tpu.memory_space<vmem_shared>>)
      tpu.yield
    }) : () -> ()
    %add3A_9 = arith.constant 384 : i32
    %add3A_10 = arith.addi %mul3A_2, %add3A_9 : i32
    "tpu.region"() ({
      %run_scoped3A_62 = tpu.sem_alloc : memref<!tpu.dma_semaphore, #tpu.memory_space<semaphore_mem>>
      %dma_start3A_63 = arith.constant 0 : i32
      %dma_start3A_64 = tpu.memref_slice %arg13[%add3A_10, %dma_start3A_63] : memref<10240x128xf32, #tpu.memory_space<vmem_shared>> -> memref<128x128xf32, #tpu.memory_space<vmem_shared>>
      %dma_start3A_65 = arith.constant 0 : i32
      %dma_start3A_66 = tpu.memref_slice %arg13[%add3A_10, %dma_start3A_65] : memref<10240x128xf32, #tpu.memory_space<vmem_shared>> -> memref<128x128xf32, #tpu.memory_space<vmem_shared>>
      tpu.enqueue_dma source(%arg11 : memref<128x128xf32, #tpu.memory_space<vmem>>) target(%dma_start3A_66 : memref<128x128xf32, #tpu.memory_space<vmem_shared>>) target_semaphore(%run_scoped3A_62 : memref<!tpu.dma_semaphore, #tpu.memory_space<semaphore_mem>>)
      %dma_wait3A_67 = arith.constant 0 : i32
      %dma_wait3A_68 = tpu.memref_slice %arg13[%add3A_10, %dma_wait3A_67] : memref<10240x128xf32, #tpu.memory_space<vmem_shared>> -> memref<128x128xf32, #tpu.memory_space<vmem_shared>>
      %dma_wait3A_69 = arith.constant 0 : i32
      %dma_wait3A_70 = tpu.memref_slice %arg13[%add3A_10, %dma_wait3A_69] : memref<10240x128xf32, #tpu.memory_space<vmem_shared>> -> memref<128x128xf32, #tpu.memory_space<vmem_shared>>
      tpu.wait_dma2 semaphore(%run_scoped3A_62 : memref<!tpu.dma_semaphore, #tpu.memory_space<semaphore_mem>>) src(%arg11 : memref<128x128xf32, #tpu.memory_space<vmem>>) dst(%dma_wait3A_70 : memref<128x128xf32, #tpu.memory_space<vmem_shared>>)
      tpu.yield
    }) : () -> ()
    %add3A_11 = arith.constant 512 : i32
    %add3A_12 = arith.addi %mul3A_2, %add3A_11 : i32
    "tpu.region"() ({
      %run_scoped3A_62 = tpu.sem_alloc : memref<!tpu.dma_semaphore, #tpu.memory_space<semaphore_mem>>
      %dma_start3A_63 = arith.constant 0 : i32
      %dma_start3A_64 = tpu.memref_slice %arg13[%add3A_12, %dma_start3A_63] : memref<10240x128xf32, #tpu.memory_space<vmem_shared>> -> memref<128x128xf32, #tpu.memory_space<vmem_shared>>
      %dma_start3A_65 = arith.constant 0 : i32
      %dma_start3A_66 = tpu.memref_slice %arg13[%add3A_12, %dma_start3A_65] : memref<10240x128xf32, #tpu.memory_space<vmem_shared>> -> memref<128x128xf32, #tpu.memory_space<vmem_shared>>
      tpu.enqueue_dma source(%arg11 : memref<128x128xf32, #tpu.memory_space<vmem>>) target(%dma_start3A_66 : memref<128x128xf32, #tpu.memory_space<vmem_shared>>) target_semaphore(%run_scoped3A_62 : memref<!tpu.dma_semaphore, #tpu.memory_space<semaphore_mem>>)
      %dma_wait3A_67 = arith.constant 0 : i32
      %dma_wait3A_68 = tpu.memref_slice %arg13[%add3A_12, %dma_wait3A_67] : memref<10240x128xf32, #tpu.memory_space<vmem_shared>> -> memref<128x128xf32, #tpu.memory_space<vmem_shared>>
      %dma_wait3A_69 = arith.constant 0 : i32
      %dma_wait3A_70 = tpu.memref_slice %arg13[%add3A_12, %dma_wait3A_69] : memref<10240x128xf32, #tpu.memory_space<vmem_shared>> -> memref<128x128xf32, #tpu.memory_space<vmem_shared>>
      tpu.wait_dma2 semaphore(%run_scoped3A_62 : memref<!tpu.dma_semaphore, #tpu.memory_space<semaphore_mem>>) src(%arg11 : memref<128x128xf32, #tpu.memory_space<vmem>>) dst(%dma_wait3A_70 : memref<128x128xf32, #tpu.memory_space<vmem_shared>>)
      tpu.yield
    }) : () -> ()
    %barrier3A = arith.constant 0 : index
    tpu.barrier barrier_id(%barrier3A)
    %run_scoped3A = arith.constant 0 : i32
    "tpu.region"() ({
      %run_scoped3A_62 = tpu.sem_alloc : memref<!tpu.dma_semaphore, #tpu.memory_space<semaphore_mem>>
      %dma_start3A_63 = arith.constant 0 : i32
      %dma_start3A_64 = tpu.memref_slice %arg3[%add3A, %run_scoped3A, %dma_start3A_63] : memref<32x80x128xi32, #tpu.memory_space<hbm>> -> memref<1x1x128xi32, #tpu.memory_space<hbm>>
      %dma_start3A_65 = tpu.memref_squeeze %dma_start3A_64 : memref<1x1x128xi32, #tpu.memory_space<hbm>> -> memref<128xi32, #tpu.memory_space<hbm>>
      %dma_start3A_66 = arith.constant 0 : i32
      %dma_start3A_67 = tpu.memref_slice %arg3[%add3A, %run_scoped3A, %dma_start3A_66] : memref<32x80x128xi32, #tpu.memory_space<hbm>> -> memref<1x1x128xi32, #tpu.memory_space<hbm>>
      %dma_start3A_68 = tpu.memref_squeeze %dma_start3A_67 : memref<1x1x128xi32, #tpu.memory_space<hbm>> -> memref<128xi32, #tpu.memory_space<hbm>>
      tpu.enqueue_dma source(%dma_start3A_68 : memref<128xi32, #tpu.memory_space<hbm>>) target(%arg7 : memref<128xi32, #tpu.memory_space<vmem>>) target_semaphore(%run_scoped3A_62 : memref<!tpu.dma_semaphore, #tpu.memory_space<semaphore_mem>>)
      %dma_wait3A_69 = arith.constant 0 : i32
      %dma_wait3A_70 = tpu.memref_slice %arg3[%add3A, %run_scoped3A, %dma_wait3A_69] : memref<32x80x128xi32, #tpu.memory_space<hbm>> -> memref<1x1x128xi32, #tpu.memory_space<hbm>>
      %dma_wait3A_71 = tpu.memref_squeeze %dma_wait3A_70 : memref<1x1x128xi32, #tpu.memory_space<hbm>> -> memref<128xi32, #tpu.memory_space<hbm>>
      %dma_wait3A_72 = arith.constant 0 : i32
      %dma_wait3A_73 = tpu.memref_slice %arg3[%add3A, %run_scoped3A, %dma_wait3A_72] : memref<32x80x128xi32, #tpu.memory_space<hbm>> -> memref<1x1x128xi32, #tpu.memory_space<hbm>>
      %dma_wait3A_74 = tpu.memref_squeeze %dma_wait3A_73 : memref<1x1x128xi32, #tpu.memory_space<hbm>> -> memref<128xi32, #tpu.memory_space<hbm>>
      tpu.wait_dma2 semaphore(%run_scoped3A_62 : memref<!tpu.dma_semaphore, #tpu.memory_space<semaphore_mem>>) src(%dma_wait3A_74 : memref<128xi32, #tpu.memory_space<hbm>>) dst(%arg7 : memref<128xi32, #tpu.memory_space<vmem>>)
      tpu.yield
    }) : () -> ()
    %run_scoped3A_13 = arith.constant 0 : i32
    "tpu.region"() ({
      %run_scoped3A_62 = tpu.sem_alloc : memref<!tpu.dma_semaphore, #tpu.memory_space<semaphore_mem>>
      %dma_start3A_63 = arith.constant 0 : i32
      %dma_start3A_64 = tpu.memref_slice %arg4[%add3A, %run_scoped3A_13, %dma_start3A_63] : memref<32x80x128xi32, #tpu.memory_space<hbm>> -> memref<1x1x128xi32, #tpu.memory_space<hbm>>
      %dma_start3A_65 = tpu.memref_squeeze %dma_start3A_64 : memref<1x1x128xi32, #tpu.memory_space<hbm>> -> memref<128xi32, #tpu.memory_space<hbm>>
      %dma_start3A_66 = arith.constant 0 : i32
      %dma_start3A_67 = tpu.memref_slice %arg4[%add3A, %run_scoped3A_13, %dma_start3A_66] : memref<32x80x128xi32, #tpu.memory_space<hbm>> -> memref<1x1x128xi32, #tpu.memory_space<hbm>>
      %dma_start3A_68 = tpu.memref_squeeze %dma_start3A_67 : memref<1x1x128xi32, #tpu.memory_space<hbm>> -> memref<128xi32, #tpu.memory_space<hbm>>
      tpu.enqueue_dma source(%dma_start3A_68 : memref<128xi32, #tpu.memory_space<hbm>>) target(%arg9 : memref<128xi32, #tpu.memory_space<vmem>>) target_semaphore(%run_scoped3A_62 : memref<!tpu.dma_semaphore, #tpu.memory_space<semaphore_mem>>)
      %dma_wait3A_69 = arith.constant 0 : i32
      %dma_wait3A_70 = tpu.memref_slice %arg4[%add3A, %run_scoped3A_13, %dma_wait3A_69] : memref<32x80x128xi32, #tpu.memory_space<hbm>> -> memref<1x1x128xi32, #tpu.memory_space<hbm>>
      %dma_wait3A_71 = tpu.memref_squeeze %dma_wait3A_70 : memref<1x1x128xi32, #tpu.memory_space<hbm>> -> memref<128xi32, #tpu.memory_space<hbm>>
      %dma_wait3A_72 = arith.constant 0 : i32
      %dma_wait3A_73 = tpu.memref_slice %arg4[%add3A, %run_scoped3A_13, %dma_wait3A_72] : memref<32x80x128xi32, #tpu.memory_space<hbm>> -> memref<1x1x128xi32, #tpu.memory_space<hbm>>
      %dma_wait3A_74 = tpu.memref_squeeze %dma_wait3A_73 : memref<1x1x128xi32, #tpu.memory_space<hbm>> -> memref<128xi32, #tpu.memory_space<hbm>>
      tpu.wait_dma2 semaphore(%run_scoped3A_62 : memref<!tpu.dma_semaphore, #tpu.memory_space<semaphore_mem>>) src(%dma_wait3A_74 : memref<128xi32, #tpu.memory_space<hbm>>) dst(%arg9 : memref<128xi32, #tpu.memory_space<vmem>>)
      tpu.yield
    }) : () -> ()
    %dma_start3A = arith.constant 0 : i32
    %dma_start3A_14 = arith.constant 0 : i32
    %dma_start3A_15 = tpu.memref_slice %arg2[%dma_start3A, %dma_start3A_14] : memref<10000x128xf32, #tpu.memory_space<hbm>> -> memref<10000x128xf32, #tpu.memory_space<hbm>>
    tpu.enqueue_indirect_dma source(%dma_start3A_15 : memref<10000x128xf32, #tpu.memory_space<hbm>>) target(%arg11 : memref<128x128xf32, #tpu.memory_space<vmem>>) offsets(%arg7 : memref<128xi32, #tpu.memory_space<vmem>>) semaphore(%arg14 : memref<!tpu.dma_semaphore, #tpu.memory_space<semaphore_mem>>)
    %dma_start3A_16 = arith.constant 1 : i32
    %dma_start3A_17 = arith.constant 0 : i32
    %dma_start3A_18 = tpu.memref_slice %arg3[%add3A, %dma_start3A_16, %dma_start3A_17] : memref<32x80x128xi32, #tpu.memory_space<hbm>> -> memref<1x1x128xi32, #tpu.memory_space<hbm>>
    %dma_start3A_19 = tpu.memref_squeeze %dma_start3A_18 : memref<1x1x128xi32, #tpu.memory_space<hbm>> -> memref<128xi32, #tpu.memory_space<hbm>>
    %dma_start3A_20 = arith.constant 0 : i32
    %dma_start3A_21 = tpu.memref_slice %arg3[%add3A, %dma_start3A_16, %dma_start3A_20] : memref<32x80x128xi32, #tpu.memory_space<hbm>> -> memref<1x1x128xi32, #tpu.memory_space<hbm>>
    %dma_start3A_22 = tpu.memref_squeeze %dma_start3A_21 : memref<1x1x128xi32, #tpu.memory_space<hbm>> -> memref<128xi32, #tpu.memory_space<hbm>>
    tpu.enqueue_dma source(%dma_start3A_22 : memref<128xi32, #tpu.memory_space<hbm>>) target(%arg8 : memref<128xi32, #tpu.memory_space<vmem>>) target_semaphore(%arg17 : memref<!tpu.dma_semaphore, #tpu.memory_space<semaphore_mem>>)
    %dma_start3A_23 = arith.constant 1 : i32
    %dma_start3A_24 = arith.constant 0 : i32
    %dma_start3A_25 = tpu.memref_slice %arg4[%add3A, %dma_start3A_23, %dma_start3A_24] : memref<32x80x128xi32, #tpu.memory_space<hbm>> -> memref<1x1x128xi32, #tpu.memory_space<hbm>>
    %dma_start3A_26 = tpu.memref_squeeze %dma_start3A_25 : memref<1x1x128xi32, #tpu.memory_space<hbm>> -> memref<128xi32, #tpu.memory_space<hbm>>
    %dma_start3A_27 = arith.constant 0 : i32
    %dma_start3A_28 = tpu.memref_slice %arg4[%add3A, %dma_start3A_23, %dma_start3A_27] : memref<32x80x128xi32, #tpu.memory_space<hbm>> -> memref<1x1x128xi32, #tpu.memory_space<hbm>>
    %dma_start3A_29 = tpu.memref_squeeze %dma_start3A_28 : memref<1x1x128xi32, #tpu.memory_space<hbm>> -> memref<128xi32, #tpu.memory_space<hbm>>
    tpu.enqueue_dma source(%dma_start3A_29 : memref<128xi32, #tpu.memory_space<hbm>>) target(%arg10 : memref<128xi32, #tpu.memory_space<vmem>>) target_semaphore(%arg19 : memref<!tpu.dma_semaphore, #tpu.memory_space<semaphore_mem>>)
    %scan3A = arith.constant 0 : i32
    %scan3A_30 = arith.constant 0 : i32
    %scan3A_31 = arith.constant 40 : i32
    %scan3A_32 = arith.addi %scan3A_30, %scan3A_31 : i32
    %scan3A_33 = arith.constant 1 : i32
    scf.for %scan3A_62 = %scan3A_30 to %scan3A_32 step %scan3A_33  : i32 {
      %mul3A_63 = arith.constant 2 : i32
      %mul3A_64 = arith.muli %mul3A_63, %scan3A_62 : i32
      %dma_wait3A_65 = arith.constant 0 : i32
      %dma_wait3A_66 = arith.constant 0 : i32
      %dma_wait3A_67 = tpu.memref_slice %arg2[%dma_wait3A_65, %dma_wait3A_66] : memref<10000x128xf32, #tpu.memory_space<hbm>> -> memref<10000x128xf32, #tpu.memory_space<hbm>>
      tpu.wait_indirect_dma semaphore(%arg14 : memref<!tpu.dma_semaphore, #tpu.memory_space<semaphore_mem>>) src(%dma_wait3A_67 : memref<10000x128xf32, #tpu.memory_space<hbm>>) dst(%arg11 : memref<128x128xf32, #tpu.memory_space<vmem>>)
      %dma_wait3A_68 = arith.constant 0 : i32
      %dma_wait3A_69 = arith.constant 0 : i32
      %dma_wait3A_70 = tpu.memref_slice %arg3[%add3A, %dma_wait3A_68, %dma_wait3A_69] : memref<32x80x128xi32, #tpu.memory_space<hbm>> -> memref<1x1x128xi32, #tpu.memory_space<hbm>>
      %dma_wait3A_71 = tpu.memref_squeeze %dma_wait3A_70 : memref<1x1x128xi32, #tpu.memory_space<hbm>> -> memref<128xi32, #tpu.memory_space<hbm>>
      %dma_wait3A_72 = arith.constant 0 : i32
      %dma_wait3A_73 = tpu.memref_slice %arg3[%add3A, %dma_wait3A_68, %dma_wait3A_72] : memref<32x80x128xi32, #tpu.memory_space<hbm>> -> memref<1x1x128xi32, #tpu.memory_space<hbm>>
      %dma_wait3A_74 = tpu.memref_squeeze %dma_wait3A_73 : memref<1x1x128xi32, #tpu.memory_space<hbm>> -> memref<128xi32, #tpu.memory_space<hbm>>
      tpu.wait_dma2 semaphore(%arg17 : memref<!tpu.dma_semaphore, #tpu.memory_space<semaphore_mem>>) src(%dma_wait3A_74 : memref<128xi32, #tpu.memory_space<hbm>>) dst(%arg8 : memref<128xi32, #tpu.memory_space<vmem>>)
      %dma_wait3A_75 = arith.constant 0 : i32
      %dma_wait3A_76 = arith.constant 0 : i32
      %dma_wait3A_77 = tpu.memref_slice %arg4[%add3A, %dma_wait3A_75, %dma_wait3A_76] : memref<32x80x128xi32, #tpu.memory_space<hbm>> -> memref<1x1x128xi32, #tpu.memory_space<hbm>>
      %dma_wait3A_78 = tpu.memref_squeeze %dma_wait3A_77 : memref<1x1x128xi32, #tpu.memory_space<hbm>> -> memref<128xi32, #tpu.memory_space<hbm>>
      %dma_wait3A_79 = arith.constant 0 : i32
      %dma_wait3A_80 = tpu.memref_slice %arg4[%add3A, %dma_wait3A_75, %dma_wait3A_79] : memref<32x80x128xi32, #tpu.memory_space<hbm>> -> memref<1x1x128xi32, #tpu.memory_space<hbm>>
      %dma_wait3A_81 = tpu.memref_squeeze %dma_wait3A_80 : memref<1x1x128xi32, #tpu.memory_space<hbm>> -> memref<128xi32, #tpu.memory_space<hbm>>
      tpu.wait_dma2 semaphore(%arg19 : memref<!tpu.dma_semaphore, #tpu.memory_space<semaphore_mem>>) src(%dma_wait3A_81 : memref<128xi32, #tpu.memory_space<hbm>>) dst(%arg10 : memref<128xi32, #tpu.memory_space<vmem>>)
      %dma_start3A_82 = arith.constant 0 : i32
      %dma_start3A_83 = arith.constant 0 : i32
      %dma_start3A_84 = tpu.memref_slice %arg2[%dma_start3A_82, %dma_start3A_83] : memref<10000x128xf32, #tpu.memory_space<hbm>> -> memref<10000x128xf32, #tpu.memory_space<hbm>>
      tpu.enqueue_indirect_dma source(%dma_start3A_84 : memref<10000x128xf32, #tpu.memory_space<hbm>>) target(%arg12 : memref<128x128xf32, #tpu.memory_space<vmem>>) offsets(%arg8 : memref<128xi32, #tpu.memory_space<vmem>>) semaphore(%arg15 : memref<!tpu.dma_semaphore, #tpu.memory_space<semaphore_mem>>)
      "tpu.region"() ({
        %run_scoped3A_136 = tpu.sem_alloc : memref<!tpu.dma_semaphore, #tpu.memory_space<semaphore_mem>>
        %dma_start3A_137 = arith.constant 0 : i32
        %dma_start3A_138 = arith.constant 0 : i32
        %dma_start3A_139 = tpu.memref_slice %arg13[%dma_start3A_137, %dma_start3A_138] : memref<10240x128xf32, #tpu.memory_space<vmem_shared>> -> memref<10240x128xf32, #tpu.memory_space<vmem_shared>>
        tpu.enqueue_indirect_dma source(%arg11 : memref<128x128xf32, #tpu.memory_space<vmem>>) target(%dma_start3A_139 : memref<10240x128xf32, #tpu.memory_space<vmem_shared>>) offsets(%arg9 : memref<128xi32, #tpu.memory_space<vmem>>) semaphore(%run_scoped3A_136 : memref<!tpu.dma_semaphore, #tpu.memory_space<semaphore_mem>>) {add = true}
        %dma_wait3A_140 = arith.constant 0 : i32
        %dma_wait3A_141 = arith.constant 0 : i32
        %dma_wait3A_142 = tpu.memref_slice %arg13[%dma_wait3A_140, %dma_wait3A_141] : memref<10240x128xf32, #tpu.memory_space<vmem_shared>> -> memref<10240x128xf32, #tpu.memory_space<vmem_shared>>
        tpu.wait_indirect_dma semaphore(%run_scoped3A_136 : memref<!tpu.dma_semaphore, #tpu.memory_space<semaphore_mem>>) src(%arg11 : memref<128x128xf32, #tpu.memory_space<vmem>>) dst(%dma_wait3A_142 : memref<10240x128xf32, #tpu.memory_space<vmem_shared>>)
        tpu.yield
      }) : () -> ()
      %add3A_85 = arith.constant 2 : i32
      %add3A_86 = arith.addi %mul3A_64, %add3A_85 : i32
      %min3A = arith.constant 79 : i32
      %min3A_87 = arith.minsi %add3A_86, %min3A : i32
      %dma_start3A_88 = arith.constant 0 : i32
      %dma_start3A_89 = tpu.memref_slice %arg3[%add3A, %min3A_87, %dma_start3A_88] : memref<32x80x128xi32, #tpu.memory_space<hbm>> -> memref<1x1x128xi32, #tpu.memory_space<hbm>>
      %dma_start3A_90 = tpu.memref_squeeze %dma_start3A_89 : memref<1x1x128xi32, #tpu.memory_space<hbm>> -> memref<128xi32, #tpu.memory_space<hbm>>
      %dma_start3A_91 = arith.constant 0 : i32
      %dma_start3A_92 = tpu.memref_slice %arg3[%add3A, %min3A_87, %dma_start3A_91] : memref<32x80x128xi32, #tpu.memory_space<hbm>> -> memref<1x1x128xi32, #tpu.memory_space<hbm>>
      %dma_start3A_93 = tpu.memref_squeeze %dma_start3A_92 : memref<1x1x128xi32, #tpu.memory_space<hbm>> -> memref<128xi32, #tpu.memory_space<hbm>>
      tpu.enqueue_dma source(%dma_start3A_93 : memref<128xi32, #tpu.memory_space<hbm>>) target(%arg7 : memref<128xi32, #tpu.memory_space<vmem>>) target_semaphore(%arg16 : memref<!tpu.dma_semaphore, #tpu.memory_space<semaphore_mem>>)
      %dma_start3A_94 = arith.constant 0 : i32
      %dma_start3A_95 = tpu.memref_slice %arg4[%add3A, %min3A_87, %dma_start3A_94] : memref<32x80x128xi32, #tpu.memory_space<hbm>> -> memref<1x1x128xi32, #tpu.memory_space<hbm>>
      %dma_start3A_96 = tpu.memref_squeeze %dma_start3A_95 : memref<1x1x128xi32, #tpu.memory_space<hbm>> -> memref<128xi32, #tpu.memory_space<hbm>>
      %dma_start3A_97 = arith.constant 0 : i32
      %dma_start3A_98 = tpu.memref_slice %arg4[%add3A, %min3A_87, %dma_start3A_97] : memref<32x80x128xi32, #tpu.memory_space<hbm>> -> memref<1x1x128xi32, #tpu.memory_space<hbm>>
      %dma_start3A_99 = tpu.memref_squeeze %dma_start3A_98 : memref<1x1x128xi32, #tpu.memory_space<hbm>> -> memref<128xi32, #tpu.memory_space<hbm>>
      tpu.enqueue_dma source(%dma_start3A_99 : memref<128xi32, #tpu.memory_space<hbm>>) target(%arg9 : memref<128xi32, #tpu.memory_space<vmem>>) target_semaphore(%arg18 : memref<!tpu.dma_semaphore, #tpu.memory_space<semaphore_mem>>)
      %dma_wait3A_100 = arith.constant 0 : i32
      %dma_wait3A_101 = arith.constant 0 : i32
      %dma_wait3A_102 = tpu.memref_slice %arg2[%dma_wait3A_100, %dma_wait3A_101] : memref<10000x128xf32, #tpu.memory_space<hbm>> -> memref<10000x128xf32, #tpu.memory_space<hbm>>
      tpu.wait_indirect_dma semaphore(%arg15 : memref<!tpu.dma_semaphore, #tpu.memory_space<semaphore_mem>>) src(%dma_wait3A_102 : memref<10000x128xf32, #tpu.memory_space<hbm>>) dst(%arg12 : memref<128x128xf32, #tpu.memory_space<vmem>>)
      %dma_wait3A_103 = arith.constant 0 : i32
      %dma_wait3A_104 = arith.constant 0 : i32
      %dma_wait3A_105 = tpu.memref_slice %arg3[%add3A, %dma_wait3A_103, %dma_wait3A_104] : memref<32x80x128xi32, #tpu.memory_space<hbm>> -> memref<1x1x128xi32, #tpu.memory_space<hbm>>
      %dma_wait3A_106 = tpu.memref_squeeze %dma_wait3A_105 : memref<1x1x128xi32, #tpu.memory_space<hbm>> -> memref<128xi32, #tpu.memory_space<hbm>>
      %dma_wait3A_107 = arith.constant 0 : i32
      %dma_wait3A_108 = tpu.memref_slice %arg3[%add3A, %dma_wait3A_103, %dma_wait3A_107] : memref<32x80x128xi32, #tpu.memory_space<hbm>> -> memref<1x1x128xi32, #tpu.memory_space<hbm>>
      %dma_wait3A_109 = tpu.memref_squeeze %dma_wait3A_108 : memref<1x1x128xi32, #tpu.memory_space<hbm>> -> memref<128xi32, #tpu.memory_space<hbm>>
      tpu.wait_dma2 semaphore(%arg16 : memref<!tpu.dma_semaphore, #tpu.memory_space<semaphore_mem>>) src(%dma_wait3A_109 : memref<128xi32, #tpu.memory_space<hbm>>) dst(%arg7 : memref<128xi32, #tpu.memory_space<vmem>>)
      %dma_wait3A_110 = arith.constant 0 : i32
      %dma_wait3A_111 = arith.constant 0 : i32
      %dma_wait3A_112 = tpu.memref_slice %arg4[%add3A, %dma_wait3A_110, %dma_wait3A_111] : memref<32x80x128xi32, #tpu.memory_space<hbm>> -> memref<1x1x128xi32, #tpu.memory_space<hbm>>
      %dma_wait3A_113 = tpu.memref_squeeze %dma_wait3A_112 : memref<1x1x128xi32, #tpu.memory_space<hbm>> -> memref<128xi32, #tpu.memory_space<hbm>>
      %dma_wait3A_114 = arith.constant 0 : i32
      %dma_wait3A_115 = tpu.memref_slice %arg4[%add3A, %dma_wait3A_110, %dma_wait3A_114] : memref<32x80x128xi32, #tpu.memory_space<hbm>> -> memref<1x1x128xi32, #tpu.memory_space<hbm>>
      %dma_wait3A_116 = tpu.memref_squeeze %dma_wait3A_115 : memref<1x1x128xi32, #tpu.memory_space<hbm>> -> memref<128xi32, #tpu.memory_space<hbm>>
      tpu.wait_dma2 semaphore(%arg18 : memref<!tpu.dma_semaphore, #tpu.memory_space<semaphore_mem>>) src(%dma_wait3A_116 : memref<128xi32, #tpu.memory_space<hbm>>) dst(%arg9 : memref<128xi32, #tpu.memory_space<vmem>>)
      %dma_start3A_117 = arith.constant 0 : i32
      %dma_start3A_118 = arith.constant 0 : i32
      %dma_start3A_119 = tpu.memref_slice %arg2[%dma_start3A_117, %dma_start3A_118] : memref<10000x128xf32, #tpu.memory_space<hbm>> -> memref<10000x128xf32, #tpu.memory_space<hbm>>
      tpu.enqueue_indirect_dma source(%dma_start3A_119 : memref<10000x128xf32, #tpu.memory_space<hbm>>) target(%arg11 : memref<128x128xf32, #tpu.memory_space<vmem>>) offsets(%arg7 : memref<128xi32, #tpu.memory_space<vmem>>) semaphore(%arg14 : memref<!tpu.dma_semaphore, #tpu.memory_space<semaphore_mem>>)
      "tpu.region"() ({
        %run_scoped3A_136 = tpu.sem_alloc : memref<!tpu.dma_semaphore, #tpu.memory_space<semaphore_mem>>
        %dma_start3A_137 = arith.constant 0 : i32
        %dma_start3A_138 = arith.constant 0 : i32
        %dma_start3A_139 = tpu.memref_slice %arg13[%dma_start3A_137, %dma_start3A_138] : memref<10240x128xf32, #tpu.memory_space<vmem_shared>> -> memref<10240x128xf32, #tpu.memory_space<vmem_shared>>
        tpu.enqueue_indirect_dma source(%arg12 : memref<128x128xf32, #tpu.memory_space<vmem>>) target(%dma_start3A_139 : memref<10240x128xf32, #tpu.memory_space<vmem_shared>>) offsets(%arg10 : memref<128xi32, #tpu.memory_space<vmem>>) semaphore(%run_scoped3A_136 : memref<!tpu.dma_semaphore, #tpu.memory_space<semaphore_mem>>) {add = true}
        %dma_wait3A_140 = arith.constant 0 : i32
        %dma_wait3A_141 = arith.constant 0 : i32
        %dma_wait3A_142 = tpu.memref_slice %arg13[%dma_wait3A_140, %dma_wait3A_141] : memref<10240x128xf32, #tpu.memory_space<vmem_shared>> -> memref<10240x128xf32, #tpu.memory_space<vmem_shared>>
        tpu.wait_indirect_dma semaphore(%run_scoped3A_136 : memref<!tpu.dma_semaphore, #tpu.memory_space<semaphore_mem>>) src(%arg12 : memref<128x128xf32, #tpu.memory_space<vmem>>) dst(%dma_wait3A_142 : memref<10240x128xf32, #tpu.memory_space<vmem_shared>>)
        tpu.yield
      }) : () -> ()
      %add3A_120 = arith.constant 3 : i32
      %add3A_121 = arith.addi %mul3A_64, %add3A_120 : i32
      %min3A_122 = arith.constant 79 : i32
      %min3A_123 = arith.minsi %add3A_121, %min3A_122 : i32
      %dma_start3A_124 = arith.constant 0 : i32
      %dma_start3A_125 = tpu.memref_slice %arg3[%add3A, %min3A_123, %dma_start3A_124] : memref<32x80x128xi32, #tpu.memory_space<hbm>> -> memref<1x1x128xi32, #tpu.memory_space<hbm>>
      %dma_start3A_126 = tpu.memref_squeeze %dma_start3A_125 : memref<1x1x128xi32, #tpu.memory_space<hbm>> -> memref<128xi32, #tpu.memory_space<hbm>>
      %dma_start3A_127 = arith.constant 0 : i32
      %dma_start3A_128 = tpu.memref_slice %arg3[%add3A, %min3A_123, %dma_start3A_127] : memref<32x80x128xi32, #tpu.memory_space<hbm>> -> memref<1x1x128xi32, #tpu.memory_space<hbm>>
      %dma_start3A_129 = tpu.memref_squeeze %dma_start3A_128 : memref<1x1x128xi32, #tpu.memory_space<hbm>> -> memref<128xi32, #tpu.memory_space<hbm>>
      tpu.enqueue_dma source(%dma_start3A_129 : memref<128xi32, #tpu.memory_space<hbm>>) target(%arg8 : memref<128xi32, #tpu.memory_space<vmem>>) target_semaphore(%arg17 : memref<!tpu.dma_semaphore, #tpu.memory_space<semaphore_mem>>)
      %dma_start3A_130 = arith.constant 0 : i32
      %dma_start3A_131 = tpu.memref_slice %arg4[%add3A, %min3A_123, %dma_start3A_130] : memref<32x80x128xi32, #tpu.memory_space<hbm>> -> memref<1x1x128xi32, #tpu.memory_space<hbm>>
      %dma_start3A_132 = tpu.memref_squeeze %dma_start3A_131 : memref<1x1x128xi32, #tpu.memory_space<hbm>> -> memref<128xi32, #tpu.memory_space<hbm>>
      %dma_start3A_133 = arith.constant 0 : i32
      %dma_start3A_134 = tpu.memref_slice %arg4[%add3A, %min3A_123, %dma_start3A_133] : memref<32x80x128xi32, #tpu.memory_space<hbm>> -> memref<1x1x128xi32, #tpu.memory_space<hbm>>
      %dma_start3A_135 = tpu.memref_squeeze %dma_start3A_134 : memref<1x1x128xi32, #tpu.memory_space<hbm>> -> memref<128xi32, #tpu.memory_space<hbm>>
      tpu.enqueue_dma source(%dma_start3A_135 : memref<128xi32, #tpu.memory_space<hbm>>) target(%arg10 : memref<128xi32, #tpu.memory_space<vmem>>) target_semaphore(%arg19 : memref<!tpu.dma_semaphore, #tpu.memory_space<semaphore_mem>>)
    }
    %scan3A_34 = arith.constant 40 : i32
    %dma_wait3A = arith.constant 0 : i32
    %dma_wait3A_35 = arith.constant 0 : i32
    %dma_wait3A_36 = tpu.memref_slice %arg2[%dma_wait3A, %dma_wait3A_35] : memref<10000x128xf32, #tpu.memory_space<hbm>> -> memref<10000x128xf32, #tpu.memory_space<hbm>>
    tpu.wait_indirect_dma semaphore(%arg14 : memref<!tpu.dma_semaphore, #tpu.memory_space<semaphore_mem>>) src(%dma_wait3A_36 : memref<10000x128xf32, #tpu.memory_space<hbm>>) dst(%arg11 : memref<128x128xf32, #tpu.memory_space<vmem>>)
    %dma_wait3A_37 = arith.constant 0 : i32
    %dma_wait3A_38 = arith.constant 0 : i32
    %dma_wait3A_39 = tpu.memref_slice %arg3[%add3A, %dma_wait3A_37, %dma_wait3A_38] : memref<32x80x128xi32, #tpu.memory_space<hbm>> -> memref<1x1x128xi32, #tpu.memory_space<hbm>>
    %dma_wait3A_40 = tpu.memref_squeeze %dma_wait3A_39 : memref<1x1x128xi32, #tpu.memory_space<hbm>> -> memref<128xi32, #tpu.memory_space<hbm>>
    %dma_wait3A_41 = arith.constant 0 : i32
    %dma_wait3A_42 = tpu.memref_slice %arg3[%add3A, %dma_wait3A_37, %dma_wait3A_41] : memref<32x80x128xi32, #tpu.memory_space<hbm>> -> memref<1x1x128xi32, #tpu.memory_space<hbm>>
    %dma_wait3A_43 = tpu.memref_squeeze %dma_wait3A_42 : memref<1x1x128xi32, #tpu.memory_space<hbm>> -> memref<128xi32, #tpu.memory_space<hbm>>
    tpu.wait_dma2 semaphore(%arg17 : memref<!tpu.dma_semaphore, #tpu.memory_space<semaphore_mem>>) src(%dma_wait3A_43 : memref<128xi32, #tpu.memory_space<hbm>>) dst(%arg8 : memref<128xi32, #tpu.memory_space<vmem>>)
    %dma_wait3A_44 = arith.constant 0 : i32
    %dma_wait3A_45 = arith.constant 0 : i32
    %dma_wait3A_46 = tpu.memref_slice %arg4[%add3A, %dma_wait3A_44, %dma_wait3A_45] : memref<32x80x128xi32, #tpu.memory_space<hbm>> -> memref<1x1x128xi32, #tpu.memory_space<hbm>>
    %dma_wait3A_47 = tpu.memref_squeeze %dma_wait3A_46 : memref<1x1x128xi32, #tpu.memory_space<hbm>> -> memref<128xi32, #tpu.memory_space<hbm>>
    %dma_wait3A_48 = arith.constant 0 : i32
    %dma_wait3A_49 = tpu.memref_slice %arg4[%add3A, %dma_wait3A_44, %dma_wait3A_48] : memref<32x80x128xi32, #tpu.memory_space<hbm>> -> memref<1x1x128xi32, #tpu.memory_space<hbm>>
    %dma_wait3A_50 = tpu.memref_squeeze %dma_wait3A_49 : memref<1x1x128xi32, #tpu.memory_space<hbm>> -> memref<128xi32, #tpu.memory_space<hbm>>
    tpu.wait_dma2 semaphore(%arg19 : memref<!tpu.dma_semaphore, #tpu.memory_space<semaphore_mem>>) src(%dma_wait3A_50 : memref<128xi32, #tpu.memory_space<hbm>>) dst(%arg10 : memref<128xi32, #tpu.memory_space<vmem>>)
    %barrier3A_51 = arith.constant 0 : index
    tpu.barrier barrier_id(%barrier3A_51)
    %add3A_52 = arith.constant 0 : i32
    %add3A_53 = arith.addi %mul3A_2, %add3A_52 : i32
    "tpu.region"() ({
      %run_scoped3A_62 = tpu.sem_alloc : memref<!tpu.dma_semaphore, #tpu.memory_space<semaphore_mem>>
      %dma_start3A_63 = arith.constant 0 : i32
      %dma_start3A_64 = tpu.memref_slice %arg13[%add3A_53, %dma_start3A_63] : memref<10240x128xf32, #tpu.memory_space<vmem_shared>> -> memref<128x128xf32, #tpu.memory_space<vmem_shared>>
      %dma_start3A_65 = arith.constant 0 : i32
      %dma_start3A_66 = tpu.memref_slice %arg13[%add3A_53, %dma_start3A_65] : memref<10240x128xf32, #tpu.memory_space<vmem_shared>> -> memref<128x128xf32, #tpu.memory_space<vmem_shared>>
      tpu.enqueue_dma source(%dma_start3A_66 : memref<128x128xf32, #tpu.memory_space<vmem_shared>>) target(%arg11 : memref<128x128xf32, #tpu.memory_space<vmem>>) target_semaphore(%run_scoped3A_62 : memref<!tpu.dma_semaphore, #tpu.memory_space<semaphore_mem>>)
      %dma_wait3A_67 = arith.constant 0 : i32
      %dma_wait3A_68 = tpu.memref_slice %arg13[%add3A_53, %dma_wait3A_67] : memref<10240x128xf32, #tpu.memory_space<vmem_shared>> -> memref<128x128xf32, #tpu.memory_space<vmem_shared>>
      %dma_wait3A_69 = arith.constant 0 : i32
      %dma_wait3A_70 = tpu.memref_slice %arg13[%add3A_53, %dma_wait3A_69] : memref<10240x128xf32, #tpu.memory_space<vmem_shared>> -> memref<128x128xf32, #tpu.memory_space<vmem_shared>>
      tpu.wait_dma2 semaphore(%run_scoped3A_62 : memref<!tpu.dma_semaphore, #tpu.memory_space<semaphore_mem>>) src(%dma_wait3A_70 : memref<128x128xf32, #tpu.memory_space<vmem_shared>>) dst(%arg11 : memref<128x128xf32, #tpu.memory_space<vmem>>)
      tpu.yield
    }) : () -> ()
    "tpu.region"() ({
      %run_scoped3A_62 = tpu.sem_alloc : memref<!tpu.dma_semaphore, #tpu.memory_space<semaphore_mem>>
      %dma_start3A_63 = arith.constant 0 : i32
      %dma_start3A_64 = arith.constant 0 : i32
      %dma_start3A_65 = tpu.memref_slice %arg6[%add3A, %dma_start3A_63, %dma_start3A_64] : memref<32x640x128xf32, #tpu.memory_space<hbm>> -> memref<1x128x128xf32, #tpu.memory_space<hbm>>
      %dma_start3A_66 = tpu.memref_squeeze %dma_start3A_65 : memref<1x128x128xf32, #tpu.memory_space<hbm>> -> memref<128x128xf32, #tpu.memory_space<hbm>>
      %dma_start3A_67 = arith.constant 0 : i32
      %dma_start3A_68 = arith.constant 0 : i32
      %dma_start3A_69 = tpu.memref_slice %arg6[%add3A, %dma_start3A_67, %dma_start3A_68] : memref<32x640x128xf32, #tpu.memory_space<hbm>> -> memref<1x128x128xf32, #tpu.memory_space<hbm>>
      %dma_start3A_70 = tpu.memref_squeeze %dma_start3A_69 : memref<1x128x128xf32, #tpu.memory_space<hbm>> -> memref<128x128xf32, #tpu.memory_space<hbm>>
      tpu.enqueue_dma source(%arg11 : memref<128x128xf32, #tpu.memory_space<vmem>>) target(%dma_start3A_70 : memref<128x128xf32, #tpu.memory_space<hbm>>) target_semaphore(%run_scoped3A_62 : memref<!tpu.dma_semaphore, #tpu.memory_space<semaphore_mem>>)
      %dma_wait3A_71 = arith.constant 0 : i32
      %dma_wait3A_72 = arith.constant 0 : i32
      %dma_wait3A_73 = tpu.memref_slice %arg6[%add3A, %dma_wait3A_71, %dma_wait3A_72] : memref<32x640x128xf32, #tpu.memory_space<hbm>> -> memref<1x128x128xf32, #tpu.memory_space<hbm>>
      %dma_wait3A_74 = tpu.memref_squeeze %dma_wait3A_73 : memref<1x128x128xf32, #tpu.memory_space<hbm>> -> memref<128x128xf32, #tpu.memory_space<hbm>>
      %dma_wait3A_75 = arith.constant 0 : i32
      %dma_wait3A_76 = arith.constant 0 : i32
      %dma_wait3A_77 = tpu.memref_slice %arg6[%add3A, %dma_wait3A_75, %dma_wait3A_76] : memref<32x640x128xf32, #tpu.memory_space<hbm>> -> memref<1x128x128xf32, #tpu.memory_space<hbm>>
      %dma_wait3A_78 = tpu.memref_squeeze %dma_wait3A_77 : memref<1x128x128xf32, #tpu.memory_space<hbm>> -> memref<128x128xf32, #tpu.memory_space<hbm>>
      tpu.wait_dma2 semaphore(%run_scoped3A_62 : memref<!tpu.dma_semaphore, #tpu.memory_space<semaphore_mem>>) src(%arg11 : memref<128x128xf32, #tpu.memory_space<vmem>>) dst(%dma_wait3A_78 : memref<128x128xf32, #tpu.memory_space<hbm>>)
      tpu.yield
    }) : () -> ()
    %add3A_54 = arith.constant 128 : i32
    %add3A_55 = arith.addi %mul3A_2, %add3A_54 : i32
    "tpu.region"() ({
      %run_scoped3A_62 = tpu.sem_alloc : memref<!tpu.dma_semaphore, #tpu.memory_space<semaphore_mem>>
      %dma_start3A_63 = arith.constant 0 : i32
      %dma_start3A_64 = tpu.memref_slice %arg13[%add3A_55, %dma_start3A_63] : memref<10240x128xf32, #tpu.memory_space<vmem_shared>> -> memref<128x128xf32, #tpu.memory_space<vmem_shared>>
      %dma_start3A_65 = arith.constant 0 : i32
      %dma_start3A_66 = tpu.memref_slice %arg13[%add3A_55, %dma_start3A_65] : memref<10240x128xf32, #tpu.memory_space<vmem_shared>> -> memref<128x128xf32, #tpu.memory_space<vmem_shared>>
      tpu.enqueue_dma source(%dma_start3A_66 : memref<128x128xf32, #tpu.memory_space<vmem_shared>>) target(%arg11 : memref<128x128xf32, #tpu.memory_space<vmem>>) target_semaphore(%run_scoped3A_62 : memref<!tpu.dma_semaphore, #tpu.memory_space<semaphore_mem>>)
      %dma_wait3A_67 = arith.constant 0 : i32
      %dma_wait3A_68 = tpu.memref_slice %arg13[%add3A_55, %dma_wait3A_67] : memref<10240x128xf32, #tpu.memory_space<vmem_shared>> -> memref<128x128xf32, #tpu.memory_space<vmem_shared>>
      %dma_wait3A_69 = arith.constant 0 : i32
      %dma_wait3A_70 = tpu.memref_slice %arg13[%add3A_55, %dma_wait3A_69] : memref<10240x128xf32, #tpu.memory_space<vmem_shared>> -> memref<128x128xf32, #tpu.memory_space<vmem_shared>>
      tpu.wait_dma2 semaphore(%run_scoped3A_62 : memref<!tpu.dma_semaphore, #tpu.memory_space<semaphore_mem>>) src(%dma_wait3A_70 : memref<128x128xf32, #tpu.memory_space<vmem_shared>>) dst(%arg11 : memref<128x128xf32, #tpu.memory_space<vmem>>)
      tpu.yield
    }) : () -> ()
    "tpu.region"() ({
      %run_scoped3A_62 = tpu.sem_alloc : memref<!tpu.dma_semaphore, #tpu.memory_space<semaphore_mem>>
      %dma_start3A_63 = arith.constant 128 : i32
      %dma_start3A_64 = arith.constant 0 : i32
      %dma_start3A_65 = tpu.memref_slice %arg6[%add3A, %dma_start3A_63, %dma_start3A_64] : memref<32x640x128xf32, #tpu.memory_space<hbm>> -> memref<1x128x128xf32, #tpu.memory_space<hbm>>
      %dma_start3A_66 = tpu.memref_squeeze %dma_start3A_65 : memref<1x128x128xf32, #tpu.memory_space<hbm>> -> memref<128x128xf32, #tpu.memory_space<hbm>>
      %dma_start3A_67 = arith.constant 128 : i32
      %dma_start3A_68 = arith.constant 0 : i32
      %dma_start3A_69 = tpu.memref_slice %arg6[%add3A, %dma_start3A_67, %dma_start3A_68] : memref<32x640x128xf32, #tpu.memory_space<hbm>> -> memref<1x128x128xf32, #tpu.memory_space<hbm>>
      %dma_start3A_70 = tpu.memref_squeeze %dma_start3A_69 : memref<1x128x128xf32, #tpu.memory_space<hbm>> -> memref<128x128xf32, #tpu.memory_space<hbm>>
      tpu.enqueue_dma source(%arg11 : memref<128x128xf32, #tpu.memory_space<vmem>>) target(%dma_start3A_70 : memref<128x128xf32, #tpu.memory_space<hbm>>) target_semaphore(%run_scoped3A_62 : memref<!tpu.dma_semaphore, #tpu.memory_space<semaphore_mem>>)
      %dma_wait3A_71 = arith.constant 128 : i32
      %dma_wait3A_72 = arith.constant 0 : i32
      %dma_wait3A_73 = tpu.memref_slice %arg6[%add3A, %dma_wait3A_71, %dma_wait3A_72] : memref<32x640x128xf32, #tpu.memory_space<hbm>> -> memref<1x128x128xf32, #tpu.memory_space<hbm>>
      %dma_wait3A_74 = tpu.memref_squeeze %dma_wait3A_73 : memref<1x128x128xf32, #tpu.memory_space<hbm>> -> memref<128x128xf32, #tpu.memory_space<hbm>>
      %dma_wait3A_75 = arith.constant 128 : i32
      %dma_wait3A_76 = arith.constant 0 : i32
      %dma_wait3A_77 = tpu.memref_slice %arg6[%add3A, %dma_wait3A_75, %dma_wait3A_76] : memref<32x640x128xf32, #tpu.memory_space<hbm>> -> memref<1x128x128xf32, #tpu.memory_space<hbm>>
      %dma_wait3A_78 = tpu.memref_squeeze %dma_wait3A_77 : memref<1x128x128xf32, #tpu.memory_space<hbm>> -> memref<128x128xf32, #tpu.memory_space<hbm>>
      tpu.wait_dma2 semaphore(%run_scoped3A_62 : memref<!tpu.dma_semaphore, #tpu.memory_space<semaphore_mem>>) src(%arg11 : memref<128x128xf32, #tpu.memory_space<vmem>>) dst(%dma_wait3A_78 : memref<128x128xf32, #tpu.memory_space<hbm>>)
      tpu.yield
    }) : () -> ()
    %add3A_56 = arith.constant 256 : i32
    %add3A_57 = arith.addi %mul3A_2, %add3A_56 : i32
    "tpu.region"() ({
      %run_scoped3A_62 = tpu.sem_alloc : memref<!tpu.dma_semaphore, #tpu.memory_space<semaphore_mem>>
      %dma_start3A_63 = arith.constant 0 : i32
      %dma_start3A_64 = tpu.memref_slice %arg13[%add3A_57, %dma_start3A_63] : memref<10240x128xf32, #tpu.memory_space<vmem_shared>> -> memref<128x128xf32, #tpu.memory_space<vmem_shared>>
      %dma_start3A_65 = arith.constant 0 : i32
      %dma_start3A_66 = tpu.memref_slice %arg13[%add3A_57, %dma_start3A_65] : memref<10240x128xf32, #tpu.memory_space<vmem_shared>> -> memref<128x128xf32, #tpu.memory_space<vmem_shared>>
      tpu.enqueue_dma source(%dma_start3A_66 : memref<128x128xf32, #tpu.memory_space<vmem_shared>>) target(%arg11 : memref<128x128xf32, #tpu.memory_space<vmem>>) target_semaphore(%run_scoped3A_62 : memref<!tpu.dma_semaphore, #tpu.memory_space<semaphore_mem>>)
      %dma_wait3A_67 = arith.constant 0 : i32
      %dma_wait3A_68 = tpu.memref_slice %arg13[%add3A_57, %dma_wait3A_67] : memref<10240x128xf32, #tpu.memory_space<vmem_shared>> -> memref<128x128xf32, #tpu.memory_space<vmem_shared>>
      %dma_wait3A_69 = arith.constant 0 : i32
      %dma_wait3A_70 = tpu.memref_slice %arg13[%add3A_57, %dma_wait3A_69] : memref<10240x128xf32, #tpu.memory_space<vmem_shared>> -> memref<128x128xf32, #tpu.memory_space<vmem_shared>>
      tpu.wait_dma2 semaphore(%run_scoped3A_62 : memref<!tpu.dma_semaphore, #tpu.memory_space<semaphore_mem>>) src(%dma_wait3A_70 : memref<128x128xf32, #tpu.memory_space<vmem_shared>>) dst(%arg11 : memref<128x128xf32, #tpu.memory_space<vmem>>)
      tpu.yield
    }) : () -> ()
    "tpu.region"() ({
      %run_scoped3A_62 = tpu.sem_alloc : memref<!tpu.dma_semaphore, #tpu.memory_space<semaphore_mem>>
      %dma_start3A_63 = arith.constant 256 : i32
      %dma_start3A_64 = arith.constant 0 : i32
      %dma_start3A_65 = tpu.memref_slice %arg6[%add3A, %dma_start3A_63, %dma_start3A_64] : memref<32x640x128xf32, #tpu.memory_space<hbm>> -> memref<1x128x128xf32, #tpu.memory_space<hbm>>
      %dma_start3A_66 = tpu.memref_squeeze %dma_start3A_65 : memref<1x128x128xf32, #tpu.memory_space<hbm>> -> memref<128x128xf32, #tpu.memory_space<hbm>>
      %dma_start3A_67 = arith.constant 256 : i32
      %dma_start3A_68 = arith.constant 0 : i32
      %dma_start3A_69 = tpu.memref_slice %arg6[%add3A, %dma_start3A_67, %dma_start3A_68] : memref<32x640x128xf32, #tpu.memory_space<hbm>> -> memref<1x128x128xf32, #tpu.memory_space<hbm>>
      %dma_start3A_70 = tpu.memref_squeeze %dma_start3A_69 : memref<1x128x128xf32, #tpu.memory_space<hbm>> -> memref<128x128xf32, #tpu.memory_space<hbm>>
      tpu.enqueue_dma source(%arg11 : memref<128x128xf32, #tpu.memory_space<vmem>>) target(%dma_start3A_70 : memref<128x128xf32, #tpu.memory_space<hbm>>) target_semaphore(%run_scoped3A_62 : memref<!tpu.dma_semaphore, #tpu.memory_space<semaphore_mem>>)
      %dma_wait3A_71 = arith.constant 256 : i32
      %dma_wait3A_72 = arith.constant 0 : i32
      %dma_wait3A_73 = tpu.memref_slice %arg6[%add3A, %dma_wait3A_71, %dma_wait3A_72] : memref<32x640x128xf32, #tpu.memory_space<hbm>> -> memref<1x128x128xf32, #tpu.memory_space<hbm>>
      %dma_wait3A_74 = tpu.memref_squeeze %dma_wait3A_73 : memref<1x128x128xf32, #tpu.memory_space<hbm>> -> memref<128x128xf32, #tpu.memory_space<hbm>>
      %dma_wait3A_75 = arith.constant 256 : i32
      %dma_wait3A_76 = arith.constant 0 : i32
      %dma_wait3A_77 = tpu.memref_slice %arg6[%add3A, %dma_wait3A_75, %dma_wait3A_76] : memref<32x640x128xf32, #tpu.memory_space<hbm>> -> memref<1x128x128xf32, #tpu.memory_space<hbm>>
      %dma_wait3A_78 = tpu.memref_squeeze %dma_wait3A_77 : memref<1x128x128xf32, #tpu.memory_space<hbm>> -> memref<128x128xf32, #tpu.memory_space<hbm>>
      tpu.wait_dma2 semaphore(%run_scoped3A_62 : memref<!tpu.dma_semaphore, #tpu.memory_space<semaphore_mem>>) src(%arg11 : memref<128x128xf32, #tpu.memory_space<vmem>>) dst(%dma_wait3A_78 : memref<128x128xf32, #tpu.memory_space<hbm>>)
      tpu.yield
    }) : () -> ()
    %add3A_58 = arith.constant 384 : i32
    %add3A_59 = arith.addi %mul3A_2, %add3A_58 : i32
    "tpu.region"() ({
      %run_scoped3A_62 = tpu.sem_alloc : memref<!tpu.dma_semaphore, #tpu.memory_space<semaphore_mem>>
      %dma_start3A_63 = arith.constant 0 : i32
      %dma_start3A_64 = tpu.memref_slice %arg13[%add3A_59, %dma_start3A_63] : memref<10240x128xf32, #tpu.memory_space<vmem_shared>> -> memref<128x128xf32, #tpu.memory_space<vmem_shared>>
      %dma_start3A_65 = arith.constant 0 : i32
      %dma_start3A_66 = tpu.memref_slice %arg13[%add3A_59, %dma_start3A_65] : memref<10240x128xf32, #tpu.memory_space<vmem_shared>> -> memref<128x128xf32, #tpu.memory_space<vmem_shared>>
      tpu.enqueue_dma source(%dma_start3A_66 : memref<128x128xf32, #tpu.memory_space<vmem_shared>>) target(%arg11 : memref<128x128xf32, #tpu.memory_space<vmem>>) target_semaphore(%run_scoped3A_62 : memref<!tpu.dma_semaphore, #tpu.memory_space<semaphore_mem>>)
      %dma_wait3A_67 = arith.constant 0 : i32
      %dma_wait3A_68 = tpu.memref_slice %arg13[%add3A_59, %dma_wait3A_67] : memref<10240x128xf32, #tpu.memory_space<vmem_shared>> -> memref<128x128xf32, #tpu.memory_space<vmem_shared>>
      %dma_wait3A_69 = arith.constant 0 : i32
      %dma_wait3A_70 = tpu.memref_slice %arg13[%add3A_59, %dma_wait3A_69] : memref<10240x128xf32, #tpu.memory_space<vmem_shared>> -> memref<128x128xf32, #tpu.memory_space<vmem_shared>>
      tpu.wait_dma2 semaphore(%run_scoped3A_62 : memref<!tpu.dma_semaphore, #tpu.memory_space<semaphore_mem>>) src(%dma_wait3A_70 : memref<128x128xf32, #tpu.memory_space<vmem_shared>>) dst(%arg11 : memref<128x128xf32, #tpu.memory_space<vmem>>)
      tpu.yield
    }) : () -> ()
    "tpu.region"() ({
      %run_scoped3A_62 = tpu.sem_alloc : memref<!tpu.dma_semaphore, #tpu.memory_space<semaphore_mem>>
      %dma_start3A_63 = arith.constant 384 : i32
      %dma_start3A_64 = arith.constant 0 : i32
      %dma_start3A_65 = tpu.memref_slice %arg6[%add3A, %dma_start3A_63, %dma_start3A_64] : memref<32x640x128xf32, #tpu.memory_space<hbm>> -> memref<1x128x128xf32, #tpu.memory_space<hbm>>
      %dma_start3A_66 = tpu.memref_squeeze %dma_start3A_65 : memref<1x128x128xf32, #tpu.memory_space<hbm>> -> memref<128x128xf32, #tpu.memory_space<hbm>>
      %dma_start3A_67 = arith.constant 384 : i32
      %dma_start3A_68 = arith.constant 0 : i32
      %dma_start3A_69 = tpu.memref_slice %arg6[%add3A, %dma_start3A_67, %dma_start3A_68] : memref<32x640x128xf32, #tpu.memory_space<hbm>> -> memref<1x128x128xf32, #tpu.memory_space<hbm>>
      %dma_start3A_70 = tpu.memref_squeeze %dma_start3A_69 : memref<1x128x128xf32, #tpu.memory_space<hbm>> -> memref<128x128xf32, #tpu.memory_space<hbm>>
      tpu.enqueue_dma source(%arg11 : memref<128x128xf32, #tpu.memory_space<vmem>>) target(%dma_start3A_70 : memref<128x128xf32, #tpu.memory_space<hbm>>) target_semaphore(%run_scoped3A_62 : memref<!tpu.dma_semaphore, #tpu.memory_space<semaphore_mem>>)
      %dma_wait3A_71 = arith.constant 384 : i32
      %dma_wait3A_72 = arith.constant 0 : i32
      %dma_wait3A_73 = tpu.memref_slice %arg6[%add3A, %dma_wait3A_71, %dma_wait3A_72] : memref<32x640x128xf32, #tpu.memory_space<hbm>> -> memref<1x128x128xf32, #tpu.memory_space<hbm>>
      %dma_wait3A_74 = tpu.memref_squeeze %dma_wait3A_73 : memref<1x128x128xf32, #tpu.memory_space<hbm>> -> memref<128x128xf32, #tpu.memory_space<hbm>>
      %dma_wait3A_75 = arith.constant 384 : i32
      %dma_wait3A_76 = arith.constant 0 : i32
      %dma_wait3A_77 = tpu.memref_slice %arg6[%add3A, %dma_wait3A_75, %dma_wait3A_76] : memref<32x640x128xf32, #tpu.memory_space<hbm>> -> memref<1x128x128xf32, #tpu.memory_space<hbm>>
      %dma_wait3A_78 = tpu.memref_squeeze %dma_wait3A_77 : memref<1x128x128xf32, #tpu.memory_space<hbm>> -> memref<128x128xf32, #tpu.memory_space<hbm>>
      tpu.wait_dma2 semaphore(%run_scoped3A_62 : memref<!tpu.dma_semaphore, #tpu.memory_space<semaphore_mem>>) src(%arg11 : memref<128x128xf32, #tpu.memory_space<vmem>>) dst(%dma_wait3A_78 : memref<128x128xf32, #tpu.memory_space<hbm>>)
      tpu.yield
    }) : () -> ()
    %add3A_60 = arith.constant 512 : i32
    %add3A_61 = arith.addi %mul3A_2, %add3A_60 : i32
    "tpu.region"() ({
      %run_scoped3A_62 = tpu.sem_alloc : memref<!tpu.dma_semaphore, #tpu.memory_space<semaphore_mem>>
      %dma_start3A_63 = arith.constant 0 : i32
      %dma_start3A_64 = tpu.memref_slice %arg13[%add3A_61, %dma_start3A_63] : memref<10240x128xf32, #tpu.memory_space<vmem_shared>> -> memref<128x128xf32, #tpu.memory_space<vmem_shared>>
      %dma_start3A_65 = arith.constant 0 : i32
      %dma_start3A_66 = tpu.memref_slice %arg13[%add3A_61, %dma_start3A_65] : memref<10240x128xf32, #tpu.memory_space<vmem_shared>> -> memref<128x128xf32, #tpu.memory_space<vmem_shared>>
      tpu.enqueue_dma source(%dma_start3A_66 : memref<128x128xf32, #tpu.memory_space<vmem_shared>>) target(%arg11 : memref<128x128xf32, #tpu.memory_space<vmem>>) target_semaphore(%run_scoped3A_62 : memref<!tpu.dma_semaphore, #tpu.memory_space<semaphore_mem>>)
      %dma_wait3A_67 = arith.constant 0 : i32
      %dma_wait3A_68 = tpu.memref_slice %arg13[%add3A_61, %dma_wait3A_67] : memref<10240x128xf32, #tpu.memory_space<vmem_shared>> -> memref<128x128xf32, #tpu.memory_space<vmem_shared>>
      %dma_wait3A_69 = arith.constant 0 : i32
      %dma_wait3A_70 = tpu.memref_slice %arg13[%add3A_61, %dma_wait3A_69] : memref<10240x128xf32, #tpu.memory_space<vmem_shared>> -> memref<128x128xf32, #tpu.memory_space<vmem_shared>>
      tpu.wait_dma2 semaphore(%run_scoped3A_62 : memref<!tpu.dma_semaphore, #tpu.memory_space<semaphore_mem>>) src(%dma_wait3A_70 : memref<128x128xf32, #tpu.memory_space<vmem_shared>>) dst(%arg11 : memref<128x128xf32, #tpu.memory_space<vmem>>)
      tpu.yield
    }) : () -> ()
    "tpu.region"() ({
      %run_scoped3A_62 = tpu.sem_alloc : memref<!tpu.dma_semaphore, #tpu.memory_space<semaphore_mem>>
      %dma_start3A_63 = arith.constant 512 : i32
      %dma_start3A_64 = arith.constant 0 : i32
      %dma_start3A_65 = tpu.memref_slice %arg6[%add3A, %dma_start3A_63, %dma_start3A_64] : memref<32x640x128xf32, #tpu.memory_space<hbm>> -> memref<1x128x128xf32, #tpu.memory_space<hbm>>
      %dma_start3A_66 = tpu.memref_squeeze %dma_start3A_65 : memref<1x128x128xf32, #tpu.memory_space<hbm>> -> memref<128x128xf32, #tpu.memory_space<hbm>>
      %dma_start3A_67 = arith.constant 512 : i32
      %dma_start3A_68 = arith.constant 0 : i32
      %dma_start3A_69 = tpu.memref_slice %arg6[%add3A, %dma_start3A_67, %dma_start3A_68] : memref<32x640x128xf32, #tpu.memory_space<hbm>> -> memref<1x128x128xf32, #tpu.memory_space<hbm>>
      %dma_start3A_70 = tpu.memref_squeeze %dma_start3A_69 : memref<1x128x128xf32, #tpu.memory_space<hbm>> -> memref<128x128xf32, #tpu.memory_space<hbm>>
      tpu.enqueue_dma source(%arg11 : memref<128x128xf32, #tpu.memory_space<vmem>>) target(%dma_start3A_70 : memref<128x128xf32, #tpu.memory_space<hbm>>) target_semaphore(%run_scoped3A_62 : memref<!tpu.dma_semaphore, #tpu.memory_space<semaphore_mem>>)
      %dma_wait3A_71 = arith.constant 512 : i32
      %dma_wait3A_72 = arith.constant 0 : i32
      %dma_wait3A_73 = tpu.memref_slice %arg6[%add3A, %dma_wait3A_71, %dma_wait3A_72] : memref<32x640x128xf32, #tpu.memory_space<hbm>> -> memref<1x128x128xf32, #tpu.memory_space<hbm>>
      %dma_wait3A_74 = tpu.memref_squeeze %dma_wait3A_73 : memref<1x128x128xf32, #tpu.memory_space<hbm>> -> memref<128x128xf32, #tpu.memory_space<hbm>>
      %dma_wait3A_75 = arith.constant 512 : i32
      %dma_wait3A_76 = arith.constant 0 : i32
      %dma_wait3A_77 = tpu.memref_slice %arg6[%add3A, %dma_wait3A_75, %dma_wait3A_76] : memref<32x640x128xf32, #tpu.memory_space<hbm>> -> memref<1x128x128xf32, #tpu.memory_space<hbm>>
      %dma_wait3A_78 = tpu.memref_squeeze %dma_wait3A_77 : memref<1x128x128xf32, #tpu.memory_space<hbm>> -> memref<128x128xf32, #tpu.memory_space<hbm>>
      tpu.wait_dma2 semaphore(%run_scoped3A_62 : memref<!tpu.dma_semaphore, #tpu.memory_space<semaphore_mem>>) src(%arg11 : memref<128x128xf32, #tpu.memory_space<vmem>>) dst(%dma_wait3A_78 : memref<128x128xf32, #tpu.memory_space<hbm>>)
      tpu.yield
    }) : () -> ()
    return
  }
}

#map = affine_map<(d0, d1) -> (0, 0)>
#map1 = affine_map<(d0, d1) -> (0, 0, 0)>
module attributes {stable_mosaic.version = 14 : i64} {
  func.func @k(%arg0: i32, %arg1: i32, %arg2: memref<10000x128xf32, #tpu.memory_space<hbm>>, %arg3: memref<32x80x128xi32, #tpu.memory_space<hbm>>, %arg4: memref<32x80x128xi32, #tpu.memory_space<hbm>>, %arg5: memref<128x128xf32, #tpu.memory_space<hbm>>, %arg6: memref<32x640x128xf32, #tpu.memory_space<hbm>>, %arg7: memref<128xi32, #tpu.memory_space<vmem>>, %arg8: memref<128xi32, #tpu.memory_space<vmem>>, %arg9: memref<128xi32, #tpu.memory_space<vmem>>, %arg10: memref<128xi32, #tpu.memory_space<vmem>>, %arg11: memref<128x128xf32, #tpu.memory_space<vmem>>, %arg12: memref<128x128xf32, #tpu.memory_space<vmem>>, %arg13: memref<10240x128xf32, #tpu.memory_space<vmem_shared>>, %arg14: memref<!tpu.dma_semaphore, #tpu.memory_space<semaphore_mem>>, %arg15: memref<!tpu.dma_semaphore, #tpu.memory_space<semaphore_mem>>, %arg16: memref<!tpu.dma_semaphore, #tpu.memory_space<semaphore_mem>>, %arg17: memref<!tpu.dma_semaphore, #tpu.memory_space<semaphore_mem>>, %arg18: memref<!tpu.dma_semaphore, #tpu.memory_space<semaphore_mem>>, %arg19: memref<!tpu.dma_semaphore, #tpu.memory_space<semaphore_mem>>) attributes {dimension_semantics = [#tpu.dimension_semantics<core_parallel>, #tpu.dimension_semantics<subcore_parallel>], iteration_bounds = array<i64: 2, 16>, scalar_prefetch = 0 : i64, scratch_operands = 13 : i64, tpu.core_type = #tpu.core_type<sc_vector_subcore>, window_params = [{transform_indices = #map}, {transform_indices = #map1}, {transform_indices = #map1}, {transform_indices = #map}, {transform_indices = #map1}]} {
    %mul3A = arith.constant 16 : i32
    %mul3A_0 = arith.muli %arg0, %mul3A : i32
    %add3A = arith.addi %mul3A_0, %arg1 : i32
    %mul3A_1 = arith.constant 640 : i32
    %mul3A_2 = arith.muli %arg1, %mul3A_1 : i32
    "tpu.region"() ({
      %run_scoped3A_62 = tpu.sem_alloc : memref<!tpu.dma_semaphore, #tpu.memory_space<semaphore_mem>>
      tpu.enqueue_dma source(%arg5 : memref<128x128xf32, #tpu.memory_space<hbm>>) target(%arg11 : memref<128x128xf32, #tpu.memory_space<vmem>>) target_semaphore(%run_scoped3A_62 : memref<!tpu.dma_semaphore, #tpu.memory_space<semaphore_mem>>)
      tpu.wait_dma2 semaphore(%run_scoped3A_62 : memref<!tpu.dma_semaphore, #tpu.memory_space<semaphore_mem>>) src(%arg5 : memref<128x128xf32, #tpu.memory_space<hbm>>) dst(%arg11 : memref<128x128xf32, #tpu.memory_space<vmem>>)
      tpu.yield
    }) : () -> ()
    %add3A_3 = arith.constant 0 : i32
    %add3A_4 = arith.addi %mul3A_2, %add3A_3 : i32
    "tpu.region"() ({
      %run_scoped3A_62 = tpu.sem_alloc : memref<!tpu.dma_semaphore, #tpu.memory_space<semaphore_mem>>
      %dma_start3A_63 = arith.constant 0 : i32
      %dma_start3A_64 = tpu.memref_slice %arg13[%add3A_4, %dma_start3A_63] : memref<10240x128xf32, #tpu.memory_space<vmem_shared>> -> memref<128x128xf32, #tpu.memory_space<vmem_shared>>
      %dma_start3A_65 = arith.constant 0 : i32
      %dma_start3A_66 = tpu.memref_slice %arg13[%add3A_4, %dma_start3A_65] : memref<10240x128xf32, #tpu.memory_space<vmem_shared>> -> memref<128x128xf32, #tpu.memory_space<vmem_shared>>
      tpu.enqueue_dma source(%arg11 : memref<128x128xf32, #tpu.memory_space<vmem>>) target(%dma_start3A_66 : memref<128x128xf32, #tpu.memory_space<vmem_shared>>) target_semaphore(%run_scoped3A_62 : memref<!tpu.dma_semaphore, #tpu.memory_space<semaphore_mem>>)
      %dma_wait3A_67 = arith.constant 0 : i32
      %dma_wait3A_68 = tpu.memref_slice %arg13[%add3A_4, %dma_wait3A_67] : memref<10240x128xf32, #tpu.memory_space<vmem_shared>> -> memref<128x128xf32, #tpu.memory_space<vmem_shared>>
      %dma_wait3A_69 = arith.constant 0 : i32
      %dma_wait3A_70 = tpu.memref_slice %arg13[%add3A_4, %dma_wait3A_69] : memref<10240x128xf32, #tpu.memory_space<vmem_shared>> -> memref<128x128xf32, #tpu.memory_space<vmem_shared>>
      tpu.wait_dma2 semaphore(%run_scoped3A_62 : memref<!tpu.dma_semaphore, #tpu.memory_space<semaphore_mem>>) src(%arg11 : memref<128x128xf32, #tpu.memory_space<vmem>>) dst(%dma_wait3A_70 : memref<128x128xf32, #tpu.memory_space<vmem_shared>>)
      tpu.yield
    }) : () -> ()
    %add3A_5 = arith.constant 128 : i32
    %add3A_6 = arith.addi %mul3A_2, %add3A_5 : i32
    "tpu.region"() ({
      %run_scoped3A_62 = tpu.sem_alloc : memref<!tpu.dma_semaphore, #tpu.memory_space<semaphore_mem>>
      %dma_start3A_63 = arith.constant 0 : i32
      %dma_start3A_64 = tpu.memref_slice %arg13[%add3A_6, %dma_start3A_63] : memref<10240x128xf32, #tpu.memory_space<vmem_shared>> -> memref<128x128xf32, #tpu.memory_space<vmem_shared>>
      %dma_start3A_65 = arith.constant 0 : i32
      %dma_start3A_66 = tpu.memref_slice %arg13[%add3A_6, %dma_start3A_65] : memref<10240x128xf32, #tpu.memory_space<vmem_shared>> -> memref<128x128xf32, #tpu.memory_space<vmem_shared>>
      tpu.enqueue_dma source(%arg11 : memref<128x128xf32, #tpu.memory_space<vmem>>) target(%dma_start3A_66 : memref<128x128xf32, #tpu.memory_space<vmem_shared>>) target_semaphore(%run_scoped3A_62 : memref<!tpu.dma_semaphore, #tpu.memory_space<semaphore_mem>>)
      %dma_wait3A_67 = arith.constant 0 : i32
      %dma_wait3A_68 = tpu.memref_slice %arg13[%add3A_6, %dma_wait3A_67] : memref<10240x128xf32, #tpu.memory_space<vmem_shared>> -> memref<128x128xf32, #tpu.memory_space<vmem_shared>>
      %dma_wait3A_69 = arith.constant 0 : i32
      %dma_wait3A_70 = tpu.memref_slice %arg13[%add3A_6, %dma_wait3A_69] : memref<10240x128xf32, #tpu.memory_space<vmem_shared>> -> memref<128x128xf32, #tpu.memory_space<vmem_shared>>
      tpu.wait_dma2 semaphore(%run_scoped3A_62 : memref<!tpu.dma_semaphore, #tpu.memory_space<semaphore_mem>>) src(%arg11 : memref<128x128xf32, #tpu.memory_space<vmem>>) dst(%dma_wait3A_70 : memref<128x128xf32, #tpu.memory_space<vmem_shared>>)
      tpu.yield
    }) : () -> ()
    %add3A_7 = arith.constant 256 : i32
    %add3A_8 = arith.addi %mul3A_2, %add3A_7 : i32
    "tpu.region"() ({
      %run_scoped3A_62 = tpu.sem_alloc : memref<!tpu.dma_semaphore, #tpu.memory_space<semaphore_mem>>
      %dma_start3A_63 = arith.constant 0 : i32
      %dma_start3A_64 = tpu.memref_slice %arg13[%add3A_8, %dma_start3A_63] : memref<10240x128xf32, #tpu.memory_space<vmem_shared>> -> memref<128x128xf32, #tpu.memory_space<vmem_shared>>
      %dma_start3A_65 = arith.constant 0 : i32
      %dma_start3A_66 = tpu.memref_slice %arg13[%add3A_8, %dma_start3A_65] : memref<10240x128xf32, #tpu.memory_space<vmem_shared>> -> memref<128x128xf32, #tpu.memory_space<vmem_shared>>
      tpu.enqueue_dma source(%arg11 : memref<128x128xf32, #tpu.memory_space<vmem>>) target(%dma_start3A_66 : memref<128x128xf32, #tpu.memory_space<vmem_shared>>) target_semaphore(%run_scoped3A_62 : memref<!tpu.dma_semaphore, #tpu.memory_space<semaphore_mem>>)
      %dma_wait3A_67 = arith.constant 0 : i32
      %dma_wait3A_68 = tpu.memref_slice %arg13[%add3A_8, %dma_wait3A_67] : memref<10240x128xf32, #tpu.memory_space<vmem_shared>> -> memref<128x128xf32, #tpu.memory_space<vmem_shared>>
      %dma_wait3A_69 = arith.constant 0 : i32
      %dma_wait3A_70 = tpu.memref_slice %arg13[%add3A_8, %dma_wait3A_69] : memref<10240x128xf32, #tpu.memory_space<vmem_shared>> -> memref<128x128xf32, #tpu.memory_space<vmem_shared>>
      tpu.wait_dma2 semaphore(%run_scoped3A_62 : memref<!tpu.dma_semaphore, #tpu.memory_space<semaphore_mem>>) src(%arg11 : memref<128x128xf32, #tpu.memory_space<vmem>>) dst(%dma_wait3A_70 : memref<128x128xf32, #tpu.memory_space<vmem_shared>>)
      tpu.yield
    }) : () -> ()
    %add3A_9 = arith.constant 384 : i32
    %add3A_10 = arith.addi %mul3A_2, %add3A_9 : i32
    "tpu.region"() ({
      %run_scoped3A_62 = tpu.sem_alloc : memref<!tpu.dma_semaphore, #tpu.memory_space<semaphore_mem>>
      %dma_start3A_63 = arith.constant 0 : i32
      %dma_start3A_64 = tpu.memref_slice %arg13[%add3A_10, %dma_start3A_63] : memref<10240x128xf32, #tpu.memory_space<vmem_shared>> -> memref<128x128xf32, #tpu.memory_space<vmem_shared>>
      %dma_start3A_65 = arith.constant 0 : i32
      %dma_start3A_66 = tpu.memref_slice %arg13[%add3A_10, %dma_start3A_65] : memref<10240x128xf32, #tpu.memory_space<vmem_shared>> -> memref<128x128xf32, #tpu.memory_space<vmem_shared>>
      tpu.enqueue_dma source(%arg11 : memref<128x128xf32, #tpu.memory_space<vmem>>) target(%dma_start3A_66 : memref<128x128xf32, #tpu.memory_space<vmem_shared>>) target_semaphore(%run_scoped3A_62 : memref<!tpu.dma_semaphore, #tpu.memory_space<semaphore_mem>>)
      %dma_wait3A_67 = arith.constant 0 : i32
      %dma_wait3A_68 = tpu.memref_slice %arg13[%add3A_10, %dma_wait3A_67] : memref<10240x128xf32, #tpu.memory_space<vmem_shared>> -> memref<128x128xf32, #tpu.memory_space<vmem_shared>>
      %dma_wait3A_69 = arith.constant 0 : i32
      %dma_wait3A_70 = tpu.memref_slice %arg13[%add3A_10, %dma_wait3A_69] : memref<10240x128xf32, #tpu.memory_space<vmem_shared>> -> memref<128x128xf32, #tpu.memory_space<vmem_shared>>
      tpu.wait_dma2 semaphore(%run_scoped3A_62 : memref<!tpu.dma_semaphore, #tpu.memory_space<semaphore_mem>>) src(%arg11 : memref<128x128xf32, #tpu.memory_space<vmem>>) dst(%dma_wait3A_70 : memref<128x128xf32, #tpu.memory_space<vmem_shared>>)
      tpu.yield
    }) : () -> ()
    %add3A_11 = arith.constant 512 : i32
    %add3A_12 = arith.addi %mul3A_2, %add3A_11 : i32
    "tpu.region"() ({
      %run_scoped3A_62 = tpu.sem_alloc : memref<!tpu.dma_semaphore, #tpu.memory_space<semaphore_mem>>
      %dma_start3A_63 = arith.constant 0 : i32
      %dma_start3A_64 = tpu.memref_slice %arg13[%add3A_12, %dma_start3A_63] : memref<10240x128xf32, #tpu.memory_space<vmem_shared>> -> memref<128x128xf32, #tpu.memory_space<vmem_shared>>
      %dma_start3A_65 = arith.constant 0 : i32
      %dma_start3A_66 = tpu.memref_slice %arg13[%add3A_12, %dma_start3A_65] : memref<10240x128xf32, #tpu.memory_space<vmem_shared>> -> memref<128x128xf32, #tpu.memory_space<vmem_shared>>
      tpu.enqueue_dma source(%arg11 : memref<128x128xf32, #tpu.memory_space<vmem>>) target(%dma_start3A_66 : memref<128x128xf32, #tpu.memory_space<vmem_shared>>) target_semaphore(%run_scoped3A_62 : memref<!tpu.dma_semaphore, #tpu.memory_space<semaphore_mem>>)
      %dma_wait3A_67 = arith.constant 0 : i32
      %dma_wait3A_68 = tpu.memref_slice %arg13[%add3A_12, %dma_wait3A_67] : memref<10240x128xf32, #tpu.memory_space<vmem_shared>> -> memref<128x128xf32, #tpu.memory_space<vmem_shared>>
      %dma_wait3A_69 = arith.constant 0 : i32
      %dma_wait3A_70 = tpu.memref_slice %arg13[%add3A_12, %dma_wait3A_69] : memref<10240x128xf32, #tpu.memory_space<vmem_shared>> -> memref<128x128xf32, #tpu.memory_space<vmem_shared>>
      tpu.wait_dma2 semaphore(%run_scoped3A_62 : memref<!tpu.dma_semaphore, #tpu.memory_space<semaphore_mem>>) src(%arg11 : memref<128x128xf32, #tpu.memory_space<vmem>>) dst(%dma_wait3A_70 : memref<128x128xf32, #tpu.memory_space<vmem_shared>>)
      tpu.yield
    }) : () -> ()
    %barrier3A = arith.constant 0 : index
    tpu.barrier barrier_id(%barrier3A)
    %run_scoped3A = arith.constant 0 : i32
    "tpu.region"() ({
      %run_scoped3A_62 = tpu.sem_alloc : memref<!tpu.dma_semaphore, #tpu.memory_space<semaphore_mem>>
      %dma_start3A_63 = arith.constant 0 : i32
      %dma_start3A_64 = tpu.memref_slice %arg3[%add3A, %run_scoped3A, %dma_start3A_63] : memref<32x80x128xi32, #tpu.memory_space<hbm>> -> memref<1x1x128xi32, #tpu.memory_space<hbm>>
      %dma_start3A_65 = tpu.memref_squeeze %dma_start3A_64 : memref<1x1x128xi32, #tpu.memory_space<hbm>> -> memref<128xi32, #tpu.memory_space<hbm>>
      %dma_start3A_66 = arith.constant 0 : i32
      %dma_start3A_67 = tpu.memref_slice %arg3[%add3A, %run_scoped3A, %dma_start3A_66] : memref<32x80x128xi32, #tpu.memory_space<hbm>> -> memref<1x1x128xi32, #tpu.memory_space<hbm>>
      %dma_start3A_68 = tpu.memref_squeeze %dma_start3A_67 : memref<1x1x128xi32, #tpu.memory_space<hbm>> -> memref<128xi32, #tpu.memory_space<hbm>>
      tpu.enqueue_dma source(%dma_start3A_68 : memref<128xi32, #tpu.memory_space<hbm>>) target(%arg7 : memref<128xi32, #tpu.memory_space<vmem>>) target_semaphore(%run_scoped3A_62 : memref<!tpu.dma_semaphore, #tpu.memory_space<semaphore_mem>>)
      %dma_wait3A_69 = arith.constant 0 : i32
      %dma_wait3A_70 = tpu.memref_slice %arg3[%add3A, %run_scoped3A, %dma_wait3A_69] : memref<32x80x128xi32, #tpu.memory_space<hbm>> -> memref<1x1x128xi32, #tpu.memory_space<hbm>>
      %dma_wait3A_71 = tpu.memref_squeeze %dma_wait3A_70 : memref<1x1x128xi32, #tpu.memory_space<hbm>> -> memref<128xi32, #tpu.memory_space<hbm>>
      %dma_wait3A_72 = arith.constant 0 : i32
      %dma_wait3A_73 = tpu.memref_slice %arg3[%add3A, %run_scoped3A, %dma_wait3A_72] : memref<32x80x128xi32, #tpu.memory_space<hbm>> -> memref<1x1x128xi32, #tpu.memory_space<hbm>>
      %dma_wait3A_74 = tpu.memref_squeeze %dma_wait3A_73 : memref<1x1x128xi32, #tpu.memory_space<hbm>> -> memref<128xi32, #tpu.memory_space<hbm>>
      tpu.wait_dma2 semaphore(%run_scoped3A_62 : memref<!tpu.dma_semaphore, #tpu.memory_space<semaphore_mem>>) src(%dma_wait3A_74 : memref<128xi32, #tpu.memory_space<hbm>>) dst(%arg7 : memref<128xi32, #tpu.memory_space<vmem>>)
      tpu.yield
    }) : () -> ()
    %run_scoped3A_13 = arith.constant 0 : i32
    "tpu.region"() ({
      %run_scoped3A_62 = tpu.sem_alloc : memref<!tpu.dma_semaphore, #tpu.memory_space<semaphore_mem>>
      %dma_start3A_63 = arith.constant 0 : i32
      %dma_start3A_64 = tpu.memref_slice %arg4[%add3A, %run_scoped3A_13, %dma_start3A_63] : memref<32x80x128xi32, #tpu.memory_space<hbm>> -> memref<1x1x128xi32, #tpu.memory_space<hbm>>
      %dma_start3A_65 = tpu.memref_squeeze %dma_start3A_64 : memref<1x1x128xi32, #tpu.memory_space<hbm>> -> memref<128xi32, #tpu.memory_space<hbm>>
      %dma_start3A_66 = arith.constant 0 : i32
      %dma_start3A_67 = tpu.memref_slice %arg4[%add3A, %run_scoped3A_13, %dma_start3A_66] : memref<32x80x128xi32, #tpu.memory_space<hbm>> -> memref<1x1x128xi32, #tpu.memory_space<hbm>>
      %dma_start3A_68 = tpu.memref_squeeze %dma_start3A_67 : memref<1x1x128xi32, #tpu.memory_space<hbm>> -> memref<128xi32, #tpu.memory_space<hbm>>
      tpu.enqueue_dma source(%dma_start3A_68 : memref<128xi32, #tpu.memory_space<hbm>>) target(%arg9 : memref<128xi32, #tpu.memory_space<vmem>>) target_semaphore(%run_scoped3A_62 : memref<!tpu.dma_semaphore, #tpu.memory_space<semaphore_mem>>)
      %dma_wait3A_69 = arith.constant 0 : i32
      %dma_wait3A_70 = tpu.memref_slice %arg4[%add3A, %run_scoped3A_13, %dma_wait3A_69] : memref<32x80x128xi32, #tpu.memory_space<hbm>> -> memref<1x1x128xi32, #tpu.memory_space<hbm>>
      %dma_wait3A_71 = tpu.memref_squeeze %dma_wait3A_70 : memref<1x1x128xi32, #tpu.memory_space<hbm>> -> memref<128xi32, #tpu.memory_space<hbm>>
      %dma_wait3A_72 = arith.constant 0 : i32
      %dma_wait3A_73 = tpu.memref_slice %arg4[%add3A, %run_scoped3A_13, %dma_wait3A_72] : memref<32x80x128xi32, #tpu.memory_space<hbm>> -> memref<1x1x128xi32, #tpu.memory_space<hbm>>
      %dma_wait3A_74 = tpu.memref_squeeze %dma_wait3A_73 : memref<1x1x128xi32, #tpu.memory_space<hbm>> -> memref<128xi32, #tpu.memory_space<hbm>>
      tpu.wait_dma2 semaphore(%run_scoped3A_62 : memref<!tpu.dma_semaphore, #tpu.memory_space<semaphore_mem>>) src(%dma_wait3A_74 : memref<128xi32, #tpu.memory_space<hbm>>) dst(%arg9 : memref<128xi32, #tpu.memory_space<vmem>>)
      tpu.yield
    }) : () -> ()
    %dma_start3A = arith.constant 0 : i32
    %dma_start3A_14 = arith.constant 0 : i32
    %dma_start3A_15 = tpu.memref_slice %arg2[%dma_start3A, %dma_start3A_14] : memref<10000x128xf32, #tpu.memory_space<hbm>> -> memref<10000x128xf32, #tpu.memory_space<hbm>>
    tpu.enqueue_indirect_dma source(%dma_start3A_15 : memref<10000x128xf32, #tpu.memory_space<hbm>>) target(%arg11 : memref<128x128xf32, #tpu.memory_space<vmem>>) offsets(%arg7 : memref<128xi32, #tpu.memory_space<vmem>>) semaphore(%arg14 : memref<!tpu.dma_semaphore, #tpu.memory_space<semaphore_mem>>)
    %dma_start3A_16 = arith.constant 1 : i32
    %dma_start3A_17 = arith.constant 0 : i32
    %dma_start3A_18 = tpu.memref_slice %arg3[%add3A, %dma_start3A_16, %dma_start3A_17] : memref<32x80x128xi32, #tpu.memory_space<hbm>> -> memref<1x1x128xi32, #tpu.memory_space<hbm>>
    %dma_start3A_19 = tpu.memref_squeeze %dma_start3A_18 : memref<1x1x128xi32, #tpu.memory_space<hbm>> -> memref<128xi32, #tpu.memory_space<hbm>>
    %dma_start3A_20 = arith.constant 0 : i32
    %dma_start3A_21 = tpu.memref_slice %arg3[%add3A, %dma_start3A_16, %dma_start3A_20] : memref<32x80x128xi32, #tpu.memory_space<hbm>> -> memref<1x1x128xi32, #tpu.memory_space<hbm>>
    %dma_start3A_22 = tpu.memref_squeeze %dma_start3A_21 : memref<1x1x128xi32, #tpu.memory_space<hbm>> -> memref<128xi32, #tpu.memory_space<hbm>>
    tpu.enqueue_dma source(%dma_start3A_22 : memref<128xi32, #tpu.memory_space<hbm>>) target(%arg8 : memref<128xi32, #tpu.memory_space<vmem>>) target_semaphore(%arg17 : memref<!tpu.dma_semaphore, #tpu.memory_space<semaphore_mem>>)
    %dma_start3A_23 = arith.constant 1 : i32
    %dma_start3A_24 = arith.constant 0 : i32
    %dma_start3A_25 = tpu.memref_slice %arg4[%add3A, %dma_start3A_23, %dma_start3A_24] : memref<32x80x128xi32, #tpu.memory_space<hbm>> -> memref<1x1x128xi32, #tpu.memory_space<hbm>>
    %dma_start3A_26 = tpu.memref_squeeze %dma_start3A_25 : memref<1x1x128xi32, #tpu.memory_space<hbm>> -> memref<128xi32, #tpu.memory_space<hbm>>
    %dma_start3A_27 = arith.constant 0 : i32
    %dma_start3A_28 = tpu.memref_slice %arg4[%add3A, %dma_start3A_23, %dma_start3A_27] : memref<32x80x128xi32, #tpu.memory_space<hbm>> -> memref<1x1x128xi32, #tpu.memory_space<hbm>>
    %dma_start3A_29 = tpu.memref_squeeze %dma_start3A_28 : memref<1x1x128xi32, #tpu.memory_space<hbm>> -> memref<128xi32, #tpu.memory_space<hbm>>
    tpu.enqueue_dma source(%dma_start3A_29 : memref<128xi32, #tpu.memory_space<hbm>>) target(%arg10 : memref<128xi32, #tpu.memory_space<vmem>>) target_semaphore(%arg19 : memref<!tpu.dma_semaphore, #tpu.memory_space<semaphore_mem>>)
    %scan3A = arith.constant 0 : i32
    %scan3A_30 = arith.constant 0 : i32
    %scan3A_31 = arith.constant 40 : i32
    %scan3A_32 = arith.addi %scan3A_30, %scan3A_31 : i32
    %scan3A_33 = arith.constant 1 : i32
    scf.for %scan3A_62 = %scan3A_30 to %scan3A_32 step %scan3A_33  : i32 {
      %mul3A_63 = arith.constant 2 : i32
      %mul3A_64 = arith.muli %mul3A_63, %scan3A_62 : i32
      %dma_wait3A_65 = arith.constant 0 : i32
      %dma_wait3A_66 = arith.constant 0 : i32
      %dma_wait3A_67 = tpu.memref_slice %arg2[%dma_wait3A_65, %dma_wait3A_66] : memref<10000x128xf32, #tpu.memory_space<hbm>> -> memref<10000x128xf32, #tpu.memory_space<hbm>>
      tpu.wait_indirect_dma semaphore(%arg14 : memref<!tpu.dma_semaphore, #tpu.memory_space<semaphore_mem>>) src(%dma_wait3A_67 : memref<10000x128xf32, #tpu.memory_space<hbm>>) dst(%arg11 : memref<128x128xf32, #tpu.memory_space<vmem>>)
      %dma_wait3A_68 = arith.constant 0 : i32
      %dma_wait3A_69 = arith.constant 0 : i32
      %dma_wait3A_70 = tpu.memref_slice %arg3[%add3A, %dma_wait3A_68, %dma_wait3A_69] : memref<32x80x128xi32, #tpu.memory_space<hbm>> -> memref<1x1x128xi32, #tpu.memory_space<hbm>>
      %dma_wait3A_71 = tpu.memref_squeeze %dma_wait3A_70 : memref<1x1x128xi32, #tpu.memory_space<hbm>> -> memref<128xi32, #tpu.memory_space<hbm>>
      %dma_wait3A_72 = arith.constant 0 : i32
      %dma_wait3A_73 = tpu.memref_slice %arg3[%add3A, %dma_wait3A_68, %dma_wait3A_72] : memref<32x80x128xi32, #tpu.memory_space<hbm>> -> memref<1x1x128xi32, #tpu.memory_space<hbm>>
      %dma_wait3A_74 = tpu.memref_squeeze %dma_wait3A_73 : memref<1x1x128xi32, #tpu.memory_space<hbm>> -> memref<128xi32, #tpu.memory_space<hbm>>
      tpu.wait_dma2 semaphore(%arg17 : memref<!tpu.dma_semaphore, #tpu.memory_space<semaphore_mem>>) src(%dma_wait3A_74 : memref<128xi32, #tpu.memory_space<hbm>>) dst(%arg8 : memref<128xi32, #tpu.memory_space<vmem>>)
      %dma_wait3A_75 = arith.constant 0 : i32
      %dma_wait3A_76 = arith.constant 0 : i32
      %dma_wait3A_77 = tpu.memref_slice %arg4[%add3A, %dma_wait3A_75, %dma_wait3A_76] : memref<32x80x128xi32, #tpu.memory_space<hbm>> -> memref<1x1x128xi32, #tpu.memory_space<hbm>>
      %dma_wait3A_78 = tpu.memref_squeeze %dma_wait3A_77 : memref<1x1x128xi32, #tpu.memory_space<hbm>> -> memref<128xi32, #tpu.memory_space<hbm>>
      %dma_wait3A_79 = arith.constant 0 : i32
      %dma_wait3A_80 = tpu.memref_slice %arg4[%add3A, %dma_wait3A_75, %dma_wait3A_79] : memref<32x80x128xi32, #tpu.memory_space<hbm>> -> memref<1x1x128xi32, #tpu.memory_space<hbm>>
      %dma_wait3A_81 = tpu.memref_squeeze %dma_wait3A_80 : memref<1x1x128xi32, #tpu.memory_space<hbm>> -> memref<128xi32, #tpu.memory_space<hbm>>
      tpu.wait_dma2 semaphore(%arg19 : memref<!tpu.dma_semaphore, #tpu.memory_space<semaphore_mem>>) src(%dma_wait3A_81 : memref<128xi32, #tpu.memory_space<hbm>>) dst(%arg10 : memref<128xi32, #tpu.memory_space<vmem>>)
      %dma_start3A_82 = arith.constant 0 : i32
      %dma_start3A_83 = arith.constant 0 : i32
      %dma_start3A_84 = tpu.memref_slice %arg2[%dma_start3A_82, %dma_start3A_83] : memref<10000x128xf32, #tpu.memory_space<hbm>> -> memref<10000x128xf32, #tpu.memory_space<hbm>>
      tpu.enqueue_indirect_dma source(%dma_start3A_84 : memref<10000x128xf32, #tpu.memory_space<hbm>>) target(%arg12 : memref<128x128xf32, #tpu.memory_space<vmem>>) offsets(%arg8 : memref<128xi32, #tpu.memory_space<vmem>>) semaphore(%arg15 : memref<!tpu.dma_semaphore, #tpu.memory_space<semaphore_mem>>)
      "tpu.region"() ({
        %run_scoped3A_136 = tpu.sem_alloc : memref<!tpu.dma_semaphore, #tpu.memory_space<semaphore_mem>>
        %dma_start3A_137 = arith.constant 0 : i32
        %dma_start3A_138 = arith.constant 0 : i32
        %dma_start3A_139 = tpu.memref_slice %arg13[%dma_start3A_137, %dma_start3A_138] : memref<10240x128xf32, #tpu.memory_space<vmem_shared>> -> memref<10240x128xf32, #tpu.memory_space<vmem_shared>>
        tpu.enqueue_indirect_dma source(%arg11 : memref<128x128xf32, #tpu.memory_space<vmem>>) target(%dma_start3A_139 : memref<10240x128xf32, #tpu.memory_space<vmem_shared>>) offsets(%arg9 : memref<128xi32, #tpu.memory_space<vmem>>) semaphore(%run_scoped3A_136 : memref<!tpu.dma_semaphore, #tpu.memory_space<semaphore_mem>>) {add = true}
        %dma_wait3A_140 = arith.constant 0 : i32
        %dma_wait3A_141 = arith.constant 0 : i32
        %dma_wait3A_142 = tpu.memref_slice %arg13[%dma_wait3A_140, %dma_wait3A_141] : memref<10240x128xf32, #tpu.memory_space<vmem_shared>> -> memref<10240x128xf32, #tpu.memory_space<vmem_shared>>
        tpu.wait_indirect_dma semaphore(%run_scoped3A_136 : memref<!tpu.dma_semaphore, #tpu.memory_space<semaphore_mem>>) src(%arg11 : memref<128x128xf32, #tpu.memory_space<vmem>>) dst(%dma_wait3A_142 : memref<10240x128xf32, #tpu.memory_space<vmem_shared>>)
        tpu.yield
      }) : () -> ()
      %add3A_85 = arith.constant 2 : i32
      %add3A_86 = arith.addi %mul3A_64, %add3A_85 : i32
      %min3A = arith.constant 79 : i32
      %min3A_87 = arith.minsi %add3A_86, %min3A : i32
      %dma_start3A_88 = arith.constant 0 : i32
      %dma_start3A_89 = tpu.memref_slice %arg3[%add3A, %min3A_87, %dma_start3A_88] : memref<32x80x128xi32, #tpu.memory_space<hbm>> -> memref<1x1x128xi32, #tpu.memory_space<hbm>>
      %dma_start3A_90 = tpu.memref_squeeze %dma_start3A_89 : memref<1x1x128xi32, #tpu.memory_space<hbm>> -> memref<128xi32, #tpu.memory_space<hbm>>
      %dma_start3A_91 = arith.constant 0 : i32
      %dma_start3A_92 = tpu.memref_slice %arg3[%add3A, %min3A_87, %dma_start3A_91] : memref<32x80x128xi32, #tpu.memory_space<hbm>> -> memref<1x1x128xi32, #tpu.memory_space<hbm>>
      %dma_start3A_93 = tpu.memref_squeeze %dma_start3A_92 : memref<1x1x128xi32, #tpu.memory_space<hbm>> -> memref<128xi32, #tpu.memory_space<hbm>>
      tpu.enqueue_dma source(%dma_start3A_93 : memref<128xi32, #tpu.memory_space<hbm>>) target(%arg7 : memref<128xi32, #tpu.memory_space<vmem>>) target_semaphore(%arg16 : memref<!tpu.dma_semaphore, #tpu.memory_space<semaphore_mem>>)
      %dma_start3A_94 = arith.constant 0 : i32
      %dma_start3A_95 = tpu.memref_slice %arg4[%add3A, %min3A_87, %dma_start3A_94] : memref<32x80x128xi32, #tpu.memory_space<hbm>> -> memref<1x1x128xi32, #tpu.memory_space<hbm>>
      %dma_start3A_96 = tpu.memref_squeeze %dma_start3A_95 : memref<1x1x128xi32, #tpu.memory_space<hbm>> -> memref<128xi32, #tpu.memory_space<hbm>>
      %dma_start3A_97 = arith.constant 0 : i32
      %dma_start3A_98 = tpu.memref_slice %arg4[%add3A, %min3A_87, %dma_start3A_97] : memref<32x80x128xi32, #tpu.memory_space<hbm>> -> memref<1x1x128xi32, #tpu.memory_space<hbm>>
      %dma_start3A_99 = tpu.memref_squeeze %dma_start3A_98 : memref<1x1x128xi32, #tpu.memory_space<hbm>> -> memref<128xi32, #tpu.memory_space<hbm>>
      tpu.enqueue_dma source(%dma_start3A_99 : memref<128xi32, #tpu.memory_space<hbm>>) target(%arg9 : memref<128xi32, #tpu.memory_space<vmem>>) target_semaphore(%arg18 : memref<!tpu.dma_semaphore, #tpu.memory_space<semaphore_mem>>)
      %dma_wait3A_100 = arith.constant 0 : i32
      %dma_wait3A_101 = arith.constant 0 : i32
      %dma_wait3A_102 = tpu.memref_slice %arg2[%dma_wait3A_100, %dma_wait3A_101] : memref<10000x128xf32, #tpu.memory_space<hbm>> -> memref<10000x128xf32, #tpu.memory_space<hbm>>
      tpu.wait_indirect_dma semaphore(%arg15 : memref<!tpu.dma_semaphore, #tpu.memory_space<semaphore_mem>>) src(%dma_wait3A_102 : memref<10000x128xf32, #tpu.memory_space<hbm>>) dst(%arg12 : memref<128x128xf32, #tpu.memory_space<vmem>>)
      %dma_wait3A_103 = arith.constant 0 : i32
      %dma_wait3A_104 = arith.constant 0 : i32
      %dma_wait3A_105 = tpu.memref_slice %arg3[%add3A, %dma_wait3A_103, %dma_wait3A_104] : memref<32x80x128xi32, #tpu.memory_space<hbm>> -> memref<1x1x128xi32, #tpu.memory_space<hbm>>
      %dma_wait3A_106 = tpu.memref_squeeze %dma_wait3A_105 : memref<1x1x128xi32, #tpu.memory_space<hbm>> -> memref<128xi32, #tpu.memory_space<hbm>>
      %dma_wait3A_107 = arith.constant 0 : i32
      %dma_wait3A_108 = tpu.memref_slice %arg3[%add3A, %dma_wait3A_103, %dma_wait3A_107] : memref<32x80x128xi32, #tpu.memory_space<hbm>> -> memref<1x1x128xi32, #tpu.memory_space<hbm>>
      %dma_wait3A_109 = tpu.memref_squeeze %dma_wait3A_108 : memref<1x1x128xi32, #tpu.memory_space<hbm>> -> memref<128xi32, #tpu.memory_space<hbm>>
      tpu.wait_dma2 semaphore(%arg16 : memref<!tpu.dma_semaphore, #tpu.memory_space<semaphore_mem>>) src(%dma_wait3A_109 : memref<128xi32, #tpu.memory_space<hbm>>) dst(%arg7 : memref<128xi32, #tpu.memory_space<vmem>>)
      %dma_wait3A_110 = arith.constant 0 : i32
      %dma_wait3A_111 = arith.constant 0 : i32
      %dma_wait3A_112 = tpu.memref_slice %arg4[%add3A, %dma_wait3A_110, %dma_wait3A_111] : memref<32x80x128xi32, #tpu.memory_space<hbm>> -> memref<1x1x128xi32, #tpu.memory_space<hbm>>
      %dma_wait3A_113 = tpu.memref_squeeze %dma_wait3A_112 : memref<1x1x128xi32, #tpu.memory_space<hbm>> -> memref<128xi32, #tpu.memory_space<hbm>>
      %dma_wait3A_114 = arith.constant 0 : i32
      %dma_wait3A_115 = tpu.memref_slice %arg4[%add3A, %dma_wait3A_110, %dma_wait3A_114] : memref<32x80x128xi32, #tpu.memory_space<hbm>> -> memref<1x1x128xi32, #tpu.memory_space<hbm>>
      %dma_wait3A_116 = tpu.memref_squeeze %dma_wait3A_115 : memref<1x1x128xi32, #tpu.memory_space<hbm>> -> memref<128xi32, #tpu.memory_space<hbm>>
      tpu.wait_dma2 semaphore(%arg18 : memref<!tpu.dma_semaphore, #tpu.memory_space<semaphore_mem>>) src(%dma_wait3A_116 : memref<128xi32, #tpu.memory_space<hbm>>) dst(%arg9 : memref<128xi32, #tpu.memory_space<vmem>>)
      %dma_start3A_117 = arith.constant 0 : i32
      %dma_start3A_118 = arith.constant 0 : i32
      %dma_start3A_119 = tpu.memref_slice %arg2[%dma_start3A_117, %dma_start3A_118] : memref<10000x128xf32, #tpu.memory_space<hbm>> -> memref<10000x128xf32, #tpu.memory_space<hbm>>
      tpu.enqueue_indirect_dma source(%dma_start3A_119 : memref<10000x128xf32, #tpu.memory_space<hbm>>) target(%arg11 : memref<128x128xf32, #tpu.memory_space<vmem>>) offsets(%arg7 : memref<128xi32, #tpu.memory_space<vmem>>) semaphore(%arg14 : memref<!tpu.dma_semaphore, #tpu.memory_space<semaphore_mem>>)
      "tpu.region"() ({
        %run_scoped3A_136 = tpu.sem_alloc : memref<!tpu.dma_semaphore, #tpu.memory_space<semaphore_mem>>
        %dma_start3A_137 = arith.constant 0 : i32
        %dma_start3A_138 = arith.constant 0 : i32
        %dma_start3A_139 = tpu.memref_slice %arg13[%dma_start3A_137, %dma_start3A_138] : memref<10240x128xf32, #tpu.memory_space<vmem_shared>> -> memref<10240x128xf32, #tpu.memory_space<vmem_shared>>
        tpu.enqueue_indirect_dma source(%arg12 : memref<128x128xf32, #tpu.memory_space<vmem>>) target(%dma_start3A_139 : memref<10240x128xf32, #tpu.memory_space<vmem_shared>>) offsets(%arg10 : memref<128xi32, #tpu.memory_space<vmem>>) semaphore(%run_scoped3A_136 : memref<!tpu.dma_semaphore, #tpu.memory_space<semaphore_mem>>) {add = true}
        %dma_wait3A_140 = arith.constant 0 : i32
        %dma_wait3A_141 = arith.constant 0 : i32
        %dma_wait3A_142 = tpu.memref_slice %arg13[%dma_wait3A_140, %dma_wait3A_141] : memref<10240x128xf32, #tpu.memory_space<vmem_shared>> -> memref<10240x128xf32, #tpu.memory_space<vmem_shared>>
        tpu.wait_indirect_dma semaphore(%run_scoped3A_136 : memref<!tpu.dma_semaphore, #tpu.memory_space<semaphore_mem>>) src(%arg12 : memref<128x128xf32, #tpu.memory_space<vmem>>) dst(%dma_wait3A_142 : memref<10240x128xf32, #tpu.memory_space<vmem_shared>>)
        tpu.yield
      }) : () -> ()
      %add3A_120 = arith.constant 3 : i32
      %add3A_121 = arith.addi %mul3A_64, %add3A_120 : i32
      %min3A_122 = arith.constant 79 : i32
      %min3A_123 = arith.minsi %add3A_121, %min3A_122 : i32
      %dma_start3A_124 = arith.constant 0 : i32
      %dma_start3A_125 = tpu.memref_slice %arg3[%add3A, %min3A_123, %dma_start3A_124] : memref<32x80x128xi32, #tpu.memory_space<hbm>> -> memref<1x1x128xi32, #tpu.memory_space<hbm>>
      %dma_start3A_126 = tpu.memref_squeeze %dma_start3A_125 : memref<1x1x128xi32, #tpu.memory_space<hbm>> -> memref<128xi32, #tpu.memory_space<hbm>>
      %dma_start3A_127 = arith.constant 0 : i32
      %dma_start3A_128 = tpu.memref_slice %arg3[%add3A, %min3A_123, %dma_start3A_127] : memref<32x80x128xi32, #tpu.memory_space<hbm>> -> memref<1x1x128xi32, #tpu.memory_space<hbm>>
      %dma_start3A_129 = tpu.memref_squeeze %dma_start3A_128 : memref<1x1x128xi32, #tpu.memory_space<hbm>> -> memref<128xi32, #tpu.memory_space<hbm>>
      tpu.enqueue_dma source(%dma_start3A_129 : memref<128xi32, #tpu.memory_space<hbm>>) target(%arg8 : memref<128xi32, #tpu.memory_space<vmem>>) target_semaphore(%arg17 : memref<!tpu.dma_semaphore, #tpu.memory_space<semaphore_mem>>)
      %dma_start3A_130 = arith.constant 0 : i32
      %dma_start3A_131 = tpu.memref_slice %arg4[%add3A, %min3A_123, %dma_start3A_130] : memref<32x80x128xi32, #tpu.memory_space<hbm>> -> memref<1x1x128xi32, #tpu.memory_space<hbm>>
      %dma_start3A_132 = tpu.memref_squeeze %dma_start3A_131 : memref<1x1x128xi32, #tpu.memory_space<hbm>> -> memref<128xi32, #tpu.memory_space<hbm>>
      %dma_start3A_133 = arith.constant 0 : i32
      %dma_start3A_134 = tpu.memref_slice %arg4[%add3A, %min3A_123, %dma_start3A_133] : memref<32x80x128xi32, #tpu.memory_space<hbm>> -> memref<1x1x128xi32, #tpu.memory_space<hbm>>
      %dma_start3A_135 = tpu.memref_squeeze %dma_start3A_134 : memref<1x1x128xi32, #tpu.memory_space<hbm>> -> memref<128xi32, #tpu.memory_space<hbm>>
      tpu.enqueue_dma source(%dma_start3A_135 : memref<128xi32, #tpu.memory_space<hbm>>) target(%arg10 : memref<128xi32, #tpu.memory_space<vmem>>) target_semaphore(%arg19 : memref<!tpu.dma_semaphore, #tpu.memory_space<semaphore_mem>>)
    }
    %scan3A_34 = arith.constant 40 : i32
    %dma_wait3A = arith.constant 0 : i32
    %dma_wait3A_35 = arith.constant 0 : i32
    %dma_wait3A_36 = tpu.memref_slice %arg2[%dma_wait3A, %dma_wait3A_35] : memref<10000x128xf32, #tpu.memory_space<hbm>> -> memref<10000x128xf32, #tpu.memory_space<hbm>>
    tpu.wait_indirect_dma semaphore(%arg14 : memref<!tpu.dma_semaphore, #tpu.memory_space<semaphore_mem>>) src(%dma_wait3A_36 : memref<10000x128xf32, #tpu.memory_space<hbm>>) dst(%arg11 : memref<128x128xf32, #tpu.memory_space<vmem>>)
    %dma_wait3A_37 = arith.constant 0 : i32
    %dma_wait3A_38 = arith.constant 0 : i32
    %dma_wait3A_39 = tpu.memref_slice %arg3[%add3A, %dma_wait3A_37, %dma_wait3A_38] : memref<32x80x128xi32, #tpu.memory_space<hbm>> -> memref<1x1x128xi32, #tpu.memory_space<hbm>>
    %dma_wait3A_40 = tpu.memref_squeeze %dma_wait3A_39 : memref<1x1x128xi32, #tpu.memory_space<hbm>> -> memref<128xi32, #tpu.memory_space<hbm>>
    %dma_wait3A_41 = arith.constant 0 : i32
    %dma_wait3A_42 = tpu.memref_slice %arg3[%add3A, %dma_wait3A_37, %dma_wait3A_41] : memref<32x80x128xi32, #tpu.memory_space<hbm>> -> memref<1x1x128xi32, #tpu.memory_space<hbm>>
    %dma_wait3A_43 = tpu.memref_squeeze %dma_wait3A_42 : memref<1x1x128xi32, #tpu.memory_space<hbm>> -> memref<128xi32, #tpu.memory_space<hbm>>
    tpu.wait_dma2 semaphore(%arg17 : memref<!tpu.dma_semaphore, #tpu.memory_space<semaphore_mem>>) src(%dma_wait3A_43 : memref<128xi32, #tpu.memory_space<hbm>>) dst(%arg8 : memref<128xi32, #tpu.memory_space<vmem>>)
    %dma_wait3A_44 = arith.constant 0 : i32
    %dma_wait3A_45 = arith.constant 0 : i32
    %dma_wait3A_46 = tpu.memref_slice %arg4[%add3A, %dma_wait3A_44, %dma_wait3A_45] : memref<32x80x128xi32, #tpu.memory_space<hbm>> -> memref<1x1x128xi32, #tpu.memory_space<hbm>>
    %dma_wait3A_47 = tpu.memref_squeeze %dma_wait3A_46 : memref<1x1x128xi32, #tpu.memory_space<hbm>> -> memref<128xi32, #tpu.memory_space<hbm>>
    %dma_wait3A_48 = arith.constant 0 : i32
    %dma_wait3A_49 = tpu.memref_slice %arg4[%add3A, %dma_wait3A_44, %dma_wait3A_48] : memref<32x80x128xi32, #tpu.memory_space<hbm>> -> memref<1x1x128xi32, #tpu.memory_space<hbm>>
    %dma_wait3A_50 = tpu.memref_squeeze %dma_wait3A_49 : memref<1x1x128xi32, #tpu.memory_space<hbm>> -> memref<128xi32, #tpu.memory_space<hbm>>
    tpu.wait_dma2 semaphore(%arg19 : memref<!tpu.dma_semaphore, #tpu.memory_space<semaphore_mem>>) src(%dma_wait3A_50 : memref<128xi32, #tpu.memory_space<hbm>>) dst(%arg10 : memref<128xi32, #tpu.memory_space<vmem>>)
    %barrier3A_51 = arith.constant 0 : index
    tpu.barrier barrier_id(%barrier3A_51)
    %add3A_52 = arith.constant 0 : i32
    %add3A_53 = arith.addi %mul3A_2, %add3A_52 : i32
    "tpu.region"() ({
      %run_scoped3A_62 = tpu.sem_alloc : memref<!tpu.dma_semaphore, #tpu.memory_space<semaphore_mem>>
      %dma_start3A_63 = arith.constant 0 : i32
      %dma_start3A_64 = tpu.memref_slice %arg13[%add3A_53, %dma_start3A_63] : memref<10240x128xf32, #tpu.memory_space<vmem_shared>> -> memref<128x128xf32, #tpu.memory_space<vmem_shared>>
      %dma_start3A_65 = arith.constant 0 : i32
      %dma_start3A_66 = tpu.memref_slice %arg13[%add3A_53, %dma_start3A_65] : memref<10240x128xf32, #tpu.memory_space<vmem_shared>> -> memref<128x128xf32, #tpu.memory_space<vmem_shared>>
      tpu.enqueue_dma source(%dma_start3A_66 : memref<128x128xf32, #tpu.memory_space<vmem_shared>>) target(%arg11 : memref<128x128xf32, #tpu.memory_space<vmem>>) target_semaphore(%run_scoped3A_62 : memref<!tpu.dma_semaphore, #tpu.memory_space<semaphore_mem>>)
      %dma_wait3A_67 = arith.constant 0 : i32
      %dma_wait3A_68 = tpu.memref_slice %arg13[%add3A_53, %dma_wait3A_67] : memref<10240x128xf32, #tpu.memory_space<vmem_shared>> -> memref<128x128xf32, #tpu.memory_space<vmem_shared>>
      %dma_wait3A_69 = arith.constant 0 : i32
      %dma_wait3A_70 = tpu.memref_slice %arg13[%add3A_53, %dma_wait3A_69] : memref<10240x128xf32, #tpu.memory_space<vmem_shared>> -> memref<128x128xf32, #tpu.memory_space<vmem_shared>>
      tpu.wait_dma2 semaphore(%run_scoped3A_62 : memref<!tpu.dma_semaphore, #tpu.memory_space<semaphore_mem>>) src(%dma_wait3A_70 : memref<128x128xf32, #tpu.memory_space<vmem_shared>>) dst(%arg11 : memref<128x128xf32, #tpu.memory_space<vmem>>)
      tpu.yield
    }) : () -> ()
    "tpu.region"() ({
      %run_scoped3A_62 = tpu.sem_alloc : memref<!tpu.dma_semaphore, #tpu.memory_space<semaphore_mem>>
      %dma_start3A_63 = arith.constant 0 : i32
      %dma_start3A_64 = arith.constant 0 : i32
      %dma_start3A_65 = tpu.memref_slice %arg6[%add3A, %dma_start3A_63, %dma_start3A_64] : memref<32x640x128xf32, #tpu.memory_space<hbm>> -> memref<1x128x128xf32, #tpu.memory_space<hbm>>
      %dma_start3A_66 = tpu.memref_squeeze %dma_start3A_65 : memref<1x128x128xf32, #tpu.memory_space<hbm>> -> memref<128x128xf32, #tpu.memory_space<hbm>>
      %dma_start3A_67 = arith.constant 0 : i32
      %dma_start3A_68 = arith.constant 0 : i32
      %dma_start3A_69 = tpu.memref_slice %arg6[%add3A, %dma_start3A_67, %dma_start3A_68] : memref<32x640x128xf32, #tpu.memory_space<hbm>> -> memref<1x128x128xf32, #tpu.memory_space<hbm>>
      %dma_start3A_70 = tpu.memref_squeeze %dma_start3A_69 : memref<1x128x128xf32, #tpu.memory_space<hbm>> -> memref<128x128xf32, #tpu.memory_space<hbm>>
      tpu.enqueue_dma source(%arg11 : memref<128x128xf32, #tpu.memory_space<vmem>>) target(%dma_start3A_70 : memref<128x128xf32, #tpu.memory_space<hbm>>) target_semaphore(%run_scoped3A_62 : memref<!tpu.dma_semaphore, #tpu.memory_space<semaphore_mem>>)
      %dma_wait3A_71 = arith.constant 0 : i32
      %dma_wait3A_72 = arith.constant 0 : i32
      %dma_wait3A_73 = tpu.memref_slice %arg6[%add3A, %dma_wait3A_71, %dma_wait3A_72] : memref<32x640x128xf32, #tpu.memory_space<hbm>> -> memref<1x128x128xf32, #tpu.memory_space<hbm>>
      %dma_wait3A_74 = tpu.memref_squeeze %dma_wait3A_73 : memref<1x128x128xf32, #tpu.memory_space<hbm>> -> memref<128x128xf32, #tpu.memory_space<hbm>>
      %dma_wait3A_75 = arith.constant 0 : i32
      %dma_wait3A_76 = arith.constant 0 : i32
      %dma_wait3A_77 = tpu.memref_slice %arg6[%add3A, %dma_wait3A_75, %dma_wait3A_76] : memref<32x640x128xf32, #tpu.memory_space<hbm>> -> memref<1x128x128xf32, #tpu.memory_space<hbm>>
      %dma_wait3A_78 = tpu.memref_squeeze %dma_wait3A_77 : memref<1x128x128xf32, #tpu.memory_space<hbm>> -> memref<128x128xf32, #tpu.memory_space<hbm>>
      tpu.wait_dma2 semaphore(%run_scoped3A_62 : memref<!tpu.dma_semaphore, #tpu.memory_space<semaphore_mem>>) src(%arg11 : memref<128x128xf32, #tpu.memory_space<vmem>>) dst(%dma_wait3A_78 : memref<128x128xf32, #tpu.memory_space<hbm>>)
      tpu.yield
    }) : () -> ()
    %add3A_54 = arith.constant 128 : i32
    %add3A_55 = arith.addi %mul3A_2, %add3A_54 : i32
    "tpu.region"() ({
      %run_scoped3A_62 = tpu.sem_alloc : memref<!tpu.dma_semaphore, #tpu.memory_space<semaphore_mem>>
      %dma_start3A_63 = arith.constant 0 : i32
      %dma_start3A_64 = tpu.memref_slice %arg13[%add3A_55, %dma_start3A_63] : memref<10240x128xf32, #tpu.memory_space<vmem_shared>> -> memref<128x128xf32, #tpu.memory_space<vmem_shared>>
      %dma_start3A_65 = arith.constant 0 : i32
      %dma_start3A_66 = tpu.memref_slice %arg13[%add3A_55, %dma_start3A_65] : memref<10240x128xf32, #tpu.memory_space<vmem_shared>> -> memref<128x128xf32, #tpu.memory_space<vmem_shared>>
      tpu.enqueue_dma source(%dma_start3A_66 : memref<128x128xf32, #tpu.memory_space<vmem_shared>>) target(%arg11 : memref<128x128xf32, #tpu.memory_space<vmem>>) target_semaphore(%run_scoped3A_62 : memref<!tpu.dma_semaphore, #tpu.memory_space<semaphore_mem>>)
      %dma_wait3A_67 = arith.constant 0 : i32
      %dma_wait3A_68 = tpu.memref_slice %arg13[%add3A_55, %dma_wait3A_67] : memref<10240x128xf32, #tpu.memory_space<vmem_shared>> -> memref<128x128xf32, #tpu.memory_space<vmem_shared>>
      %dma_wait3A_69 = arith.constant 0 : i32
      %dma_wait3A_70 = tpu.memref_slice %arg13[%add3A_55, %dma_wait3A_69] : memref<10240x128xf32, #tpu.memory_space<vmem_shared>> -> memref<128x128xf32, #tpu.memory_space<vmem_shared>>
      tpu.wait_dma2 semaphore(%run_scoped3A_62 : memref<!tpu.dma_semaphore, #tpu.memory_space<semaphore_mem>>) src(%dma_wait3A_70 : memref<128x128xf32, #tpu.memory_space<vmem_shared>>) dst(%arg11 : memref<128x128xf32, #tpu.memory_space<vmem>>)
      tpu.yield
    }) : () -> ()
    "tpu.region"() ({
      %run_scoped3A_62 = tpu.sem_alloc : memref<!tpu.dma_semaphore, #tpu.memory_space<semaphore_mem>>
      %dma_start3A_63 = arith.constant 128 : i32
      %dma_start3A_64 = arith.constant 0 : i32
      %dma_start3A_65 = tpu.memref_slice %arg6[%add3A, %dma_start3A_63, %dma_start3A_64] : memref<32x640x128xf32, #tpu.memory_space<hbm>> -> memref<1x128x128xf32, #tpu.memory_space<hbm>>
      %dma_start3A_66 = tpu.memref_squeeze %dma_start3A_65 : memref<1x128x128xf32, #tpu.memory_space<hbm>> -> memref<128x128xf32, #tpu.memory_space<hbm>>
      %dma_start3A_67 = arith.constant 128 : i32
      %dma_start3A_68 = arith.constant 0 : i32
      %dma_start3A_69 = tpu.memref_slice %arg6[%add3A, %dma_start3A_67, %dma_start3A_68] : memref<32x640x128xf32, #tpu.memory_space<hbm>> -> memref<1x128x128xf32, #tpu.memory_space<hbm>>
      %dma_start3A_70 = tpu.memref_squeeze %dma_start3A_69 : memref<1x128x128xf32, #tpu.memory_space<hbm>> -> memref<128x128xf32, #tpu.memory_space<hbm>>
      tpu.enqueue_dma source(%arg11 : memref<128x128xf32, #tpu.memory_space<vmem>>) target(%dma_start3A_70 : memref<128x128xf32, #tpu.memory_space<hbm>>) target_semaphore(%run_scoped3A_62 : memref<!tpu.dma_semaphore, #tpu.memory_space<semaphore_mem>>)
      %dma_wait3A_71 = arith.constant 128 : i32
      %dma_wait3A_72 = arith.constant 0 : i32
      %dma_wait3A_73 = tpu.memref_slice %arg6[%add3A, %dma_wait3A_71, %dma_wait3A_72] : memref<32x640x128xf32, #tpu.memory_space<hbm>> -> memref<1x128x128xf32, #tpu.memory_space<hbm>>
      %dma_wait3A_74 = tpu.memref_squeeze %dma_wait3A_73 : memref<1x128x128xf32, #tpu.memory_space<hbm>> -> memref<128x128xf32, #tpu.memory_space<hbm>>
      %dma_wait3A_75 = arith.constant 128 : i32
      %dma_wait3A_76 = arith.constant 0 : i32
      %dma_wait3A_77 = tpu.memref_slice %arg6[%add3A, %dma_wait3A_75, %dma_wait3A_76] : memref<32x640x128xf32, #tpu.memory_space<hbm>> -> memref<1x128x128xf32, #tpu.memory_space<hbm>>
      %dma_wait3A_78 = tpu.memref_squeeze %dma_wait3A_77 : memref<1x128x128xf32, #tpu.memory_space<hbm>> -> memref<128x128xf32, #tpu.memory_space<hbm>>
      tpu.wait_dma2 semaphore(%run_scoped3A_62 : memref<!tpu.dma_semaphore, #tpu.memory_space<semaphore_mem>>) src(%arg11 : memref<128x128xf32, #tpu.memory_space<vmem>>) dst(%dma_wait3A_78 : memref<128x128xf32, #tpu.memory_space<hbm>>)
      tpu.yield
    }) : () -> ()
    %add3A_56 = arith.constant 256 : i32
    %add3A_57 = arith.addi %mul3A_2, %add3A_56 : i32
    "tpu.region"() ({
      %run_scoped3A_62 = tpu.sem_alloc : memref<!tpu.dma_semaphore, #tpu.memory_space<semaphore_mem>>
      %dma_start3A_63 = arith.constant 0 : i32
      %dma_start3A_64 = tpu.memref_slice %arg13[%add3A_57, %dma_start3A_63] : memref<10240x128xf32, #tpu.memory_space<vmem_shared>> -> memref<128x128xf32, #tpu.memory_space<vmem_shared>>
      %dma_start3A_65 = arith.constant 0 : i32
      %dma_start3A_66 = tpu.memref_slice %arg13[%add3A_57, %dma_start3A_65] : memref<10240x128xf32, #tpu.memory_space<vmem_shared>> -> memref<128x128xf32, #tpu.memory_space<vmem_shared>>
      tpu.enqueue_dma source(%dma_start3A_66 : memref<128x128xf32, #tpu.memory_space<vmem_shared>>) target(%arg11 : memref<128x128xf32, #tpu.memory_space<vmem>>) target_semaphore(%run_scoped3A_62 : memref<!tpu.dma_semaphore, #tpu.memory_space<semaphore_mem>>)
      %dma_wait3A_67 = arith.constant 0 : i32
      %dma_wait3A_68 = tpu.memref_slice %arg13[%add3A_57, %dma_wait3A_67] : memref<10240x128xf32, #tpu.memory_space<vmem_shared>> -> memref<128x128xf32, #tpu.memory_space<vmem_shared>>
      %dma_wait3A_69 = arith.constant 0 : i32
      %dma_wait3A_70 = tpu.memref_slice %arg13[%add3A_57, %dma_wait3A_69] : memref<10240x128xf32, #tpu.memory_space<vmem_shared>> -> memref<128x128xf32, #tpu.memory_space<vmem_shared>>
      tpu.wait_dma2 semaphore(%run_scoped3A_62 : memref<!tpu.dma_semaphore, #tpu.memory_space<semaphore_mem>>) src(%dma_wait3A_70 : memref<128x128xf32, #tpu.memory_space<vmem_shared>>) dst(%arg11 : memref<128x128xf32, #tpu.memory_space<vmem>>)
      tpu.yield
    }) : () -> ()
    "tpu.region"() ({
      %run_scoped3A_62 = tpu.sem_alloc : memref<!tpu.dma_semaphore, #tpu.memory_space<semaphore_mem>>
      %dma_start3A_63 = arith.constant 256 : i32
      %dma_start3A_64 = arith.constant 0 : i32
      %dma_start3A_65 = tpu.memref_slice %arg6[%add3A, %dma_start3A_63, %dma_start3A_64] : memref<32x640x128xf32, #tpu.memory_space<hbm>> -> memref<1x128x128xf32, #tpu.memory_space<hbm>>
      %dma_start3A_66 = tpu.memref_squeeze %dma_start3A_65 : memref<1x128x128xf32, #tpu.memory_space<hbm>> -> memref<128x128xf32, #tpu.memory_space<hbm>>
      %dma_start3A_67 = arith.constant 256 : i32
      %dma_start3A_68 = arith.constant 0 : i32
      %dma_start3A_69 = tpu.memref_slice %arg6[%add3A, %dma_start3A_67, %dma_start3A_68] : memref<32x640x128xf32, #tpu.memory_space<hbm>> -> memref<1x128x128xf32, #tpu.memory_space<hbm>>
      %dma_start3A_70 = tpu.memref_squeeze %dma_start3A_69 : memref<1x128x128xf32, #tpu.memory_space<hbm>> -> memref<128x128xf32, #tpu.memory_space<hbm>>
      tpu.enqueue_dma source(%arg11 : memref<128x128xf32, #tpu.memory_space<vmem>>) target(%dma_start3A_70 : memref<128x128xf32, #tpu.memory_space<hbm>>) target_semaphore(%run_scoped3A_62 : memref<!tpu.dma_semaphore, #tpu.memory_space<semaphore_mem>>)
      %dma_wait3A_71 = arith.constant 256 : i32
      %dma_wait3A_72 = arith.constant 0 : i32
      %dma_wait3A_73 = tpu.memref_slice %arg6[%add3A, %dma_wait3A_71, %dma_wait3A_72] : memref<32x640x128xf32, #tpu.memory_space<hbm>> -> memref<1x128x128xf32, #tpu.memory_space<hbm>>
      %dma_wait3A_74 = tpu.memref_squeeze %dma_wait3A_73 : memref<1x128x128xf32, #tpu.memory_space<hbm>> -> memref<128x128xf32, #tpu.memory_space<hbm>>
      %dma_wait3A_75 = arith.constant 256 : i32
      %dma_wait3A_76 = arith.constant 0 : i32
      %dma_wait3A_77 = tpu.memref_slice %arg6[%add3A, %dma_wait3A_75, %dma_wait3A_76] : memref<32x640x128xf32, #tpu.memory_space<hbm>> -> memref<1x128x128xf32, #tpu.memory_space<hbm>>
      %dma_wait3A_78 = tpu.memref_squeeze %dma_wait3A_77 : memref<1x128x128xf32, #tpu.memory_space<hbm>> -> memref<128x128xf32, #tpu.memory_space<hbm>>
      tpu.wait_dma2 semaphore(%run_scoped3A_62 : memref<!tpu.dma_semaphore, #tpu.memory_space<semaphore_mem>>) src(%arg11 : memref<128x128xf32, #tpu.memory_space<vmem>>) dst(%dma_wait3A_78 : memref<128x128xf32, #tpu.memory_space<hbm>>)
      tpu.yield
    }) : () -> ()
    %add3A_58 = arith.constant 384 : i32
    %add3A_59 = arith.addi %mul3A_2, %add3A_58 : i32
    "tpu.region"() ({
      %run_scoped3A_62 = tpu.sem_alloc : memref<!tpu.dma_semaphore, #tpu.memory_space<semaphore_mem>>
      %dma_start3A_63 = arith.constant 0 : i32
      %dma_start3A_64 = tpu.memref_slice %arg13[%add3A_59, %dma_start3A_63] : memref<10240x128xf32, #tpu.memory_space<vmem_shared>> -> memref<128x128xf32, #tpu.memory_space<vmem_shared>>
      %dma_start3A_65 = arith.constant 0 : i32
      %dma_start3A_66 = tpu.memref_slice %arg13[%add3A_59, %dma_start3A_65] : memref<10240x128xf32, #tpu.memory_space<vmem_shared>> -> memref<128x128xf32, #tpu.memory_space<vmem_shared>>
      tpu.enqueue_dma source(%dma_start3A_66 : memref<128x128xf32, #tpu.memory_space<vmem_shared>>) target(%arg11 : memref<128x128xf32, #tpu.memory_space<vmem>>) target_semaphore(%run_scoped3A_62 : memref<!tpu.dma_semaphore, #tpu.memory_space<semaphore_mem>>)
      %dma_wait3A_67 = arith.constant 0 : i32
      %dma_wait3A_68 = tpu.memref_slice %arg13[%add3A_59, %dma_wait3A_67] : memref<10240x128xf32, #tpu.memory_space<vmem_shared>> -> memref<128x128xf32, #tpu.memory_space<vmem_shared>>
      %dma_wait3A_69 = arith.constant 0 : i32
      %dma_wait3A_70 = tpu.memref_slice %arg13[%add3A_59, %dma_wait3A_69] : memref<10240x128xf32, #tpu.memory_space<vmem_shared>> -> memref<128x128xf32, #tpu.memory_space<vmem_shared>>
      tpu.wait_dma2 semaphore(%run_scoped3A_62 : memref<!tpu.dma_semaphore, #tpu.memory_space<semaphore_mem>>) src(%dma_wait3A_70 : memref<128x128xf32, #tpu.memory_space<vmem_shared>>) dst(%arg11 : memref<128x128xf32, #tpu.memory_space<vmem>>)
      tpu.yield
    }) : () -> ()
    "tpu.region"() ({
      %run_scoped3A_62 = tpu.sem_alloc : memref<!tpu.dma_semaphore, #tpu.memory_space<semaphore_mem>>
      %dma_start3A_63 = arith.constant 384 : i32
      %dma_start3A_64 = arith.constant 0 : i32
      %dma_start3A_65 = tpu.memref_slice %arg6[%add3A, %dma_start3A_63, %dma_start3A_64] : memref<32x640x128xf32, #tpu.memory_space<hbm>> -> memref<1x128x128xf32, #tpu.memory_space<hbm>>
      %dma_start3A_66 = tpu.memref_squeeze %dma_start3A_65 : memref<1x128x128xf32, #tpu.memory_space<hbm>> -> memref<128x128xf32, #tpu.memory_space<hbm>>
      %dma_start3A_67 = arith.constant 384 : i32
      %dma_start3A_68 = arith.constant 0 : i32
      %dma_start3A_69 = tpu.memref_slice %arg6[%add3A, %dma_start3A_67, %dma_start3A_68] : memref<32x640x128xf32, #tpu.memory_space<hbm>> -> memref<1x128x128xf32, #tpu.memory_space<hbm>>
      %dma_start3A_70 = tpu.memref_squeeze %dma_start3A_69 : memref<1x128x128xf32, #tpu.memory_space<hbm>> -> memref<128x128xf32, #tpu.memory_space<hbm>>
      tpu.enqueue_dma source(%arg11 : memref<128x128xf32, #tpu.memory_space<vmem>>) target(%dma_start3A_70 : memref<128x128xf32, #tpu.memory_space<hbm>>) target_semaphore(%run_scoped3A_62 : memref<!tpu.dma_semaphore, #tpu.memory_space<semaphore_mem>>)
      %dma_wait3A_71 = arith.constant 384 : i32
      %dma_wait3A_72 = arith.constant 0 : i32
      %dma_wait3A_73 = tpu.memref_slice %arg6[%add3A, %dma_wait3A_71, %dma_wait3A_72] : memref<32x640x128xf32, #tpu.memory_space<hbm>> -> memref<1x128x128xf32, #tpu.memory_space<hbm>>
      %dma_wait3A_74 = tpu.memref_squeeze %dma_wait3A_73 : memref<1x128x128xf32, #tpu.memory_space<hbm>> -> memref<128x128xf32, #tpu.memory_space<hbm>>
      %dma_wait3A_75 = arith.constant 384 : i32
      %dma_wait3A_76 = arith.constant 0 : i32
      %dma_wait3A_77 = tpu.memref_slice %arg6[%add3A, %dma_wait3A_75, %dma_wait3A_76] : memref<32x640x128xf32, #tpu.memory_space<hbm>> -> memref<1x128x128xf32, #tpu.memory_space<hbm>>
      %dma_wait3A_78 = tpu.memref_squeeze %dma_wait3A_77 : memref<1x128x128xf32, #tpu.memory_space<hbm>> -> memref<128x128xf32, #tpu.memory_space<hbm>>
      tpu.wait_dma2 semaphore(%run_scoped3A_62 : memref<!tpu.dma_semaphore, #tpu.memory_space<semaphore_mem>>) src(%arg11 : memref<128x128xf32, #tpu.memory_space<vmem>>) dst(%dma_wait3A_78 : memref<128x128xf32, #tpu.memory_space<hbm>>)
      tpu.yield
    }) : () -> ()
    %add3A_60 = arith.constant 512 : i32
    %add3A_61 = arith.addi %mul3A_2, %add3A_60 : i32
    "tpu.region"() ({
      %run_scoped3A_62 = tpu.sem_alloc : memref<!tpu.dma_semaphore, #tpu.memory_space<semaphore_mem>>
      %dma_start3A_63 = arith.constant 0 : i32
      %dma_start3A_64 = tpu.memref_slice %arg13[%add3A_61, %dma_start3A_63] : memref<10240x128xf32, #tpu.memory_space<vmem_shared>> -> memref<128x128xf32, #tpu.memory_space<vmem_shared>>
      %dma_start3A_65 = arith.constant 0 : i32
      %dma_start3A_66 = tpu.memref_slice %arg13[%add3A_61, %dma_start3A_65] : memref<10240x128xf32, #tpu.memory_space<vmem_shared>> -> memref<128x128xf32, #tpu.memory_space<vmem_shared>>
      tpu.enqueue_dma source(%dma_start3A_66 : memref<128x128xf32, #tpu.memory_space<vmem_shared>>) target(%arg11 : memref<128x128xf32, #tpu.memory_space<vmem>>) target_semaphore(%run_scoped3A_62 : memref<!tpu.dma_semaphore, #tpu.memory_space<semaphore_mem>>)
      %dma_wait3A_67 = arith.constant 0 : i32
      %dma_wait3A_68 = tpu.memref_slice %arg13[%add3A_61, %dma_wait3A_67] : memref<10240x128xf32, #tpu.memory_space<vmem_shared>> -> memref<128x128xf32, #tpu.memory_space<vmem_shared>>
      %dma_wait3A_69 = arith.constant 0 : i32
      %dma_wait3A_70 = tpu.memref_slice %arg13[%add3A_61, %dma_wait3A_69] : memref<10240x128xf32, #tpu.memory_space<vmem_shared>> -> memref<128x128xf32, #tpu.memory_space<vmem_shared>>
      tpu.wait_dma2 semaphore(%run_scoped3A_62 : memref<!tpu.dma_semaphore, #tpu.memory_space<semaphore_mem>>) src(%dma_wait3A_70 : memref<128x128xf32, #tpu.memory_space<vmem_shared>>) dst(%arg11 : memref<128x128xf32, #tpu.memory_space<vmem>>)
      tpu.yield
    }) : () -> ()
    "tpu.region"() ({
      %run_scoped3A_62 = tpu.sem_alloc : memref<!tpu.dma_semaphore, #tpu.memory_space<semaphore_mem>>
      %dma_start3A_63 = arith.constant 512 : i32
      %dma_start3A_64 = arith.constant 0 : i32
      %dma_start3A_65 = tpu.memref_slice %arg6[%add3A, %dma_start3A_63, %dma_start3A_64] : memref<32x640x128xf32, #tpu.memory_space<hbm>> -> memref<1x128x128xf32, #tpu.memory_space<hbm>>
      %dma_start3A_66 = tpu.memref_squeeze %dma_start3A_65 : memref<1x128x128xf32, #tpu.memory_space<hbm>> -> memref<128x128xf32, #tpu.memory_space<hbm>>
      %dma_start3A_67 = arith.constant 512 : i32
      %dma_start3A_68 = arith.constant 0 : i32
      %dma_start3A_69 = tpu.memref_slice %arg6[%add3A, %dma_start3A_67, %dma_start3A_68] : memref<32x640x128xf32, #tpu.memory_space<hbm>> -> memref<1x128x128xf32, #tpu.memory_space<hbm>>
      %dma_start3A_70 = tpu.memref_squeeze %dma_start3A_69 : memref<1x128x128xf32, #tpu.memory_space<hbm>> -> memref<128x128xf32, #tpu.memory_space<hbm>>
      tpu.enqueue_dma source(%arg11 : memref<128x128xf32, #tpu.memory_space<vmem>>) target(%dma_start3A_70 : memref<128x128xf32, #tpu.memory_space<hbm>>) target_semaphore(%run_scoped3A_62 : memref<!tpu.dma_semaphore, #tpu.memory_space<semaphore_mem>>)
      %dma_wait3A_71 = arith.constant 512 : i32
      %dma_wait3A_72 = arith.constant 0 : i32
      %dma_wait3A_73 = tpu.memref_slice %arg6[%add3A, %dma_wait3A_71, %dma_wait3A_72] : memref<32x640x128xf32, #tpu.memory_space<hbm>> -> memref<1x128x128xf32, #tpu.memory_space<hbm>>
      %dma_wait3A_74 = tpu.memref_squeeze %dma_wait3A_73 : memref<1x128x128xf32, #tpu.memory_space<hbm>> -> memref<128x128xf32, #tpu.memory_space<hbm>>
      %dma_wait3A_75 = arith.constant 512 : i32
      %dma_wait3A_76 = arith.constant 0 : i32
      %dma_wait3A_77 = tpu.memref_slice %arg6[%add3A, %dma_wait3A_75, %dma_wait3A_76] : memref<32x640x128xf32, #tpu.memory_space<hbm>> -> memref<1x128x128xf32, #tpu.memory_space<hbm>>
      %dma_wait3A_78 = tpu.memref_squeeze %dma_wait3A_77 : memref<1x128x128xf32, #tpu.memory_space<hbm>> -> memref<128x128xf32, #tpu.memory_space<hbm>>
      tpu.wait_dma2 semaphore(%run_scoped3A_62 : memref<!tpu.dma_semaphore, #tpu.memory_space<semaphore_mem>>) src(%arg11 : memref<128x128xf32, #tpu.memory_space<vmem>>) dst(%dma_wait3A_78 : memref<128x128xf32, #tpu.memory_space<hbm>>)
      tpu.yield
    }) : () -> ()
    return
  }
}

#map = affine_map<(d0, d1) -> (0, 0)>
#map1 = affine_map<(d0, d1) -> (0, 0, 0)>
module attributes {stable_mosaic.version = 14 : i64} {
  func.func @k(%arg0: i32, %arg1: i32, %arg2: memref<10000x128xf32, #tpu.memory_space<hbm>>, %arg3: memref<32x80x128xi32, #tpu.memory_space<hbm>>, %arg4: memref<32x80x128xi32, #tpu.memory_space<hbm>>, %arg5: memref<128x128xf32, #tpu.memory_space<hbm>>, %arg6: memref<32x640x128xf32, #tpu.memory_space<hbm>>, %arg7: memref<128xi32, #tpu.memory_space<vmem>>, %arg8: memref<128xi32, #tpu.memory_space<vmem>>, %arg9: memref<128xi32, #tpu.memory_space<vmem>>, %arg10: memref<128xi32, #tpu.memory_space<vmem>>, %arg11: memref<128x128xf32, #tpu.memory_space<vmem>>, %arg12: memref<128x128xf32, #tpu.memory_space<vmem>>, %arg13: memref<10240x128xf32, #tpu.memory_space<vmem_shared>>, %arg14: memref<!tpu.dma_semaphore, #tpu.memory_space<semaphore_mem>>, %arg15: memref<!tpu.dma_semaphore, #tpu.memory_space<semaphore_mem>>, %arg16: memref<!tpu.dma_semaphore, #tpu.memory_space<semaphore_mem>>, %arg17: memref<!tpu.dma_semaphore, #tpu.memory_space<semaphore_mem>>, %arg18: memref<!tpu.dma_semaphore, #tpu.memory_space<semaphore_mem>>, %arg19: memref<!tpu.dma_semaphore, #tpu.memory_space<semaphore_mem>>) attributes {dimension_semantics = [#tpu.dimension_semantics<core_parallel>, #tpu.dimension_semantics<subcore_parallel>], iteration_bounds = array<i64: 2, 16>, scalar_prefetch = 0 : i64, scratch_operands = 13 : i64, tpu.core_type = #tpu.core_type<sc_vector_subcore>, window_params = [{transform_indices = #map}, {transform_indices = #map1}, {transform_indices = #map1}, {transform_indices = #map}, {transform_indices = #map1}]} {
    %mul3A = arith.constant 16 : i32
    %mul3A_0 = arith.muli %arg0, %mul3A : i32
    %add3A = arith.addi %mul3A_0, %arg1 : i32
    %mul3A_1 = arith.constant 640 : i32
    %mul3A_2 = arith.muli %arg1, %mul3A_1 : i32
    "tpu.region"() ({
      %run_scoped3A_62 = tpu.sem_alloc : memref<!tpu.dma_semaphore, #tpu.memory_space<semaphore_mem>>
      tpu.enqueue_dma source(%arg5 : memref<128x128xf32, #tpu.memory_space<hbm>>) target(%arg11 : memref<128x128xf32, #tpu.memory_space<vmem>>) target_semaphore(%run_scoped3A_62 : memref<!tpu.dma_semaphore, #tpu.memory_space<semaphore_mem>>)
      tpu.wait_dma2 semaphore(%run_scoped3A_62 : memref<!tpu.dma_semaphore, #tpu.memory_space<semaphore_mem>>) src(%arg5 : memref<128x128xf32, #tpu.memory_space<hbm>>) dst(%arg11 : memref<128x128xf32, #tpu.memory_space<vmem>>)
      tpu.yield
    }) : () -> ()
    %add3A_3 = arith.constant 0 : i32
    %add3A_4 = arith.addi %mul3A_2, %add3A_3 : i32
    "tpu.region"() ({
      %run_scoped3A_62 = tpu.sem_alloc : memref<!tpu.dma_semaphore, #tpu.memory_space<semaphore_mem>>
      %dma_start3A_63 = arith.constant 0 : i32
      %dma_start3A_64 = tpu.memref_slice %arg13[%add3A_4, %dma_start3A_63] : memref<10240x128xf32, #tpu.memory_space<vmem_shared>> -> memref<128x128xf32, #tpu.memory_space<vmem_shared>>
      %dma_start3A_65 = arith.constant 0 : i32
      %dma_start3A_66 = tpu.memref_slice %arg13[%add3A_4, %dma_start3A_65] : memref<10240x128xf32, #tpu.memory_space<vmem_shared>> -> memref<128x128xf32, #tpu.memory_space<vmem_shared>>
      tpu.enqueue_dma source(%arg11 : memref<128x128xf32, #tpu.memory_space<vmem>>) target(%dma_start3A_66 : memref<128x128xf32, #tpu.memory_space<vmem_shared>>) target_semaphore(%run_scoped3A_62 : memref<!tpu.dma_semaphore, #tpu.memory_space<semaphore_mem>>)
      %dma_wait3A_67 = arith.constant 0 : i32
      %dma_wait3A_68 = tpu.memref_slice %arg13[%add3A_4, %dma_wait3A_67] : memref<10240x128xf32, #tpu.memory_space<vmem_shared>> -> memref<128x128xf32, #tpu.memory_space<vmem_shared>>
      %dma_wait3A_69 = arith.constant 0 : i32
      %dma_wait3A_70 = tpu.memref_slice %arg13[%add3A_4, %dma_wait3A_69] : memref<10240x128xf32, #tpu.memory_space<vmem_shared>> -> memref<128x128xf32, #tpu.memory_space<vmem_shared>>
      tpu.wait_dma2 semaphore(%run_scoped3A_62 : memref<!tpu.dma_semaphore, #tpu.memory_space<semaphore_mem>>) src(%arg11 : memref<128x128xf32, #tpu.memory_space<vmem>>) dst(%dma_wait3A_70 : memref<128x128xf32, #tpu.memory_space<vmem_shared>>)
      tpu.yield
    }) : () -> ()
    %add3A_5 = arith.constant 128 : i32
    %add3A_6 = arith.addi %mul3A_2, %add3A_5 : i32
    "tpu.region"() ({
      %run_scoped3A_62 = tpu.sem_alloc : memref<!tpu.dma_semaphore, #tpu.memory_space<semaphore_mem>>
      %dma_start3A_63 = arith.constant 0 : i32
      %dma_start3A_64 = tpu.memref_slice %arg13[%add3A_6, %dma_start3A_63] : memref<10240x128xf32, #tpu.memory_space<vmem_shared>> -> memref<128x128xf32, #tpu.memory_space<vmem_shared>>
      %dma_start3A_65 = arith.constant 0 : i32
      %dma_start3A_66 = tpu.memref_slice %arg13[%add3A_6, %dma_start3A_65] : memref<10240x128xf32, #tpu.memory_space<vmem_shared>> -> memref<128x128xf32, #tpu.memory_space<vmem_shared>>
      tpu.enqueue_dma source(%arg11 : memref<128x128xf32, #tpu.memory_space<vmem>>) target(%dma_start3A_66 : memref<128x128xf32, #tpu.memory_space<vmem_shared>>) target_semaphore(%run_scoped3A_62 : memref<!tpu.dma_semaphore, #tpu.memory_space<semaphore_mem>>)
      %dma_wait3A_67 = arith.constant 0 : i32
      %dma_wait3A_68 = tpu.memref_slice %arg13[%add3A_6, %dma_wait3A_67] : memref<10240x128xf32, #tpu.memory_space<vmem_shared>> -> memref<128x128xf32, #tpu.memory_space<vmem_shared>>
      %dma_wait3A_69 = arith.constant 0 : i32
      %dma_wait3A_70 = tpu.memref_slice %arg13[%add3A_6, %dma_wait3A_69] : memref<10240x128xf32, #tpu.memory_space<vmem_shared>> -> memref<128x128xf32, #tpu.memory_space<vmem_shared>>
      tpu.wait_dma2 semaphore(%run_scoped3A_62 : memref<!tpu.dma_semaphore, #tpu.memory_space<semaphore_mem>>) src(%arg11 : memref<128x128xf32, #tpu.memory_space<vmem>>) dst(%dma_wait3A_70 : memref<128x128xf32, #tpu.memory_space<vmem_shared>>)
      tpu.yield
    }) : () -> ()
    %add3A_7 = arith.constant 256 : i32
    %add3A_8 = arith.addi %mul3A_2, %add3A_7 : i32
    "tpu.region"() ({
      %run_scoped3A_62 = tpu.sem_alloc : memref<!tpu.dma_semaphore, #tpu.memory_space<semaphore_mem>>
      %dma_start3A_63 = arith.constant 0 : i32
      %dma_start3A_64 = tpu.memref_slice %arg13[%add3A_8, %dma_start3A_63] : memref<10240x128xf32, #tpu.memory_space<vmem_shared>> -> memref<128x128xf32, #tpu.memory_space<vmem_shared>>
      %dma_start3A_65 = arith.constant 0 : i32
      %dma_start3A_66 = tpu.memref_slice %arg13[%add3A_8, %dma_start3A_65] : memref<10240x128xf32, #tpu.memory_space<vmem_shared>> -> memref<128x128xf32, #tpu.memory_space<vmem_shared>>
      tpu.enqueue_dma source(%arg11 : memref<128x128xf32, #tpu.memory_space<vmem>>) target(%dma_start3A_66 : memref<128x128xf32, #tpu.memory_space<vmem_shared>>) target_semaphore(%run_scoped3A_62 : memref<!tpu.dma_semaphore, #tpu.memory_space<semaphore_mem>>)
      %dma_wait3A_67 = arith.constant 0 : i32
      %dma_wait3A_68 = tpu.memref_slice %arg13[%add3A_8, %dma_wait3A_67] : memref<10240x128xf32, #tpu.memory_space<vmem_shared>> -> memref<128x128xf32, #tpu.memory_space<vmem_shared>>
      %dma_wait3A_69 = arith.constant 0 : i32
      %dma_wait3A_70 = tpu.memref_slice %arg13[%add3A_8, %dma_wait3A_69] : memref<10240x128xf32, #tpu.memory_space<vmem_shared>> -> memref<128x128xf32, #tpu.memory_space<vmem_shared>>
      tpu.wait_dma2 semaphore(%run_scoped3A_62 : memref<!tpu.dma_semaphore, #tpu.memory_space<semaphore_mem>>) src(%arg11 : memref<128x128xf32, #tpu.memory_space<vmem>>) dst(%dma_wait3A_70 : memref<128x128xf32, #tpu.memory_space<vmem_shared>>)
      tpu.yield
    }) : () -> ()
    %add3A_9 = arith.constant 384 : i32
    %add3A_10 = arith.addi %mul3A_2, %add3A_9 : i32
    "tpu.region"() ({
      %run_scoped3A_62 = tpu.sem_alloc : memref<!tpu.dma_semaphore, #tpu.memory_space<semaphore_mem>>
      %dma_start3A_63 = arith.constant 0 : i32
      %dma_start3A_64 = tpu.memref_slice %arg13[%add3A_10, %dma_start3A_63] : memref<10240x128xf32, #tpu.memory_space<vmem_shared>> -> memref<128x128xf32, #tpu.memory_space<vmem_shared>>
      %dma_start3A_65 = arith.constant 0 : i32
      %dma_start3A_66 = tpu.memref_slice %arg13[%add3A_10, %dma_start3A_65] : memref<10240x128xf32, #tpu.memory_space<vmem_shared>> -> memref<128x128xf32, #tpu.memory_space<vmem_shared>>
      tpu.enqueue_dma source(%arg11 : memref<128x128xf32, #tpu.memory_space<vmem>>) target(%dma_start3A_66 : memref<128x128xf32, #tpu.memory_space<vmem_shared>>) target_semaphore(%run_scoped3A_62 : memref<!tpu.dma_semaphore, #tpu.memory_space<semaphore_mem>>)
      %dma_wait3A_67 = arith.constant 0 : i32
      %dma_wait3A_68 = tpu.memref_slice %arg13[%add3A_10, %dma_wait3A_67] : memref<10240x128xf32, #tpu.memory_space<vmem_shared>> -> memref<128x128xf32, #tpu.memory_space<vmem_shared>>
      %dma_wait3A_69 = arith.constant 0 : i32
      %dma_wait3A_70 = tpu.memref_slice %arg13[%add3A_10, %dma_wait3A_69] : memref<10240x128xf32, #tpu.memory_space<vmem_shared>> -> memref<128x128xf32, #tpu.memory_space<vmem_shared>>
      tpu.wait_dma2 semaphore(%run_scoped3A_62 : memref<!tpu.dma_semaphore, #tpu.memory_space<semaphore_mem>>) src(%arg11 : memref<128x128xf32, #tpu.memory_space<vmem>>) dst(%dma_wait3A_70 : memref<128x128xf32, #tpu.memory_space<vmem_shared>>)
      tpu.yield
    }) : () -> ()
    %add3A_11 = arith.constant 512 : i32
    %add3A_12 = arith.addi %mul3A_2, %add3A_11 : i32
    "tpu.region"() ({
      %run_scoped3A_62 = tpu.sem_alloc : memref<!tpu.dma_semaphore, #tpu.memory_space<semaphore_mem>>
      %dma_start3A_63 = arith.constant 0 : i32
      %dma_start3A_64 = tpu.memref_slice %arg13[%add3A_12, %dma_start3A_63] : memref<10240x128xf32, #tpu.memory_space<vmem_shared>> -> memref<128x128xf32, #tpu.memory_space<vmem_shared>>
      %dma_start3A_65 = arith.constant 0 : i32
      %dma_start3A_66 = tpu.memref_slice %arg13[%add3A_12, %dma_start3A_65] : memref<10240x128xf32, #tpu.memory_space<vmem_shared>> -> memref<128x128xf32, #tpu.memory_space<vmem_shared>>
      tpu.enqueue_dma source(%arg11 : memref<128x128xf32, #tpu.memory_space<vmem>>) target(%dma_start3A_66 : memref<128x128xf32, #tpu.memory_space<vmem_shared>>) target_semaphore(%run_scoped3A_62 : memref<!tpu.dma_semaphore, #tpu.memory_space<semaphore_mem>>)
      %dma_wait3A_67 = arith.constant 0 : i32
      %dma_wait3A_68 = tpu.memref_slice %arg13[%add3A_12, %dma_wait3A_67] : memref<10240x128xf32, #tpu.memory_space<vmem_shared>> -> memref<128x128xf32, #tpu.memory_space<vmem_shared>>
      %dma_wait3A_69 = arith.constant 0 : i32
      %dma_wait3A_70 = tpu.memref_slice %arg13[%add3A_12, %dma_wait3A_69] : memref<10240x128xf32, #tpu.memory_space<vmem_shared>> -> memref<128x128xf32, #tpu.memory_space<vmem_shared>>
      tpu.wait_dma2 semaphore(%run_scoped3A_62 : memref<!tpu.dma_semaphore, #tpu.memory_space<semaphore_mem>>) src(%arg11 : memref<128x128xf32, #tpu.memory_space<vmem>>) dst(%dma_wait3A_70 : memref<128x128xf32, #tpu.memory_space<vmem_shared>>)
      tpu.yield
    }) : () -> ()
    %barrier3A = arith.constant 0 : index
    tpu.barrier barrier_id(%barrier3A)
    %run_scoped3A = arith.constant 0 : i32
    "tpu.region"() ({
      %run_scoped3A_62 = tpu.sem_alloc : memref<!tpu.dma_semaphore, #tpu.memory_space<semaphore_mem>>
      %dma_start3A_63 = arith.constant 0 : i32
      %dma_start3A_64 = tpu.memref_slice %arg3[%add3A, %run_scoped3A, %dma_start3A_63] : memref<32x80x128xi32, #tpu.memory_space<hbm>> -> memref<1x1x128xi32, #tpu.memory_space<hbm>>
      %dma_start3A_65 = tpu.memref_squeeze %dma_start3A_64 : memref<1x1x128xi32, #tpu.memory_space<hbm>> -> memref<128xi32, #tpu.memory_space<hbm>>
      %dma_start3A_66 = arith.constant 0 : i32
      %dma_start3A_67 = tpu.memref_slice %arg3[%add3A, %run_scoped3A, %dma_start3A_66] : memref<32x80x128xi32, #tpu.memory_space<hbm>> -> memref<1x1x128xi32, #tpu.memory_space<hbm>>
      %dma_start3A_68 = tpu.memref_squeeze %dma_start3A_67 : memref<1x1x128xi32, #tpu.memory_space<hbm>> -> memref<128xi32, #tpu.memory_space<hbm>>
      tpu.enqueue_dma source(%dma_start3A_68 : memref<128xi32, #tpu.memory_space<hbm>>) target(%arg7 : memref<128xi32, #tpu.memory_space<vmem>>) target_semaphore(%run_scoped3A_62 : memref<!tpu.dma_semaphore, #tpu.memory_space<semaphore_mem>>)
      %dma_wait3A_69 = arith.constant 0 : i32
      %dma_wait3A_70 = tpu.memref_slice %arg3[%add3A, %run_scoped3A, %dma_wait3A_69] : memref<32x80x128xi32, #tpu.memory_space<hbm>> -> memref<1x1x128xi32, #tpu.memory_space<hbm>>
      %dma_wait3A_71 = tpu.memref_squeeze %dma_wait3A_70 : memref<1x1x128xi32, #tpu.memory_space<hbm>> -> memref<128xi32, #tpu.memory_space<hbm>>
      %dma_wait3A_72 = arith.constant 0 : i32
      %dma_wait3A_73 = tpu.memref_slice %arg3[%add3A, %run_scoped3A, %dma_wait3A_72] : memref<32x80x128xi32, #tpu.memory_space<hbm>> -> memref<1x1x128xi32, #tpu.memory_space<hbm>>
      %dma_wait3A_74 = tpu.memref_squeeze %dma_wait3A_73 : memref<1x1x128xi32, #tpu.memory_space<hbm>> -> memref<128xi32, #tpu.memory_space<hbm>>
      tpu.wait_dma2 semaphore(%run_scoped3A_62 : memref<!tpu.dma_semaphore, #tpu.memory_space<semaphore_mem>>) src(%dma_wait3A_74 : memref<128xi32, #tpu.memory_space<hbm>>) dst(%arg7 : memref<128xi32, #tpu.memory_space<vmem>>)
      tpu.yield
    }) : () -> ()
    %run_scoped3A_13 = arith.constant 0 : i32
    "tpu.region"() ({
      %run_scoped3A_62 = tpu.sem_alloc : memref<!tpu.dma_semaphore, #tpu.memory_space<semaphore_mem>>
      %dma_start3A_63 = arith.constant 0 : i32
      %dma_start3A_64 = tpu.memref_slice %arg4[%add3A, %run_scoped3A_13, %dma_start3A_63] : memref<32x80x128xi32, #tpu.memory_space<hbm>> -> memref<1x1x128xi32, #tpu.memory_space<hbm>>
      %dma_start3A_65 = tpu.memref_squeeze %dma_start3A_64 : memref<1x1x128xi32, #tpu.memory_space<hbm>> -> memref<128xi32, #tpu.memory_space<hbm>>
      %dma_start3A_66 = arith.constant 0 : i32
      %dma_start3A_67 = tpu.memref_slice %arg4[%add3A, %run_scoped3A_13, %dma_start3A_66] : memref<32x80x128xi32, #tpu.memory_space<hbm>> -> memref<1x1x128xi32, #tpu.memory_space<hbm>>
      %dma_start3A_68 = tpu.memref_squeeze %dma_start3A_67 : memref<1x1x128xi32, #tpu.memory_space<hbm>> -> memref<128xi32, #tpu.memory_space<hbm>>
      tpu.enqueue_dma source(%dma_start3A_68 : memref<128xi32, #tpu.memory_space<hbm>>) target(%arg9 : memref<128xi32, #tpu.memory_space<vmem>>) target_semaphore(%run_scoped3A_62 : memref<!tpu.dma_semaphore, #tpu.memory_space<semaphore_mem>>)
      %dma_wait3A_69 = arith.constant 0 : i32
      %dma_wait3A_70 = tpu.memref_slice %arg4[%add3A, %run_scoped3A_13, %dma_wait3A_69] : memref<32x80x128xi32, #tpu.memory_space<hbm>> -> memref<1x1x128xi32, #tpu.memory_space<hbm>>
      %dma_wait3A_71 = tpu.memref_squeeze %dma_wait3A_70 : memref<1x1x128xi32, #tpu.memory_space<hbm>> -> memref<128xi32, #tpu.memory_space<hbm>>
      %dma_wait3A_72 = arith.constant 0 : i32
      %dma_wait3A_73 = tpu.memref_slice %arg4[%add3A, %run_scoped3A_13, %dma_wait3A_72] : memref<32x80x128xi32, #tpu.memory_space<hbm>> -> memref<1x1x128xi32, #tpu.memory_space<hbm>>
      %dma_wait3A_74 = tpu.memref_squeeze %dma_wait3A_73 : memref<1x1x128xi32, #tpu.memory_space<hbm>> -> memref<128xi32, #tpu.memory_space<hbm>>
      tpu.wait_dma2 semaphore(%run_scoped3A_62 : memref<!tpu.dma_semaphore, #tpu.memory_space<semaphore_mem>>) src(%dma_wait3A_74 : memref<128xi32, #tpu.memory_space<hbm>>) dst(%arg9 : memref<128xi32, #tpu.memory_space<vmem>>)
      tpu.yield
    }) : () -> ()
    %dma_start3A = arith.constant 0 : i32
    %dma_start3A_14 = arith.constant 0 : i32
    %dma_start3A_15 = tpu.memref_slice %arg2[%dma_start3A, %dma_start3A_14] : memref<10000x128xf32, #tpu.memory_space<hbm>> -> memref<10000x128xf32, #tpu.memory_space<hbm>>
    tpu.enqueue_indirect_dma source(%dma_start3A_15 : memref<10000x128xf32, #tpu.memory_space<hbm>>) target(%arg11 : memref<128x128xf32, #tpu.memory_space<vmem>>) offsets(%arg7 : memref<128xi32, #tpu.memory_space<vmem>>) semaphore(%arg14 : memref<!tpu.dma_semaphore, #tpu.memory_space<semaphore_mem>>)
    %dma_start3A_16 = arith.constant 1 : i32
    %dma_start3A_17 = arith.constant 0 : i32
    %dma_start3A_18 = tpu.memref_slice %arg3[%add3A, %dma_start3A_16, %dma_start3A_17] : memref<32x80x128xi32, #tpu.memory_space<hbm>> -> memref<1x1x128xi32, #tpu.memory_space<hbm>>
    %dma_start3A_19 = tpu.memref_squeeze %dma_start3A_18 : memref<1x1x128xi32, #tpu.memory_space<hbm>> -> memref<128xi32, #tpu.memory_space<hbm>>
    %dma_start3A_20 = arith.constant 0 : i32
    %dma_start3A_21 = tpu.memref_slice %arg3[%add3A, %dma_start3A_16, %dma_start3A_20] : memref<32x80x128xi32, #tpu.memory_space<hbm>> -> memref<1x1x128xi32, #tpu.memory_space<hbm>>
    %dma_start3A_22 = tpu.memref_squeeze %dma_start3A_21 : memref<1x1x128xi32, #tpu.memory_space<hbm>> -> memref<128xi32, #tpu.memory_space<hbm>>
    tpu.enqueue_dma source(%dma_start3A_22 : memref<128xi32, #tpu.memory_space<hbm>>) target(%arg8 : memref<128xi32, #tpu.memory_space<vmem>>) target_semaphore(%arg17 : memref<!tpu.dma_semaphore, #tpu.memory_space<semaphore_mem>>)
    %dma_start3A_23 = arith.constant 1 : i32
    %dma_start3A_24 = arith.constant 0 : i32
    %dma_start3A_25 = tpu.memref_slice %arg4[%add3A, %dma_start3A_23, %dma_start3A_24] : memref<32x80x128xi32, #tpu.memory_space<hbm>> -> memref<1x1x128xi32, #tpu.memory_space<hbm>>
    %dma_start3A_26 = tpu.memref_squeeze %dma_start3A_25 : memref<1x1x128xi32, #tpu.memory_space<hbm>> -> memref<128xi32, #tpu.memory_space<hbm>>
    %dma_start3A_27 = arith.constant 0 : i32
    %dma_start3A_28 = tpu.memref_slice %arg4[%add3A, %dma_start3A_23, %dma_start3A_27] : memref<32x80x128xi32, #tpu.memory_space<hbm>> -> memref<1x1x128xi32, #tpu.memory_space<hbm>>
    %dma_start3A_29 = tpu.memref_squeeze %dma_start3A_28 : memref<1x1x128xi32, #tpu.memory_space<hbm>> -> memref<128xi32, #tpu.memory_space<hbm>>
    tpu.enqueue_dma source(%dma_start3A_29 : memref<128xi32, #tpu.memory_space<hbm>>) target(%arg10 : memref<128xi32, #tpu.memory_space<vmem>>) target_semaphore(%arg19 : memref<!tpu.dma_semaphore, #tpu.memory_space<semaphore_mem>>)
    %scan3A = arith.constant 0 : i32
    %scan3A_30 = arith.constant 0 : i32
    %scan3A_31 = arith.constant 40 : i32
    %scan3A_32 = arith.addi %scan3A_30, %scan3A_31 : i32
    %scan3A_33 = arith.constant 1 : i32
    scf.for %scan3A_62 = %scan3A_30 to %scan3A_32 step %scan3A_33  : i32 {
      %mul3A_63 = arith.constant 2 : i32
      %mul3A_64 = arith.muli %mul3A_63, %scan3A_62 : i32
      %dma_wait3A_65 = arith.constant 0 : i32
      %dma_wait3A_66 = arith.constant 0 : i32
      %dma_wait3A_67 = tpu.memref_slice %arg2[%dma_wait3A_65, %dma_wait3A_66] : memref<10000x128xf32, #tpu.memory_space<hbm>> -> memref<10000x128xf32, #tpu.memory_space<hbm>>
      tpu.wait_indirect_dma semaphore(%arg14 : memref<!tpu.dma_semaphore, #tpu.memory_space<semaphore_mem>>) src(%dma_wait3A_67 : memref<10000x128xf32, #tpu.memory_space<hbm>>) dst(%arg11 : memref<128x128xf32, #tpu.memory_space<vmem>>)
      %dma_wait3A_68 = arith.constant 0 : i32
      %dma_wait3A_69 = arith.constant 0 : i32
      %dma_wait3A_70 = tpu.memref_slice %arg3[%add3A, %dma_wait3A_68, %dma_wait3A_69] : memref<32x80x128xi32, #tpu.memory_space<hbm>> -> memref<1x1x128xi32, #tpu.memory_space<hbm>>
      %dma_wait3A_71 = tpu.memref_squeeze %dma_wait3A_70 : memref<1x1x128xi32, #tpu.memory_space<hbm>> -> memref<128xi32, #tpu.memory_space<hbm>>
      %dma_wait3A_72 = arith.constant 0 : i32
      %dma_wait3A_73 = tpu.memref_slice %arg3[%add3A, %dma_wait3A_68, %dma_wait3A_72] : memref<32x80x128xi32, #tpu.memory_space<hbm>> -> memref<1x1x128xi32, #tpu.memory_space<hbm>>
      %dma_wait3A_74 = tpu.memref_squeeze %dma_wait3A_73 : memref<1x1x128xi32, #tpu.memory_space<hbm>> -> memref<128xi32, #tpu.memory_space<hbm>>
      tpu.wait_dma2 semaphore(%arg17 : memref<!tpu.dma_semaphore, #tpu.memory_space<semaphore_mem>>) src(%dma_wait3A_74 : memref<128xi32, #tpu.memory_space<hbm>>) dst(%arg8 : memref<128xi32, #tpu.memory_space<vmem>>)
      %dma_wait3A_75 = arith.constant 0 : i32
      %dma_wait3A_76 = arith.constant 0 : i32
      %dma_wait3A_77 = tpu.memref_slice %arg4[%add3A, %dma_wait3A_75, %dma_wait3A_76] : memref<32x80x128xi32, #tpu.memory_space<hbm>> -> memref<1x1x128xi32, #tpu.memory_space<hbm>>
      %dma_wait3A_78 = tpu.memref_squeeze %dma_wait3A_77 : memref<1x1x128xi32, #tpu.memory_space<hbm>> -> memref<128xi32, #tpu.memory_space<hbm>>
      %dma_wait3A_79 = arith.constant 0 : i32
      %dma_wait3A_80 = tpu.memref_slice %arg4[%add3A, %dma_wait3A_75, %dma_wait3A_79] : memref<32x80x128xi32, #tpu.memory_space<hbm>> -> memref<1x1x128xi32, #tpu.memory_space<hbm>>
      %dma_wait3A_81 = tpu.memref_squeeze %dma_wait3A_80 : memref<1x1x128xi32, #tpu.memory_space<hbm>> -> memref<128xi32, #tpu.memory_space<hbm>>
      tpu.wait_dma2 semaphore(%arg19 : memref<!tpu.dma_semaphore, #tpu.memory_space<semaphore_mem>>) src(%dma_wait3A_81 : memref<128xi32, #tpu.memory_space<hbm>>) dst(%arg10 : memref<128xi32, #tpu.memory_space<vmem>>)
      %dma_start3A_82 = arith.constant 0 : i32
      %dma_start3A_83 = arith.constant 0 : i32
      %dma_start3A_84 = tpu.memref_slice %arg2[%dma_start3A_82, %dma_start3A_83] : memref<10000x128xf32, #tpu.memory_space<hbm>> -> memref<10000x128xf32, #tpu.memory_space<hbm>>
      tpu.enqueue_indirect_dma source(%dma_start3A_84 : memref<10000x128xf32, #tpu.memory_space<hbm>>) target(%arg12 : memref<128x128xf32, #tpu.memory_space<vmem>>) offsets(%arg8 : memref<128xi32, #tpu.memory_space<vmem>>) semaphore(%arg15 : memref<!tpu.dma_semaphore, #tpu.memory_space<semaphore_mem>>)
      "tpu.region"() ({
        %run_scoped3A_136 = tpu.sem_alloc : memref<!tpu.dma_semaphore, #tpu.memory_space<semaphore_mem>>
        %dma_start3A_137 = arith.constant 0 : i32
        %dma_start3A_138 = arith.constant 0 : i32
        %dma_start3A_139 = tpu.memref_slice %arg13[%dma_start3A_137, %dma_start3A_138] : memref<10240x128xf32, #tpu.memory_space<vmem_shared>> -> memref<10240x128xf32, #tpu.memory_space<vmem_shared>>
        tpu.enqueue_indirect_dma source(%arg11 : memref<128x128xf32, #tpu.memory_space<vmem>>) target(%dma_start3A_139 : memref<10240x128xf32, #tpu.memory_space<vmem_shared>>) offsets(%arg9 : memref<128xi32, #tpu.memory_space<vmem>>) semaphore(%run_scoped3A_136 : memref<!tpu.dma_semaphore, #tpu.memory_space<semaphore_mem>>) {add = true}
        %dma_wait3A_140 = arith.constant 0 : i32
        %dma_wait3A_141 = arith.constant 0 : i32
        %dma_wait3A_142 = tpu.memref_slice %arg13[%dma_wait3A_140, %dma_wait3A_141] : memref<10240x128xf32, #tpu.memory_space<vmem_shared>> -> memref<10240x128xf32, #tpu.memory_space<vmem_shared>>
        tpu.wait_indirect_dma semaphore(%run_scoped3A_136 : memref<!tpu.dma_semaphore, #tpu.memory_space<semaphore_mem>>) src(%arg11 : memref<128x128xf32, #tpu.memory_space<vmem>>) dst(%dma_wait3A_142 : memref<10240x128xf32, #tpu.memory_space<vmem_shared>>)
        tpu.yield
      }) : () -> ()
      %add3A_85 = arith.constant 2 : i32
      %add3A_86 = arith.addi %mul3A_64, %add3A_85 : i32
      %min3A = arith.constant 79 : i32
      %min3A_87 = arith.minsi %add3A_86, %min3A : i32
      %dma_start3A_88 = arith.constant 0 : i32
      %dma_start3A_89 = tpu.memref_slice %arg3[%add3A, %min3A_87, %dma_start3A_88] : memref<32x80x128xi32, #tpu.memory_space<hbm>> -> memref<1x1x128xi32, #tpu.memory_space<hbm>>
      %dma_start3A_90 = tpu.memref_squeeze %dma_start3A_89 : memref<1x1x128xi32, #tpu.memory_space<hbm>> -> memref<128xi32, #tpu.memory_space<hbm>>
      %dma_start3A_91 = arith.constant 0 : i32
      %dma_start3A_92 = tpu.memref_slice %arg3[%add3A, %min3A_87, %dma_start3A_91] : memref<32x80x128xi32, #tpu.memory_space<hbm>> -> memref<1x1x128xi32, #tpu.memory_space<hbm>>
      %dma_start3A_93 = tpu.memref_squeeze %dma_start3A_92 : memref<1x1x128xi32, #tpu.memory_space<hbm>> -> memref<128xi32, #tpu.memory_space<hbm>>
      tpu.enqueue_dma source(%dma_start3A_93 : memref<128xi32, #tpu.memory_space<hbm>>) target(%arg7 : memref<128xi32, #tpu.memory_space<vmem>>) target_semaphore(%arg16 : memref<!tpu.dma_semaphore, #tpu.memory_space<semaphore_mem>>)
      %dma_start3A_94 = arith.constant 0 : i32
      %dma_start3A_95 = tpu.memref_slice %arg4[%add3A, %min3A_87, %dma_start3A_94] : memref<32x80x128xi32, #tpu.memory_space<hbm>> -> memref<1x1x128xi32, #tpu.memory_space<hbm>>
      %dma_start3A_96 = tpu.memref_squeeze %dma_start3A_95 : memref<1x1x128xi32, #tpu.memory_space<hbm>> -> memref<128xi32, #tpu.memory_space<hbm>>
      %dma_start3A_97 = arith.constant 0 : i32
      %dma_start3A_98 = tpu.memref_slice %arg4[%add3A, %min3A_87, %dma_start3A_97] : memref<32x80x128xi32, #tpu.memory_space<hbm>> -> memref<1x1x128xi32, #tpu.memory_space<hbm>>
      %dma_start3A_99 = tpu.memref_squeeze %dma_start3A_98 : memref<1x1x128xi32, #tpu.memory_space<hbm>> -> memref<128xi32, #tpu.memory_space<hbm>>
      tpu.enqueue_dma source(%dma_start3A_99 : memref<128xi32, #tpu.memory_space<hbm>>) target(%arg9 : memref<128xi32, #tpu.memory_space<vmem>>) target_semaphore(%arg18 : memref<!tpu.dma_semaphore, #tpu.memory_space<semaphore_mem>>)
      %dma_wait3A_100 = arith.constant 0 : i32
      %dma_wait3A_101 = arith.constant 0 : i32
      %dma_wait3A_102 = tpu.memref_slice %arg2[%dma_wait3A_100, %dma_wait3A_101] : memref<10000x128xf32, #tpu.memory_space<hbm>> -> memref<10000x128xf32, #tpu.memory_space<hbm>>
      tpu.wait_indirect_dma semaphore(%arg15 : memref<!tpu.dma_semaphore, #tpu.memory_space<semaphore_mem>>) src(%dma_wait3A_102 : memref<10000x128xf32, #tpu.memory_space<hbm>>) dst(%arg12 : memref<128x128xf32, #tpu.memory_space<vmem>>)
      %dma_wait3A_103 = arith.constant 0 : i32
      %dma_wait3A_104 = arith.constant 0 : i32
      %dma_wait3A_105 = tpu.memref_slice %arg3[%add3A, %dma_wait3A_103, %dma_wait3A_104] : memref<32x80x128xi32, #tpu.memory_space<hbm>> -> memref<1x1x128xi32, #tpu.memory_space<hbm>>
      %dma_wait3A_106 = tpu.memref_squeeze %dma_wait3A_105 : memref<1x1x128xi32, #tpu.memory_space<hbm>> -> memref<128xi32, #tpu.memory_space<hbm>>
      %dma_wait3A_107 = arith.constant 0 : i32
      %dma_wait3A_108 = tpu.memref_slice %arg3[%add3A, %dma_wait3A_103, %dma_wait3A_107] : memref<32x80x128xi32, #tpu.memory_space<hbm>> -> memref<1x1x128xi32, #tpu.memory_space<hbm>>
      %dma_wait3A_109 = tpu.memref_squeeze %dma_wait3A_108 : memref<1x1x128xi32, #tpu.memory_space<hbm>> -> memref<128xi32, #tpu.memory_space<hbm>>
      tpu.wait_dma2 semaphore(%arg16 : memref<!tpu.dma_semaphore, #tpu.memory_space<semaphore_mem>>) src(%dma_wait3A_109 : memref<128xi32, #tpu.memory_space<hbm>>) dst(%arg7 : memref<128xi32, #tpu.memory_space<vmem>>)
      %dma_wait3A_110 = arith.constant 0 : i32
      %dma_wait3A_111 = arith.constant 0 : i32
      %dma_wait3A_112 = tpu.memref_slice %arg4[%add3A, %dma_wait3A_110, %dma_wait3A_111] : memref<32x80x128xi32, #tpu.memory_space<hbm>> -> memref<1x1x128xi32, #tpu.memory_space<hbm>>
      %dma_wait3A_113 = tpu.memref_squeeze %dma_wait3A_112 : memref<1x1x128xi32, #tpu.memory_space<hbm>> -> memref<128xi32, #tpu.memory_space<hbm>>
      %dma_wait3A_114 = arith.constant 0 : i32
      %dma_wait3A_115 = tpu.memref_slice %arg4[%add3A, %dma_wait3A_110, %dma_wait3A_114] : memref<32x80x128xi32, #tpu.memory_space<hbm>> -> memref<1x1x128xi32, #tpu.memory_space<hbm>>
      %dma_wait3A_116 = tpu.memref_squeeze %dma_wait3A_115 : memref<1x1x128xi32, #tpu.memory_space<hbm>> -> memref<128xi32, #tpu.memory_space<hbm>>
      tpu.wait_dma2 semaphore(%arg18 : memref<!tpu.dma_semaphore, #tpu.memory_space<semaphore_mem>>) src(%dma_wait3A_116 : memref<128xi32, #tpu.memory_space<hbm>>) dst(%arg9 : memref<128xi32, #tpu.memory_space<vmem>>)
      %dma_start3A_117 = arith.constant 0 : i32
      %dma_start3A_118 = arith.constant 0 : i32
      %dma_start3A_119 = tpu.memref_slice %arg2[%dma_start3A_117, %dma_start3A_118] : memref<10000x128xf32, #tpu.memory_space<hbm>> -> memref<10000x128xf32, #tpu.memory_space<hbm>>
      tpu.enqueue_indirect_dma source(%dma_start3A_119 : memref<10000x128xf32, #tpu.memory_space<hbm>>) target(%arg11 : memref<128x128xf32, #tpu.memory_space<vmem>>) offsets(%arg7 : memref<128xi32, #tpu.memory_space<vmem>>) semaphore(%arg14 : memref<!tpu.dma_semaphore, #tpu.memory_space<semaphore_mem>>)
      "tpu.region"() ({
        %run_scoped3A_136 = tpu.sem_alloc : memref<!tpu.dma_semaphore, #tpu.memory_space<semaphore_mem>>
        %dma_start3A_137 = arith.constant 0 : i32
        %dma_start3A_138 = arith.constant 0 : i32
        %dma_start3A_139 = tpu.memref_slice %arg13[%dma_start3A_137, %dma_start3A_138] : memref<10240x128xf32, #tpu.memory_space<vmem_shared>> -> memref<10240x128xf32, #tpu.memory_space<vmem_shared>>
        tpu.enqueue_indirect_dma source(%arg12 : memref<128x128xf32, #tpu.memory_space<vmem>>) target(%dma_start3A_139 : memref<10240x128xf32, #tpu.memory_space<vmem_shared>>) offsets(%arg10 : memref<128xi32, #tpu.memory_space<vmem>>) semaphore(%run_scoped3A_136 : memref<!tpu.dma_semaphore, #tpu.memory_space<semaphore_mem>>) {add = true}
        %dma_wait3A_140 = arith.constant 0 : i32
        %dma_wait3A_141 = arith.constant 0 : i32
        %dma_wait3A_142 = tpu.memref_slice %arg13[%dma_wait3A_140, %dma_wait3A_141] : memref<10240x128xf32, #tpu.memory_space<vmem_shared>> -> memref<10240x128xf32, #tpu.memory_space<vmem_shared>>
        tpu.wait_indirect_dma semaphore(%run_scoped3A_136 : memref<!tpu.dma_semaphore, #tpu.memory_space<semaphore_mem>>) src(%arg12 : memref<128x128xf32, #tpu.memory_space<vmem>>) dst(%dma_wait3A_142 : memref<10240x128xf32, #tpu.memory_space<vmem_shared>>)
        tpu.yield
      }) : () -> ()
      %add3A_120 = arith.constant 3 : i32
      %add3A_121 = arith.addi %mul3A_64, %add3A_120 : i32
      %min3A_122 = arith.constant 79 : i32
      %min3A_123 = arith.minsi %add3A_121, %min3A_122 : i32
      %dma_start3A_124 = arith.constant 0 : i32
      %dma_start3A_125 = tpu.memref_slice %arg3[%add3A, %min3A_123, %dma_start3A_124] : memref<32x80x128xi32, #tpu.memory_space<hbm>> -> memref<1x1x128xi32, #tpu.memory_space<hbm>>
      %dma_start3A_126 = tpu.memref_squeeze %dma_start3A_125 : memref<1x1x128xi32, #tpu.memory_space<hbm>> -> memref<128xi32, #tpu.memory_space<hbm>>
      %dma_start3A_127 = arith.constant 0 : i32
      %dma_start3A_128 = tpu.memref_slice %arg3[%add3A, %min3A_123, %dma_start3A_127] : memref<32x80x128xi32, #tpu.memory_space<hbm>> -> memref<1x1x128xi32, #tpu.memory_space<hbm>>
      %dma_start3A_129 = tpu.memref_squeeze %dma_start3A_128 : memref<1x1x128xi32, #tpu.memory_space<hbm>> -> memref<128xi32, #tpu.memory_space<hbm>>
      tpu.enqueue_dma source(%dma_start3A_129 : memref<128xi32, #tpu.memory_space<hbm>>) target(%arg8 : memref<128xi32, #tpu.memory_space<vmem>>) target_semaphore(%arg17 : memref<!tpu.dma_semaphore, #tpu.memory_space<semaphore_mem>>)
      %dma_start3A_130 = arith.constant 0 : i32
      %dma_start3A_131 = tpu.memref_slice %arg4[%add3A, %min3A_123, %dma_start3A_130] : memref<32x80x128xi32, #tpu.memory_space<hbm>> -> memref<1x1x128xi32, #tpu.memory_space<hbm>>
      %dma_start3A_132 = tpu.memref_squeeze %dma_start3A_131 : memref<1x1x128xi32, #tpu.memory_space<hbm>> -> memref<128xi32, #tpu.memory_space<hbm>>
      %dma_start3A_133 = arith.constant 0 : i32
      %dma_start3A_134 = tpu.memref_slice %arg4[%add3A, %min3A_123, %dma_start3A_133] : memref<32x80x128xi32, #tpu.memory_space<hbm>> -> memref<1x1x128xi32, #tpu.memory_space<hbm>>
      %dma_start3A_135 = tpu.memref_squeeze %dma_start3A_134 : memref<1x1x128xi32, #tpu.memory_space<hbm>> -> memref<128xi32, #tpu.memory_space<hbm>>
      tpu.enqueue_dma source(%dma_start3A_135 : memref<128xi32, #tpu.memory_space<hbm>>) target(%arg10 : memref<128xi32, #tpu.memory_space<vmem>>) target_semaphore(%arg19 : memref<!tpu.dma_semaphore, #tpu.memory_space<semaphore_mem>>)
    }
    %scan3A_34 = arith.constant 40 : i32
    %dma_wait3A = arith.constant 0 : i32
    %dma_wait3A_35 = arith.constant 0 : i32
    %dma_wait3A_36 = tpu.memref_slice %arg2[%dma_wait3A, %dma_wait3A_35] : memref<10000x128xf32, #tpu.memory_space<hbm>> -> memref<10000x128xf32, #tpu.memory_space<hbm>>
    tpu.wait_indirect_dma semaphore(%arg14 : memref<!tpu.dma_semaphore, #tpu.memory_space<semaphore_mem>>) src(%dma_wait3A_36 : memref<10000x128xf32, #tpu.memory_space<hbm>>) dst(%arg11 : memref<128x128xf32, #tpu.memory_space<vmem>>)
    %dma_wait3A_37 = arith.constant 0 : i32
    %dma_wait3A_38 = arith.constant 0 : i32
    %dma_wait3A_39 = tpu.memref_slice %arg3[%add3A, %dma_wait3A_37, %dma_wait3A_38] : memref<32x80x128xi32, #tpu.memory_space<hbm>> -> memref<1x1x128xi32, #tpu.memory_space<hbm>>
    %dma_wait3A_40 = tpu.memref_squeeze %dma_wait3A_39 : memref<1x1x128xi32, #tpu.memory_space<hbm>> -> memref<128xi32, #tpu.memory_space<hbm>>
    %dma_wait3A_41 = arith.constant 0 : i32
    %dma_wait3A_42 = tpu.memref_slice %arg3[%add3A, %dma_wait3A_37, %dma_wait3A_41] : memref<32x80x128xi32, #tpu.memory_space<hbm>> -> memref<1x1x128xi32, #tpu.memory_space<hbm>>
    %dma_wait3A_43 = tpu.memref_squeeze %dma_wait3A_42 : memref<1x1x128xi32, #tpu.memory_space<hbm>> -> memref<128xi32, #tpu.memory_space<hbm>>
    tpu.wait_dma2 semaphore(%arg17 : memref<!tpu.dma_semaphore, #tpu.memory_space<semaphore_mem>>) src(%dma_wait3A_43 : memref<128xi32, #tpu.memory_space<hbm>>) dst(%arg8 : memref<128xi32, #tpu.memory_space<vmem>>)
    %dma_wait3A_44 = arith.constant 0 : i32
    %dma_wait3A_45 = arith.constant 0 : i32
    %dma_wait3A_46 = tpu.memref_slice %arg4[%add3A, %dma_wait3A_44, %dma_wait3A_45] : memref<32x80x128xi32, #tpu.memory_space<hbm>> -> memref<1x1x128xi32, #tpu.memory_space<hbm>>
    %dma_wait3A_47 = tpu.memref_squeeze %dma_wait3A_46 : memref<1x1x128xi32, #tpu.memory_space<hbm>> -> memref<128xi32, #tpu.memory_space<hbm>>
    %dma_wait3A_48 = arith.constant 0 : i32
    %dma_wait3A_49 = tpu.memref_slice %arg4[%add3A, %dma_wait3A_44, %dma_wait3A_48] : memref<32x80x128xi32, #tpu.memory_space<hbm>> -> memref<1x1x128xi32, #tpu.memory_space<hbm>>
    %dma_wait3A_50 = tpu.memref_squeeze %dma_wait3A_49 : memref<1x1x128xi32, #tpu.memory_space<hbm>> -> memref<128xi32, #tpu.memory_space<hbm>>
    tpu.wait_dma2 semaphore(%arg19 : memref<!tpu.dma_semaphore, #tpu.memory_space<semaphore_mem>>) src(%dma_wait3A_50 : memref<128xi32, #tpu.memory_space<hbm>>) dst(%arg10 : memref<128xi32, #tpu.memory_space<vmem>>)
    %barrier3A_51 = arith.constant 0 : index
    tpu.barrier barrier_id(%barrier3A_51)
    %add3A_52 = arith.constant 0 : i32
    %add3A_53 = arith.addi %mul3A_2, %add3A_52 : i32
    "tpu.region"() ({
      %run_scoped3A_62 = tpu.sem_alloc : memref<!tpu.dma_semaphore, #tpu.memory_space<semaphore_mem>>
      %dma_start3A_63 = arith.constant 0 : i32
      %dma_start3A_64 = tpu.memref_slice %arg13[%add3A_53, %dma_start3A_63] : memref<10240x128xf32, #tpu.memory_space<vmem_shared>> -> memref<128x128xf32, #tpu.memory_space<vmem_shared>>
      %dma_start3A_65 = arith.constant 0 : i32
      %dma_start3A_66 = tpu.memref_slice %arg13[%add3A_53, %dma_start3A_65] : memref<10240x128xf32, #tpu.memory_space<vmem_shared>> -> memref<128x128xf32, #tpu.memory_space<vmem_shared>>
      tpu.enqueue_dma source(%dma_start3A_66 : memref<128x128xf32, #tpu.memory_space<vmem_shared>>) target(%arg11 : memref<128x128xf32, #tpu.memory_space<vmem>>) target_semaphore(%run_scoped3A_62 : memref<!tpu.dma_semaphore, #tpu.memory_space<semaphore_mem>>)
      %dma_wait3A_67 = arith.constant 0 : i32
      %dma_wait3A_68 = tpu.memref_slice %arg13[%add3A_53, %dma_wait3A_67] : memref<10240x128xf32, #tpu.memory_space<vmem_shared>> -> memref<128x128xf32, #tpu.memory_space<vmem_shared>>
      %dma_wait3A_69 = arith.constant 0 : i32
      %dma_wait3A_70 = tpu.memref_slice %arg13[%add3A_53, %dma_wait3A_69] : memref<10240x128xf32, #tpu.memory_space<vmem_shared>> -> memref<128x128xf32, #tpu.memory_space<vmem_shared>>
      tpu.wait_dma2 semaphore(%run_scoped3A_62 : memref<!tpu.dma_semaphore, #tpu.memory_space<semaphore_mem>>) src(%dma_wait3A_70 : memref<128x128xf32, #tpu.memory_space<vmem_shared>>) dst(%arg11 : memref<128x128xf32, #tpu.memory_space<vmem>>)
      tpu.yield
    }) : () -> ()
    "tpu.region"() ({
      %run_scoped3A_62 = tpu.sem_alloc : memref<!tpu.dma_semaphore, #tpu.memory_space<semaphore_mem>>
      %dma_start3A_63 = arith.constant 0 : i32
      %dma_start3A_64 = arith.constant 0 : i32
      %dma_start3A_65 = tpu.memref_slice %arg6[%add3A, %dma_start3A_63, %dma_start3A_64] : memref<32x640x128xf32, #tpu.memory_space<hbm>> -> memref<1x128x128xf32, #tpu.memory_space<hbm>>
      %dma_start3A_66 = tpu.memref_squeeze %dma_start3A_65 : memref<1x128x128xf32, #tpu.memory_space<hbm>> -> memref<128x128xf32, #tpu.memory_space<hbm>>
      %dma_start3A_67 = arith.constant 0 : i32
      %dma_start3A_68 = arith.constant 0 : i32
      %dma_start3A_69 = tpu.memref_slice %arg6[%add3A, %dma_start3A_67, %dma_start3A_68] : memref<32x640x128xf32, #tpu.memory_space<hbm>> -> memref<1x128x128xf32, #tpu.memory_space<hbm>>
      %dma_start3A_70 = tpu.memref_squeeze %dma_start3A_69 : memref<1x128x128xf32, #tpu.memory_space<hbm>> -> memref<128x128xf32, #tpu.memory_space<hbm>>
      tpu.enqueue_dma source(%arg11 : memref<128x128xf32, #tpu.memory_space<vmem>>) target(%dma_start3A_70 : memref<128x128xf32, #tpu.memory_space<hbm>>) target_semaphore(%run_scoped3A_62 : memref<!tpu.dma_semaphore, #tpu.memory_space<semaphore_mem>>)
      %dma_wait3A_71 = arith.constant 0 : i32
      %dma_wait3A_72 = arith.constant 0 : i32
      %dma_wait3A_73 = tpu.memref_slice %arg6[%add3A, %dma_wait3A_71, %dma_wait3A_72] : memref<32x640x128xf32, #tpu.memory_space<hbm>> -> memref<1x128x128xf32, #tpu.memory_space<hbm>>
      %dma_wait3A_74 = tpu.memref_squeeze %dma_wait3A_73 : memref<1x128x128xf32, #tpu.memory_space<hbm>> -> memref<128x128xf32, #tpu.memory_space<hbm>>
      %dma_wait3A_75 = arith.constant 0 : i32
      %dma_wait3A_76 = arith.constant 0 : i32
      %dma_wait3A_77 = tpu.memref_slice %arg6[%add3A, %dma_wait3A_75, %dma_wait3A_76] : memref<32x640x128xf32, #tpu.memory_space<hbm>> -> memref<1x128x128xf32, #tpu.memory_space<hbm>>
      %dma_wait3A_78 = tpu.memref_squeeze %dma_wait3A_77 : memref<1x128x128xf32, #tpu.memory_space<hbm>> -> memref<128x128xf32, #tpu.memory_space<hbm>>
      tpu.wait_dma2 semaphore(%run_scoped3A_62 : memref<!tpu.dma_semaphore, #tpu.memory_space<semaphore_mem>>) src(%arg11 : memref<128x128xf32, #tpu.memory_space<vmem>>) dst(%dma_wait3A_78 : memref<128x128xf32, #tpu.memory_space<hbm>>)
      tpu.yield
    }) : () -> ()
    %add3A_54 = arith.constant 128 : i32
    %add3A_55 = arith.addi %mul3A_2, %add3A_54 : i32
    "tpu.region"() ({
      %run_scoped3A_62 = tpu.sem_alloc : memref<!tpu.dma_semaphore, #tpu.memory_space<semaphore_mem>>
      %dma_start3A_63 = arith.constant 0 : i32
      %dma_start3A_64 = tpu.memref_slice %arg13[%add3A_55, %dma_start3A_63] : memref<10240x128xf32, #tpu.memory_space<vmem_shared>> -> memref<128x128xf32, #tpu.memory_space<vmem_shared>>
      %dma_start3A_65 = arith.constant 0 : i32
      %dma_start3A_66 = tpu.memref_slice %arg13[%add3A_55, %dma_start3A_65] : memref<10240x128xf32, #tpu.memory_space<vmem_shared>> -> memref<128x128xf32, #tpu.memory_space<vmem_shared>>
      tpu.enqueue_dma source(%dma_start3A_66 : memref<128x128xf32, #tpu.memory_space<vmem_shared>>) target(%arg11 : memref<128x128xf32, #tpu.memory_space<vmem>>) target_semaphore(%run_scoped3A_62 : memref<!tpu.dma_semaphore, #tpu.memory_space<semaphore_mem>>)
      %dma_wait3A_67 = arith.constant 0 : i32
      %dma_wait3A_68 = tpu.memref_slice %arg13[%add3A_55, %dma_wait3A_67] : memref<10240x128xf32, #tpu.memory_space<vmem_shared>> -> memref<128x128xf32, #tpu.memory_space<vmem_shared>>
      %dma_wait3A_69 = arith.constant 0 : i32
      %dma_wait3A_70 = tpu.memref_slice %arg13[%add3A_55, %dma_wait3A_69] : memref<10240x128xf32, #tpu.memory_space<vmem_shared>> -> memref<128x128xf32, #tpu.memory_space<vmem_shared>>
      tpu.wait_dma2 semaphore(%run_scoped3A_62 : memref<!tpu.dma_semaphore, #tpu.memory_space<semaphore_mem>>) src(%dma_wait3A_70 : memref<128x128xf32, #tpu.memory_space<vmem_shared>>) dst(%arg11 : memref<128x128xf32, #tpu.memory_space<vmem>>)
      tpu.yield
    }) : () -> ()
    "tpu.region"() ({
      %run_scoped3A_62 = tpu.sem_alloc : memref<!tpu.dma_semaphore, #tpu.memory_space<semaphore_mem>>
      %dma_start3A_63 = arith.constant 128 : i32
      %dma_start3A_64 = arith.constant 0 : i32
      %dma_start3A_65 = tpu.memref_slice %arg6[%add3A, %dma_start3A_63, %dma_start3A_64] : memref<32x640x128xf32, #tpu.memory_space<hbm>> -> memref<1x128x128xf32, #tpu.memory_space<hbm>>
      %dma_start3A_66 = tpu.memref_squeeze %dma_start3A_65 : memref<1x128x128xf32, #tpu.memory_space<hbm>> -> memref<128x128xf32, #tpu.memory_space<hbm>>
      %dma_start3A_67 = arith.constant 128 : i32
      %dma_start3A_68 = arith.constant 0 : i32
      %dma_start3A_69 = tpu.memref_slice %arg6[%add3A, %dma_start3A_67, %dma_start3A_68] : memref<32x640x128xf32, #tpu.memory_space<hbm>> -> memref<1x128x128xf32, #tpu.memory_space<hbm>>
      %dma_start3A_70 = tpu.memref_squeeze %dma_start3A_69 : memref<1x128x128xf32, #tpu.memory_space<hbm>> -> memref<128x128xf32, #tpu.memory_space<hbm>>
      tpu.enqueue_dma source(%arg11 : memref<128x128xf32, #tpu.memory_space<vmem>>) target(%dma_start3A_70 : memref<128x128xf32, #tpu.memory_space<hbm>>) target_semaphore(%run_scoped3A_62 : memref<!tpu.dma_semaphore, #tpu.memory_space<semaphore_mem>>)
      %dma_wait3A_71 = arith.constant 128 : i32
      %dma_wait3A_72 = arith.constant 0 : i32
      %dma_wait3A_73 = tpu.memref_slice %arg6[%add3A, %dma_wait3A_71, %dma_wait3A_72] : memref<32x640x128xf32, #tpu.memory_space<hbm>> -> memref<1x128x128xf32, #tpu.memory_space<hbm>>
      %dma_wait3A_74 = tpu.memref_squeeze %dma_wait3A_73 : memref<1x128x128xf32, #tpu.memory_space<hbm>> -> memref<128x128xf32, #tpu.memory_space<hbm>>
      %dma_wait3A_75 = arith.constant 128 : i32
      %dma_wait3A_76 = arith.constant 0 : i32
      %dma_wait3A_77 = tpu.memref_slice %arg6[%add3A, %dma_wait3A_75, %dma_wait3A_76] : memref<32x640x128xf32, #tpu.memory_space<hbm>> -> memref<1x128x128xf32, #tpu.memory_space<hbm>>
      %dma_wait3A_78 = tpu.memref_squeeze %dma_wait3A_77 : memref<1x128x128xf32, #tpu.memory_space<hbm>> -> memref<128x128xf32, #tpu.memory_space<hbm>>
      tpu.wait_dma2 semaphore(%run_scoped3A_62 : memref<!tpu.dma_semaphore, #tpu.memory_space<semaphore_mem>>) src(%arg11 : memref<128x128xf32, #tpu.memory_space<vmem>>) dst(%dma_wait3A_78 : memref<128x128xf32, #tpu.memory_space<hbm>>)
      tpu.yield
    }) : () -> ()
    %add3A_56 = arith.constant 256 : i32
    %add3A_57 = arith.addi %mul3A_2, %add3A_56 : i32
    "tpu.region"() ({
      %run_scoped3A_62 = tpu.sem_alloc : memref<!tpu.dma_semaphore, #tpu.memory_space<semaphore_mem>>
      %dma_start3A_63 = arith.constant 0 : i32
      %dma_start3A_64 = tpu.memref_slice %arg13[%add3A_57, %dma_start3A_63] : memref<10240x128xf32, #tpu.memory_space<vmem_shared>> -> memref<128x128xf32, #tpu.memory_space<vmem_shared>>
      %dma_start3A_65 = arith.constant 0 : i32
      %dma_start3A_66 = tpu.memref_slice %arg13[%add3A_57, %dma_start3A_65] : memref<10240x128xf32, #tpu.memory_space<vmem_shared>> -> memref<128x128xf32, #tpu.memory_space<vmem_shared>>
      tpu.enqueue_dma source(%dma_start3A_66 : memref<128x128xf32, #tpu.memory_space<vmem_shared>>) target(%arg11 : memref<128x128xf32, #tpu.memory_space<vmem>>) target_semaphore(%run_scoped3A_62 : memref<!tpu.dma_semaphore, #tpu.memory_space<semaphore_mem>>)
      %dma_wait3A_67 = arith.constant 0 : i32
      %dma_wait3A_68 = tpu.memref_slice %arg13[%add3A_57, %dma_wait3A_67] : memref<10240x128xf32, #tpu.memory_space<vmem_shared>> -> memref<128x128xf32, #tpu.memory_space<vmem_shared>>
      %dma_wait3A_69 = arith.constant 0 : i32
      %dma_wait3A_70 = tpu.memref_slice %arg13[%add3A_57, %dma_wait3A_69] : memref<10240x128xf32, #tpu.memory_space<vmem_shared>> -> memref<128x128xf32, #tpu.memory_space<vmem_shared>>
      tpu.wait_dma2 semaphore(%run_scoped3A_62 : memref<!tpu.dma_semaphore, #tpu.memory_space<semaphore_mem>>) src(%dma_wait3A_70 : memref<128x128xf32, #tpu.memory_space<vmem_shared>>) dst(%arg11 : memref<128x128xf32, #tpu.memory_space<vmem>>)
      tpu.yield
    }) : () -> ()
    "tpu.region"() ({
      %run_scoped3A_62 = tpu.sem_alloc : memref<!tpu.dma_semaphore, #tpu.memory_space<semaphore_mem>>
      %dma_start3A_63 = arith.constant 256 : i32
      %dma_start3A_64 = arith.constant 0 : i32
      %dma_start3A_65 = tpu.memref_slice %arg6[%add3A, %dma_start3A_63, %dma_start3A_64] : memref<32x640x128xf32, #tpu.memory_space<hbm>> -> memref<1x128x128xf32, #tpu.memory_space<hbm>>
      %dma_start3A_66 = tpu.memref_squeeze %dma_start3A_65 : memref<1x128x128xf32, #tpu.memory_space<hbm>> -> memref<128x128xf32, #tpu.memory_space<hbm>>
      %dma_start3A_67 = arith.constant 256 : i32
      %dma_start3A_68 = arith.constant 0 : i32
      %dma_start3A_69 = tpu.memref_slice %arg6[%add3A, %dma_start3A_67, %dma_start3A_68] : memref<32x640x128xf32, #tpu.memory_space<hbm>> -> memref<1x128x128xf32, #tpu.memory_space<hbm>>
      %dma_start3A_70 = tpu.memref_squeeze %dma_start3A_69 : memref<1x128x128xf32, #tpu.memory_space<hbm>> -> memref<128x128xf32, #tpu.memory_space<hbm>>
      tpu.enqueue_dma source(%arg11 : memref<128x128xf32, #tpu.memory_space<vmem>>) target(%dma_start3A_70 : memref<128x128xf32, #tpu.memory_space<hbm>>) target_semaphore(%run_scoped3A_62 : memref<!tpu.dma_semaphore, #tpu.memory_space<semaphore_mem>>)
      %dma_wait3A_71 = arith.constant 256 : i32
      %dma_wait3A_72 = arith.constant 0 : i32
      %dma_wait3A_73 = tpu.memref_slice %arg6[%add3A, %dma_wait3A_71, %dma_wait3A_72] : memref<32x640x128xf32, #tpu.memory_space<hbm>> -> memref<1x128x128xf32, #tpu.memory_space<hbm>>
      %dma_wait3A_74 = tpu.memref_squeeze %dma_wait3A_73 : memref<1x128x128xf32, #tpu.memory_space<hbm>> -> memref<128x128xf32, #tpu.memory_space<hbm>>
      %dma_wait3A_75 = arith.constant 256 : i32
      %dma_wait3A_76 = arith.constant 0 : i32
      %dma_wait3A_77 = tpu.memref_slice %arg6[%add3A, %dma_wait3A_75, %dma_wait3A_76] : memref<32x640x128xf32, #tpu.memory_space<hbm>> -> memref<1x128x128xf32, #tpu.memory_space<hbm>>
      %dma_wait3A_78 = tpu.memref_squeeze %dma_wait3A_77 : memref<1x128x128xf32, #tpu.memory_space<hbm>> -> memref<128x128xf32, #tpu.memory_space<hbm>>
      tpu.wait_dma2 semaphore(%run_scoped3A_62 : memref<!tpu.dma_semaphore, #tpu.memory_space<semaphore_mem>>) src(%arg11 : memref<128x128xf32, #tpu.memory_space<vmem>>) dst(%dma_wait3A_78 : memref<128x128xf32, #tpu.memory_space<hbm>>)
      tpu.yield
    }) : () -> ()
    %add3A_58 = arith.constant 384 : i32
    %add3A_59 = arith.addi %mul3A_2, %add3A_58 : i32
    "tpu.region"() ({
      %run_scoped3A_62 = tpu.sem_alloc : memref<!tpu.dma_semaphore, #tpu.memory_space<semaphore_mem>>
      %dma_start3A_63 = arith.constant 0 : i32
      %dma_start3A_64 = tpu.memref_slice %arg13[%add3A_59, %dma_start3A_63] : memref<10240x128xf32, #tpu.memory_space<vmem_shared>> -> memref<128x128xf32, #tpu.memory_space<vmem_shared>>
      %dma_start3A_65 = arith.constant 0 : i32
      %dma_start3A_66 = tpu.memref_slice %arg13[%add3A_59, %dma_start3A_65] : memref<10240x128xf32, #tpu.memory_space<vmem_shared>> -> memref<128x128xf32, #tpu.memory_space<vmem_shared>>
      tpu.enqueue_dma source(%dma_start3A_66 : memref<128x128xf32, #tpu.memory_space<vmem_shared>>) target(%arg11 : memref<128x128xf32, #tpu.memory_space<vmem>>) target_semaphore(%run_scoped3A_62 : memref<!tpu.dma_semaphore, #tpu.memory_space<semaphore_mem>>)
      %dma_wait3A_67 = arith.constant 0 : i32
      %dma_wait3A_68 = tpu.memref_slice %arg13[%add3A_59, %dma_wait3A_67] : memref<10240x128xf32, #tpu.memory_space<vmem_shared>> -> memref<128x128xf32, #tpu.memory_space<vmem_shared>>
      %dma_wait3A_69 = arith.constant 0 : i32
      %dma_wait3A_70 = tpu.memref_slice %arg13[%add3A_59, %dma_wait3A_69] : memref<10240x128xf32, #tpu.memory_space<vmem_shared>> -> memref<128x128xf32, #tpu.memory_space<vmem_shared>>
      tpu.wait_dma2 semaphore(%run_scoped3A_62 : memref<!tpu.dma_semaphore, #tpu.memory_space<semaphore_mem>>) src(%dma_wait3A_70 : memref<128x128xf32, #tpu.memory_space<vmem_shared>>) dst(%arg11 : memref<128x128xf32, #tpu.memory_space<vmem>>)
      tpu.yield
    }) : () -> ()
    "tpu.region"() ({
      %run_scoped3A_62 = tpu.sem_alloc : memref<!tpu.dma_semaphore, #tpu.memory_space<semaphore_mem>>
      %dma_start3A_63 = arith.constant 384 : i32
      %dma_start3A_64 = arith.constant 0 : i32
      %dma_start3A_65 = tpu.memref_slice %arg6[%add3A, %dma_start3A_63, %dma_start3A_64] : memref<32x640x128xf32, #tpu.memory_space<hbm>> -> memref<1x128x128xf32, #tpu.memory_space<hbm>>
      %dma_start3A_66 = tpu.memref_squeeze %dma_start3A_65 : memref<1x128x128xf32, #tpu.memory_space<hbm>> -> memref<128x128xf32, #tpu.memory_space<hbm>>
      %dma_start3A_67 = arith.constant 384 : i32
      %dma_start3A_68 = arith.constant 0 : i32
      %dma_start3A_69 = tpu.memref_slice %arg6[%add3A, %dma_start3A_67, %dma_start3A_68] : memref<32x640x128xf32, #tpu.memory_space<hbm>> -> memref<1x128x128xf32, #tpu.memory_space<hbm>>
      %dma_start3A_70 = tpu.memref_squeeze %dma_start3A_69 : memref<1x128x128xf32, #tpu.memory_space<hbm>> -> memref<128x128xf32, #tpu.memory_space<hbm>>
      tpu.enqueue_dma source(%arg11 : memref<128x128xf32, #tpu.memory_space<vmem>>) target(%dma_start3A_70 : memref<128x128xf32, #tpu.memory_space<hbm>>) target_semaphore(%run_scoped3A_62 : memref<!tpu.dma_semaphore, #tpu.memory_space<semaphore_mem>>)
      %dma_wait3A_71 = arith.constant 384 : i32
      %dma_wait3A_72 = arith.constant 0 : i32
      %dma_wait3A_73 = tpu.memref_slice %arg6[%add3A, %dma_wait3A_71, %dma_wait3A_72] : memref<32x640x128xf32, #tpu.memory_space<hbm>> -> memref<1x128x128xf32, #tpu.memory_space<hbm>>
      %dma_wait3A_74 = tpu.memref_squeeze %dma_wait3A_73 : memref<1x128x128xf32, #tpu.memory_space<hbm>> -> memref<128x128xf32, #tpu.memory_space<hbm>>
      %dma_wait3A_75 = arith.constant 384 : i32
      %dma_wait3A_76 = arith.constant 0 : i32
      %dma_wait3A_77 = tpu.memref_slice %arg6[%add3A, %dma_wait3A_75, %dma_wait3A_76] : memref<32x640x128xf32, #tpu.memory_space<hbm>> -> memref<1x128x128xf32, #tpu.memory_space<hbm>>
      %dma_wait3A_78 = tpu.memref_squeeze %dma_wait3A_77 : memref<1x128x128xf32, #tpu.memory_space<hbm>> -> memref<128x128xf32, #tpu.memory_space<hbm>>
      tpu.wait_dma2 semaphore(%run_scoped3A_62 : memref<!tpu.dma_semaphore, #tpu.memory_space<semaphore_mem>>) src(%arg11 : memref<128x128xf32, #tpu.memory_space<vmem>>) dst(%dma_wait3A_78 : memref<128x128xf32, #tpu.memory_space<hbm>>)
      tpu.yield
    }) : () -> ()
    %add3A_60 = arith.constant 512 : i32
    %add3A_61 = arith.addi %mul3A_2, %add3A_60 : i32
    "tpu.region"() ({
      %run_scoped3A_62 = tpu.sem_alloc : memref<!tpu.dma_semaphore, #tpu.memory_space<semaphore_mem>>
      %dma_start3A_63 = arith.constant 0 : i32
      %dma_start3A_64 = tpu.memref_slice %arg13[%add3A_61, %dma_start3A_63] : memref<10240x128xf32, #tpu.memory_space<vmem_shared>> -> memref<128x128xf32, #tpu.memory_space<vmem_shared>>
      %dma_start3A_65 = arith.constant 0 : i32
      %dma_start3A_66 = tpu.memref_slice %arg13[%add3A_61, %dma_start3A_65] : memref<10240x128xf32, #tpu.memory_space<vmem_shared>> -> memref<128x128xf32, #tpu.memory_space<vmem_shared>>
      tpu.enqueue_dma source(%dma_start3A_66 : memref<128x128xf32, #tpu.memory_space<vmem_shared>>) target(%arg11 : memref<128x128xf32, #tpu.memory_space<vmem>>) target_semaphore(%run_scoped3A_62 : memref<!tpu.dma_semaphore, #tpu.memory_space<semaphore_mem>>)
      %dma_wait3A_67 = arith.constant 0 : i32
      %dma_wait3A_68 = tpu.memref_slice %arg13[%add3A_61, %dma_wait3A_67] : memref<10240x128xf32, #tpu.memory_space<vmem_shared>> -> memref<128x128xf32, #tpu.memory_space<vmem_shared>>
      %dma_wait3A_69 = arith.constant 0 : i32
      %dma_wait3A_70 = tpu.memref_slice %arg13[%add3A_61, %dma_wait3A_69] : memref<10240x128xf32, #tpu.memory_space<vmem_shared>> -> memref<128x128xf32, #tpu.memory_space<vmem_shared>>
      tpu.wait_dma2 semaphore(%run_scoped3A_62 : memref<!tpu.dma_semaphore, #tpu.memory_space<semaphore_mem>>) src(%dma_wait3A_70 : memref<128x128xf32, #tpu.memory_space<vmem_shared>>) dst(%arg11 : memref<128x128xf32, #tpu.memory_space<vmem>>)
      tpu.yield
    }) : () -> ()
    "tpu.region"() ({
      %run_scoped3A_62 = tpu.sem_alloc : memref<!tpu.dma_semaphore, #tpu.memory_space<semaphore_mem>>
      %dma_start3A_63 = arith.constant 512 : i32
      %dma_start3A_64 = arith.constant 0 : i32
      %dma_start3A_65 = tpu.memref_slice %arg6[%add3A, %dma_start3A_63, %dma_start3A_64] : memref<32x640x128xf32, #tpu.memory_space<hbm>> -> memref<1x128x128xf32, #tpu.memory_space<hbm>>
      %dma_start3A_66 = tpu.memref_squeeze %dma_start3A_65 : memref<1x128x128xf32, #tpu.memory_space<hbm>> -> memref<128x128xf32, #tpu.memory_space<hbm>>
      %dma_start3A_67 = arith.constant 512 : i32
      %dma_start3A_68 = arith.constant 0 : i32
      %dma_start3A_69 = tpu.memref_slice %arg6[%add3A, %dma_start3A_67, %dma_start3A_68] : memref<32x640x128xf32, #tpu.memory_space<hbm>> -> memref<1x128x128xf32, #tpu.memory_space<hbm>>
      %dma_start3A_70 = tpu.memref_squeeze %dma_start3A_69 : memref<1x128x128xf32, #tpu.memory_space<hbm>> -> memref<128x128xf32, #tpu.memory_space<hbm>>
      tpu.enqueue_dma source(%arg11 : memref<128x128xf32, #tpu.memory_space<vmem>>) target(%dma_start3A_70 : memref<128x128xf32, #tpu.memory_space<hbm>>) target_semaphore(%run_scoped3A_62 : memref<!tpu.dma_semaphore, #tpu.memory_space<semaphore_mem>>)
      %dma_wait3A_71 = arith.constant 512 : i32
      %dma_wait3A_72 = arith.constant 0 : i32
      %dma_wait3A_73 = tpu.memref_slice %arg6[%add3A, %dma_wait3A_71, %dma_wait3A_72] : memref<32x640x128xf32, #tpu.memory_space<hbm>> -> memref<1x128x128xf32, #tpu.memory_space<hbm>>
      %dma_wait3A_74 = tpu.memref_squeeze %dma_wait3A_73 : memref<1x128x128xf32, #tpu.memory_space<hbm>> -> memref<128x128xf32, #tpu.memory_space<hbm>>
      %dma_wait3A_75 = arith.constant 512 : i32
      %dma_wait3A_76 = arith.constant 0 : i32
      %dma_wait3A_77 = tpu.memref_slice %arg6[%add3A, %dma_wait3A_75, %dma_wait3A_76] : memref<32x640x128xf32, #tpu.memory_space<hbm>> -> memref<1x128x128xf32, #tpu.memory_space<hbm>>
      %dma_wait3A_78 = tpu.memref_squeeze %dma_wait3A_77 : memref<1x128x128xf32, #tpu.memory_space<hbm>> -> memref<128x128xf32, #tpu.memory_space<hbm>>
      tpu.wait_dma2 semaphore(%run_scoped3A_62 : memref<!tpu.dma_semaphore, #tpu.memory_space<semaphore_mem>>) src(%arg11 : memref<128x128xf32, #tpu.memory_space<vmem>>) dst(%dma_wait3A_78 : memref<128x128xf32, #tpu.memory_space<hbm>>)
      tpu.yield
    }) : () -> ()
    return
  }
}

module attributes {stable_mosaic.version = 14 : i64} {
  func.func @body(%arg0: i32, %arg1: memref<1000x128xf32, #tpu.memory_space<vmem>>, %arg2: memref<2x1000x128xf32, #tpu.memory_space<vmem>>, %arg3: memref<1000x128xf32, #tpu.memory_space<vmem>>) attributes {dimension_semantics = [#tpu.dimension_semantics<arbitrary>], iteration_bounds = array<i64: 10>, scalar_prefetch = 0 : i64, scratch_operands = 0 : i64, tpu.core_type = #tpu.core_type<tc>, window_params = [{transform_indices = @transform_0, window_bounds = array<i64: 1000, 128>}, {transform_indices = @transform_1, window_bounds = array<i64: 2, 1000, 128>}, {transform_indices = @transform_2, window_bounds = array<i64: 1000, 128>}]} {
    %get3A = arith.constant 0 : index
    %get3A_0 = arith.constant 0 : index
    %get3A_1 = arith.constant 0 : index
    %get3A_2 = vector.load %arg2[%get3A, %get3A_0, %get3A_1] : memref<2x1000x128xf32, #tpu.memory_space<vmem>>, vector<1x1000x128xf32>
    %get3A_3 = vector.shape_cast %get3A_2 : vector<1x1000x128xf32> to vector<1000x128xf32>
    %slice3A = vector.extract_strided_slice %get3A_3 {offsets = [0, 0], sizes = [1000, 1], strides = [1, 1]} : vector<1000x128xf32> to vector<1000x1xf32>
    %get3A_4 = arith.constant 1 : index
    %get3A_5 = arith.constant 0 : index
    %get3A_6 = arith.constant 0 : index
    %get3A_7 = vector.load %arg2[%get3A_4, %get3A_5, %get3A_6] : memref<2x1000x128xf32, #tpu.memory_space<vmem>>, vector<1x1000x128xf32>
    %get3A_8 = vector.shape_cast %get3A_7 : vector<1x1000x128xf32> to vector<1000x128xf32>
    %slice3A_9 = vector.extract_strided_slice %get3A_8 {offsets = [0, 0], sizes = [1000, 1], strides = [1, 1]} : vector<1000x128xf32> to vector<1000x1xf32>
    %add3A = arith.addf %slice3A, %slice3A_9 : vector<1000x1xf32>
    %max3A = arith.constant 1.000000e+00 : f32
    %max3A_10 = vector.broadcast %max3A : f32 to vector<1000x1xf32>
    %max3A_11 = arith.maximumf %add3A, %max3A_10 : vector<1000x1xf32>
    %rsqrt3A = math.rsqrt %max3A_11 : vector<1000x1xf32>
    %get3A_12 = arith.constant 0 : index
    %get3A_13 = arith.constant 0 : index
    %get3A_14 = vector.load %arg1[%get3A_12, %get3A_13] : memref<1000x128xf32, #tpu.memory_space<vmem>>, vector<1000x128xf32>
    %mul3A = vector.broadcast %rsqrt3A : vector<1000x1xf32> to vector<1000x128xf32>
    %mul3A_15 = arith.mulf %get3A_14, %mul3A : vector<1000x128xf32>
    %swap3A = arith.constant 0 : index
    %swap3A_16 = arith.constant 0 : index
    %swap3A_17 = vector.load %arg3[%swap3A, %swap3A_16] : memref<1000x128xf32, #tpu.memory_space<vmem>>, vector<1000x128xf32>
    tpu.vector_store %arg3[%swap3A, %swap3A_16], %mul3A_15 {strides = array<i32>} : memref<1000x128xf32, #tpu.memory_space<vmem>>, vector<1000x128xf32>,
    return
  }
  func.func @transform_0(%arg0: i32) -> (i32, i32) {
    %c0_i32 = arith.constant 0 : i32
    %c0_i32_0 = arith.constant 0 : i32
    return %arg0, %c0_i32 : i32, i32
  }
  func.func @transform_1(%arg0: i32) -> (i32, i32, i32) {
    %c0_i32 = arith.constant 0 : i32
    %c0_i32_0 = arith.constant 0 : i32
    %c0_i32_1 = arith.constant 0 : i32
    return %c0_i32, %arg0, %c0_i32_0 : i32, i32, i32
  }
  func.func @transform_2(%arg0: i32) -> (i32, i32) {
    %c0_i32 = arith.constant 0 : i32
    %c0_i32_0 = arith.constant 0 : i32
    return %arg0, %c0_i32 : i32, i32
  }
}

module attributes {stable_mosaic.version = 14 : i64} {
  func.func @body(%arg0: i32, %arg1: memref<2x1000x128xf32, #tpu.memory_space<vmem>>, %arg2: memref<2x1000x128xf32, #tpu.memory_space<vmem>>, %arg3: memref<128x128xf32, #tpu.memory_space<vmem>>, %arg4: memref<1x128xf32, #tpu.memory_space<vmem>>, %arg5: memref<2x1000x128xf32, #tpu.memory_space<vmem>>, %arg6: memref<1000x128xf32, #tpu.memory_space<vmem>>) attributes {dimension_semantics = [#tpu.dimension_semantics<arbitrary>], iteration_bounds = array<i64: 10>, scalar_prefetch = 0 : i64, scratch_operands = 0 : i64, tpu.core_type = #tpu.core_type<tc>, window_params = [{transform_indices = @transform_0, window_bounds = array<i64: 2, 1000, 128>}, {transform_indices = @transform_1, window_bounds = array<i64: 2, 1000, 128>}, {pipeline_mode = #tpu.pipeline_mode<synchronous>, transform_indices = @transform_2, window_bounds = array<i64: 128, 128>}, {pipeline_mode = #tpu.pipeline_mode<synchronous>, transform_indices = @transform_3, window_bounds = array<i64: 1, 128>}, {transform_indices = @transform_4, window_bounds = array<i64: 2, 1000, 128>}, {transform_indices = @transform_5, window_bounds = array<i64: 1000, 128>}]} {
    %get3A = arith.constant 0 : index
    %get3A_0 = arith.constant 0 : index
    %get3A_1 = arith.constant 0 : index
    %get3A_2 = vector.load %arg1[%get3A, %get3A_0, %get3A_1] : memref<2x1000x128xf32, #tpu.memory_space<vmem>>, vector<1x1000x128xf32>
    %get3A_3 = vector.shape_cast %get3A_2 : vector<1x1000x128xf32> to vector<1000x128xf32>
    %get3A_4 = arith.constant 1 : index
    %get3A_5 = arith.constant 0 : index
    %get3A_6 = arith.constant 0 : index
    %get3A_7 = vector.load %arg1[%get3A_4, %get3A_5, %get3A_6] : memref<2x1000x128xf32, #tpu.memory_space<vmem>>, vector<1x1000x128xf32>
    %get3A_8 = vector.shape_cast %get3A_7 : vector<1x1000x128xf32> to vector<1000x128xf32>
    %add3A = arith.addf %get3A_3, %get3A_8 : vector<1000x128xf32>
    %get3A_9 = arith.constant 0 : index
    %get3A_10 = arith.constant 0 : index
    %get3A_11 = arith.constant 0 : index
    %get3A_12 = vector.load %arg2[%get3A_9, %get3A_10, %get3A_11] : memref<2x1000x128xf32, #tpu.memory_space<vmem>>, vector<1x1000x128xf32>
    %get3A_13 = vector.shape_cast %get3A_12 : vector<1x1000x128xf32> to vector<1000x128xf32>
    %slice3A = vector.extract_strided_slice %get3A_13 {offsets = [0, 0], sizes = [1000, 1], strides = [1, 1]} : vector<1000x128xf32> to vector<1000x1xf32>
    %get3A_14 = arith.constant 1 : index
    %get3A_15 = arith.constant 0 : index
    %get3A_16 = arith.constant 0 : index
    %get3A_17 = vector.load %arg2[%get3A_14, %get3A_15, %get3A_16] : memref<2x1000x128xf32, #tpu.memory_space<vmem>>, vector<1x1000x128xf32>
    %get3A_18 = vector.shape_cast %get3A_17 : vector<1x1000x128xf32> to vector<1000x128xf32>
    %slice3A_19 = vector.extract_strided_slice %get3A_18 {offsets = [0, 0], sizes = [1000, 1], strides = [1, 1]} : vector<1000x128xf32> to vector<1000x1xf32>
    %add3A_20 = arith.addf %slice3A, %slice3A_19 : vector<1000x1xf32>
    %max3A = arith.constant 1.000000e+00 : f32
    %max3A_21 = vector.broadcast %max3A : f32 to vector<1000x1xf32>
    %max3A_22 = arith.maximumf %add3A_20, %max3A_21 : vector<1000x1xf32>
    %rsqrt3A = math.rsqrt %max3A_22 : vector<1000x1xf32>
    %mul3A = vector.broadcast %rsqrt3A : vector<1000x1xf32> to vector<1000x128xf32>
    %mul3A_23 = arith.mulf %add3A, %mul3A : vector<1000x128xf32>
    %get3A_24 = arith.constant 0 : index
    %get3A_25 = arith.constant 0 : index
    %get3A_26 = vector.load %arg3[%get3A_24, %get3A_25] : memref<128x128xf32, #tpu.memory_space<vmem>>, vector<128x128xf32>
    %dot_general3A = arith.constant dense<0.000000e+00> : vector<1000x128xf32>
    %dot_general3A_27 = tpu.matmul %mul3A_23, %get3A_26, %dot_general3A {dimension_numbers = #tpu.dot_dimension_numbers<[1], [0], [0], [1], [0, 0, 1, 1], [], []>, transpose_lhs_hint = false} : vector<1000x128xf32>, vector<128x128xf32>, vector<1000x128xf32> -> vector<1000x128xf32>
    %get3A_28 = arith.constant 0 : index
    %get3A_29 = arith.constant 0 : index
    %get3A_30 = vector.load %arg4[%get3A_28, %get3A_29] : memref<1x128xf32, #tpu.memory_space<vmem>>, vector<1x128xf32>
    %add3A_31 = vector.broadcast %get3A_30 : vector<1x128xf32> to vector<1000x128xf32>
    %add3A_32 = arith.addf %dot_general3A_27, %add3A_31 : vector<1000x128xf32>
    %max3A_33 = arith.constant 0.000000e+00 : f32
    %max3A_34 = vector.broadcast %max3A_33 : f32 to vector<1000x128xf32>
    %max3A_35 = arith.maximumf %add3A_32, %max3A_34 : vector<1000x128xf32>
    %get3A_36 = arith.constant 0 : index
    %get3A_37 = arith.constant 0 : index
    %get3A_38 = arith.constant 0 : index
    %get3A_39 = vector.load %arg5[%get3A_36, %get3A_37, %get3A_38] : memref<2x1000x128xf32, #tpu.memory_space<vmem>>, vector<1x1000x128xf32>
    %get3A_40 = vector.shape_cast %get3A_39 : vector<1x1000x128xf32> to vector<1000x128xf32>
    %slice3A_41 = vector.extract_strided_slice %get3A_40 {offsets = [0, 0], sizes = [1000, 1], strides = [1, 1]} : vector<1000x128xf32> to vector<1000x1xf32>
    %get3A_42 = arith.constant 1 : index
    %get3A_43 = arith.constant 0 : index
    %get3A_44 = arith.constant 0 : index
    %get3A_45 = vector.load %arg5[%get3A_42, %get3A_43, %get3A_44] : memref<2x1000x128xf32, #tpu.memory_space<vmem>>, vector<1x1000x128xf32>
    %get3A_46 = vector.shape_cast %get3A_45 : vector<1x1000x128xf32> to vector<1000x128xf32>
    %slice3A_47 = vector.extract_strided_slice %get3A_46 {offsets = [0, 0], sizes = [1000, 1], strides = [1, 1]} : vector<1000x128xf32> to vector<1000x1xf32>
    %add3A_48 = arith.addf %slice3A_41, %slice3A_47 : vector<1000x1xf32>
    %max3A_49 = arith.constant 1.000000e+00 : f32
    %max3A_50 = vector.broadcast %max3A_49 : f32 to vector<1000x1xf32>
    %max3A_51 = arith.maximumf %add3A_48, %max3A_50 : vector<1000x1xf32>
    %rsqrt3A_52 = math.rsqrt %max3A_51 : vector<1000x1xf32>
    %mul3A_53 = vector.broadcast %rsqrt3A_52 : vector<1000x1xf32> to vector<1000x128xf32>
    %mul3A_54 = arith.mulf %max3A_35, %mul3A_53 : vector<1000x128xf32>
    %swap3A = arith.constant 0 : index
    %swap3A_55 = arith.constant 0 : index
    %swap3A_56 = vector.load %arg6[%swap3A, %swap3A_55] : memref<1000x128xf32, #tpu.memory_space<vmem>>, vector<1000x128xf32>
    tpu.vector_store %arg6[%swap3A, %swap3A_55], %mul3A_54 {strides = array<i32>} : memref<1000x128xf32, #tpu.memory_space<vmem>>, vector<1000x128xf32>,
    return
  }
  func.func @transform_0(%arg0: i32) -> (i32, i32, i32) {
    %c0_i32 = arith.constant 0 : i32
    %c0_i32_0 = arith.constant 0 : i32
    %c0_i32_1 = arith.constant 0 : i32
    return %c0_i32, %arg0, %c0_i32_0 : i32, i32, i32
  }
  func.func @transform_1(%arg0: i32) -> (i32, i32, i32) {
    %c0_i32 = arith.constant 0 : i32
    %c0_i32_0 = arith.constant 0 : i32
    %c0_i32_1 = arith.constant 0 : i32
    return %c0_i32, %arg0, %c0_i32_0 : i32, i32, i32
  }
  func.func @transform_2(%arg0: i32) -> (i32, i32) {
    %c0_i32 = arith.constant 0 : i32
    %c0_i32_0 = arith.constant 0 : i32
    %c0_i32_1 = arith.constant 0 : i32
    return %c0_i32, %c0_i32_0 : i32, i32
  }
  func.func @transform_3(%arg0: i32) -> (i32, i32) {
    %c0_i32 = arith.constant 0 : i32
    %c0_i32_0 = arith.constant 0 : i32
    %c0_i32_1 = arith.constant 0 : i32
    return %c0_i32, %c0_i32_0 : i32, i32
  }
  func.func @transform_4(%arg0: i32) -> (i32, i32, i32) {
    %c0_i32 = arith.constant 0 : i32
    %c0_i32_0 = arith.constant 0 : i32
    %c0_i32_1 = arith.constant 0 : i32
    return %c0_i32, %arg0, %c0_i32_0 : i32, i32, i32
  }
  func.func @transform_5(%arg0: i32) -> (i32, i32) {
    %c0_i32 = arith.constant 0 : i32
    %c0_i32_0 = arith.constant 0 : i32
    return %arg0, %c0_i32 : i32, i32
  }
}

module attributes {stable_mosaic.version = 14 : i64} {
  func.func @body(%arg0: i32, %arg1: memref<2x1000x128xf32, #tpu.memory_space<vmem>>, %arg2: memref<2x1000x128xf32, #tpu.memory_space<vmem>>, %arg3: memref<128x128xf32, #tpu.memory_space<vmem>>, %arg4: memref<1x128xf32, #tpu.memory_space<vmem>>, %arg5: memref<1000x128xf32, #tpu.memory_space<vmem>>) attributes {dimension_semantics = [#tpu.dimension_semantics<arbitrary>], iteration_bounds = array<i64: 10>, scalar_prefetch = 0 : i64, scratch_operands = 0 : i64, tpu.core_type = #tpu.core_type<tc>, window_params = [{transform_indices = @transform_0, window_bounds = array<i64: 2, 1000, 128>}, {transform_indices = @transform_1, window_bounds = array<i64: 2, 1000, 128>}, {pipeline_mode = #tpu.pipeline_mode<synchronous>, transform_indices = @transform_2, window_bounds = array<i64: 128, 128>}, {pipeline_mode = #tpu.pipeline_mode<synchronous>, transform_indices = @transform_3, window_bounds = array<i64: 1, 128>}, {transform_indices = @transform_4, window_bounds = array<i64: 1000, 128>}]} {
    %get3A = arith.constant 0 : index
    %get3A_0 = arith.constant 0 : index
    %get3A_1 = arith.constant 0 : index
    %get3A_2 = vector.load %arg1[%get3A, %get3A_0, %get3A_1] : memref<2x1000x128xf32, #tpu.memory_space<vmem>>, vector<1x1000x128xf32>
    %get3A_3 = vector.shape_cast %get3A_2 : vector<1x1000x128xf32> to vector<1000x128xf32>
    %get3A_4 = arith.constant 1 : index
    %get3A_5 = arith.constant 0 : index
    %get3A_6 = arith.constant 0 : index
    %get3A_7 = vector.load %arg1[%get3A_4, %get3A_5, %get3A_6] : memref<2x1000x128xf32, #tpu.memory_space<vmem>>, vector<1x1000x128xf32>
    %get3A_8 = vector.shape_cast %get3A_7 : vector<1x1000x128xf32> to vector<1000x128xf32>
    %add3A = arith.addf %get3A_3, %get3A_8 : vector<1000x128xf32>
    %get3A_9 = arith.constant 0 : index
    %get3A_10 = arith.constant 0 : index
    %get3A_11 = arith.constant 0 : index
    %get3A_12 = vector.load %arg2[%get3A_9, %get3A_10, %get3A_11] : memref<2x1000x128xf32, #tpu.memory_space<vmem>>, vector<1x1000x128xf32>
    %get3A_13 = vector.shape_cast %get3A_12 : vector<1x1000x128xf32> to vector<1000x128xf32>
    %slice3A = vector.extract_strided_slice %get3A_13 {offsets = [0, 0], sizes = [1000, 1], strides = [1, 1]} : vector<1000x128xf32> to vector<1000x1xf32>
    %get3A_14 = arith.constant 1 : index
    %get3A_15 = arith.constant 0 : index
    %get3A_16 = arith.constant 0 : index
    %get3A_17 = vector.load %arg2[%get3A_14, %get3A_15, %get3A_16] : memref<2x1000x128xf32, #tpu.memory_space<vmem>>, vector<1x1000x128xf32>
    %get3A_18 = vector.shape_cast %get3A_17 : vector<1x1000x128xf32> to vector<1000x128xf32>
    %slice3A_19 = vector.extract_strided_slice %get3A_18 {offsets = [0, 0], sizes = [1000, 1], strides = [1, 1]} : vector<1000x128xf32> to vector<1000x1xf32>
    %add3A_20 = arith.addf %slice3A, %slice3A_19 : vector<1000x1xf32>
    %max3A = arith.constant 1.000000e+00 : f32
    %max3A_21 = vector.broadcast %max3A : f32 to vector<1000x1xf32>
    %max3A_22 = arith.maximumf %add3A_20, %max3A_21 : vector<1000x1xf32>
    %rsqrt3A = math.rsqrt %max3A_22 : vector<1000x1xf32>
    %mul3A = vector.broadcast %rsqrt3A : vector<1000x1xf32> to vector<1000x128xf32>
    %mul3A_23 = arith.mulf %add3A, %mul3A : vector<1000x128xf32>
    %get3A_24 = arith.constant 0 : index
    %get3A_25 = arith.constant 0 : index
    %get3A_26 = vector.load %arg3[%get3A_24, %get3A_25] : memref<128x128xf32, #tpu.memory_space<vmem>>, vector<128x128xf32>
    %dot_general3A = arith.constant dense<0.000000e+00> : vector<1000x128xf32>
    %dot_general3A_27 = tpu.matmul %mul3A_23, %get3A_26, %dot_general3A {dimension_numbers = #tpu.dot_dimension_numbers<[1], [0], [0], [1], [0, 0, 1, 1], [], []>, transpose_lhs_hint = false} : vector<1000x128xf32>, vector<128x128xf32>, vector<1000x128xf32> -> vector<1000x128xf32>
    %get3A_28 = arith.constant 0 : index
    %get3A_29 = arith.constant 0 : index
    %get3A_30 = vector.load %arg4[%get3A_28, %get3A_29] : memref<1x128xf32, #tpu.memory_space<vmem>>, vector<1x128xf32>
    %add3A_31 = vector.broadcast %get3A_30 : vector<1x128xf32> to vector<1000x128xf32>
    %add3A_32 = arith.addf %dot_general3A_27, %add3A_31 : vector<1000x128xf32>
    %max3A_33 = arith.constant 0.000000e+00 : f32
    %max3A_34 = vector.broadcast %max3A_33 : f32 to vector<1000x128xf32>
    %max3A_35 = arith.maximumf %add3A_32, %max3A_34 : vector<1000x128xf32>
    %swap3A = arith.constant 0 : index
    %swap3A_36 = arith.constant 0 : index
    %swap3A_37 = vector.load %arg5[%swap3A, %swap3A_36] : memref<1000x128xf32, #tpu.memory_space<vmem>>, vector<1000x128xf32>
    tpu.vector_store %arg5[%swap3A, %swap3A_36], %max3A_35 {strides = array<i32>} : memref<1000x128xf32, #tpu.memory_space<vmem>>, vector<1000x128xf32>,
    return
  }
  func.func @transform_0(%arg0: i32) -> (i32, i32, i32) {
    %c0_i32 = arith.constant 0 : i32
    %c0_i32_0 = arith.constant 0 : i32
    %c0_i32_1 = arith.constant 0 : i32
    return %c0_i32, %arg0, %c0_i32_0 : i32, i32, i32
  }
  func.func @transform_1(%arg0: i32) -> (i32, i32, i32) {
    %c0_i32 = arith.constant 0 : i32
    %c0_i32_0 = arith.constant 0 : i32
    %c0_i32_1 = arith.constant 0 : i32
    return %c0_i32, %arg0, %c0_i32_0 : i32, i32, i32
  }
  func.func @transform_2(%arg0: i32) -> (i32, i32) {
    %c0_i32 = arith.constant 0 : i32
    %c0_i32_0 = arith.constant 0 : i32
    %c0_i32_1 = arith.constant 0 : i32
    return %c0_i32, %c0_i32_0 : i32, i32
  }
  func.func @transform_3(%arg0: i32) -> (i32, i32) {
    %c0_i32 = arith.constant 0 : i32
    %c0_i32_0 = arith.constant 0 : i32
    %c0_i32_1 = arith.constant 0 : i32
    return %c0_i32, %c0_i32_0 : i32, i32
  }
  func.func @transform_4(%arg0: i32) -> (i32, i32) {
    %c0_i32 = arith.constant 0 : i32
    %c0_i32_0 = arith.constant 0 : i32
    return %arg0, %c0_i32 : i32, i32
  }
}

</mosaic_0001>

<sc_bundles>
// kernel: kernel.12.cloned.1.call-start
scs
__scs_entry_jumppad:
0x0: {  	(pc) =	sbr.rel $0x88, $3  }
0x1: {  	(tag) =	ssettag $0x0;
	lr =	simm.s32 $0x1  }
0x2: {  	[smem:$0x3F9B] =	sst lr;
	_ =	strace $0xD0000000  }
0x3: {  	_ = 	snop  }
0x4: {  	_ = 	snop  }
0x5: {  	_ = 	snop  }
0x6: {  	_ = 	snop  }
0x7: {  	_ = 	snop  }
__scs_overlays_trampoline_lowered:
0x8: {  	[smem:$0x3FAA] =	sst s0  }
0x9: {  	[smem:$0x3FAB] =	sst s1  }
0xa: {  	[smem:$0x3FAC] =	sst s2  }
0xb: {  	[smem:$0x3FAD] =	sst s3  }
0xc: {  	[smem:$0x3FAE] =	sst s4  }
0xd: {  	[smem:$0x3FAF] =	sst s5  }
0xe: {  	[smem:$0x3FB0] =	sst s6  }
0xf: {  	[smem:$0x3FB1] =	sst s7  }
0x10: {  	[smem:$0x3FB2] =	sst s8  }
0x11: {  	[smem:$0x3FB3] =	sst s9;
	s0 =	simm.s32 @!p0 $0x0  }
0x12: {  	s1 =	sld [smem:$0x3F99];
	s0 =	simm.s32 @p0 $0x1  }
0x13: {  	[smem:$0x3FB4] =	sst s0;
	s0 =	simm.s32 @!p1 $0x0  }
0x14: {  	s2 =	sld [smem:$0x3F98];
	s0 =	simm.s32 @p1 $0x1  }
0x15: {  	[smem:$0x3FB5] =	sst s0;
	s0 =	simm.s32 @!p2 $0x0  }
0x16: {  	s3 =	sld [smem:$0x3FDB];
	s0 =	simm.s32 @p2 $0x1  }
0x17: {  	s4 =	simm.s32 $0x1BF5;
	[smem:$0x3FB7] =	sst s0  }
0x18: {  	s0 =	sld [smem:$0x3F9A];
	_ =	swait.ge [sflag:s4], $0x0  }
0x19: {  	s7 =	sld [smem:$0x3F9B]  }
0x1a: {  	s8 =	sadd.s32 $0xFFFFE003, lr  }
0x1b: {  	s9 =	sadd.s32 $0xFFFFFEF7, lr;
	s5 =	simm.s32 $0xFFFFFFFF;
	p2 =	slt.u32 s8, $0xFFFFF086  }
0x1c: {  	p1 =	slt.u32 s9, $0xF7A;
	s5 =	simm.s32 @!p2 $0x0  }
0x1d: {  	s5 =	simm.s32 @p1 $0x1;
	p0 =	seq.s32 s7, s2  }
0x1e: {  	s7 =	smul.u32 @!p0 $0xF7A, s2;
	p2 =	seq.s32 @!p0 s5, $0x0  }
0x1f: {  	s9 =	smul.u32 $0xF7A, s1;
	s8 =	simm.s32 @!p0 $0x1BF5;
	p2 =	por !p2, p0  }
0x20: {  	[sflag:s8] =	ssyncset.s32 @!p0 $0xFFFFF086;
	s6 =	sadd.s32 @!p0 s3, s7;
	s7 =	simm.s32 @!p0 $0x108  }
0x21: {  	s3 =	sadd.s32 s3, s9;
	s6 =	sadd.s32 @!p0 $0x88, s6;
	s7 =	simm.s32 @p2 $0x1082  }
0x22: {  	[simem:s7], [sflag:s8] =	dma.local @!p0 [hbm:s6], $0xF7A  }
0x23: {  	s9 =	sor.u32 $0xD0000000, s2;
	s6 =	simm.s32 $0x108;
	_ =	swait.ge @!p0 [sflag:s8], $0x0  }
0x24: {  	s3 =	sadd.s32 $0x88, s3;
	s6 =	simm.s32 @!p1 $0x1082;
	[sflag:s4] =	ssyncset.s32 $0xFFFFF086  }
0x25: {  	[simem:s6], [sflag:s4] =	dma.local [hbm:s3], $0xF7A  }
0x26: {  	[smem:$0x3F9B] =	sst s1;
	(tag) =	ssettag s2;
	_ =	strace s9  }
0x27: {  	s1 =	sld [smem:$0x3FAB]  }
0x28: {  	s2 =	sld [smem:$0x3FAC]  }
0x29: {  	s4 =	sld [smem:$0x3FAE]  }
0x2a: {  	p0 =	seq.s32 s5, $0x0;
	s5 =	sld [smem:$0x3FAF]  }
0x2b: {  	s6 =	sld [smem:$0x3FB0]  }
0x2c: {  	s7 =	sld [smem:$0x3FB1]  }
0x2d: {  	s3 =	simm.s32 $0x108;
	s8 =	sld [smem:$0x3FB2]  }
0x2e: {  	s3 =	simm.s32 @!p0 $0x1082;
	s9 =	sld [smem:$0x3FB3]  }
0x2f: {  	lr =	sadd.s32 s0, s3;
	s0 =	sld [smem:$0x3FAA]  }
0x30: {  	s3 =	sld [smem:$0x3FAD]  }
0x31: {  	[smem:$0x3FB6] =	sst s10  }
0x32: {  	s10 =	sld [smem:$0x3FB4];
	_ =	sdelay $0x3  }
0x33: {  	p0 =	seq.s32 s10, $0x1;
	s10 =	sld [smem:$0x3FB6];
	_ =	sdelay $0x3  }
0x34: {  	[smem:$0x3FB6] =	sst s10  }
0x35: {  	s10 =	sld [smem:$0x3FB5];
	_ =	sdelay $0x3  }
0x36: {  	p1 =	seq.s32 s10, $0x1;
	s10 =	sld [smem:$0x3FB6];
	_ =	sdelay $0x3  }
0x37: {  	[smem:$0x3FB6] =	sst s10  }
0x38: {  	s10 =	sld [smem:$0x3FB7]  }
0x39: {  	_ = 	snop;
	(pc) =	sbr.ind lr, $3  }
0x3a: {  	_ = 	snop  }
0x3b: {  	_ = 	snop  }
0x3c: {  	p2 =	seq.s32 s10, $0x1;
	s10 =	sld [smem:$0x3FB6]  }
0x3d: {  	_ =	shalt  }
0x3e: {  	_ =	shalt  }
0x3f: {  	_ =	shalt  }
0x40: {  	_ =	shalt  }
0x41: {  	_ =	shalt  }
0x42: {  	_ =	shalt  }
0x43: {  	_ =	shalt  }
0x44: {  	_ =	shalt  }
0x45: {  	_ =	shalt  }
0x46: {  	_ =	shalt  }
0x47: {  	_ =	shalt  }
0x48: {  	_ =	shalt  }
0x49: {  	_ =	shalt  }
0x4a: {  	_ =	shalt  }
0x4b: {  	_ =	shalt  }
0x4c: {  	_ =	shalt  }
0x4d: {  	_ =	shalt  }
0x4e: {  	_ =	shalt  }
0x4f: {  	_ =	shalt  }
0x50: {  	_ =	shalt  }
0x51: {  	_ =	shalt  }
0x52: {  	_ =	shalt  }
0x53: {  	_ =	shalt  }
0x54: {  	_ =	shalt  }
0x55: {  	_ =	shalt  }
0x56: {  	_ =	shalt  }
0x57: {  	_ =	shalt  }
0x58: {  	_ =	shalt  }
0x59: {  	_ =	shalt  }
0x5a: {  	_ =	shalt  }
0x5b: {  	_ =	shalt  }
0x5c: {  	_ =	shalt  }
0x5d: {  	_ =	shalt  }
0x5e: {  	_ =	shalt  }
0x5f: {  	_ =	shalt  }
0x60: {  	_ =	shalt  }
0x61: {  	_ =	shalt  }
0x62: {  	_ =	shalt  }
0x63: {  	_ =	shalt  }
0x64: {  	_ =	shalt  }
0x65: {  	_ =	shalt  }
0x66: {  	_ =	shalt  }
0x67: {  	_ =	shalt  }
0x68: {  	_ =	shalt  }
0x69: {  	_ =	shalt  }
0x6a: {  	_ =	shalt  }
0x6b: {  	_ =	shalt  }
0x6c: {  	_ =	shalt  }
0x6d: {  	_ =	shalt  }
0x6e: {  	_ =	shalt  }
0x6f: {  	_ =	shalt  }
0x70: {  	_ =	shalt  }
0x71: {  	_ =	shalt  }
0x72: {  	_ =	shalt  }
0x73: {  	_ =	shalt  }
0x74: {  	_ =	shalt  }
0x75: {  	_ =	shalt  }
0x76: {  	_ =	shalt  }
0x77: {  	_ =	shalt  }
0x78: {  	_ =	shalt  }
0x79: {  	_ =	shalt  }
0x7a: {  	_ =	shalt  }
0x7b: {  	_ =	shalt  }
0x7c: {  	_ =	shalt  }
0x7d: {  	_ =	shalt  }
0x7e: {  	_ =	shalt  }
0x7f: {  	_ =	shalt  }
0x80: {  	_ =	shalt  }
0x81: {  	_ =	shalt  }
0x82: {  	_ =	shalt  }
0x83: {  	_ =	shalt  }
0x84: {  	_ =	shalt  }
0x85: {  	_ =	shalt  }
0x86: {  	_ =	shalt  }
0x87: {  	_ =	shalt  }
.Lfunc_end0:
.L_simem_size_0:
called_computation.1_lowered:
.L_overlay_start_0:
0x88: {  	s2 =	sld [smem:$0x3FD9]  }
0x89: {  	s3 =	sld [smem:$0x3FFE];
	_ =	sdelay $0x1  }
0x8a: {  	s1 =	srdreg.scid  }
0x8b: {  	s0 =	sand.u32 $0x1, s1  }
0x8c: {  	s17 =	sshll.u32 s0, $0xA;
	s2 =	sadd.s32 s3, s2  }
0x8d: {  	s2 =	sadd.s32 s2, s17  }
0x8e: {  	[smem:$0x3FC2] =	sst s2  }
0x8f: {  	_ = 	snop  }
0x90: {  	s2 =	sld [smem:$0x3FD0];
	(tm) =	ssettm $0x1  }
0x91: {  	s18 =	sld [smem:$0x3FFB];
	_ =	sdelay $0x3  }
0x92: {  	_ =	strace s18  }
0x93: {  	s3 =	sld [smem:$0x3FFC];
	_ =	sdelay $0x3  }
0x94: {  	_ =	strace s3  }
0x95: {  	s3 =	sld [smem:$0x3FFD];
	_ =	sdelay $0x3  }
0x96: {  	_ =	strace s3  }
0x97: {  	_ =	strace $0x8FFFFFFF  }
0x98: {  	s19 =	sld [smem:$0x3FDB];
	_ =	sdelay $0x1  }
0x99: {  	s4 =	simm.s32 $_scs_section_size  }
0x9a: {  	s5 =	simm.s32 $_size__tile_overlayer_lowered;
	s6 =	simm.s32 $_tile_overlayer_lowered  }
0x9b: {  	s22 =	simm.s32 $0x1BFF;
	s21 =	sshll.u32 s6, $0x1;
	s3 =	sadd.s32 s4, s19  }
0x9c: {  	s7 =	simm.s32 $0x0;
	s20 =	sshll.u32 s5, $0x1;
	s5 =	sadd.s32 s21, s3  }
0x9d: {  	[timem:s7], [sflag:s22] =	dma.local [hbm:s5], s20  }
0x9e: {  	_ =	swait.ge [sflag:s22], s20  }
0x9f: {  	s4 =	ssub.s32 $0x0, s20;
	[sflag:s22] =	ssyncset.done $0x0  }
0xa0: {  	[sflag:s22] =	ssyncadd.s32 s4;
	_ =	sdelay $0x1  }
0xa1: {  	s23 =	simm.s32 $0x1B8B  }
0xa2: {  	_ =	swait.ge [sflag:s23], $0x1  }
0xa3: {  	[sflag:s23] =	ssyncset.done $0x0  }
0xa4: {  	s25 =	simm.s32 $0x1B8E;
	s24 =	sld [smem:$0x3FFE];
	[sflag:s23] =	ssyncadd.s32 $0xFFFFFFFF  }
0xa5: {  	s26 =	simm.s32 $execute0_lowered;
	[smem:$0x3FD2] =	sst s25  }
0xa6: {  	s5 =	sshll.u32 s26, $0x1;
	_ =	strace $0x80000046;
	[dreg:$0x1] =	wrdreg $0xFFFFFFFF  }
0xa7: {  	s28 =	simm.s32 $_size_execute0_lowered;
	s3 =	sadd.s32 s3, s5;
	[dreg:$0x0] =	wrdreg $0x0  }
0xa8: {  	s5 =	sshll.u32 s28, $0x1;
	[dreg:$0x2] =	wrdreg s3  }
0xa9: {  	[dreg:$0x3] =	wrdreg s5  }
0xaa: {  	[dreg:$0x4] =	wrdreg $0xC0  }
0xab: {  	_ =	task [dreg:s7], $0x5FFFF  }
0xac: {  	[dreg:$0x1] =	wrdreg $0xFFFFFFFF  }
0xad: {  	[dreg:$0x0] =	wrdreg $0x60  }
0xae: {  	[dreg:$0x2] =	wrdreg s2  }
0xaf: {  	[dreg:$0x3] =	wrdreg s24  }
0xb0: {  	[dreg:$0x4] =	wrdreg $0x82000  }
0xb1: {  	[dreg:$0x5] =	wrdreg $0xA  }
0xb2: {  	_ =	task.clear_ibuf [dreg:s7], $0x6FFFF;
	_ =	strace $0x90000046  }
0xb3: {  	s29 =	simm.s32 $0xA;
	_ =	strace $0x80000048  }
0xb4: {  	_ =	swait.ge [sflag:s29], $0x1  }
0xb5: {  	[sflag:s29] =	ssyncadd.s32 $0xFFFFFFFF  }
0xb6: {  	_ =	strace $0x90000048  }
0xb7: {  	_ =	sfence  }
0xb8: {  	s30 =	sld [smem:$0x0];
	_ =	sdelay $0x2  }
0xb9: {  	s31 =	sshll.u32 s1, $0xD;
	s1 =	sshrl.u32 s1, $0x2  }
0xba: {  	s3 =	sand.u32 $0x4000, s31;
	s1 =	sadd.s32 s1, s30  }
0xbb: {  	s0 =	sor.u32 s3, s0;
	s1 =	sshll.u32 s1, $0x11  }
0xbc: {  	s0 =	sor.u32 s1, s0  }
0xbd: {  	s0 =	sadd.s32 $0x8F2B, s0  }
0xbe: {  	[sflag:s0] =	ssyncadd.remote.s32 $0x1  }
0xbf: {  	_ =	sfence.sel $0xFFFF  }
0xc0: {  	[dreg:$0x0] =	wrdreg $0xFFFFFFFF;
	(pc) =	sbr.abs _section_cstart, $3  }
0xc1: {  	[dreg:$0x1] =	wrdreg $0xFFFFFFFF  }
0xc2: {  	_ =	task.clear_ibuf [dreg:s7], $0x2FFFF;
	_ =	strace $0x9FFFFFFF  }
0xc3: {  	(tm) =	ssettm $0x7FFFFFFF  }
tec
execute0_lowered:
.L_overlay_start_1:
0x0: {  	(tag) =	ssettag $0x1  }
0x1: {  	s0 =	rddreg [dreg:$0x0]  }
0x2: {  	s1 =	srdreg.scid;
	s2 =	rddreg [dreg:$0x1]  }
0x3: {  	s3 =	rddreg [dreg:$0x2];
	s6 =	stileid.u32  }
0x4: {  	s4 =	simm.s32 $0x0;
	s29 =	simm.s32 $0x200;
	s30 =	simm.s32 $0x7  }
0x5: {  	s31 =	simm.s32 $0x100;
	s14 =	simm.s32 $0x2;
	s1 =	sand.u32 $0x1, s1  }
0x6: {  	[smem:$0x7FF] =	sst s4;
	s9 =	smul.u32 $0x50000, s6;
	s10 =	sadd.s32 $0x17000, s2  }
0x7: {  	s5 =	sshll.u32 s1, $0x4;
	_ =	strace $0x80000047;
	[dreg:$0x4] =	wrdreg s10  }
0x8: {  	s1 =	ssub.s32 $0x2, s1;
	s7 =	sor.u32 s6, s5;
	s5 =	sadd.s32 $0xD000, s2  }
0x9: {  	s6 =	sadd.s32 $0x3000, s2;
	s9 =	sshrl.u32 s9, $0x2;
	s16 =	sshrl.u32 s1, $0x1  }
0xa: {  	s8 =	smul.u32 $0x14000, s7;
	s9 =	sadd.s32 s9, s3;
	s1 =	ssub.s32 s1, s16  }
0xb: {  	s16 =	simm.s32 $0x5;
	s10 =	sadd.s32 $0x4000, s9;
	s11 =	sadd.s32 $0x8000, s9  }
0xc: {  	s1 =	smax.u32 s1, $0x1;
	s28 =	sadd.s32 $0x10000, s9;
	s15 =	sshrl.u32 s8, $0x3  }
0xd: {  	s8 =	smul.u32 $0x2800, s7;
	[dreg:$0xe] =	wrdreg s1;
	s2 =	sadd.s32 s15, s2  }
0xe: {  	s1 =	simm.s32 $0x80;
	s7 =	simm.s32 $0x4;
	s20 =	sadd.s32 $0x17800, s2  }
0xf: {  	s15 =	simm.s32 $0x3;
	s21 =	sadd.s32 $0x18000, s2;
	[dreg:$0x9] =	wrdreg s20  }
0x10: {  	s17 =	sshrl.u32 s8, $0x3;
	s22 =	sadd.s32 $0x18800, s2;
	[dreg:$0xa] =	wrdreg s21  }
0x11: {  	s23 =	sadd.s32 $0x19000, s2;
	s2 =	sadd.s32 $0x19800, s2;
	[dreg:$0xb] =	wrdreg s22  }
0x12: {  	s12 =	sadd.s32 s5, s17;
	s18 =	sor.u32 $0x10, s17;
	[dreg:$0xc] =	wrdreg s23  }
0x13: {  	s13 =	sadd.s32 s6, s17;
	[dreg:$0xd] =	wrdreg s2;
	s24 =	sadd.s32 $0x4F0, s17  }
0x14: {  	s25 =	sadd.s32 $0x4E0, s17;
	s2 =	simm.s32 $0x1;
	[dreg:$0x5] =	wrdreg s12  }
0x15: {  	s17 =	simm.s32 $0x180;
	[dreg:$0x6] =	wrdreg s13;
	s19 =	sadd.s32 s5, s18  }
0x16: {  	s12 =	sadd.s32 s6, s18;
	s22 =	sadd.s32 s5, s24;
	s23 =	sadd.s32 s6, s24  }
0x17: {  	s26 =	sadd.s32 s5, s25;
	s25 =	sadd.s32 s6, s25;
	[dreg:$0x7] =	wrdreg s19  }
0x18: {  	s13 =	simm.s32 $0x4200;
	s18 =	simm.s32 $0x0;
	[dreg:$0x8] =	wrdreg s12  }
0x19: {  	[dreg:$0xf] =	wrdreg s26;
	s26 =	sadd.s32 $0xC000, s9;
	s12 =	simm.s32 $0x6  }
.LBB2_1:
0x1a: {  	s19 =	rddreg [dreg:$0x4]  }
0x1b: {  	[tilespmem:s29], [sflag:$0x7] =	stream.linear.gather [hbm4b:s19+s4], $0x4000, $0x38;
	[tilespmem:$0x1C200] =	vst v63  }
0x1c: {  	_ =	swait.ge [sflag:s30], $0x4000  }
0x1d: {  	[sflag:s30] =	ssyncset.done $0x0  }
0x1e: {  	[sflag:s30] =	ssyncadd.s32 $0xFFFFC000  }
0x1f: {  	[spmem:s9] =	stream.linear.scatter [tilespmem:s29], [sflag:$0x7], $0x4000, $0x38;
	[tilespmem:$0x1C200] =	vst v63  }
0x20: {  	_ =	swait.ge [sflag:s30], $0x4000  }
0x21: {  	[sflag:s30] =	ssyncset.done $0x0  }
0x22: {  	[sflag:s30] =	ssyncadd.s32 $0xFFFFC000  }
0x23: {  	[spmem:s10] =	stream.linear.scatter [tilespmem:s29], [sflag:$0x7], $0x4000, $0x38;
	[tilespmem:$0x1C200] =	vst v63  }
0x24: {  	_ =	swait.ge [sflag:s30], $0x4000  }
0x25: {  	[sflag:s30] =	ssyncset.done $0x0  }
0x26: {  	[sflag:s30] =	ssyncadd.s32 $0xFFFFC000  }
0x27: {  	[spmem:s11] =	stream.linear.scatter [tilespmem:s29], [sflag:$0x7], $0x4000, $0x38;
	[tilespmem:$0x1C200] =	vst v63  }
0x28: {  	_ =	swait.ge [sflag:s30], $0x4000  }
0x29: {  	[sflag:s30] =	ssyncset.done $0x0  }
0x2a: {  	[sflag:s30] =	ssyncadd.s32 $0xFFFFC000  }
0x2b: {  	[spmem:s26] =	stream.linear.scatter [tilespmem:s29], [sflag:$0x7], $0x4000, $0x38;
	[tilespmem:$0x1C200] =	vst v63  }
0x2c: {  	_ =	swait.ge [sflag:s30], $0x4000  }
0x2d: {  	[sflag:s30] =	ssyncset.done $0x0  }
0x2e: {  	[sflag:s30] =	ssyncadd.s32 $0xFFFFC000  }
0x2f: {  	[spmem:s28] =	stream.linear.scatter [tilespmem:s29], [sflag:$0x7], $0x4000, $0x38;
	[tilespmem:$0x1C200] =	vst v63  }
0x30: {  	_ =	swait.ge [sflag:s30], $0x4000  }
0x31: {  	[sflag:s30] =	ssyncset.done $0x0  }
0x32: {  	[sflag:s30] =	ssyncadd.s32 $0xFFFFC000  }
0x33: {  	[bflag:$0x0] =	sbarrier.arrive $0xFFFF  }
0x34: {  	s20 =	rddreg [dreg:$0x5]  }
0x35: {  	[tilespmem:s4], [sflag:$0x7] =	stream.linear.gather [hbm4b:s20+s4], $0x80, $0x38;
	[tilespmem:$0x1C200] =	vst v63  }
0x36: {  	_ =	swait.ge [sflag:s30], $0x80  }
0x37: {  	[sflag:s30] =	ssyncset.done $0x0  }
0x38: {  	s21 =	rddreg [dreg:$0x6];
	[sflag:s30] =	ssyncadd.s32 $0xFFFFFF80  }
0x39: {  	[tilespmem:s31], [sflag:$0x7] =	stream.linear.gather [hbm4b:s21+s4], $0x80, $0x38;
	[tilespmem:$0x1C200] =	vst v63  }
0x3a: {  	_ =	swait.ge [sflag:s30], $0x80  }
0x3b: {  	[sflag:s30] =	ssyncset.done $0x0  }
0x3c: {  	[sflag:s30] =	ssyncadd.s32 $0xFFFFFF80  }
0x3d: {  	[tilespmem:s29], [sflag:$0x1] =	stream.indirect.gather [hbm4b:s0+s1], $0x80, s4, s1, $0xb8;
	[tilespmem:$0x1C200] =	vst v63  }
0x3e: {  	s24 =	rddreg [dreg:$0x7]  }
0x3f: {  	[tilespmem:s1], [sflag:$0x4] =	stream.linear.gather [hbm4b:s24+s4], $0x80, $0x38;
	[tilespmem:$0x1C200] =	vst v63  }
0x40: {  	s20 =	rddreg [dreg:$0x8]  }
0x41: {  	[tilespmem:s17], [sflag:$0x6] =	stream.linear.gather [hbm4b:s20+s4], $0x80, $0x38;
	[tilespmem:$0x1C200] =	vst v63  }
0x42: {  	_ =	swait.ge [sflag:s2], $0x4000  }
0x43: {  	[sflag:s2] =	ssyncset.done $0x0  }
0x44: {  	[sflag:s2] =	ssyncadd.s32 $0xFFFFC000  }
0x45: {  	_ =	swait.ge [sflag:s7], $0x80  }
0x46: {  	[sflag:s7] =	ssyncset.done $0x0  }
0x47: {  	[sflag:s7] =	ssyncadd.s32 $0xFFFFFF80  }
0x48: {  	_ =	swait.ge [sflag:s12], $0x80  }
0x49: {  	s21 =	simm.s32 $0x100;
	[sflag:s12] =	ssyncset.done $0x0  }
0x4a: {  	s20 =	sand.u32 $0x7C00, s21;
	[sflag:s12] =	ssyncadd.s32 $0xFFFFFF80  }
0x4b: {  	[tilespmem:s13], [sflag:$0x2] =	stream.indirect.gather [hbm4b:s0+s1], $0x80, s1, s1, $0xb8;
	[tilespmem:$0x1C200] =	vst v63  }
0x4c: {  	s19 =	sand.u32 $0x300, s21;
	s20 =	sadd.s32 s8, s20  }
0x4d: {  	[spmem:s3] =	stream.indirect.scatter.add.f32 [tilespmem:s29], [sflag:$0x7], $0x80, s31, s1, $0xb8;
	[tilespmem:$0x1C200] =	vst v63  }
0x4e: {  	s19 =	sor.u32 s19, s20;
	_ =	swait.ge [sflag:s30], $0x4000  }
0x4f: {  	s19 =	sshrl.u32 s19, $0x3;
	[sflag:s30] =	ssyncset.done $0x0  }
0x50: {  	s24 =	sadd.s32 s5, s19;
	[sflag:s30] =	ssyncadd.s32 $0xFFFFC000  }
0x51: {  	[tilespmem:s4], [sflag:$0x3] =	stream.linear.gather [hbm4b:s24+s4], $0x80, $0x38;
	[tilespmem:$0x1C200] =	vst v63  }
0x52: {  	s19 =	sadd.s32 s6, s19  }
0x53: {  	[tilespmem:s31], [sflag:$0x5] =	stream.linear.gather [hbm4b:s19+s4], $0x80, $0x38;
	[tilespmem:$0x1C200] =	vst v63  }
0x54: {  	_ =	swait.ge [sflag:s14], $0x4000  }
0x55: {  	[sflag:s14] =	ssyncset.done $0x0  }
0x56: {  	[sflag:s14] =	ssyncadd.s32 $0xFFFFC000  }
0x57: {  	_ =	swait.ge [sflag:s15], $0x80  }
0x58: {  	[sflag:s15] =	ssyncset.done $0x0  }
0x59: {  	[sflag:s15] =	ssyncadd.s32 $0xFFFFFF80  }
0x5a: {  	_ =	swait.ge [sflag:s16], $0x80  }
0x5b: {  	[sflag:s16] =	ssyncset.done $0x0  }
0x5c: {  	s21 =	sand.u32 $0x7C00, s17;
	[sflag:s16] =	ssyncadd.s32 $0xFFFFFF80  }
0x5d: {  	[tilespmem:s29], [sflag:$0x1] =	stream.indirect.gather [hbm4b:s0+s1], $0x80, s4, s1, $0xb8;
	[tilespmem:$0x1C200] =	vst v63  }
0x5e: {  	s24 =	sand.u32 $0x380, s17;
	s19 =	sadd.s32 s8, s21  }
0x5f: {  	[spmem:s3] =	stream.indirect.scatter.add.f32 [tilespmem:s13], [sflag:$0x7], $0x80, s17, s1, $0xb8;
	[tilespmem:$0x1C200] =	vst v63  }
0x60: {  	s19 =	sor.u32 s24, s19;
	_ =	swait.ge [sflag:s30], $0x4000  }
0x61: {  	s20 =	sshrl.u32 s19, $0x3;
	[sflag:s30] =	ssyncset.done $0x0  }
0x62: {  	s19 =	sadd.s32 s5, s20;
	[sflag:s30] =	ssyncadd.s32 $0xFFFFC000  }
0x63: {  	[tilespmem:s1], [sflag:$0x4] =	stream.linear.gather [hbm4b:s19+s4], $0x80, $0x38;
	[tilespmem:$0x1C200] =	vst v63  }
0x64: {  	s21 =	sadd.s32 s6, s20;
	s19 =	simm.s32 $0x280  }
.LBB2_2:
0x65: {  	p0 =	sne.s32 s19, $0x2680;
	s20 =	smov.u32 s19;
	s19 =	sadd.s32 $0x100, s19  }
0x66: {  	[tilespmem:s17], [sflag:$0x6] =	stream.linear.gather [hbm4b:s21+s4], $0x80, $0x38;
	[tilespmem:$0x1C200] =	vst v63  }
0x67: {  	_ =	swait.ge [sflag:s2], $0x4000  }
0x68: {  	[sflag:s2] =	ssyncset.done $0x0  }
0x69: {  	[sflag:s2] =	ssyncadd.s32 $0xFFFFC000  }
0x6a: {  	_ =	swait.ge [sflag:s7], $0x80  }
0x6b: {  	[sflag:s7] =	ssyncset.done $0x0  }
0x6c: {  	[sflag:s7] =	ssyncadd.s32 $0xFFFFFF80  }
0x6d: {  	_ =	swait.ge [sflag:s12], $0x80  }
0x6e: {  	[sflag:s12] =	ssyncset.done $0x0  }
0x6f: {  	s21 =	sadd.s32 $0xFFFFFF80, s20;
	[sflag:s12] =	ssyncadd.s32 $0xFFFFFF80  }
0x70: {  	[tilespmem:s13], [sflag:$0x2] =	stream.indirect.gather [hbm4b:s0+s1], $0x80, s1, s1, $0xb8;
	[tilespmem:$0x1C200] =	vst v63  }
0x71: {  	s24 =	sand.u32 $0x7C00, s21;
	s21 =	sand.u32 $0x300, s21  }
0x72: {  	[spmem:s3] =	stream.indirect.scatter.add.f32 [tilespmem:s29], [sflag:$0x7], $0x80, s31, s1, $0xb8;
	[tilespmem:$0x1C200] =	vst v63  }
0x73: {  	s24 =	sadd.s32 s8, s24;
	_ =	swait.ge [sflag:s30], $0x4000  }
0x74: {  	s21 =	sor.u32 s21, s24;
	[sflag:s30] =	ssyncset.done $0x0  }
0x75: {  	s21 =	sshrl.u32 s21, $0x3;
	[sflag:s30] =	ssyncadd.s32 $0xFFFFC000  }
0x76: {  	s24 =	sadd.s32 s5, s21;
	s21 =	sadd.s32 s6, s21  }
0x77: {  	[tilespmem:s4], [sflag:$0x3] =	stream.linear.gather [hbm4b:s24+s4], $0x80, $0x38;
	[tilespmem:$0x1C200] =	vst v63  }
0x78: {  	_ = 	snop  }
0x79: {  	[tilespmem:s31], [sflag:$0x5] =	stream.linear.gather [hbm4b:s21+s4], $0x80, $0x38;
	[tilespmem:$0x1C200] =	vst v63  }
0x7a: {  	_ =	swait.ge [sflag:s14], $0x4000  }
0x7b: {  	[sflag:s14] =	ssyncset.done $0x0  }
0x7c: {  	[sflag:s14] =	ssyncadd.s32 $0xFFFFC000  }
0x7d: {  	_ =	swait.ge [sflag:s15], $0x80  }
0x7e: {  	[sflag:s15] =	ssyncset.done $0x0  }
0x7f: {  	[sflag:s15] =	ssyncadd.s32 $0xFFFFFF80  }
0x80: {  	_ =	swait.ge [sflag:s16], $0x80  }
0x81: {  	[sflag:s16] =	ssyncset.done $0x0  }
0x82: {  	s21 =	sand.u32 $0x7C00, s20;
	[sflag:s16] =	ssyncadd.s32 $0xFFFFFF80  }
0x83: {  	[tilespmem:s29], [sflag:$0x1] =	stream.indirect.gather [hbm4b:s0+s1], $0x80, s4, s1, $0xb8;
	[tilespmem:$0x1C200] =	vst v63  }
0x84: {  	s20 =	sand.u32 $0x380, s20;
	s21 =	sadd.s32 s8, s21  }
0x85: {  	[spmem:s3] =	stream.indirect.scatter.add.f32 [tilespmem:s13], [sflag:$0x7], $0x80, s17, s1, $0xb8;
	[tilespmem:$0x1C200] =	vst v63  }
.Ltmp0:
0x86: {  	_ = 	snop;
	(pc) =	sbr.rel @p0 .LBB2_2-.Ltmp0, $4  }
0x87: {  	s20 =	sor.u32 s20, s21;
	_ =	swait.ge [sflag:s30], $0x4000  }
0x88: {  	s20 =	sshrl.u32 s20, $0x3;
	[sflag:s30] =	ssyncset.done $0x0  }
0x89: {  	s24 =	sadd.s32 s5, s20;
	s21 =	sadd.s32 s6, s20;
	[sflag:s30] =	ssyncadd.s32 $0xFFFFC000  }
0x8a: {  	[tilespmem:s1], [sflag:$0x4] =	stream.linear.gather [hbm4b:s24+s4], $0x80, $0x38;
	[tilespmem:$0x1C200] =	vst v63  }
0x8b: {  	[tilespmem:s17], [sflag:$0x6] =	stream.linear.gather [hbm4b:s21+s4], $0x80, $0x38;
	[tilespmem:$0x1C200] =	vst v63  }
0x8c: {  	_ =	swait.ge [sflag:s2], $0x4000  }
0x8d: {  	[sflag:s2] =	ssyncset.done $0x0  }
0x8e: {  	[sflag:s2] =	ssyncadd.s32 $0xFFFFC000  }
0x8f: {  	_ =	swait.ge [sflag:s7], $0x80  }
0x90: {  	[sflag:s7] =	ssyncset.done $0x0  }
0x91: {  	[sflag:s7] =	ssyncadd.s32 $0xFFFFFF80  }
0x92: {  	_ =	swait.ge [sflag:s12], $0x80  }
0x93: {  	[sflag:s12] =	ssyncset.done $0x0  }
0x94: {  	[sflag:s12] =	ssyncadd.s32 $0xFFFFFF80  }
0x95: {  	[tilespmem:s13], [sflag:$0x2] =	stream.indirect.gather [hbm4b:s0+s1], $0x80, s1, s1, $0xb8;
	[tilespmem:$0x1C200] =	vst v63  }
0x96: {  	_ = 	snop  }
0x97: {  	[spmem:s3] =	stream.indirect.scatter.add.f32 [tilespmem:s29], [sflag:$0x7], $0x80, s31, s1, $0xb8;
	[tilespmem:$0x1C200] =	vst v63  }
0x98: {  	_ =	swait.ge [sflag:s30], $0x4000  }
0x99: {  	[sflag:s30] =	ssyncset.done $0x0  }
0x9a: {  	s19 =	rddreg [dreg:$0xf];
	[sflag:s30] =	ssyncadd.s32 $0xFFFFC000  }
0x9b: {  	[tilespmem:s4], [sflag:$0x3] =	stream.linear.gather [hbm4b:s19+s4], $0x80, $0x38;
	[tilespmem:$0x1C200] =	vst v63  }
0x9c: {  	_ = 	snop  }
0x9d: {  	[tilespmem:s31], [sflag:$0x5] =	stream.linear.gather [hbm4b:s25+s4], $0x80, $0x38;
	[tilespmem:$0x1C200] =	vst v63  }
0x9e: {  	_ =	swait.ge [sflag:s14], $0x4000  }
0x9f: {  	[sflag:s14] =	ssyncset.done $0x0  }
0xa0: {  	[sflag:s14] =	ssyncadd.s32 $0xFFFFC000  }
0xa1: {  	_ =	swait.ge [sflag:s15], $0x80  }
0xa2: {  	[sflag:s15] =	ssyncset.done $0x0  }
0xa3: {  	[sflag:s15] =	ssyncadd.s32 $0xFFFFFF80  }
0xa4: {  	_ =	swait.ge [sflag:s16], $0x80  }
0xa5: {  	[sflag:s16] =	ssyncset.done $0x0  }
0xa6: {  	[sflag:s16] =	ssyncadd.s32 $0xFFFFFF80  }
0xa7: {  	[tilespmem:s29], [sflag:$0x1] =	stream.indirect.gather [hbm4b:s0+s1], $0x80, s4, s1, $0xb8;
	[tilespmem:$0x1C200] =	vst v63  }
0xa8: {  	_ = 	snop  }
0xa9: {  	[spmem:s3] =	stream.indirect.scatter.add.f32 [tilespmem:s13], [sflag:$0x7], $0x80, s17, s1, $0xb8;
	[tilespmem:$0x1C200] =	vst v63  }
0xaa: {  	_ =	swait.ge [sflag:s30], $0x4000  }
0xab: {  	[sflag:s30] =	ssyncset.done $0x0  }
0xac: {  	[sflag:s30] =	ssyncadd.s32 $0xFFFFC000  }
0xad: {  	[tilespmem:s1], [sflag:$0x4] =	stream.linear.gather [hbm4b:s22+s4], $0x80, $0x38;
	[tilespmem:$0x1C200] =	vst v63  }
0xae: {  	_ = 	snop  }
0xaf: {  	[tilespmem:s17], [sflag:$0x6] =	stream.linear.gather [hbm4b:s23+s4], $0x80, $0x38;
	[tilespmem:$0x1C200] =	vst v63  }
0xb0: {  	_ =	swait.ge [sflag:s2], $0x4000  }
0xb1: {  	[sflag:s2] =	ssyncset.done $0x0  }
0xb2: {  	[sflag:s2] =	ssyncadd.s32 $0xFFFFC000  }
0xb3: {  	_ =	swait.ge [sflag:s7], $0x80  }
0xb4: {  	[sflag:s7] =	ssyncset.done $0x0  }
0xb5: {  	[sflag:s7] =	ssyncadd.s32 $0xFFFFFF80  }
0xb6: {  	_ =	swait.ge [sflag:s12], $0x80  }
0xb7: {  	[sflag:s12] =	ssyncset.done $0x0  }
0xb8: {  	[sflag:s12] =	ssyncadd.s32 $0xFFFFFF80  }
0xb9: {  	[tilespmem:s13], [sflag:$0x2] =	stream.indirect.gather [hbm4b:s0+s1], $0x80, s1, s1, $0xb8;
	[tilespmem:$0x1C200] =	vst v63  }
0xba: {  	_ = 	snop  }
0xbb: {  	[spmem:s3] =	stream.indirect.scatter.add.f32 [tilespmem:s29], [sflag:$0x7], $0x80, s31, s1, $0xb8;
	[tilespmem:$0x1C200] =	vst v63  }
0xbc: {  	_ =	swait.ge [sflag:s30], $0x4000  }
0xbd: {  	[sflag:s30] =	ssyncset.done $0x0  }
0xbe: {  	[sflag:s30] =	ssyncadd.s32 $0xFFFFC000  }
0xbf: {  	[tilespmem:s4], [sflag:$0x3] =	stream.linear.gather [hbm4b:s22+s4], $0x80, $0x38;
	[tilespmem:$0x1C200] =	vst v63  }
0xc0: {  	_ = 	snop  }
0xc1: {  	[tilespmem:s31], [sflag:$0x5] =	stream.linear.gather [hbm4b:s23+s4], $0x80, $0x38;
	[tilespmem:$0x1C200] =	vst v63  }
0xc2: {  	_ =	swait.ge [sflag:s14], $0x4000  }
0xc3: {  	[sflag:s14] =	ssyncset.done $0x0  }
0xc4: {  	[sflag:s14] =	ssyncadd.s32 $0xFFFFC000  }
0xc5: {  	_ =	swait.ge [sflag:s15], $0x80  }
0xc6: {  	[sflag:s15] =	ssyncset.done $0x0  }
0xc7: {  	[sflag:s15] =	ssyncadd.s32 $0xFFFFFF80  }
0xc8: {  	_ =	swait.ge [sflag:s16], $0x80  }
0xc9: {  	[sflag:s16] =	ssyncset.done $0x0  }
0xca: {  	[sflag:s16] =	ssyncadd.s32 $0xFFFFFF80  }
0xcb: {  	[tilespmem:s29], [sflag:$0x1] =	stream.indirect.gather [hbm4b:s0+s1], $0x80, s4, s1, $0xb8;
	[tilespmem:$0x1C200] =	vst v63  }
0xcc: {  	_ = 	snop  }
0xcd: {  	[spmem:s3] =	stream.indirect.scatter.add.f32 [tilespmem:s13], [sflag:$0x7], $0x80, s17, s1, $0xb8;
	[tilespmem:$0x1C200] =	vst v63  }
0xce: {  	_ =	swait.ge [sflag:s30], $0x4000  }
0xcf: {  	[sflag:s30] =	ssyncset.done $0x0  }
0xd0: {  	[sflag:s30] =	ssyncadd.s32 $0xFFFFC000  }
0xd1: {  	[tilespmem:s1], [sflag:$0x4] =	stream.linear.gather [hbm4b:s22+s4], $0x80, $0x38;
	[tilespmem:$0x1C200] =	vst v63  }
0xd2: {  	_ = 	snop  }
0xd3: {  	[tilespmem:s17], [sflag:$0x6] =	stream.linear.gather [hbm4b:s23+s4], $0x80, $0x38;
	[tilespmem:$0x1C200] =	vst v63  }
0xd4: {  	_ =	swait.ge [sflag:s2], $0x4000  }
0xd5: {  	[sflag:s2] =	ssyncset.done $0x0  }
0xd6: {  	[sflag:s2] =	ssyncadd.s32 $0xFFFFC000  }
0xd7: {  	_ =	swait.ge [sflag:s7], $0x80  }
0xd8: {  	[sflag:s7] =	ssyncset.done $0x0  }
0xd9: {  	[sflag:s7] =	ssyncadd.s32 $0xFFFFFF80  }
0xda: {  	_ =	swait.ge [sflag:s12], $0x80  }
0xdb: {  	[sflag:s12] =	ssyncset.done $0x0  }
0xdc: {  	[sflag:s12] =	ssyncadd.s32 $0xFFFFFF80  }
0xdd: {  	[bflag:$0x0] =	sbarrier.arrive $0xFFFF  }
0xde: {  	[tilespmem:s29], [sflag:$0x7] =	stream.linear.gather [spmem:s9], $0x4000, $0x38;
	[tilespmem:$0x1C200] =	vst v63  }
0xdf: {  	_ =	swait.ge [sflag:s30], $0x4000  }
0xe0: {  	[sflag:s30] =	ssyncset.done $0x0  }
0xe1: {  	s20 =	rddreg [dreg:$0x9];
	[sflag:s30] =	ssyncadd.s32 $0xFFFFC000  }
0xe2: {  	[hbm4b:s20+s4] =	stream.linear.scatter [tilespmem:s29], [sflag:$0x7], $0x4000, $0x38;
	[tilespmem:$0x1C200] =	vst v63  }
0xe3: {  	_ =	swait.ge [sflag:s30], $0x4000  }
0xe4: {  	[sflag:s30] =	ssyncset.done $0x0  }
0xe5: {  	[sflag:s30] =	ssyncadd.s32 $0xFFFFC000  }
0xe6: {  	[tilespmem:s29], [sflag:$0x7] =	stream.linear.gather [spmem:s10], $0x4000, $0x38;
	[tilespmem:$0x1C200] =	vst v63  }
0xe7: {  	_ =	swait.ge [sflag:s30], $0x4000  }
0xe8: {  	[sflag:s30] =	ssyncset.done $0x0  }
0xe9: {  	s21 =	rddreg [dreg:$0xa];
	[sflag:s30] =	ssyncadd.s32 $0xFFFFC000  }
0xea: {  	[hbm4b:s21+s4] =	stream.linear.scatter [tilespmem:s29], [sflag:$0x7], $0x4000, $0x38;
	[tilespmem:$0x1C200] =	vst v63  }
0xeb: {  	_ =	swait.ge [sflag:s30], $0x4000  }
0xec: {  	[sflag:s30] =	ssyncset.done $0x0  }
0xed: {  	[sflag:s30] =	ssyncadd.s32 $0xFFFFC000  }
0xee: {  	[tilespmem:s29], [sflag:$0x7] =	stream.linear.gather [spmem:s11], $0x4000, $0x38;
	[tilespmem:$0x1C200] =	vst v63  }
0xef: {  	_ =	swait.ge [sflag:s30], $0x4000  }
0xf0: {  	[sflag:s30] =	ssyncset.done $0x0  }
0xf1: {  	s24 =	rddreg [dreg:$0xb];
	[sflag:s30] =	ssyncadd.s32 $0xFFFFC000  }
0xf2: {  	[hbm4b:s24+s4] =	stream.linear.scatter [tilespmem:s29], [sflag:$0x7], $0x4000, $0x38;
	[tilespmem:$0x1C200] =	vst v63  }
0xf3: {  	_ =	swait.ge [sflag:s30], $0x4000  }
0xf4: {  	[sflag:s30] =	ssyncset.done $0x0  }
0xf5: {  	[sflag:s30] =	ssyncadd.s32 $0xFFFFC000  }
0xf6: {  	[tilespmem:s29], [sflag:$0x7] =	stream.linear.gather [spmem:s26], $0x4000, $0x38;
	[tilespmem:$0x1C200] =	vst v63  }
0xf7: {  	_ =	swait.ge [sflag:s30], $0x4000  }
0xf8: {  	[sflag:s30] =	ssyncset.done $0x0  }
0xf9: {  	s20 =	rddreg [dreg:$0xc];
	[sflag:s30] =	ssyncadd.s32 $0xFFFFC000  }
0xfa: {  	[hbm4b:s20+s4] =	stream.linear.scatter [tilespmem:s29], [sflag:$0x7], $0x4000, $0x38;
	[tilespmem:$0x1C200] =	vst v63  }
0xfb: {  	_ =	swait.ge [sflag:s30], $0x4000  }
0xfc: {  	[sflag:s30] =	ssyncset.done $0x0  }
0xfd: {  	[sflag:s30] =	ssyncadd.s32 $0xFFFFC000  }
0xfe: {  	[tilespmem:s29], [sflag:$0x7] =	stream.linear.gather [spmem:s28], $0x4000, $0x38;
	[tilespmem:$0x1C200] =	vst v63  }
0xff: {  	_ =	swait.ge [sflag:s30], $0x4000  }
0x100: {  	[sflag:s30] =	ssyncset.done $0x0  }
0x101: {  	s21 =	rddreg [dreg:$0xd];
	[sflag:s30] =	ssyncadd.s32 $0xFFFFC000  }
0x102: {  	[hbm4b:s21+s4] =	stream.linear.scatter [tilespmem:s29], [sflag:$0x7], $0x4000, $0x38;
	[tilespmem:$0x1C200] =	vst v63  }
0x103: {  	_ =	swait.ge [sflag:s30], $0x4000  }
0x104: {  	s18 =	sadd.s32 $0x1, s18;
	s24 =	rddreg [dreg:$0xe]  }
0x105: {  	p0 =	sne.s32 s18, s24  }
.Ltmp1:
0x106: {  	_ = 	snop;
	(pc) =	sbr.rel @p0 .LBB2_1-.Ltmp1, $3  }
0x107: {  	_ =	sdelay $0x1  }
0x108: {  	[sflag:s30] =	ssyncset.done $0x0  }
0x109: {  	[sflag:s30] =	ssyncadd.s32 $0xFFFFC000  }
0x10a: {  	_ =	sfence.sel $0x180000  }
0x10b: {  	[bflag:$0x0] =	sbarrier.arrive $0xFFFF  }
0x10c: {  	_ =	strace $0x90000047  }
0x10d: {  	s0 =	stileid.u32;
	[bflag:$0x2] =	sbarrier.arrive $0xFFFF  }
0x10e: {  	p0 =	sne.s32 s0, $0x0;
	s0 =	rddreg [dreg:$0x3]  }
0x10f: {  	s0 =	sadd.s32 @!p0 $0x100000, s0  }
0x110: {  	[sflag:s0] =	ssyncadd.tile.s32 @!p0 $0x1;
	_ =	shalt  }
.Lfunc_end2:
_tile_overlayer_lowered:
.L_overlay_start_2:
0x111: {  	(tag) =	ssettag $0x2  }
0x112: {  	s0 =	rddreg [dreg:$0x0];
	s2 =	stileid.u32  }
0x113: {  	s1 =	rddreg [dreg:$0x1];
	p0 =	sne.s32 s2, $0x0  }
0x114: {  	s3 =	rddreg [dreg:$0x2];
	[bflag:$0x3] =	sbarrier.arrive $0xFFFF;
	s2 =	simm.s32 @!p0 $0x1C07  }
0x115: {  	[timem:s3], [sflag:s2] =	dma.local @!p0 [hbm:s0], s1  }
0x116: {  	s0 =	simm.s32 @!p0 $0x7  }
0x117: {  	_ =	swait.ge @!p0 [sflag:s0], s1  }
0x118: {  	s1 =	ssub.s32 @!p0 $0x0, s1;
	[sflag:s0] =	ssyncset.done @!p0 $0x0  }
0x119: {  	[sflag:s0] =	ssyncadd.s32 @!p0 s1  }
0x11a: {  	[bflag:$0x3] =	sbarrier.arrive $0xFFFF  }
0x11b: {  	_ =	shalt  }

// kernel: kernel.15.cloned.1.call-start
scs
__scs_entry_jumppad:
0x0: {  	(pc) =	sbr.rel $0x88, $3  }
0x1: {  	(tag) =	ssettag $0x0;
	lr =	simm.s32 $0x1  }
0x2: {  	[smem:$0x3F9B] =	sst lr;
	_ =	strace $0xD0000000  }
0x3: {  	_ = 	snop  }
0x4: {  	_ = 	snop  }
0x5: {  	_ = 	snop  }
0x6: {  	_ = 	snop  }
0x7: {  	_ = 	snop  }
__scs_overlays_trampoline_lowered:
0x8: {  	[smem:$0x3FAA] =	sst s0  }
0x9: {  	[smem:$0x3FAB] =	sst s1  }
0xa: {  	[smem:$0x3FAC] =	sst s2  }
0xb: {  	[smem:$0x3FAD] =	sst s3  }
0xc: {  	[smem:$0x3FAE] =	sst s4  }
0xd: {  	[smem:$0x3FAF] =	sst s5  }
0xe: {  	[smem:$0x3FB0] =	sst s6  }
0xf: {  	[smem:$0x3FB1] =	sst s7  }
0x10: {  	[smem:$0x3FB2] =	sst s8  }
0x11: {  	[smem:$0x3FB3] =	sst s9;
	s0 =	simm.s32 @!p0 $0x0  }
0x12: {  	s1 =	sld [smem:$0x3F99];
	s0 =	simm.s32 @p0 $0x1  }
0x13: {  	[smem:$0x3FB4] =	sst s0;
	s0 =	simm.s32 @!p1 $0x0  }
0x14: {  	s2 =	sld [smem:$0x3F98];
	s0 =	simm.s32 @p1 $0x1  }
0x15: {  	[smem:$0x3FB5] =	sst s0;
	s0 =	simm.s32 @!p2 $0x0  }
0x16: {  	s3 =	sld [smem:$0x3FDB];
	s0 =	simm.s32 @p2 $0x1  }
0x17: {  	s4 =	simm.s32 $0x1BF5;
	[smem:$0x3FB7] =	sst s0  }
0x18: {  	s0 =	sld [smem:$0x3F9A];
	_ =	swait.ge [sflag:s4], $0x0  }
0x19: {  	s7 =	sld [smem:$0x3F9B]  }
0x1a: {  	s8 =	sadd.s32 $0xFFFFE003, lr  }
0x1b: {  	s9 =	sadd.s32 $0xFFFFFEF7, lr;
	s5 =	simm.s32 $0xFFFFFFFF;
	p2 =	slt.u32 s8, $0xFFFFF086  }
0x1c: {  	p1 =	slt.u32 s9, $0xF7A;
	s5 =	simm.s32 @!p2 $0x0  }
0x1d: {  	s5 =	simm.s32 @p1 $0x1;
	p0 =	seq.s32 s7, s2  }
0x1e: {  	s7 =	smul.u32 @!p0 $0xF7A, s2;
	p2 =	seq.s32 @!p0 s5, $0x0  }
0x1f: {  	s9 =	smul.u32 $0xF7A, s1;
	s8 =	simm.s32 @!p0 $0x1BF5;
	p2 =	por !p2, p0  }
0x20: {  	[sflag:s8] =	ssyncset.s32 @!p0 $0xFFFFF086;
	s6 =	sadd.s32 @!p0 s3, s7;
	s7 =	simm.s32 @!p0 $0x108  }
0x21: {  	s3 =	sadd.s32 s3, s9;
	s6 =	sadd.s32 @!p0 $0x88, s6;
	s7 =	simm.s32 @p2 $0x1082  }
0x22: {  	[simem:s7], [sflag:s8] =	dma.local @!p0 [hbm:s6], $0xF7A  }
0x23: {  	s9 =	sor.u32 $0xD0000000, s2;
	s6 =	simm.s32 $0x108;
	_ =	swait.ge @!p0 [sflag:s8], $0x0  }
0x24: {  	s3 =	sadd.s32 $0x88, s3;
	s6 =	simm.s32 @!p1 $0x1082;
	[sflag:s4] =	ssyncset.s32 $0xFFFFF086  }
0x25: {  	[simem:s6], [sflag:s4] =	dma.local [hbm:s3], $0xF7A  }
0x26: {  	[smem:$0x3F9B] =	sst s1;
	(tag) =	ssettag s2;
	_ =	strace s9  }
0x27: {  	s1 =	sld [smem:$0x3FAB]  }
0x28: {  	s2 =	sld [smem:$0x3FAC]  }
0x29: {  	s4 =	sld [smem:$0x3FAE]  }
0x2a: {  	p0 =	seq.s32 s5, $0x0;
	s5 =	sld [smem:$0x3FAF]  }
0x2b: {  	s6 =	sld [smem:$0x3FB0]  }
0x2c: {  	s7 =	sld [smem:$0x3FB1]  }
0x2d: {  	s3 =	simm.s32 $0x108;
	s8 =	sld [smem:$0x3FB2]  }
0x2e: {  	s3 =	simm.s32 @!p0 $0x1082;
	s9 =	sld [smem:$0x3FB3]  }
0x2f: {  	lr =	sadd.s32 s0, s3;
	s0 =	sld [smem:$0x3FAA]  }
0x30: {  	s3 =	sld [smem:$0x3FAD]  }
0x31: {  	[smem:$0x3FB6] =	sst s10  }
0x32: {  	s10 =	sld [smem:$0x3FB4];
	_ =	sdelay $0x3  }
0x33: {  	p0 =	seq.s32 s10, $0x1;
	s10 =	sld [smem:$0x3FB6];
	_ =	sdelay $0x3  }
0x34: {  	[smem:$0x3FB6] =	sst s10  }
0x35: {  	s10 =	sld [smem:$0x3FB5];
	_ =	sdelay $0x3  }
0x36: {  	p1 =	seq.s32 s10, $0x1;
	s10 =	sld [smem:$0x3FB6];
	_ =	sdelay $0x3  }
0x37: {  	[smem:$0x3FB6] =	sst s10  }
0x38: {  	s10 =	sld [smem:$0x3FB7]  }
0x39: {  	_ = 	snop;
	(pc) =	sbr.ind lr, $3  }
0x3a: {  	_ = 	snop  }
0x3b: {  	_ = 	snop  }
0x3c: {  	p2 =	seq.s32 s10, $0x1;
	s10 =	sld [smem:$0x3FB6]  }
0x3d: {  	_ =	shalt  }
0x3e: {  	_ =	shalt  }
0x3f: {  	_ =	shalt  }
0x40: {  	_ =	shalt  }
0x41: {  	_ =	shalt  }
0x42: {  	_ =	shalt  }
0x43: {  	_ =	shalt  }
0x44: {  	_ =	shalt  }
0x45: {  	_ =	shalt  }
0x46: {  	_ =	shalt  }
0x47: {  	_ =	shalt  }
0x48: {  	_ =	shalt  }
0x49: {  	_ =	shalt  }
0x4a: {  	_ =	shalt  }
0x4b: {  	_ =	shalt  }
0x4c: {  	_ =	shalt  }
0x4d: {  	_ =	shalt  }
0x4e: {  	_ =	shalt  }
0x4f: {  	_ =	shalt  }
0x50: {  	_ =	shalt  }
0x51: {  	_ =	shalt  }
0x52: {  	_ =	shalt  }
0x53: {  	_ =	shalt  }
0x54: {  	_ =	shalt  }
0x55: {  	_ =	shalt  }
0x56: {  	_ =	shalt  }
0x57: {  	_ =	shalt  }
0x58: {  	_ =	shalt  }
0x59: {  	_ =	shalt  }
0x5a: {  	_ =	shalt  }
0x5b: {  	_ =	shalt  }
0x5c: {  	_ =	shalt  }
0x5d: {  	_ =	shalt  }
0x5e: {  	_ =	shalt  }
0x5f: {  	_ =	shalt  }
0x60: {  	_ =	shalt  }
0x61: {  	_ =	shalt  }
0x62: {  	_ =	shalt  }
0x63: {  	_ =	shalt  }
0x64: {  	_ =	shalt  }
0x65: {  	_ =	shalt  }
0x66: {  	_ =	shalt  }
0x67: {  	_ =	shalt  }
0x68: {  	_ =	shalt  }
0x69: {  	_ =	shalt  }
0x6a: {  	_ =	shalt  }
0x6b: {  	_ =	shalt  }
0x6c: {  	_ =	shalt  }
0x6d: {  	_ =	shalt  }
0x6e: {  	_ =	shalt  }
0x6f: {  	_ =	shalt  }
0x70: {  	_ =	shalt  }
0x71: {  	_ =	shalt  }
0x72: {  	_ =	shalt  }
0x73: {  	_ =	shalt  }
0x74: {  	_ =	shalt  }
0x75: {  	_ =	shalt  }
0x76: {  	_ =	shalt  }
0x77: {  	_ =	shalt  }
0x78: {  	_ =	shalt  }
0x79: {  	_ =	shalt  }
0x7a: {  	_ =	shalt  }
0x7b: {  	_ =	shalt  }
0x7c: {  	_ =	shalt  }
0x7d: {  	_ =	shalt  }
0x7e: {  	_ =	shalt  }
0x7f: {  	_ =	shalt  }
0x80: {  	_ =	shalt  }
0x81: {  	_ =	shalt  }
0x82: {  	_ =	shalt  }
0x83: {  	_ =	shalt  }
0x84: {  	_ =	shalt  }
0x85: {  	_ =	shalt  }
0x86: {  	_ =	shalt  }
0x87: {  	_ =	shalt  }
.Lfunc_end0:
.L_simem_size_0:
called_computation.2_lowered:
.L_overlay_start_0:
0x88: {  	s2 =	sld [smem:$0x3FD9]  }
0x89: {  	s3 =	sld [smem:$0x3FFE];
	_ =	sdelay $0x1  }
0x8a: {  	s1 =	srdreg.scid  }
0x8b: {  	s0 =	sand.u32 $0x1, s1  }
0x8c: {  	s17 =	sshll.u32 s0, $0xA;
	s2 =	sadd.s32 s3, s2  }
0x8d: {  	s2 =	sadd.s32 s2, s17  }
0x8e: {  	[smem:$0x3FC2] =	sst s2  }
0x8f: {  	_ = 	snop  }
0x90: {  	(tm) =	ssettm $0x1  }
0x91: {  	s18 =	sld [smem:$0x3FFB];
	_ =	sdelay $0x3  }
0x92: {  	_ =	strace s18  }
0x93: {  	s2 =	sld [smem:$0x3FFC];
	_ =	sdelay $0x3  }
0x94: {  	_ =	strace s2  }
0x95: {  	s2 =	sld [smem:$0x3FFD];
	_ =	sdelay $0x3  }
0x96: {  	_ =	strace s2  }
0x97: {  	_ =	strace $0x8FFFFFFF  }
0x98: {  	s19 =	sld [smem:$0x3FDB];
	_ =	sdelay $0x1  }
0x99: {  	s20 =	simm.s32 $_scs_section_size  }
0x9a: {  	s4 =	simm.s32 $_size__tile_overlayer_lowered;
	s5 =	simm.s32 $_tile_overlayer_lowered  }
0x9b: {  	s6 =	simm.s32 $0x1BFF;
	s21 =	sshll.u32 s5, $0x1;
	s3 =	sadd.s32 s20, s19  }
0x9c: {  	s22 =	simm.s32 $0x0;
	s4 =	sshll.u32 s4, $0x1;
	s5 =	sadd.s32 s21, s3  }
0x9d: {  	[timem:s22], [sflag:s6] =	dma.local [hbm:s5], s4  }
0x9e: {  	_ =	swait.ge [sflag:s6], s4  }
0x9f: {  	s4 =	ssub.s32 $0x0, s4;
	[sflag:s6] =	ssyncset.done $0x0  }
0xa0: {  	[sflag:s6] =	ssyncadd.s32 s4;
	_ =	sdelay $0x1  }
0xa1: {  	s23 =	simm.s32 $0x1B8B  }
0xa2: {  	_ =	swait.ge [sflag:s23], $0x1  }
0xa3: {  	[sflag:s23] =	ssyncset.done $0x0  }
0xa4: {  	[sflag:s23] =	ssyncadd.s32 $0xFFFFFFFF  }
0xa5: {  	s4 =	sld [smem:$0x0]  }
0xa6: {  	s5 =	sand.u32 $0xFFFFFFFE, s1  }
0xa7: {  	p0 =	sne.s32 s1, s5  }
0xa8: {  	s5 =	sshll.u32 @p0 s5, $0xE  }
0xa9: {  	s5 =	sadd.s32 @p0 $0x11B8D, s5;
	s6 =	sshll.u32 @p0 s4, $0x11  }
0xaa: {  	s5 =	sor.u32 @p0 s6, s5  }
0xab: {  	[sflag:s5] =	ssyncadd.remote.s32 @p0 $0x1;
	_ =	sdelay $0x1  }
0xac: {  	s5 =	simm.s32 @p0 $0x1B8D  }
0xad: {  	_ =	swait.eq @p0 [sflag:s5], $0x1  }
0xae: {  	[sflag:s5] =	ssyncadd.s32 @p0 $0xFFFFFFFF  }
0xaf: {  	s6 =	sshll.u32 @!p0 s1, $0xE  }
0xb0: {  	s6 =	sor.u32 @!p0 $0x4000, s6;
	s5 =	simm.s32 @!p0 $0x1B8D  }
0xb1: {  	s4 =	sshll.u32 @!p0 s4, $0x11;
	s6 =	sadd.s32 @!p0 $0x11B8D, s6;
	_ =	swait.eq @!p0 [sflag:s5], $0x1  }
0xb2: {  	s4 =	sor.u32 @!p0 s4, s6;
	[sflag:s5] =	ssyncadd.s32 @!p0 $0xFFFFFFFF  }
0xb3: {  	s25 =	simm.s32 $0x1B8E;
	s24 =	sld [smem:$0x3FFE];
	[sflag:s4] =	ssyncadd.remote.s32 @!p0 $0x1  }
0xb4: {  	s26 =	simm.s32 $execute0_lowered;
	[smem:$0x3FD2] =	sst s25  }
0xb5: {  	s5 =	sshll.u32 s26, $0x1;
	_ =	strace $0x8000004C;
	[dreg:$0x1] =	wrdreg $0xFFFFFFFF  }
0xb6: {  	s28 =	simm.s32 $_size_execute0_lowered;
	s3 =	sadd.s32 s3, s5;
	[dreg:$0x0] =	wrdreg $0x0  }
0xb7: {  	s5 =	sshll.u32 s28, $0x1;
	[dreg:$0x2] =	wrdreg s3  }
0xb8: {  	[dreg:$0x3] =	wrdreg s5  }
0xb9: {  	[dreg:$0x4] =	wrdreg $0xC0  }
0xba: {  	_ =	task [dreg:s22], $0x5FFFF  }
0xbb: {  	[dreg:$0x1] =	wrdreg $0xFFFFFFFF  }
0xbc: {  	[dreg:$0x0] =	wrdreg $0x60  }
0xbd: {  	[dreg:$0x2] =	wrdreg s24  }
0xbe: {  	[dreg:$0x3] =	wrdreg $0x82000  }
0xbf: {  	[dreg:$0x4] =	wrdreg $0xA  }
0xc0: {  	_ =	task.clear_ibuf [dreg:s22], $0x5FFFF;
	_ =	strace $0x9000004C  }
0xc1: {  	s29 =	simm.s32 $0xA;
	_ =	strace $0x8000004E  }
0xc2: {  	_ =	swait.ge [sflag:s29], $0x1  }
0xc3: {  	[sflag:s29] =	ssyncadd.s32 $0xFFFFFFFF  }
0xc4: {  	_ =	strace $0x9000004E  }
0xc5: {  	_ =	sfence  }
0xc6: {  	s30 =	sld [smem:$0x0];
	_ =	sdelay $0x2  }
0xc7: {  	s31 =	sshll.u32 s1, $0xD;
	s1 =	sshrl.u32 s1, $0x2  }
0xc8: {  	s4 =	sand.u32 $0x4000, s31;
	s1 =	sadd.s32 s1, s30  }
0xc9: {  	s0 =	sor.u32 s4, s0;
	s1 =	sshll.u32 s1, $0x11  }
0xca: {  	s0 =	sor.u32 s1, s0  }
0xcb: {  	s0 =	sadd.s32 $0x8F2B, s0  }
0xcc: {  	[sflag:s0] =	ssyncadd.remote.s32 $0x1  }
0xcd: {  	_ =	sfence.sel $0xFFFF  }
0xce: {  	[dreg:$0x0] =	wrdreg $0xFFFFFFFF;
	(pc) =	sbr.abs _section_cstart, $3  }
0xcf: {  	[dreg:$0x1] =	wrdreg $0xFFFFFFFF  }
0xd0: {  	_ =	task.clear_ibuf [dreg:s22], $0x2FFFF;
	_ =	strace $0x9FFFFFFF  }
0xd1: {  	(tm) =	ssettm $0x7FFFFFFF  }
tec
execute0_lowered:
.L_overlay_start_1:
0x0: {  	(tag) =	ssettag $0x1  }
0x1: {  	s0 =	rddreg [dreg:$0x0]  }
0x2: {  	s1 =	rddreg [dreg:$0x1]  }
0x3: {  	s2 =	srdreg.scid;
	s3 =	simm.s32 $0x0;
	s6 =	stileid.u32  }
0x4: {  	s29 =	simm.s32 $0x200;
	s30 =	simm.s32 $0x7;
	s31 =	simm.s32 $0x100  }
0x5: {  	s14 =	simm.s32 $0x2;
	s2 =	sand.u32 $0x1, s2;
	[smem:$0x7FF] =	sst s3  }
0x6: {  	s5 =	sadd.s32 $0xD000, s0;
	s9 =	smul.u32 $0x50000, s6;
	s10 =	sadd.s32 $0x17000, s0  }
0x7: {  	s4 =	sshll.u32 s2, $0x4;
	_ =	strace $0x8000004D;
	[dreg:$0x3] =	wrdreg s10  }
0x8: {  	s2 =	ssub.s32 $0x2, s2;
	s7 =	sor.u32 s6, s4;
	s4 =	sadd.s32 $0xC1800, s0  }
0x9: {  	s6 =	sadd.s32 $0x67800, s0;
	s9 =	sshrl.u32 s9, $0x2;
	s16 =	sshrl.u32 s2, $0x1  }
0xa: {  	s8 =	smul.u32 $0x14000, s7;
	s9 =	sadd.s32 s9, s1;
	s2 =	ssub.s32 s2, s16  }
0xb: {  	s16 =	simm.s32 $0x5;
	s10 =	sadd.s32 $0x4000, s9;
	s11 =	sadd.s32 $0x8000, s9  }
0xc: {  	s2 =	smax.u32 s2, $0x1;
	s28 =	sadd.s32 $0x10000, s9;
	s15 =	sshrl.u32 s8, $0x3  }
0xd: {  	s8 =	smul.u32 $0x2800, s7;
	[dreg:$0xd] =	wrdreg s2;
	s0 =	sadd.s32 s15, s0  }
0xe: {  	s2 =	simm.s32 $0x1;
	s7 =	simm.s32 $0x4;
	s20 =	sadd.s32 $0xE8A00, s0  }
0xf: {  	s15 =	simm.s32 $0x3;
	s21 =	sadd.s32 $0xE9200, s0;
	[dreg:$0x8] =	wrdreg s20  }
0x10: {  	s17 =	sshrl.u32 s8, $0x3;
	s22 =	sadd.s32 $0xE9A00, s0;
	[dreg:$0x9] =	wrdreg s21  }
0x11: {  	s23 =	sadd.s32 $0xEA200, s0;
	s0 =	sadd.s32 $0xEAA00, s0;
	[dreg:$0xa] =	wrdreg s22  }
0x12: {  	s12 =	sadd.s32 s5, s17;
	s18 =	sor.u32 $0x10, s17;
	[dreg:$0xb] =	wrdreg s23  }
0x13: {  	s13 =	sadd.s32 s6, s17;
	[dreg:$0xc] =	wrdreg s0;
	s24 =	sadd.s32 $0x4F0, s17  }
0x14: {  	s25 =	sadd.s32 $0x4E0, s17;
	s0 =	simm.s32 $0x80;
	[dreg:$0x4] =	wrdreg s12  }
0x15: {  	s17 =	simm.s32 $0x180;
	[dreg:$0x5] =	wrdreg s13;
	s19 =	sadd.s32 s5, s18  }
0x16: {  	s12 =	sadd.s32 s6, s18;
	s22 =	sadd.s32 s5, s24;
	s23 =	sadd.s32 s6, s24  }
0x17: {  	s26 =	sadd.s32 s5, s25;
	s25 =	sadd.s32 s6, s25;
	[dreg:$0x6] =	wrdreg s19  }
0x18: {  	s13 =	simm.s32 $0x4200;
	s18 =	simm.s32 $0x0;
	[dreg:$0x7] =	wrdreg s12  }
0x19: {  	[dreg:$0xe] =	wrdreg s26;
	s26 =	sadd.s32 $0xC000, s9;
	s12 =	simm.s32 $0x6  }
.LBB2_1:
0x1a: {  	s19 =	rddreg [dreg:$0x3]  }
0x1b: {  	[tilespmem:s29], [sflag:$0x7] =	stream.linear.gather [hbm4b:s19+s3], $0x4000, $0x38;
	[tilespmem:$0x1C200] =	vst v63  }
0x1c: {  	_ =	swait.ge [sflag:s30], $0x4000  }
0x1d: {  	[sflag:s30] =	ssyncset.done $0x0  }
0x1e: {  	[sflag:s30] =	ssyncadd.s32 $0xFFFFC000  }
0x1f: {  	[spmem:s9] =	stream.linear.scatter [tilespmem:s29], [sflag:$0x7], $0x4000, $0x38;
	[tilespmem:$0x1C200] =	vst v63  }
0x20: {  	_ =	swait.ge [sflag:s30], $0x4000  }
0x21: {  	[sflag:s30] =	ssyncset.done $0x0  }
0x22: {  	[sflag:s30] =	ssyncadd.s32 $0xFFFFC000  }
0x23: {  	[spmem:s10] =	stream.linear.scatter [tilespmem:s29], [sflag:$0x7], $0x4000, $0x38;
	[tilespmem:$0x1C200] =	vst v63  }
0x24: {  	_ =	swait.ge [sflag:s30], $0x4000  }
0x25: {  	[sflag:s30] =	ssyncset.done $0x0  }
0x26: {  	[sflag:s30] =	ssyncadd.s32 $0xFFFFC000  }
0x27: {  	[spmem:s11] =	stream.linear.scatter [tilespmem:s29], [sflag:$0x7], $0x4000, $0x38;
	[tilespmem:$0x1C200] =	vst v63  }
0x28: {  	_ =	swait.ge [sflag:s30], $0x4000  }
0x29: {  	[sflag:s30] =	ssyncset.done $0x0  }
0x2a: {  	[sflag:s30] =	ssyncadd.s32 $0xFFFFC000  }
0x2b: {  	[spmem:s26] =	stream.linear.scatter [tilespmem:s29], [sflag:$0x7], $0x4000, $0x38;
	[tilespmem:$0x1C200] =	vst v63  }
0x2c: {  	_ =	swait.ge [sflag:s30], $0x4000  }
0x2d: {  	[sflag:s30] =	ssyncset.done $0x0  }
0x2e: {  	[sflag:s30] =	ssyncadd.s32 $0xFFFFC000  }
0x2f: {  	[spmem:s28] =	stream.linear.scatter [tilespmem:s29], [sflag:$0x7], $0x4000, $0x38;
	[tilespmem:$0x1C200] =	vst v63  }
0x30: {  	_ =	swait.ge [sflag:s30], $0x4000  }
0x31: {  	[sflag:s30] =	ssyncset.done $0x0  }
0x32: {  	[sflag:s30] =	ssyncadd.s32 $0xFFFFC000  }
0x33: {  	[bflag:$0x0] =	sbarrier.arrive $0xFFFF  }
0x34: {  	s20 =	rddreg [dreg:$0x4]  }
0x35: {  	[tilespmem:s3], [sflag:$0x7] =	stream.linear.gather [hbm4b:s20+s3], $0x80, $0x38;
	[tilespmem:$0x1C200] =	vst v63  }
0x36: {  	_ =	swait.ge [sflag:s30], $0x80  }
0x37: {  	[sflag:s30] =	ssyncset.done $0x0  }
0x38: {  	s21 =	rddreg [dreg:$0x5];
	[sflag:s30] =	ssyncadd.s32 $0xFFFFFF80  }
0x39: {  	[tilespmem:s31], [sflag:$0x7] =	stream.linear.gather [hbm4b:s21+s3], $0x80, $0x38;
	[tilespmem:$0x1C200] =	vst v63  }
0x3a: {  	_ =	swait.ge [sflag:s30], $0x80  }
0x3b: {  	[sflag:s30] =	ssyncset.done $0x0  }
0x3c: {  	[sflag:s30] =	ssyncadd.s32 $0xFFFFFF80  }
0x3d: {  	[tilespmem:s29], [sflag:$0x1] =	stream.indirect.gather [hbm4b:s4+s0], $0x80, s3, s0, $0xb8;
	[tilespmem:$0x1C200] =	vst v63  }
0x3e: {  	s24 =	rddreg [dreg:$0x6]  }
0x3f: {  	[tilespmem:s0], [sflag:$0x4] =	stream.linear.gather [hbm4b:s24+s3], $0x80, $0x38;
	[tilespmem:$0x1C200] =	vst v63  }
0x40: {  	s20 =	rddreg [dreg:$0x7]  }
0x41: {  	[tilespmem:s17], [sflag:$0x6] =	stream.linear.gather [hbm4b:s20+s3], $0x80, $0x38;
	[tilespmem:$0x1C200] =	vst v63  }
0x42: {  	_ =	swait.ge [sflag:s2], $0x4000  }
0x43: {  	[sflag:s2] =	ssyncset.done $0x0  }
0x44: {  	[sflag:s2] =	ssyncadd.s32 $0xFFFFC000  }
0x45: {  	_ =	swait.ge [sflag:s7], $0x80  }
0x46: {  	[sflag:s7] =	ssyncset.done $0x0  }
0x47: {  	[sflag:s7] =	ssyncadd.s32 $0xFFFFFF80  }
0x48: {  	_ =	swait.ge [sflag:s12], $0x80  }
0x49: {  	s21 =	simm.s32 $0x100;
	[sflag:s12] =	ssyncset.done $0x0  }
0x4a: {  	s20 =	sand.u32 $0x7C00, s21;
	[sflag:s12] =	ssyncadd.s32 $0xFFFFFF80  }
0x4b: {  	[tilespmem:s13], [sflag:$0x2] =	stream.indirect.gather [hbm4b:s4+s0], $0x80, s0, s0, $0xb8;
	[tilespmem:$0x1C200] =	vst v63  }
0x4c: {  	s19 =	sand.u32 $0x300, s21;
	s20 =	sadd.s32 s8, s20  }
0x4d: {  	[spmem:s1] =	stream.indirect.scatter.add.f32 [tilespmem:s29], [sflag:$0x7], $0x80, s31, s0, $0xb8;
	[tilespmem:$0x1C200] =	vst v63  }
0x4e: {  	s19 =	sor.u32 s19, s20;
	_ =	swait.ge [sflag:s30], $0x4000  }
0x4f: {  	s19 =	sshrl.u32 s19, $0x3;
	[sflag:s30] =	ssyncset.done $0x0  }
0x50: {  	s24 =	sadd.s32 s5, s19;
	[sflag:s30] =	ssyncadd.s32 $0xFFFFC000  }
0x51: {  	[tilespmem:s3], [sflag:$0x3] =	stream.linear.gather [hbm4b:s24+s3], $0x80, $0x38;
	[tilespmem:$0x1C200] =	vst v63  }
0x52: {  	s19 =	sadd.s32 s6, s19  }
0x53: {  	[tilespmem:s31], [sflag:$0x5] =	stream.linear.gather [hbm4b:s19+s3], $0x80, $0x38;
	[tilespmem:$0x1C200] =	vst v63  }
0x54: {  	_ =	swait.ge [sflag:s14], $0x4000  }
0x55: {  	[sflag:s14] =	ssyncset.done $0x0  }
0x56: {  	[sflag:s14] =	ssyncadd.s32 $0xFFFFC000  }
0x57: {  	_ =	swait.ge [sflag:s15], $0x80  }
0x58: {  	[sflag:s15] =	ssyncset.done $0x0  }
0x59: {  	[sflag:s15] =	ssyncadd.s32 $0xFFFFFF80  }
0x5a: {  	_ =	swait.ge [sflag:s16], $0x80  }
0x5b: {  	[sflag:s16] =	ssyncset.done $0x0  }
0x5c: {  	s21 =	sand.u32 $0x7C00, s17;
	[sflag:s16] =	ssyncadd.s32 $0xFFFFFF80  }
0x5d: {  	[tilespmem:s29], [sflag:$0x1] =	stream.indirect.gather [hbm4b:s4+s0], $0x80, s3, s0, $0xb8;
	[tilespmem:$0x1C200] =	vst v63  }
0x5e: {  	s24 =	sand.u32 $0x380, s17;
	s19 =	sadd.s32 s8, s21  }
0x5f: {  	[spmem:s1] =	stream.indirect.scatter.add.f32 [tilespmem:s13], [sflag:$0x7], $0x80, s17, s0, $0xb8;
	[tilespmem:$0x1C200] =	vst v63  }
0x60: {  	s19 =	sor.u32 s24, s19;
	_ =	swait.ge [sflag:s30], $0x4000  }
0x61: {  	s20 =	sshrl.u32 s19, $0x3;
	[sflag:s30] =	ssyncset.done $0x0  }
0x62: {  	s19 =	sadd.s32 s5, s20;
	[sflag:s30] =	ssyncadd.s32 $0xFFFFC000  }
0x63: {  	[tilespmem:s0], [sflag:$0x4] =	stream.linear.gather [hbm4b:s19+s3], $0x80, $0x38;
	[tilespmem:$0x1C200] =	vst v63  }
0x64: {  	s21 =	sadd.s32 s6, s20;
	s19 =	simm.s32 $0x280  }
.LBB2_2:
0x65: {  	p0 =	sne.s32 s19, $0x2680;
	s20 =	smov.u32 s19;
	s19 =	sadd.s32 $0x100, s19  }
0x66: {  	[tilespmem:s17], [sflag:$0x6] =	stream.linear.gather [hbm4b:s21+s3], $0x80, $0x38;
	[tilespmem:$0x1C200] =	vst v63  }
0x67: {  	_ =	swait.ge [sflag:s2], $0x4000  }
0x68: {  	[sflag:s2] =	ssyncset.done $0x0  }
0x69: {  	[sflag:s2] =	ssyncadd.s32 $0xFFFFC000  }
0x6a: {  	_ =	swait.ge [sflag:s7], $0x80  }
0x6b: {  	[sflag:s7] =	ssyncset.done $0x0  }
0x6c: {  	[sflag:s7] =	ssyncadd.s32 $0xFFFFFF80  }
0x6d: {  	_ =	swait.ge [sflag:s12], $0x80  }
0x6e: {  	[sflag:s12] =	ssyncset.done $0x0  }
0x6f: {  	s21 =	sadd.s32 $0xFFFFFF80, s20;
	[sflag:s12] =	ssyncadd.s32 $0xFFFFFF80  }
0x70: {  	[tilespmem:s13], [sflag:$0x2] =	stream.indirect.gather [hbm4b:s4+s0], $0x80, s0, s0, $0xb8;
	[tilespmem:$0x1C200] =	vst v63  }
0x71: {  	s24 =	sand.u32 $0x7C00, s21;
	s21 =	sand.u32 $0x300, s21  }
0x72: {  	[spmem:s1] =	stream.indirect.scatter.add.f32 [tilespmem:s29], [sflag:$0x7], $0x80, s31, s0, $0xb8;
	[tilespmem:$0x1C200] =	vst v63  }
0x73: {  	s24 =	sadd.s32 s8, s24;
	_ =	swait.ge [sflag:s30], $0x4000  }
0x74: {  	s21 =	sor.u32 s21, s24;
	[sflag:s30] =	ssyncset.done $0x0  }
0x75: {  	s21 =	sshrl.u32 s21, $0x3;
	[sflag:s30] =	ssyncadd.s32 $0xFFFFC000  }
0x76: {  	s24 =	sadd.s32 s5, s21;
	s21 =	sadd.s32 s6, s21  }
0x77: {  	[tilespmem:s3], [sflag:$0x3] =	stream.linear.gather [hbm4b:s24+s3], $0x80, $0x38;
	[tilespmem:$0x1C200] =	vst v63  }
0x78: {  	_ = 	snop  }
0x79: {  	[tilespmem:s31], [sflag:$0x5] =	stream.linear.gather [hbm4b:s21+s3], $0x80, $0x38;
	[tilespmem:$0x1C200] =	vst v63  }
0x7a: {  	_ =	swait.ge [sflag:s14], $0x4000  }
0x7b: {  	[sflag:s14] =	ssyncset.done $0x0  }
0x7c: {  	[sflag:s14] =	ssyncadd.s32 $0xFFFFC000  }
0x7d: {  	_ =	swait.ge [sflag:s15], $0x80  }
0x7e: {  	[sflag:s15] =	ssyncset.done $0x0  }
0x7f: {  	[sflag:s15] =	ssyncadd.s32 $0xFFFFFF80  }
0x80: {  	_ =	swait.ge [sflag:s16], $0x80  }
0x81: {  	[sflag:s16] =	ssyncset.done $0x0  }
0x82: {  	s21 =	sand.u32 $0x7C00, s20;
	[sflag:s16] =	ssyncadd.s32 $0xFFFFFF80  }
0x83: {  	[tilespmem:s29], [sflag:$0x1] =	stream.indirect.gather [hbm4b:s4+s0], $0x80, s3, s0, $0xb8;
	[tilespmem:$0x1C200] =	vst v63  }
0x84: {  	s20 =	sand.u32 $0x380, s20;
	s21 =	sadd.s32 s8, s21  }
0x85: {  	[spmem:s1] =	stream.indirect.scatter.add.f32 [tilespmem:s13], [sflag:$0x7], $0x80, s17, s0, $0xb8;
	[tilespmem:$0x1C200] =	vst v63  }
.Ltmp0:
0x86: {  	_ = 	snop;
	(pc) =	sbr.rel @p0 .LBB2_2-.Ltmp0, $4  }
0x87: {  	s20 =	sor.u32 s20, s21;
	_ =	swait.ge [sflag:s30], $0x4000  }
0x88: {  	s20 =	sshrl.u32 s20, $0x3;
	[sflag:s30] =	ssyncset.done $0x0  }
0x89: {  	s24 =	sadd.s32 s5, s20;
	s21 =	sadd.s32 s6, s20;
	[sflag:s30] =	ssyncadd.s32 $0xFFFFC000  }
0x8a: {  	[tilespmem:s0], [sflag:$0x4] =	stream.linear.gather [hbm4b:s24+s3], $0x80, $0x38;
	[tilespmem:$0x1C200] =	vst v63  }
0x8b: {  	[tilespmem:s17], [sflag:$0x6] =	stream.linear.gather [hbm4b:s21+s3], $0x80, $0x38;
	[tilespmem:$0x1C200] =	vst v63  }
0x8c: {  	_ =	swait.ge [sflag:s2], $0x4000  }
0x8d: {  	[sflag:s2] =	ssyncset.done $0x0  }
0x8e: {  	[sflag:s2] =	ssyncadd.s32 $0xFFFFC000  }
0x8f: {  	_ =	swait.ge [sflag:s7], $0x80  }
0x90: {  	[sflag:s7] =	ssyncset.done $0x0  }
0x91: {  	[sflag:s7] =	ssyncadd.s32 $0xFFFFFF80  }
0x92: {  	_ =	swait.ge [sflag:s12], $0x80  }
0x93: {  	[sflag:s12] =	ssyncset.done $0x0  }
0x94: {  	[sflag:s12] =	ssyncadd.s32 $0xFFFFFF80  }
0x95: {  	[tilespmem:s13], [sflag:$0x2] =	stream.indirect.gather [hbm4b:s4+s0], $0x80, s0, s0, $0xb8;
	[tilespmem:$0x1C200] =	vst v63  }
0x96: {  	_ = 	snop  }
0x97: {  	[spmem:s1] =	stream.indirect.scatter.add.f32 [tilespmem:s29], [sflag:$0x7], $0x80, s31, s0, $0xb8;
	[tilespmem:$0x1C200] =	vst v63  }
0x98: {  	_ =	swait.ge [sflag:s30], $0x4000  }
0x99: {  	[sflag:s30] =	ssyncset.done $0x0  }
0x9a: {  	s19 =	rddreg [dreg:$0xe];
	[sflag:s30] =	ssyncadd.s32 $0xFFFFC000  }
0x9b: {  	[tilespmem:s3], [sflag:$0x3] =	stream.linear.gather [hbm4b:s19+s3], $0x80, $0x38;
	[tilespmem:$0x1C200] =	vst v63  }
0x9c: {  	_ = 	snop  }
0x9d: {  	[tilespmem:s31], [sflag:$0x5] =	stream.linear.gather [hbm4b:s25+s3], $0x80, $0x38;
	[tilespmem:$0x1C200] =	vst v63  }
0x9e: {  	_ =	swait.ge [sflag:s14], $0x4000  }
0x9f: {  	[sflag:s14] =	ssyncset.done $0x0  }
0xa0: {  	[sflag:s14] =	ssyncadd.s32 $0xFFFFC000  }
0xa1: {  	_ =	swait.ge [sflag:s15], $0x80  }
0xa2: {  	[sflag:s15] =	ssyncset.done $0x0  }
0xa3: {  	[sflag:s15] =	ssyncadd.s32 $0xFFFFFF80  }
0xa4: {  	_ =	swait.ge [sflag:s16], $0x80  }
0xa5: {  	[sflag:s16] =	ssyncset.done $0x0  }
0xa6: {  	[sflag:s16] =	ssyncadd.s32 $0xFFFFFF80  }
0xa7: {  	[tilespmem:s29], [sflag:$0x1] =	stream.indirect.gather [hbm4b:s4+s0], $0x80, s3, s0, $0xb8;
	[tilespmem:$0x1C200] =	vst v63  }
0xa8: {  	_ = 	snop  }
0xa9: {  	[spmem:s1] =	stream.indirect.scatter.add.f32 [tilespmem:s13], [sflag:$0x7], $0x80, s17, s0, $0xb8;
	[tilespmem:$0x1C200] =	vst v63  }
0xaa: {  	_ =	swait.ge [sflag:s30], $0x4000  }
0xab: {  	[sflag:s30] =	ssyncset.done $0x0  }
0xac: {  	[sflag:s30] =	ssyncadd.s32 $0xFFFFC000  }
0xad: {  	[tilespmem:s0], [sflag:$0x4] =	stream.linear.gather [hbm4b:s22+s3], $0x80, $0x38;
	[tilespmem:$0x1C200] =	vst v63  }
0xae: {  	_ = 	snop  }
0xaf: {  	[tilespmem:s17], [sflag:$0x6] =	stream.linear.gather [hbm4b:s23+s3], $0x80, $0x38;
	[tilespmem:$0x1C200] =	vst v63  }
0xb0: {  	_ =	swait.ge [sflag:s2], $0x4000  }
0xb1: {  	[sflag:s2] =	ssyncset.done $0x0  }
0xb2: {  	[sflag:s2] =	ssyncadd.s32 $0xFFFFC000  }
0xb3: {  	_ =	swait.ge [sflag:s7], $0x80  }
0xb4: {  	[sflag:s7] =	ssyncset.done $0x0  }
0xb5: {  	[sflag:s7] =	ssyncadd.s32 $0xFFFFFF80  }
0xb6: {  	_ =	swait.ge [sflag:s12], $0x80  }
0xb7: {  	[sflag:s12] =	ssyncset.done $0x0  }
0xb8: {  	[sflag:s12] =	ssyncadd.s32 $0xFFFFFF80  }
0xb9: {  	[tilespmem:s13], [sflag:$0x2] =	stream.indirect.gather [hbm4b:s4+s0], $0x80, s0, s0, $0xb8;
	[tilespmem:$0x1C200] =	vst v63  }
0xba: {  	_ = 	snop  }
0xbb: {  	[spmem:s1] =	stream.indirect.scatter.add.f32 [tilespmem:s29], [sflag:$0x7], $0x80, s31, s0, $0xb8;
	[tilespmem:$0x1C200] =	vst v63  }
0xbc: {  	_ =	swait.ge [sflag:s30], $0x4000  }
0xbd: {  	[sflag:s30] =	ssyncset.done $0x0  }
0xbe: {  	[sflag:s30] =	ssyncadd.s32 $0xFFFFC000  }
0xbf: {  	[tilespmem:s3], [sflag:$0x3] =	stream.linear.gather [hbm4b:s22+s3], $0x80, $0x38;
	[tilespmem:$0x1C200] =	vst v63  }
0xc0: {  	_ = 	snop  }
0xc1: {  	[tilespmem:s31], [sflag:$0x5] =	stream.linear.gather [hbm4b:s23+s3], $0x80, $0x38;
	[tilespmem:$0x1C200] =	vst v63  }
0xc2: {  	_ =	swait.ge [sflag:s14], $0x4000  }
0xc3: {  	[sflag:s14] =	ssyncset.done $0x0  }
0xc4: {  	[sflag:s14] =	ssyncadd.s32 $0xFFFFC000  }
0xc5: {  	_ =	swait.ge [sflag:s15], $0x80  }
0xc6: {  	[sflag:s15] =	ssyncset.done $0x0  }
0xc7: {  	[sflag:s15] =	ssyncadd.s32 $0xFFFFFF80  }
0xc8: {  	_ =	swait.ge [sflag:s16], $0x80  }
0xc9: {  	[sflag:s16] =	ssyncset.done $0x0  }
0xca: {  	[sflag:s16] =	ssyncadd.s32 $0xFFFFFF80  }
0xcb: {  	[tilespmem:s29], [sflag:$0x1] =	stream.indirect.gather [hbm4b:s4+s0], $0x80, s3, s0, $0xb8;
	[tilespmem:$0x1C200] =	vst v63  }
0xcc: {  	_ = 	snop  }
0xcd: {  	[spmem:s1] =	stream.indirect.scatter.add.f32 [tilespmem:s13], [sflag:$0x7], $0x80, s17, s0, $0xb8;
	[tilespmem:$0x1C200] =	vst v63  }
0xce: {  	_ =	swait.ge [sflag:s30], $0x4000  }
0xcf: {  	[sflag:s30] =	ssyncset.done $0x0  }
0xd0: {  	[sflag:s30] =	ssyncadd.s32 $0xFFFFC000  }
0xd1: {  	[tilespmem:s0], [sflag:$0x4] =	stream.linear.gather [hbm4b:s22+s3], $0x80, $0x38;
	[tilespmem:$0x1C200] =	vst v63  }
0xd2: {  	_ = 	snop  }
0xd3: {  	[tilespmem:s17], [sflag:$0x6] =	stream.linear.gather [hbm4b:s23+s3], $0x80, $0x38;
	[tilespmem:$0x1C200] =	vst v63  }
0xd4: {  	_ =	swait.ge [sflag:s2], $0x4000  }
0xd5: {  	[sflag:s2] =	ssyncset.done $0x0  }
0xd6: {  	[sflag:s2] =	ssyncadd.s32 $0xFFFFC000  }
0xd7: {  	_ =	swait.ge [sflag:s7], $0x80  }
0xd8: {  	[sflag:s7] =	ssyncset.done $0x0  }
0xd9: {  	[sflag:s7] =	ssyncadd.s32 $0xFFFFFF80  }
0xda: {  	_ =	swait.ge [sflag:s12], $0x80  }
0xdb: {  	[sflag:s12] =	ssyncset.done $0x0  }
0xdc: {  	[sflag:s12] =	ssyncadd.s32 $0xFFFFFF80  }
0xdd: {  	[bflag:$0x0] =	sbarrier.arrive $0xFFFF  }
0xde: {  	[tilespmem:s29], [sflag:$0x7] =	stream.linear.gather [spmem:s9], $0x4000, $0x38;
	[tilespmem:$0x1C200] =	vst v63  }
0xdf: {  	_ =	swait.ge [sflag:s30], $0x4000  }
0xe0: {  	[sflag:s30] =	ssyncset.done $0x0  }
0xe1: {  	s20 =	rddreg [dreg:$0x8];
	[sflag:s30] =	ssyncadd.s32 $0xFFFFC000  }
0xe2: {  	[hbm4b:s20+s3] =	stream.linear.scatter [tilespmem:s29], [sflag:$0x7], $0x4000, $0x38;
	[tilespmem:$0x1C200] =	vst v63  }
0xe3: {  	_ =	swait.ge [sflag:s30], $0x4000  }
0xe4: {  	[sflag:s30] =	ssyncset.done $0x0  }
0xe5: {  	[sflag:s30] =	ssyncadd.s32 $0xFFFFC000  }
0xe6: {  	[tilespmem:s29], [sflag:$0x7] =	stream.linear.gather [spmem:s10], $0x4000, $0x38;
	[tilespmem:$0x1C200] =	vst v63  }
0xe7: {  	_ =	swait.ge [sflag:s30], $0x4000  }
0xe8: {  	[sflag:s30] =	ssyncset.done $0x0  }
0xe9: {  	s21 =	rddreg [dreg:$0x9];
	[sflag:s30] =	ssyncadd.s32 $0xFFFFC000  }
0xea: {  	[hbm4b:s21+s3] =	stream.linear.scatter [tilespmem:s29], [sflag:$0x7], $0x4000, $0x38;
	[tilespmem:$0x1C200] =	vst v63  }
0xeb: {  	_ =	swait.ge [sflag:s30], $0x4000  }
0xec: {  	[sflag:s30] =	ssyncset.done $0x0  }
0xed: {  	[sflag:s30] =	ssyncadd.s32 $0xFFFFC000  }
0xee: {  	[tilespmem:s29], [sflag:$0x7] =	stream.linear.gather [spmem:s11], $0x4000, $0x38;
	[tilespmem:$0x1C200] =	vst v63  }
0xef: {  	_ =	swait.ge [sflag:s30], $0x4000  }
0xf0: {  	[sflag:s30] =	ssyncset.done $0x0  }
0xf1: {  	s24 =	rddreg [dreg:$0xa];
	[sflag:s30] =	ssyncadd.s32 $0xFFFFC000  }
0xf2: {  	[hbm4b:s24+s3] =	stream.linear.scatter [tilespmem:s29], [sflag:$0x7], $0x4000, $0x38;
	[tilespmem:$0x1C200] =	vst v63  }
0xf3: {  	_ =	swait.ge [sflag:s30], $0x4000  }
0xf4: {  	[sflag:s30] =	ssyncset.done $0x0  }
0xf5: {  	[sflag:s30] =	ssyncadd.s32 $0xFFFFC000  }
0xf6: {  	[tilespmem:s29], [sflag:$0x7] =	stream.linear.gather [spmem:s26], $0x4000, $0x38;
	[tilespmem:$0x1C200] =	vst v63  }
0xf7: {  	_ =	swait.ge [sflag:s30], $0x4000  }
0xf8: {  	[sflag:s30] =	ssyncset.done $0x0  }
0xf9: {  	s20 =	rddreg [dreg:$0xb];
	[sflag:s30] =	ssyncadd.s32 $0xFFFFC000  }
0xfa: {  	[hbm4b:s20+s3] =	stream.linear.scatter [tilespmem:s29], [sflag:$0x7], $0x4000, $0x38;
	[tilespmem:$0x1C200] =	vst v63  }
0xfb: {  	_ =	swait.ge [sflag:s30], $0x4000  }
0xfc: {  	[sflag:s30] =	ssyncset.done $0x0  }
0xfd: {  	[sflag:s30] =	ssyncadd.s32 $0xFFFFC000  }
0xfe: {  	[tilespmem:s29], [sflag:$0x7] =	stream.linear.gather [spmem:s28], $0x4000, $0x38;
	[tilespmem:$0x1C200] =	vst v63  }
0xff: {  	_ =	swait.ge [sflag:s30], $0x4000  }
0x100: {  	[sflag:s30] =	ssyncset.done $0x0  }
0x101: {  	s21 =	rddreg [dreg:$0xc];
	[sflag:s30] =	ssyncadd.s32 $0xFFFFC000  }
0x102: {  	[hbm4b:s21+s3] =	stream.linear.scatter [tilespmem:s29], [sflag:$0x7], $0x4000, $0x38;
	[tilespmem:$0x1C200] =	vst v63  }
0x103: {  	_ =	swait.ge [sflag:s30], $0x4000  }
0x104: {  	s18 =	sadd.s32 $0x1, s18;
	s24 =	rddreg [dreg:$0xd]  }
0x105: {  	p0 =	sne.s32 s18, s24  }
.Ltmp1:
0x106: {  	_ = 	snop;
	(pc) =	sbr.rel @p0 .LBB2_1-.Ltmp1, $3  }
0x107: {  	_ =	sdelay $0x1  }
0x108: {  	[sflag:s30] =	ssyncset.done $0x0  }
0x109: {  	[sflag:s30] =	ssyncadd.s32 $0xFFFFC000  }
0x10a: {  	_ =	sfence.sel $0x180000  }
0x10b: {  	[bflag:$0x0] =	sbarrier.arrive $0xFFFF  }
0x10c: {  	_ =	strace $0x9000004D  }
0x10d: {  	s0 =	stileid.u32;
	[bflag:$0x2] =	sbarrier.arrive $0xFFFF  }
0x10e: {  	p0 =	sne.s32 s0, $0x0;
	s0 =	rddreg [dreg:$0x2]  }
0x10f: {  	s0 =	sadd.s32 @!p0 $0x100000, s0  }
0x110: {  	[sflag:s0] =	ssyncadd.tile.s32 @!p0 $0x1;
	_ =	shalt  }
.Lfunc_end2:
_tile_overlayer_lowered:
.L_overlay_start_2:
0x111: {  	(tag) =	ssettag $0x2  }
0x112: {  	s0 =	rddreg [dreg:$0x0];
	s2 =	stileid.u32  }
0x113: {  	s1 =	rddreg [dreg:$0x1];
	p0 =	sne.s32 s2, $0x0  }
0x114: {  	s3 =	rddreg [dreg:$0x2];
	[bflag:$0x3] =	sbarrier.arrive $0xFFFF;
	s2 =	simm.s32 @!p0 $0x1C07  }
0x115: {  	[timem:s3], [sflag:s2] =	dma.local @!p0 [hbm:s0], s1  }
0x116: {  	s0 =	simm.s32 @!p0 $0x7  }
0x117: {  	_ =	swait.ge @!p0 [sflag:s0], s1  }
0x118: {  	s1 =	ssub.s32 @!p0 $0x0, s1;
	[sflag:s0] =	ssyncset.done @!p0 $0x0  }
0x119: {  	[sflag:s0] =	ssyncadd.s32 @!p0 s1  }
0x11a: {  	[bflag:$0x3] =	sbarrier.arrive $0xFFFF  }
0x11b: {  	_ =	shalt  }

// kernel: kernel.18.cloned.1.call-start
scs
__scs_entry_jumppad:
0x0: {  	(pc) =	sbr.rel $0x88, $3  }
0x1: {  	(tag) =	ssettag $0x0;
	lr =	simm.s32 $0x1  }
0x2: {  	[smem:$0x3F9B] =	sst lr;
	_ =	strace $0xD0000000  }
0x3: {  	_ = 	snop  }
0x4: {  	_ = 	snop  }
0x5: {  	_ = 	snop  }
0x6: {  	_ = 	snop  }
0x7: {  	_ = 	snop  }
__scs_overlays_trampoline_lowered:
0x8: {  	[smem:$0x3FAA] =	sst s0  }
0x9: {  	[smem:$0x3FAB] =	sst s1  }
0xa: {  	[smem:$0x3FAC] =	sst s2  }
0xb: {  	[smem:$0x3FAD] =	sst s3  }
0xc: {  	[smem:$0x3FAE] =	sst s4  }
0xd: {  	[smem:$0x3FAF] =	sst s5  }
0xe: {  	[smem:$0x3FB0] =	sst s6  }
0xf: {  	[smem:$0x3FB1] =	sst s7  }
0x10: {  	[smem:$0x3FB2] =	sst s8  }
0x11: {  	[smem:$0x3FB3] =	sst s9;
	s0 =	simm.s32 @!p0 $0x0  }
0x12: {  	s1 =	sld [smem:$0x3F99];
	s0 =	simm.s32 @p0 $0x1  }
0x13: {  	[smem:$0x3FB4] =	sst s0;
	s0 =	simm.s32 @!p1 $0x0  }
0x14: {  	s2 =	sld [smem:$0x3F98];
	s0 =	simm.s32 @p1 $0x1  }
0x15: {  	[smem:$0x3FB5] =	sst s0;
	s0 =	simm.s32 @!p2 $0x0  }
0x16: {  	s3 =	sld [smem:$0x3FDB];
	s0 =	simm.s32 @p2 $0x1  }
0x17: {  	s4 =	simm.s32 $0x1BF5;
	[smem:$0x3FB7] =	sst s0  }
0x18: {  	s0 =	sld [smem:$0x3F9A];
	_ =	swait.ge [sflag:s4], $0x0  }
0x19: {  	s7 =	sld [smem:$0x3F9B]  }
0x1a: {  	s8 =	sadd.s32 $0xFFFFE003, lr  }
0x1b: {  	s9 =	sadd.s32 $0xFFFFFEF7, lr;
	s5 =	simm.s32 $0xFFFFFFFF;
	p2 =	slt.u32 s8, $0xFFFFF086  }
0x1c: {  	p1 =	slt.u32 s9, $0xF7A;
	s5 =	simm.s32 @!p2 $0x0  }
0x1d: {  	s5 =	simm.s32 @p1 $0x1;
	p0 =	seq.s32 s7, s2  }
0x1e: {  	s7 =	smul.u32 @!p0 $0xF7A, s2;
	p2 =	seq.s32 @!p0 s5, $0x0  }
0x1f: {  	s9 =	smul.u32 $0xF7A, s1;
	s8 =	simm.s32 @!p0 $0x1BF5;
	p2 =	por !p2, p0  }
0x20: {  	[sflag:s8] =	ssyncset.s32 @!p0 $0xFFFFF086;
	s6 =	sadd.s32 @!p0 s3, s7;
	s7 =	simm.s32 @!p0 $0x108  }
0x21: {  	s3 =	sadd.s32 s3, s9;
	s6 =	sadd.s32 @!p0 $0x88, s6;
	s7 =	simm.s32 @p2 $0x1082  }
0x22: {  	[simem:s7], [sflag:s8] =	dma.local @!p0 [hbm:s6], $0xF7A  }
0x23: {  	s9 =	sor.u32 $0xD0000000, s2;
	s6 =	simm.s32 $0x108;
	_ =	swait.ge @!p0 [sflag:s8], $0x0  }
0x24: {  	s3 =	sadd.s32 $0x88, s3;
	s6 =	simm.s32 @!p1 $0x1082;
	[sflag:s4] =	ssyncset.s32 $0xFFFFF086  }
0x25: {  	[simem:s6], [sflag:s4] =	dma.local [hbm:s3], $0xF7A  }
0x26: {  	[smem:$0x3F9B] =	sst s1;
	(tag) =	ssettag s2;
	_ =	strace s9  }
0x27: {  	s1 =	sld [smem:$0x3FAB]  }
0x28: {  	s2 =	sld [smem:$0x3FAC]  }
0x29: {  	s4 =	sld [smem:$0x3FAE]  }
0x2a: {  	p0 =	seq.s32 s5, $0x0;
	s5 =	sld [smem:$0x3FAF]  }
0x2b: {  	s6 =	sld [smem:$0x3FB0]  }
0x2c: {  	s7 =	sld [smem:$0x3FB1]  }
0x2d: {  	s3 =	simm.s32 $0x108;
	s8 =	sld [smem:$0x3FB2]  }
0x2e: {  	s3 =	simm.s32 @!p0 $0x1082;
	s9 =	sld [smem:$0x3FB3]  }
0x2f: {  	lr =	sadd.s32 s0, s3;
	s0 =	sld [smem:$0x3FAA]  }
0x30: {  	s3 =	sld [smem:$0x3FAD]  }
0x31: {  	[smem:$0x3FB6] =	sst s10  }
0x32: {  	s10 =	sld [smem:$0x3FB4];
	_ =	sdelay $0x3  }
0x33: {  	p0 =	seq.s32 s10, $0x1;
	s10 =	sld [smem:$0x3FB6];
	_ =	sdelay $0x3  }
0x34: {  	[smem:$0x3FB6] =	sst s10  }
0x35: {  	s10 =	sld [smem:$0x3FB5];
	_ =	sdelay $0x3  }
0x36: {  	p1 =	seq.s32 s10, $0x1;
	s10 =	sld [smem:$0x3FB6];
	_ =	sdelay $0x3  }
0x37: {  	[smem:$0x3FB6] =	sst s10  }
0x38: {  	s10 =	sld [smem:$0x3FB7]  }
0x39: {  	_ = 	snop;
	(pc) =	sbr.ind lr, $3  }
0x3a: {  	_ = 	snop  }
0x3b: {  	_ = 	snop  }
0x3c: {  	p2 =	seq.s32 s10, $0x1;
	s10 =	sld [smem:$0x3FB6]  }
0x3d: {  	_ =	shalt  }
0x3e: {  	_ =	shalt  }
0x3f: {  	_ =	shalt  }
0x40: {  	_ =	shalt  }
0x41: {  	_ =	shalt  }
0x42: {  	_ =	shalt  }
0x43: {  	_ =	shalt  }
0x44: {  	_ =	shalt  }
0x45: {  	_ =	shalt  }
0x46: {  	_ =	shalt  }
0x47: {  	_ =	shalt  }
0x48: {  	_ =	shalt  }
0x49: {  	_ =	shalt  }
0x4a: {  	_ =	shalt  }
0x4b: {  	_ =	shalt  }
0x4c: {  	_ =	shalt  }
0x4d: {  	_ =	shalt  }
0x4e: {  	_ =	shalt  }
0x4f: {  	_ =	shalt  }
0x50: {  	_ =	shalt  }
0x51: {  	_ =	shalt  }
0x52: {  	_ =	shalt  }
0x53: {  	_ =	shalt  }
0x54: {  	_ =	shalt  }
0x55: {  	_ =	shalt  }
0x56: {  	_ =	shalt  }
0x57: {  	_ =	shalt  }
0x58: {  	_ =	shalt  }
0x59: {  	_ =	shalt  }
0x5a: {  	_ =	shalt  }
0x5b: {  	_ =	shalt  }
0x5c: {  	_ =	shalt  }
0x5d: {  	_ =	shalt  }
0x5e: {  	_ =	shalt  }
0x5f: {  	_ =	shalt  }
0x60: {  	_ =	shalt  }
0x61: {  	_ =	shalt  }
0x62: {  	_ =	shalt  }
0x63: {  	_ =	shalt  }
0x64: {  	_ =	shalt  }
0x65: {  	_ =	shalt  }
0x66: {  	_ =	shalt  }
0x67: {  	_ =	shalt  }
0x68: {  	_ =	shalt  }
0x69: {  	_ =	shalt  }
0x6a: {  	_ =	shalt  }
0x6b: {  	_ =	shalt  }
0x6c: {  	_ =	shalt  }
0x6d: {  	_ =	shalt  }
0x6e: {  	_ =	shalt  }
0x6f: {  	_ =	shalt  }
0x70: {  	_ =	shalt  }
0x71: {  	_ =	shalt  }
0x72: {  	_ =	shalt  }
0x73: {  	_ =	shalt  }
0x74: {  	_ =	shalt  }
0x75: {  	_ =	shalt  }
0x76: {  	_ =	shalt  }
0x77: {  	_ =	shalt  }
0x78: {  	_ =	shalt  }
0x79: {  	_ =	shalt  }
0x7a: {  	_ =	shalt  }
0x7b: {  	_ =	shalt  }
0x7c: {  	_ =	shalt  }
0x7d: {  	_ =	shalt  }
0x7e: {  	_ =	shalt  }
0x7f: {  	_ =	shalt  }
0x80: {  	_ =	shalt  }
0x81: {  	_ =	shalt  }
0x82: {  	_ =	shalt  }
0x83: {  	_ =	shalt  }
0x84: {  	_ =	shalt  }
0x85: {  	_ =	shalt  }
0x86: {  	_ =	shalt  }
0x87: {  	_ =	shalt  }
.Lfunc_end0:
.L_simem_size_0:
called_computation.3_lowered:
.L_overlay_start_0:
0x88: {  	s2 =	sld [smem:$0x3FD9]  }
0x89: {  	s3 =	sld [smem:$0x3FFE];
	_ =	sdelay $0x1  }
0x8a: {  	s1 =	srdreg.scid  }
0x8b: {  	s0 =	sand.u32 $0x1, s1  }
0x8c: {  	s17 =	sshll.u32 s0, $0xA;
	s2 =	sadd.s32 s3, s2  }
0x8d: {  	s2 =	sadd.s32 s2, s17  }
0x8e: {  	[smem:$0x3FC2] =	sst s2  }
0x8f: {  	_ = 	snop  }
0x90: {  	s2 =	sld [smem:$0x3FD0];
	(tm) =	ssettm $0x1  }
0x91: {  	s18 =	sld [smem:$0x3FFB];
	_ =	sdelay $0x3  }
0x92: {  	_ =	strace s18  }
0x93: {  	s3 =	sld [smem:$0x3FFC];
	_ =	sdelay $0x3  }
0x94: {  	_ =	strace s3  }
0x95: {  	s3 =	sld [smem:$0x3FFD];
	_ =	sdelay $0x3  }
0x96: {  	_ =	strace s3  }
0x97: {  	_ =	strace $0x8FFFFFFF  }
0x98: {  	s19 =	sld [smem:$0x3FDB];
	_ =	sdelay $0x1  }
0x99: {  	s4 =	simm.s32 $_scs_section_size  }
0x9a: {  	s5 =	simm.s32 $_size__tile_overlayer_lowered;
	s6 =	simm.s32 $_tile_overlayer_lowered  }
0x9b: {  	s22 =	simm.s32 $0x1BFF;
	s21 =	sshll.u32 s6, $0x1;
	s3 =	sadd.s32 s4, s19  }
0x9c: {  	s7 =	simm.s32 $0x0;
	s20 =	sshll.u32 s5, $0x1;
	s5 =	sadd.s32 s21, s3  }
0x9d: {  	[timem:s7], [sflag:s22] =	dma.local [hbm:s5], s20  }
0x9e: {  	_ =	swait.ge [sflag:s22], s20  }
0x9f: {  	s4 =	ssub.s32 $0x0, s20;
	[sflag:s22] =	ssyncset.done $0x0  }
0xa0: {  	[sflag:s22] =	ssyncadd.s32 s4;
	_ =	sdelay $0x1  }
0xa1: {  	s23 =	simm.s32 $0x1B8B  }
0xa2: {  	_ =	swait.ge [sflag:s23], $0x1  }
0xa3: {  	[sflag:s23] =	ssyncset.done $0x0  }
0xa4: {  	s25 =	simm.s32 $0x1B8E;
	s24 =	sld [smem:$0x3FFE];
	[sflag:s23] =	ssyncadd.s32 $0xFFFFFFFF  }
0xa5: {  	s26 =	simm.s32 $execute0_lowered;
	[smem:$0x3FD2] =	sst s25  }
0xa6: {  	s5 =	sshll.u32 s26, $0x1;
	_ =	strace $0x8000004F;
	[dreg:$0x1] =	wrdreg $0xFFFFFFFF  }
0xa7: {  	s28 =	simm.s32 $_size_execute0_lowered;
	s3 =	sadd.s32 s3, s5;
	[dreg:$0x0] =	wrdreg $0x0  }
0xa8: {  	s5 =	sshll.u32 s28, $0x1;
	[dreg:$0x2] =	wrdreg s3  }
0xa9: {  	[dreg:$0x3] =	wrdreg s5  }
0xaa: {  	[dreg:$0x4] =	wrdreg $0xC0  }
0xab: {  	_ =	task [dreg:s7], $0x5FFFF  }
0xac: {  	[dreg:$0x1] =	wrdreg $0xFFFFFFFF  }
0xad: {  	[dreg:$0x0] =	wrdreg $0x60  }
0xae: {  	[dreg:$0x2] =	wrdreg s2  }
0xaf: {  	[dreg:$0x3] =	wrdreg s24  }
0xb0: {  	[dreg:$0x4] =	wrdreg $0x82000  }
0xb1: {  	[dreg:$0x5] =	wrdreg $0x9  }
0xb2: {  	_ =	task.clear_ibuf [dreg:s7], $0x6FFFF;
	_ =	strace $0x9000004F  }
0xb3: {  	s29 =	simm.s32 $0x9;
	_ =	strace $0x80000051  }
0xb4: {  	_ =	swait.ge [sflag:s29], $0x1  }
0xb5: {  	[sflag:s29] =	ssyncadd.s32 $0xFFFFFFFF  }
0xb6: {  	_ =	strace $0x90000051  }
0xb7: {  	_ =	sfence  }
0xb8: {  	s30 =	sld [smem:$0x0];
	_ =	sdelay $0x2  }
0xb9: {  	s31 =	sshll.u32 s1, $0xD;
	s1 =	sshrl.u32 s1, $0x2  }
0xba: {  	s3 =	sand.u32 $0x4000, s31;
	s1 =	sadd.s32 s1, s30  }
0xbb: {  	s0 =	sor.u32 s3, s0;
	s1 =	sshll.u32 s1, $0x11  }
0xbc: {  	s0 =	sor.u32 s1, s0  }
0xbd: {  	s0 =	sadd.s32 $0x8F2B, s0  }
0xbe: {  	[sflag:s0] =	ssyncadd.remote.s32 $0x1  }
0xbf: {  	_ =	sfence.sel $0xFFFF  }
0xc0: {  	[dreg:$0x0] =	wrdreg $0xFFFFFFFF;
	(pc) =	sbr.abs _section_cstart, $3  }
0xc1: {  	[dreg:$0x1] =	wrdreg $0xFFFFFFFF  }
0xc2: {  	_ =	task.clear_ibuf [dreg:s7], $0x2FFFF;
	_ =	strace $0x9FFFFFFF  }
0xc3: {  	(tm) =	ssettm $0x7FFFFFFF  }
tec
execute0_lowered:
.L_overlay_start_1:
0x0: {  	(tag) =	ssettag $0x1  }
0x1: {  	s0 =	rddreg [dreg:$0x0]  }
0x2: {  	s1 =	srdreg.scid;
	s2 =	rddreg [dreg:$0x1]  }
0x3: {  	s3 =	rddreg [dreg:$0x2];
	s6 =	stileid.u32  }
0x4: {  	s4 =	simm.s32 $0x0;
	s29 =	simm.s32 $0x200;
	s30 =	simm.s32 $0x7  }
0x5: {  	s31 =	simm.s32 $0x100;
	s14 =	simm.s32 $0x2;
	s1 =	sand.u32 $0x1, s1  }
0x6: {  	[smem:$0x7FF] =	sst s4;
	s9 =	smul.u32 $0x50000, s6;
	s10 =	sadd.s32 $0x17000, s2  }
0x7: {  	s5 =	sshll.u32 s1, $0x4;
	_ =	strace $0x80000050;
	[dreg:$0x4] =	wrdreg s10  }
0x8: {  	s1 =	ssub.s32 $0x2, s1;
	s7 =	sor.u32 s6, s5;
	s5 =	sadd.s32 $0xD000, s2  }
0x9: {  	s6 =	sadd.s32 $0x67800, s2;
	s9 =	sshrl.u32 s9, $0x2;
	s16 =	sshrl.u32 s1, $0x1  }
0xa: {  	s8 =	smul.u32 $0x14000, s7;
	s9 =	sadd.s32 s9, s3;
	s1 =	ssub.s32 s1, s16  }
0xb: {  	s16 =	simm.s32 $0x5;
	s10 =	sadd.s32 $0x4000, s9;
	s11 =	sadd.s32 $0x8000, s9  }
0xc: {  	s1 =	smax.u32 s1, $0x1;
	s28 =	sadd.s32 $0x10000, s9;
	s15 =	sshrl.u32 s8, $0x3  }
0xd: {  	s8 =	smul.u32 $0x2800, s7;
	[dreg:$0xe] =	wrdreg s1;
	s2 =	sadd.s32 s15, s2  }
0xe: {  	s1 =	simm.s32 $0x80;
	s7 =	simm.s32 $0x4;
	s20 =	sadd.s32 $0x17800, s2  }
0xf: {  	s15 =	simm.s32 $0x3;
	s21 =	sadd.s32 $0x18000, s2;
	[dreg:$0x9] =	wrdreg s20  }
0x10: {  	s17 =	sshrl.u32 s8, $0x3;
	s22 =	sadd.s32 $0x18800, s2;
	[dreg:$0xa] =	wrdreg s21  }
0x11: {  	s23 =	sadd.s32 $0x19000, s2;
	s2 =	sadd.s32 $0x19800, s2;
	[dreg:$0xb] =	wrdreg s22  }
0x12: {  	s12 =	sadd.s32 s5, s17;
	s18 =	sor.u32 $0x10, s17;
	[dreg:$0xc] =	wrdreg s23  }
0x13: {  	s13 =	sadd.s32 s6, s17;
	[dreg:$0xd] =	wrdreg s2;
	s24 =	sadd.s32 $0x4F0, s17  }
0x14: {  	s25 =	sadd.s32 $0x4E0, s17;
	s2 =	simm.s32 $0x1;
	[dreg:$0x5] =	wrdreg s12  }
0x15: {  	s17 =	simm.s32 $0x180;
	[dreg:$0x6] =	wrdreg s13;
	s19 =	sadd.s32 s5, s18  }
0x16: {  	s12 =	sadd.s32 s6, s18;
	s22 =	sadd.s32 s5, s24;
	s23 =	sadd.s32 s6, s24  }
0x17: {  	s26 =	sadd.s32 s5, s25;
	s25 =	sadd.s32 s6, s25;
	[dreg:$0x7] =	wrdreg s19  }
0x18: {  	s13 =	simm.s32 $0x4200;
	s18 =	simm.s32 $0x0;
	[dreg:$0x8] =	wrdreg s12  }
0x19: {  	[dreg:$0xf] =	wrdreg s26;
	s26 =	sadd.s32 $0xC000, s9;
	s12 =	simm.s32 $0x6  }
.LBB2_1:
0x1a: {  	s19 =	rddreg [dreg:$0x4]  }
0x1b: {  	[tilespmem:s29], [sflag:$0x7] =	stream.linear.gather [hbm4b:s19+s4], $0x4000, $0x38;
	[tilespmem:$0x1C200] =	vst v63  }
0x1c: {  	_ =	swait.ge [sflag:s30], $0x4000  }
0x1d: {  	[sflag:s30] =	ssyncset.done $0x0  }
0x1e: {  	[sflag:s30] =	ssyncadd.s32 $0xFFFFC000  }
0x1f: {  	[spmem:s9] =	stream.linear.scatter [tilespmem:s29], [sflag:$0x7], $0x4000, $0x38;
	[tilespmem:$0x1C200] =	vst v63  }
0x20: {  	_ =	swait.ge [sflag:s30], $0x4000  }
0x21: {  	[sflag:s30] =	ssyncset.done $0x0  }
0x22: {  	[sflag:s30] =	ssyncadd.s32 $0xFFFFC000  }
0x23: {  	[spmem:s10] =	stream.linear.scatter [tilespmem:s29], [sflag:$0x7], $0x4000, $0x38;
	[tilespmem:$0x1C200] =	vst v63  }
0x24: {  	_ =	swait.ge [sflag:s30], $0x4000  }
0x25: {  	[sflag:s30] =	ssyncset.done $0x0  }
0x26: {  	[sflag:s30] =	ssyncadd.s32 $0xFFFFC000  }
0x27: {  	[spmem:s11] =	stream.linear.scatter [tilespmem:s29], [sflag:$0x7], $0x4000, $0x38;
	[tilespmem:$0x1C200] =	vst v63  }
0x28: {  	_ =	swait.ge [sflag:s30], $0x4000  }
0x29: {  	[sflag:s30] =	ssyncset.done $0x0  }
0x2a: {  	[sflag:s30] =	ssyncadd.s32 $0xFFFFC000  }
0x2b: {  	[spmem:s26] =	stream.linear.scatter [tilespmem:s29], [sflag:$0x7], $0x4000, $0x38;
	[tilespmem:$0x1C200] =	vst v63  }
0x2c: {  	_ =	swait.ge [sflag:s30], $0x4000  }
0x2d: {  	[sflag:s30] =	ssyncset.done $0x0  }
0x2e: {  	[sflag:s30] =	ssyncadd.s32 $0xFFFFC000  }
0x2f: {  	[spmem:s28] =	stream.linear.scatter [tilespmem:s29], [sflag:$0x7], $0x4000, $0x38;
	[tilespmem:$0x1C200] =	vst v63  }
0x30: {  	_ =	swait.ge [sflag:s30], $0x4000  }
0x31: {  	[sflag:s30] =	ssyncset.done $0x0  }
0x32: {  	[sflag:s30] =	ssyncadd.s32 $0xFFFFC000  }
0x33: {  	[bflag:$0x0] =	sbarrier.arrive $0xFFFF  }
0x34: {  	s20 =	rddreg [dreg:$0x5]  }
0x35: {  	[tilespmem:s4], [sflag:$0x7] =	stream.linear.gather [hbm4b:s20+s4], $0x80, $0x38;
	[tilespmem:$0x1C200] =	vst v63  }
0x36: {  	_ =	swait.ge [sflag:s30], $0x80  }
0x37: {  	[sflag:s30] =	ssyncset.done $0x0  }
0x38: {  	s21 =	rddreg [dreg:$0x6];
	[sflag:s30] =	ssyncadd.s32 $0xFFFFFF80  }
0x39: {  	[tilespmem:s31], [sflag:$0x7] =	stream.linear.gather [hbm4b:s21+s4], $0x80, $0x38;
	[tilespmem:$0x1C200] =	vst v63  }
0x3a: {  	_ =	swait.ge [sflag:s30], $0x80  }
0x3b: {  	[sflag:s30] =	ssyncset.done $0x0  }
0x3c: {  	[sflag:s30] =	ssyncadd.s32 $0xFFFFFF80  }
0x3d: {  	[tilespmem:s29], [sflag:$0x1] =	stream.indirect.gather [hbm4b:s0+s1], $0x80, s4, s1, $0xb8;
	[tilespmem:$0x1C200] =	vst v63  }
0x3e: {  	s24 =	rddreg [dreg:$0x7]  }
0x3f: {  	[tilespmem:s1], [sflag:$0x4] =	stream.linear.gather [hbm4b:s24+s4], $0x80, $0x38;
	[tilespmem:$0x1C200] =	vst v63  }
0x40: {  	s20 =	rddreg [dreg:$0x8]  }
0x41: {  	[tilespmem:s17], [sflag:$0x6] =	stream.linear.gather [hbm4b:s20+s4], $0x80, $0x38;
	[tilespmem:$0x1C200] =	vst v63  }
0x42: {  	_ =	swait.ge [sflag:s2], $0x4000  }
0x43: {  	[sflag:s2] =	ssyncset.done $0x0  }
0x44: {  	[sflag:s2] =	ssyncadd.s32 $0xFFFFC000  }
0x45: {  	_ =	swait.ge [sflag:s7], $0x80  }
0x46: {  	[sflag:s7] =	ssyncset.done $0x0  }
0x47: {  	[sflag:s7] =	ssyncadd.s32 $0xFFFFFF80  }
0x48: {  	_ =	swait.ge [sflag:s12], $0x80  }
0x49: {  	s21 =	simm.s32 $0x100;
	[sflag:s12] =	ssyncset.done $0x0  }
0x4a: {  	s20 =	sand.u32 $0x7C00, s21;
	[sflag:s12] =	ssyncadd.s32 $0xFFFFFF80  }
0x4b: {  	[tilespmem:s13], [sflag:$0x2] =	stream.indirect.gather [hbm4b:s0+s1], $0x80, s1, s1, $0xb8;
	[tilespmem:$0x1C200] =	vst v63  }
0x4c: {  	s19 =	sand.u32 $0x300, s21;
	s20 =	sadd.s32 s8, s20  }
0x4d: {  	[spmem:s3] =	stream.indirect.scatter.add.f32 [tilespmem:s29], [sflag:$0x7], $0x80, s31, s1, $0xb8;
	[tilespmem:$0x1C200] =	vst v63  }
0x4e: {  	s19 =	sor.u32 s19, s20;
	_ =	swait.ge [sflag:s30], $0x4000  }
0x4f: {  	s19 =	sshrl.u32 s19, $0x3;
	[sflag:s30] =	ssyncset.done $0x0  }
0x50: {  	s24 =	sadd.s32 s5, s19;
	[sflag:s30] =	ssyncadd.s32 $0xFFFFC000  }
0x51: {  	[tilespmem:s4], [sflag:$0x3] =	stream.linear.gather [hbm4b:s24+s4], $0x80, $0x38;
	[tilespmem:$0x1C200] =	vst v63  }
0x52: {  	s19 =	sadd.s32 s6, s19  }
0x53: {  	[tilespmem:s31], [sflag:$0x5] =	stream.linear.gather [hbm4b:s19+s4], $0x80, $0x38;
	[tilespmem:$0x1C200] =	vst v63  }
0x54: {  	_ =	swait.ge [sflag:s14], $0x4000  }
0x55: {  	[sflag:s14] =	ssyncset.done $0x0  }
0x56: {  	[sflag:s14] =	ssyncadd.s32 $0xFFFFC000  }
0x57: {  	_ =	swait.ge [sflag:s15], $0x80  }
0x58: {  	[sflag:s15] =	ssyncset.done $0x0  }
0x59: {  	[sflag:s15] =	ssyncadd.s32 $0xFFFFFF80  }
0x5a: {  	_ =	swait.ge [sflag:s16], $0x80  }
0x5b: {  	[sflag:s16] =	ssyncset.done $0x0  }
0x5c: {  	s21 =	sand.u32 $0x7C00, s17;
	[sflag:s16] =	ssyncadd.s32 $0xFFFFFF80  }
0x5d: {  	[tilespmem:s29], [sflag:$0x1] =	stream.indirect.gather [hbm4b:s0+s1], $0x80, s4, s1, $0xb8;
	[tilespmem:$0x1C200] =	vst v63  }
0x5e: {  	s24 =	sand.u32 $0x380, s17;
	s19 =	sadd.s32 s8, s21  }
0x5f: {  	[spmem:s3] =	stream.indirect.scatter.add.f32 [tilespmem:s13], [sflag:$0x7], $0x80, s17, s1, $0xb8;
	[tilespmem:$0x1C200] =	vst v63  }
0x60: {  	s19 =	sor.u32 s24, s19;
	_ =	swait.ge [sflag:s30], $0x4000  }
0x61: {  	s20 =	sshrl.u32 s19, $0x3;
	[sflag:s30] =	ssyncset.done $0x0  }
0x62: {  	s19 =	sadd.s32 s5, s20;
	[sflag:s30] =	ssyncadd.s32 $0xFFFFC000  }
0x63: {  	[tilespmem:s1], [sflag:$0x4] =	stream.linear.gather [hbm4b:s19+s4], $0x80, $0x38;
	[tilespmem:$0x1C200] =	vst v63  }
0x64: {  	s21 =	sadd.s32 s6, s20;
	s19 =	simm.s32 $0x280  }
.LBB2_2:
0x65: {  	p0 =	sne.s32 s19, $0x2680;
	s20 =	smov.u32 s19;
	s19 =	sadd.s32 $0x100, s19  }
0x66: {  	[tilespmem:s17], [sflag:$0x6] =	stream.linear.gather [hbm4b:s21+s4], $0x80, $0x38;
	[tilespmem:$0x1C200] =	vst v63  }
0x67: {  	_ =	swait.ge [sflag:s2], $0x4000  }
0x68: {  	[sflag:s2] =	ssyncset.done $0x0  }
0x69: {  	[sflag:s2] =	ssyncadd.s32 $0xFFFFC000  }
0x6a: {  	_ =	swait.ge [sflag:s7], $0x80  }
0x6b: {  	[sflag:s7] =	ssyncset.done $0x0  }
0x6c: {  	[sflag:s7] =	ssyncadd.s32 $0xFFFFFF80  }
0x6d: {  	_ =	swait.ge [sflag:s12], $0x80  }
0x6e: {  	[sflag:s12] =	ssyncset.done $0x0  }
0x6f: {  	s21 =	sadd.s32 $0xFFFFFF80, s20;
	[sflag:s12] =	ssyncadd.s32 $0xFFFFFF80  }
0x70: {  	[tilespmem:s13], [sflag:$0x2] =	stream.indirect.gather [hbm4b:s0+s1], $0x80, s1, s1, $0xb8;
	[tilespmem:$0x1C200] =	vst v63  }
0x71: {  	s24 =	sand.u32 $0x7C00, s21;
	s21 =	sand.u32 $0x300, s21  }
0x72: {  	[spmem:s3] =	stream.indirect.scatter.add.f32 [tilespmem:s29], [sflag:$0x7], $0x80, s31, s1, $0xb8;
	[tilespmem:$0x1C200] =	vst v63  }
0x73: {  	s24 =	sadd.s32 s8, s24;
	_ =	swait.ge [sflag:s30], $0x4000  }
0x74: {  	s21 =	sor.u32 s21, s24;
	[sflag:s30] =	ssyncset.done $0x0  }
0x75: {  	s21 =	sshrl.u32 s21, $0x3;
	[sflag:s30] =	ssyncadd.s32 $0xFFFFC000  }
0x76: {  	s24 =	sadd.s32 s5, s21;
	s21 =	sadd.s32 s6, s21  }
0x77: {  	[tilespmem:s4], [sflag:$0x3] =	stream.linear.gather [hbm4b:s24+s4], $0x80, $0x38;
	[tilespmem:$0x1C200] =	vst v63  }
0x78: {  	_ = 	snop  }
0x79: {  	[tilespmem:s31], [sflag:$0x5] =	stream.linear.gather [hbm4b:s21+s4], $0x80, $0x38;
	[tilespmem:$0x1C200] =	vst v63  }
0x7a: {  	_ =	swait.ge [sflag:s14], $0x4000  }
0x7b: {  	[sflag:s14] =	ssyncset.done $0x0  }
0x7c: {  	[sflag:s14] =	ssyncadd.s32 $0xFFFFC000  }
0x7d: {  	_ =	swait.ge [sflag:s15], $0x80  }
0x7e: {  	[sflag:s15] =	ssyncset.done $0x0  }
0x7f: {  	[sflag:s15] =	ssyncadd.s32 $0xFFFFFF80  }
0x80: {  	_ =	swait.ge [sflag:s16], $0x80  }
0x81: {  	[sflag:s16] =	ssyncset.done $0x0  }
0x82: {  	s21 =	sand.u32 $0x7C00, s20;
	[sflag:s16] =	ssyncadd.s32 $0xFFFFFF80  }
0x83: {  	[tilespmem:s29], [sflag:$0x1] =	stream.indirect.gather [hbm4b:s0+s1], $0x80, s4, s1, $0xb8;
	[tilespmem:$0x1C200] =	vst v63  }
0x84: {  	s20 =	sand.u32 $0x380, s20;
	s21 =	sadd.s32 s8, s21  }
0x85: {  	[spmem:s3] =	stream.indirect.scatter.add.f32 [tilespmem:s13], [sflag:$0x7], $0x80, s17, s1, $0xb8;
	[tilespmem:$0x1C200] =	vst v63  }
.Ltmp0:
0x86: {  	_ = 	snop;
	(pc) =	sbr.rel @p0 .LBB2_2-.Ltmp0, $4  }
0x87: {  	s20 =	sor.u32 s20, s21;
	_ =	swait.ge [sflag:s30], $0x4000  }
0x88: {  	s20 =	sshrl.u32 s20, $0x3;
	[sflag:s30] =	ssyncset.done $0x0  }
0x89: {  	s24 =	sadd.s32 s5, s20;
	s21 =	sadd.s32 s6, s20;
	[sflag:s30] =	ssyncadd.s32 $0xFFFFC000  }
0x8a: {  	[tilespmem:s1], [sflag:$0x4] =	stream.linear.gather [hbm4b:s24+s4], $0x80, $0x38;
	[tilespmem:$0x1C200] =	vst v63  }
0x8b: {  	[tilespmem:s17], [sflag:$0x6] =	stream.linear.gather [hbm4b:s21+s4], $0x80, $0x38;
	[tilespmem:$0x1C200] =	vst v63  }
0x8c: {  	_ =	swait.ge [sflag:s2], $0x4000  }
0x8d: {  	[sflag:s2] =	ssyncset.done $0x0  }
0x8e: {  	[sflag:s2] =	ssyncadd.s32 $0xFFFFC000  }
0x8f: {  	_ =	swait.ge [sflag:s7], $0x80  }
0x90: {  	[sflag:s7] =	ssyncset.done $0x0  }
0x91: {  	[sflag:s7] =	ssyncadd.s32 $0xFFFFFF80  }
0x92: {  	_ =	swait.ge [sflag:s12], $0x80  }
0x93: {  	[sflag:s12] =	ssyncset.done $0x0  }
0x94: {  	[sflag:s12] =	ssyncadd.s32 $0xFFFFFF80  }
0x95: {  	[tilespmem:s13], [sflag:$0x2] =	stream.indirect.gather [hbm4b:s0+s1], $0x80, s1, s1, $0xb8;
	[tilespmem:$0x1C200] =	vst v63  }
0x96: {  	_ = 	snop  }
0x97: {  	[spmem:s3] =	stream.indirect.scatter.add.f32 [tilespmem:s29], [sflag:$0x7], $0x80, s31, s1, $0xb8;
	[tilespmem:$0x1C200] =	vst v63  }
0x98: {  	_ =	swait.ge [sflag:s30], $0x4000  }
0x99: {  	[sflag:s30] =	ssyncset.done $0x0  }
0x9a: {  	s19 =	rddreg [dreg:$0xf];
	[sflag:s30] =	ssyncadd.s32 $0xFFFFC000  }
0x9b: {  	[tilespmem:s4], [sflag:$0x3] =	stream.linear.gather [hbm4b:s19+s4], $0x80, $0x38;
	[tilespmem:$0x1C200] =	vst v63  }
0x9c: {  	_ = 	snop  }
0x9d: {  	[tilespmem:s31], [sflag:$0x5] =	stream.linear.gather [hbm4b:s25+s4], $0x80, $0x38;
	[tilespmem:$0x1C200] =	vst v63  }
0x9e: {  	_ =	swait.ge [sflag:s14], $0x4000  }
0x9f: {  	[sflag:s14] =	ssyncset.done $0x0  }
0xa0: {  	[sflag:s14] =	ssyncadd.s32 $0xFFFFC000  }
0xa1: {  	_ =	swait.ge [sflag:s15], $0x80  }
0xa2: {  	[sflag:s15] =	ssyncset.done $0x0  }
0xa3: {  	[sflag:s15] =	ssyncadd.s32 $0xFFFFFF80  }
0xa4: {  	_ =	swait.ge [sflag:s16], $0x80  }
0xa5: {  	[sflag:s16] =	ssyncset.done $0x0  }
0xa6: {  	[sflag:s16] =	ssyncadd.s32 $0xFFFFFF80  }
0xa7: {  	[tilespmem:s29], [sflag:$0x1] =	stream.indirect.gather [hbm4b:s0+s1], $0x80, s4, s1, $0xb8;
	[tilespmem:$0x1C200] =	vst v63  }
0xa8: {  	_ = 	snop  }
0xa9: {  	[spmem:s3] =	stream.indirect.scatter.add.f32 [tilespmem:s13], [sflag:$0x7], $0x80, s17, s1, $0xb8;
	[tilespmem:$0x1C200] =	vst v63  }
0xaa: {  	_ =	swait.ge [sflag:s30], $0x4000  }
0xab: {  	[sflag:s30] =	ssyncset.done $0x0  }
0xac: {  	[sflag:s30] =	ssyncadd.s32 $0xFFFFC000  }
0xad: {  	[tilespmem:s1], [sflag:$0x4] =	stream.linear.gather [hbm4b:s22+s4], $0x80, $0x38;
	[tilespmem:$0x1C200] =	vst v63  }
0xae: {  	_ = 	snop  }
0xaf: {  	[tilespmem:s17], [sflag:$0x6] =	stream.linear.gather [hbm4b:s23+s4], $0x80, $0x38;
	[tilespmem:$0x1C200] =	vst v63  }
0xb0: {  	_ =	swait.ge [sflag:s2], $0x4000  }
0xb1: {  	[sflag:s2] =	ssyncset.done $0x0  }
0xb2: {  	[sflag:s2] =	ssyncadd.s32 $0xFFFFC000  }
0xb3: {  	_ =	swait.ge [sflag:s7], $0x80  }
0xb4: {  	[sflag:s7] =	ssyncset.done $0x0  }
0xb5: {  	[sflag:s7] =	ssyncadd.s32 $0xFFFFFF80  }
0xb6: {  	_ =	swait.ge [sflag:s12], $0x80  }
0xb7: {  	[sflag:s12] =	ssyncset.done $0x0  }
0xb8: {  	[sflag:s12] =	ssyncadd.s32 $0xFFFFFF80  }
0xb9: {  	[tilespmem:s13], [sflag:$0x2] =	stream.indirect.gather [hbm4b:s0+s1], $0x80, s1, s1, $0xb8;
	[tilespmem:$0x1C200] =	vst v63  }
0xba: {  	_ = 	snop  }
0xbb: {  	[spmem:s3] =	stream.indirect.scatter.add.f32 [tilespmem:s29], [sflag:$0x7], $0x80, s31, s1, $0xb8;
	[tilespmem:$0x1C200] =	vst v63  }
0xbc: {  	_ =	swait.ge [sflag:s30], $0x4000  }
0xbd: {  	[sflag:s30] =	ssyncset.done $0x0  }
0xbe: {  	[sflag:s30] =	ssyncadd.s32 $0xFFFFC000  }
0xbf: {  	[tilespmem:s4], [sflag:$0x3] =	stream.linear.gather [hbm4b:s22+s4], $0x80, $0x38;
	[tilespmem:$0x1C200] =	vst v63  }
0xc0: {  	_ = 	snop  }
0xc1: {  	[tilespmem:s31], [sflag:$0x5] =	stream.linear.gather [hbm4b:s23+s4], $0x80, $0x38;
	[tilespmem:$0x1C200] =	vst v63  }
0xc2: {  	_ =	swait.ge [sflag:s14], $0x4000  }
0xc3: {  	[sflag:s14] =	ssyncset.done $0x0  }
0xc4: {  	[sflag:s14] =	ssyncadd.s32 $0xFFFFC000  }
0xc5: {  	_ =	swait.ge [sflag:s15], $0x80  }
0xc6: {  	[sflag:s15] =	ssyncset.done $0x0  }
0xc7: {  	[sflag:s15] =	ssyncadd.s32 $0xFFFFFF80  }
0xc8: {  	_ =	swait.ge [sflag:s16], $0x80  }
0xc9: {  	[sflag:s16] =	ssyncset.done $0x0  }
0xca: {  	[sflag:s16] =	ssyncadd.s32 $0xFFFFFF80  }
0xcb: {  	[tilespmem:s29], [sflag:$0x1] =	stream.indirect.gather [hbm4b:s0+s1], $0x80, s4, s1, $0xb8;
	[tilespmem:$0x1C200] =	vst v63  }
0xcc: {  	_ = 	snop  }
0xcd: {  	[spmem:s3] =	stream.indirect.scatter.add.f32 [tilespmem:s13], [sflag:$0x7], $0x80, s17, s1, $0xb8;
	[tilespmem:$0x1C200] =	vst v63  }
0xce: {  	_ =	swait.ge [sflag:s30], $0x4000  }
0xcf: {  	[sflag:s30] =	ssyncset.done $0x0  }
0xd0: {  	[sflag:s30] =	ssyncadd.s32 $0xFFFFC000  }
0xd1: {  	[tilespmem:s1], [sflag:$0x4] =	stream.linear.gather [hbm4b:s22+s4], $0x80, $0x38;
	[tilespmem:$0x1C200] =	vst v63  }
0xd2: {  	_ = 	snop  }
0xd3: {  	[tilespmem:s17], [sflag:$0x6] =	stream.linear.gather [hbm4b:s23+s4], $0x80, $0x38;
	[tilespmem:$0x1C200] =	vst v63  }
0xd4: {  	_ =	swait.ge [sflag:s2], $0x4000  }
0xd5: {  	[sflag:s2] =	ssyncset.done $0x0  }
0xd6: {  	[sflag:s2] =	ssyncadd.s32 $0xFFFFC000  }
0xd7: {  	_ =	swait.ge [sflag:s7], $0x80  }
0xd8: {  	[sflag:s7] =	ssyncset.done $0x0  }
0xd9: {  	[sflag:s7] =	ssyncadd.s32 $0xFFFFFF80  }
0xda: {  	_ =	swait.ge [sflag:s12], $0x80  }
0xdb: {  	[sflag:s12] =	ssyncset.done $0x0  }
0xdc: {  	[sflag:s12] =	ssyncadd.s32 $0xFFFFFF80  }
0xdd: {  	[bflag:$0x0] =	sbarrier.arrive $0xFFFF  }
0xde: {  	[tilespmem:s29], [sflag:$0x7] =	stream.linear.gather [spmem:s9], $0x4000, $0x38;
	[tilespmem:$0x1C200] =	vst v63  }
0xdf: {  	_ =	swait.ge [sflag:s30], $0x4000  }
0xe0: {  	[sflag:s30] =	ssyncset.done $0x0  }
0xe1: {  	s20 =	rddreg [dreg:$0x9];
	[sflag:s30] =	ssyncadd.s32 $0xFFFFC000  }
0xe2: {  	[hbm4b:s20+s4] =	stream.linear.scatter [tilespmem:s29], [sflag:$0x7], $0x4000, $0x38;
	[tilespmem:$0x1C200] =	vst v63  }
0xe3: {  	_ =	swait.ge [sflag:s30], $0x4000  }
0xe4: {  	[sflag:s30] =	ssyncset.done $0x0  }
0xe5: {  	[sflag:s30] =	ssyncadd.s32 $0xFFFFC000  }
0xe6: {  	[tilespmem:s29], [sflag:$0x7] =	stream.linear.gather [spmem:s10], $0x4000, $0x38;
	[tilespmem:$0x1C200] =	vst v63  }
0xe7: {  	_ =	swait.ge [sflag:s30], $0x4000  }
0xe8: {  	[sflag:s30] =	ssyncset.done $0x0  }
0xe9: {  	s21 =	rddreg [dreg:$0xa];
	[sflag:s30] =	ssyncadd.s32 $0xFFFFC000  }
0xea: {  	[hbm4b:s21+s4] =	stream.linear.scatter [tilespmem:s29], [sflag:$0x7], $0x4000, $0x38;
	[tilespmem:$0x1C200] =	vst v63  }
0xeb: {  	_ =	swait.ge [sflag:s30], $0x4000  }
0xec: {  	[sflag:s30] =	ssyncset.done $0x0  }
0xed: {  	[sflag:s30] =	ssyncadd.s32 $0xFFFFC000  }
0xee: {  	[tilespmem:s29], [sflag:$0x7] =	stream.linear.gather [spmem:s11], $0x4000, $0x38;
	[tilespmem:$0x1C200] =	vst v63  }
0xef: {  	_ =	swait.ge [sflag:s30], $0x4000  }
0xf0: {  	[sflag:s30] =	ssyncset.done $0x0  }
0xf1: {  	s24 =	rddreg [dreg:$0xb];
	[sflag:s30] =	ssyncadd.s32 $0xFFFFC000  }
0xf2: {  	[hbm4b:s24+s4] =	stream.linear.scatter [tilespmem:s29], [sflag:$0x7], $0x4000, $0x38;
	[tilespmem:$0x1C200] =	vst v63  }
0xf3: {  	_ =	swait.ge [sflag:s30], $0x4000  }
0xf4: {  	[sflag:s30] =	ssyncset.done $0x0  }
0xf5: {  	[sflag:s30] =	ssyncadd.s32 $0xFFFFC000  }
0xf6: {  	[tilespmem:s29], [sflag:$0x7] =	stream.linear.gather [spmem:s26], $0x4000, $0x38;
	[tilespmem:$0x1C200] =	vst v63  }
0xf7: {  	_ =	swait.ge [sflag:s30], $0x4000  }
0xf8: {  	[sflag:s30] =	ssyncset.done $0x0  }
0xf9: {  	s20 =	rddreg [dreg:$0xc];
	[sflag:s30] =	ssyncadd.s32 $0xFFFFC000  }
0xfa: {  	[hbm4b:s20+s4] =	stream.linear.scatter [tilespmem:s29], [sflag:$0x7], $0x4000, $0x38;
	[tilespmem:$0x1C200] =	vst v63  }
0xfb: {  	_ =	swait.ge [sflag:s30], $0x4000  }
0xfc: {  	[sflag:s30] =	ssyncset.done $0x0  }
0xfd: {  	[sflag:s30] =	ssyncadd.s32 $0xFFFFC000  }
0xfe: {  	[tilespmem:s29], [sflag:$0x7] =	stream.linear.gather [spmem:s28], $0x4000, $0x38;
	[tilespmem:$0x1C200] =	vst v63  }
0xff: {  	_ =	swait.ge [sflag:s30], $0x4000  }
0x100: {  	[sflag:s30] =	ssyncset.done $0x0  }
0x101: {  	s21 =	rddreg [dreg:$0xd];
	[sflag:s30] =	ssyncadd.s32 $0xFFFFC000  }
0x102: {  	[hbm4b:s21+s4] =	stream.linear.scatter [tilespmem:s29], [sflag:$0x7], $0x4000, $0x38;
	[tilespmem:$0x1C200] =	vst v63  }
0x103: {  	_ =	swait.ge [sflag:s30], $0x4000  }
0x104: {  	s18 =	sadd.s32 $0x1, s18;
	s24 =	rddreg [dreg:$0xe]  }
0x105: {  	p0 =	sne.s32 s18, s24  }
.Ltmp1:
0x106: {  	_ = 	snop;
	(pc) =	sbr.rel @p0 .LBB2_1-.Ltmp1, $3  }
0x107: {  	_ =	sdelay $0x1  }
0x108: {  	[sflag:s30] =	ssyncset.done $0x0  }
0x109: {  	[sflag:s30] =	ssyncadd.s32 $0xFFFFC000  }
0x10a: {  	_ =	sfence.sel $0x180000  }
0x10b: {  	[bflag:$0x0] =	sbarrier.arrive $0xFFFF  }
0x10c: {  	_ =	strace $0x90000050  }
0x10d: {  	s0 =	stileid.u32;
	[bflag:$0x2] =	sbarrier.arrive $0xFFFF  }
0x10e: {  	p0 =	sne.s32 s0, $0x0;
	s0 =	rddreg [dreg:$0x3]  }
0x10f: {  	s0 =	sadd.s32 @!p0 $0x100000, s0  }
0x110: {  	[sflag:s0] =	ssyncadd.tile.s32 @!p0 $0x1;
	_ =	shalt  }
.Lfunc_end2:
_tile_overlayer_lowered:
.L_overlay_start_2:
0x111: {  	(tag) =	ssettag $0x2  }
0x112: {  	s0 =	rddreg [dreg:$0x0];
	s2 =	stileid.u32  }
0x113: {  	s1 =	rddreg [dreg:$0x1];
	p0 =	sne.s32 s2, $0x0  }
0x114: {  	s3 =	rddreg [dreg:$0x2];
	[bflag:$0x3] =	sbarrier.arrive $0xFFFF;
	s2 =	simm.s32 @!p0 $0x1C07  }
0x115: {  	[timem:s3], [sflag:s2] =	dma.local @!p0 [hbm:s0], s1  }
0x116: {  	s0 =	simm.s32 @!p0 $0x7  }
0x117: {  	_ =	swait.ge @!p0 [sflag:s0], s1  }
0x118: {  	s1 =	ssub.s32 @!p0 $0x0, s1;
	[sflag:s0] =	ssyncset.done @!p0 $0x0  }
0x119: {  	[sflag:s0] =	ssyncadd.s32 @!p0 s1  }
0x11a: {  	[bflag:$0x3] =	sbarrier.arrive $0xFFFF  }
0x11b: {  	_ =	shalt  }

// kernel: kernel.9.cloned.1.call-start
scs
__scs_entry_jumppad:
0x0: {  	(pc) =	sbr.rel $0x88, $3  }
0x1: {  	(tag) =	ssettag $0x0;
	lr =	simm.s32 $0x1  }
0x2: {  	[smem:$0x3F9B] =	sst lr;
	_ =	strace $0xD0000000  }
0x3: {  	_ = 	snop  }
0x4: {  	_ = 	snop  }
0x5: {  	_ = 	snop  }
0x6: {  	_ = 	snop  }
0x7: {  	_ = 	snop  }
__scs_overlays_trampoline_lowered:
0x8: {  	[smem:$0x3FAA] =	sst s0  }
0x9: {  	[smem:$0x3FAB] =	sst s1  }
0xa: {  	[smem:$0x3FAC] =	sst s2  }
0xb: {  	[smem:$0x3FAD] =	sst s3  }
0xc: {  	[smem:$0x3FAE] =	sst s4  }
0xd: {  	[smem:$0x3FAF] =	sst s5  }
0xe: {  	[smem:$0x3FB0] =	sst s6  }
0xf: {  	[smem:$0x3FB1] =	sst s7  }
0x10: {  	[smem:$0x3FB2] =	sst s8  }
0x11: {  	[smem:$0x3FB3] =	sst s9;
	s0 =	simm.s32 @!p0 $0x0  }
0x12: {  	s1 =	sld [smem:$0x3F99];
	s0 =	simm.s32 @p0 $0x1  }
0x13: {  	[smem:$0x3FB4] =	sst s0;
	s0 =	simm.s32 @!p1 $0x0  }
0x14: {  	s2 =	sld [smem:$0x3F98];
	s0 =	simm.s32 @p1 $0x1  }
0x15: {  	[smem:$0x3FB5] =	sst s0;
	s0 =	simm.s32 @!p2 $0x0  }
0x16: {  	s3 =	sld [smem:$0x3FDB];
	s0 =	simm.s32 @p2 $0x1  }
0x17: {  	s4 =	simm.s32 $0x1BF5;
	[smem:$0x3FB7] =	sst s0  }
0x18: {  	s0 =	sld [smem:$0x3F9A];
	_ =	swait.ge [sflag:s4], $0x0  }
0x19: {  	s7 =	sld [smem:$0x3F9B]  }
0x1a: {  	s8 =	sadd.s32 $0xFFFFE003, lr  }
0x1b: {  	s9 =	sadd.s32 $0xFFFFFEF7, lr;
	s5 =	simm.s32 $0xFFFFFFFF;
	p2 =	slt.u32 s8, $0xFFFFF086  }
0x1c: {  	p1 =	slt.u32 s9, $0xF7A;
	s5 =	simm.s32 @!p2 $0x0  }
0x1d: {  	s5 =	simm.s32 @p1 $0x1;
	p0 =	seq.s32 s7, s2  }
0x1e: {  	s7 =	smul.u32 @!p0 $0xF7A, s2;
	p2 =	seq.s32 @!p0 s5, $0x0  }
0x1f: {  	s9 =	smul.u32 $0xF7A, s1;
	s8 =	simm.s32 @!p0 $0x1BF5;
	p2 =	por !p2, p0  }
0x20: {  	[sflag:s8] =	ssyncset.s32 @!p0 $0xFFFFF086;
	s6 =	sadd.s32 @!p0 s3, s7;
	s7 =	simm.s32 @!p0 $0x108  }
0x21: {  	s3 =	sadd.s32 s3, s9;
	s6 =	sadd.s32 @!p0 $0x88, s6;
	s7 =	simm.s32 @p2 $0x1082  }
0x22: {  	[simem:s7], [sflag:s8] =	dma.local @!p0 [hbm:s6], $0xF7A  }
0x23: {  	s9 =	sor.u32 $0xD0000000, s2;
	s6 =	simm.s32 $0x108;
	_ =	swait.ge @!p0 [sflag:s8], $0x0  }
0x24: {  	s3 =	sadd.s32 $0x88, s3;
	s6 =	simm.s32 @!p1 $0x1082;
	[sflag:s4] =	ssyncset.s32 $0xFFFFF086  }
0x25: {  	[simem:s6], [sflag:s4] =	dma.local [hbm:s3], $0xF7A  }
0x26: {  	[smem:$0x3F9B] =	sst s1;
	(tag) =	ssettag s2;
	_ =	strace s9  }
0x27: {  	s1 =	sld [smem:$0x3FAB]  }
0x28: {  	s2 =	sld [smem:$0x3FAC]  }
0x29: {  	s4 =	sld [smem:$0x3FAE]  }
0x2a: {  	p0 =	seq.s32 s5, $0x0;
	s5 =	sld [smem:$0x3FAF]  }
0x2b: {  	s6 =	sld [smem:$0x3FB0]  }
0x2c: {  	s7 =	sld [smem:$0x3FB1]  }
0x2d: {  	s3 =	simm.s32 $0x108;
	s8 =	sld [smem:$0x3FB2]  }
0x2e: {  	s3 =	simm.s32 @!p0 $0x1082;
	s9 =	sld [smem:$0x3FB3]  }
0x2f: {  	lr =	sadd.s32 s0, s3;
	s0 =	sld [smem:$0x3FAA]  }
0x30: {  	s3 =	sld [smem:$0x3FAD]  }
0x31: {  	[smem:$0x3FB6] =	sst s10  }
0x32: {  	s10 =	sld [smem:$0x3FB4];
	_ =	sdelay $0x3  }
0x33: {  	p0 =	seq.s32 s10, $0x1;
	s10 =	sld [smem:$0x3FB6];
	_ =	sdelay $0x3  }
0x34: {  	[smem:$0x3FB6] =	sst s10  }
0x35: {  	s10 =	sld [smem:$0x3FB5];
	_ =	sdelay $0x3  }
0x36: {  	p1 =	seq.s32 s10, $0x1;
	s10 =	sld [smem:$0x3FB6];
	_ =	sdelay $0x3  }
0x37: {  	[smem:$0x3FB6] =	sst s10  }
0x38: {  	s10 =	sld [smem:$0x3FB7]  }
0x39: {  	_ = 	snop;
	(pc) =	sbr.ind lr, $3  }
0x3a: {  	_ = 	snop  }
0x3b: {  	_ = 	snop  }
0x3c: {  	p2 =	seq.s32 s10, $0x1;
	s10 =	sld [smem:$0x3FB6]  }
0x3d: {  	_ =	shalt  }
0x3e: {  	_ =	shalt  }
0x3f: {  	_ =	shalt  }
0x40: {  	_ =	shalt  }
0x41: {  	_ =	shalt  }
0x42: {  	_ =	shalt  }
0x43: {  	_ =	shalt  }
0x44: {  	_ =	shalt  }
0x45: {  	_ =	shalt  }
0x46: {  	_ =	shalt  }
0x47: {  	_ =	shalt  }
0x48: {  	_ =	shalt  }
0x49: {  	_ =	shalt  }
0x4a: {  	_ =	shalt  }
0x4b: {  	_ =	shalt  }
0x4c: {  	_ =	shalt  }
0x4d: {  	_ =	shalt  }
0x4e: {  	_ =	shalt  }
0x4f: {  	_ =	shalt  }
0x50: {  	_ =	shalt  }
0x51: {  	_ =	shalt  }
0x52: {  	_ =	shalt  }
0x53: {  	_ =	shalt  }
0x54: {  	_ =	shalt  }
0x55: {  	_ =	shalt  }
0x56: {  	_ =	shalt  }
0x57: {  	_ =	shalt  }
0x58: {  	_ =	shalt  }
0x59: {  	_ =	shalt  }
0x5a: {  	_ =	shalt  }
0x5b: {  	_ =	shalt  }
0x5c: {  	_ =	shalt  }
0x5d: {  	_ =	shalt  }
0x5e: {  	_ =	shalt  }
0x5f: {  	_ =	shalt  }
0x60: {  	_ =	shalt  }
0x61: {  	_ =	shalt  }
0x62: {  	_ =	shalt  }
0x63: {  	_ =	shalt  }
0x64: {  	_ =	shalt  }
0x65: {  	_ =	shalt  }
0x66: {  	_ =	shalt  }
0x67: {  	_ =	shalt  }
0x68: {  	_ =	shalt  }
0x69: {  	_ =	shalt  }
0x6a: {  	_ =	shalt  }
0x6b: {  	_ =	shalt  }
0x6c: {  	_ =	shalt  }
0x6d: {  	_ =	shalt  }
0x6e: {  	_ =	shalt  }
0x6f: {  	_ =	shalt  }
0x70: {  	_ =	shalt  }
0x71: {  	_ =	shalt  }
0x72: {  	_ =	shalt  }
0x73: {  	_ =	shalt  }
0x74: {  	_ =	shalt  }
0x75: {  	_ =	shalt  }
0x76: {  	_ =	shalt  }
0x77: {  	_ =	shalt  }
0x78: {  	_ =	shalt  }
0x79: {  	_ =	shalt  }
0x7a: {  	_ =	shalt  }
0x7b: {  	_ =	shalt  }
0x7c: {  	_ =	shalt  }
0x7d: {  	_ =	shalt  }
0x7e: {  	_ =	shalt  }
0x7f: {  	_ =	shalt  }
0x80: {  	_ =	shalt  }
0x81: {  	_ =	shalt  }
0x82: {  	_ =	shalt  }
0x83: {  	_ =	shalt  }
0x84: {  	_ =	shalt  }
0x85: {  	_ =	shalt  }
0x86: {  	_ =	shalt  }
0x87: {  	_ =	shalt  }
.Lfunc_end0:
.L_simem_size_0:
called_computation_lowered:
.L_overlay_start_0:
0x88: {  	s2 =	sld [smem:$0x3FD9]  }
0x89: {  	s3 =	sld [smem:$0x3FFE];
	_ =	sdelay $0x1  }
0x8a: {  	s1 =	srdreg.scid  }
0x8b: {  	s0 =	sand.u32 $0x1, s1  }
0x8c: {  	s17 =	sshll.u32 s0, $0xA;
	s2 =	sadd.s32 s3, s2  }
0x8d: {  	s2 =	sadd.s32 s2, s17  }
0x8e: {  	[smem:$0x3FC2] =	sst s2  }
0x8f: {  	_ = 	snop  }
0x90: {  	s18 =	sld [smem:$0x3FD0];
	(tm) =	ssettm $0x1  }
0x91: {  	s19 =	sld [smem:$0x3FFB];
	_ =	sdelay $0x3  }
0x92: {  	_ =	strace s19  }
0x93: {  	s2 =	sld [smem:$0x3FFC];
	_ =	sdelay $0x3  }
0x94: {  	_ =	strace s2  }
0x95: {  	s2 =	sld [smem:$0x3FFD];
	_ =	sdelay $0x3  }
0x96: {  	_ =	strace s2  }
0x97: {  	_ =	strace $0x8FFFFFFF  }
0x98: {  	s20 =	sld [smem:$0x3FDB];
	_ =	sdelay $0x1  }
0x99: {  	s4 =	simm.s32 $_scs_section_size  }
0x9a: {  	s5 =	simm.s32 $_size__tile_overlayer_lowered;
	s6 =	simm.s32 $_tile_overlayer_lowered  }
0x9b: {  	s7 =	simm.s32 $0x1BFF;
	s21 =	sshll.u32 s6, $0x1;
	s4 =	sadd.s32 s4, s20  }
0x9c: {  	s22 =	simm.s32 $0x0;
	s5 =	sshll.u32 s5, $0x1;
	s6 =	sadd.s32 s21, s4  }
0x9d: {  	[timem:s22], [sflag:s7] =	dma.local [hbm:s6], s5  }
0x9e: {  	_ =	swait.ge [sflag:s7], s5  }
0x9f: {  	s5 =	ssub.s32 $0x0, s5;
	[sflag:s7] =	ssyncset.done $0x0  }
0xa0: {  	[sflag:s7] =	ssyncadd.s32 s5;
	_ =	sdelay $0x1  }
0xa1: {  	s23 =	simm.s32 $0x1B8B  }
0xa2: {  	_ =	swait.ge [sflag:s23], $0x1  }
0xa3: {  	[sflag:s23] =	ssyncset.done $0x0  }
0xa4: {  	[sflag:s23] =	ssyncadd.s32 $0xFFFFFFFF  }
0xa5: {  	s5 =	sld [smem:$0x0]  }
0xa6: {  	s6 =	sand.u32 $0xFFFFFFFE, s1  }
0xa7: {  	p0 =	sne.s32 s1, s6  }
0xa8: {  	s6 =	sshll.u32 @p0 s6, $0xE  }
0xa9: {  	s6 =	sadd.s32 @p0 $0x11B8D, s6;
	s7 =	sshll.u32 @p0 s5, $0x11  }
0xaa: {  	s6 =	sor.u32 @p0 s7, s6  }
0xab: {  	[sflag:s6] =	ssyncadd.remote.s32 @p0 $0x1;
	_ =	sdelay $0x1  }
0xac: {  	s6 =	simm.s32 @p0 $0x1B8D  }
0xad: {  	_ =	swait.eq @p0 [sflag:s6], $0x1  }
0xae: {  	[sflag:s6] =	ssyncadd.s32 @p0 $0xFFFFFFFF  }
0xaf: {  	s7 =	sshll.u32 @!p0 s1, $0xE  }
0xb0: {  	s7 =	sor.u32 @!p0 $0x4000, s7;
	s6 =	simm.s32 @!p0 $0x1B8D  }
0xb1: {  	s5 =	sshll.u32 @!p0 s5, $0x11;
	s7 =	sadd.s32 @!p0 $0x11B8D, s7;
	_ =	swait.eq @!p0 [sflag:s6], $0x1  }
0xb2: {  	s5 =	sor.u32 @!p0 s5, s7;
	[sflag:s6] =	ssyncadd.s32 @!p0 $0xFFFFFFFF  }
0xb3: {  	s25 =	simm.s32 $0x1B8E;
	s24 =	sld [smem:$0x3FFE];
	[sflag:s5] =	ssyncadd.remote.s32 @!p0 $0x1  }
0xb4: {  	s26 =	simm.s32 $execute0_lowered;
	[smem:$0x3FD2] =	sst s25  }
0xb5: {  	s6 =	sshll.u32 s26, $0x1;
	_ =	strace $0x80000049;
	[dreg:$0x1] =	wrdreg $0xFFFFFFFF  }
0xb6: {  	s28 =	simm.s32 $_size_execute0_lowered;
	s4 =	sadd.s32 s4, s6;
	[dreg:$0x0] =	wrdreg $0x0  }
0xb7: {  	s6 =	sshll.u32 s28, $0x1;
	[dreg:$0x2] =	wrdreg s4  }
0xb8: {  	[dreg:$0x3] =	wrdreg s6  }
0xb9: {  	[dreg:$0x4] =	wrdreg $0xC0  }
0xba: {  	_ =	task [dreg:s22], $0x5FFFF  }
0xbb: {  	[dreg:$0x1] =	wrdreg $0xFFFFFFFF  }
0xbc: {  	[dreg:$0x0] =	wrdreg $0x60  }
0xbd: {  	[dreg:$0x2] =	wrdreg s18  }
0xbe: {  	[dreg:$0x3] =	wrdreg s24  }
0xbf: {  	[dreg:$0x4] =	wrdreg $0x82000  }
0xc0: {  	[dreg:$0x5] =	wrdreg $0x9  }
0xc1: {  	_ =	task.clear_ibuf [dreg:s22], $0x6FFFF;
	_ =	strace $0x90000049  }
0xc2: {  	s29 =	simm.s32 $0x9;
	_ =	strace $0x8000004B  }
0xc3: {  	_ =	swait.ge [sflag:s29], $0x1  }
0xc4: {  	[sflag:s29] =	ssyncadd.s32 $0xFFFFFFFF  }
0xc5: {  	_ =	strace $0x9000004B  }
0xc6: {  	_ =	sfence  }
0xc7: {  	s30 =	sld [smem:$0x0];
	_ =	sdelay $0x2  }
0xc8: {  	s31 =	sshll.u32 s1, $0xD;
	s1 =	sshrl.u32 s1, $0x2  }
0xc9: {  	s4 =	sand.u32 $0x4000, s31;
	s1 =	sadd.s32 s1, s30  }
0xca: {  	s0 =	sor.u32 s4, s0;
	s1 =	sshll.u32 s1, $0x11  }
0xcb: {  	s0 =	sor.u32 s1, s0  }
0xcc: {  	s0 =	sadd.s32 $0x8F2B, s0  }
0xcd: {  	[sflag:s0] =	ssyncadd.remote.s32 $0x1  }
0xce: {  	_ =	sfence.sel $0xFFFF  }
0xcf: {  	[dreg:$0x0] =	wrdreg $0xFFFFFFFF;
	(pc) =	sbr.abs _section_cstart, $3  }
0xd0: {  	[dreg:$0x1] =	wrdreg $0xFFFFFFFF  }
0xd1: {  	_ =	task.clear_ibuf [dreg:s22], $0x2FFFF;
	_ =	strace $0x9FFFFFFF  }
0xd2: {  	(tm) =	ssettm $0x7FFFFFFF  }
0xd3: {  	_ =	shalt  }
tec
execute0_lowered:
.L_overlay_start_1:
0x0: {  	(tag) =	ssettag $0x1  }
0x1: {  	s0 =	rddreg [dreg:$0x0]  }
0x2: {  	s1 =	srdreg.scid;
	s2 =	rddreg [dreg:$0x1]  }
0x3: {  	s3 =	rddreg [dreg:$0x2];
	s6 =	stileid.u32  }
0x4: {  	s4 =	simm.s32 $0x0;
	s29 =	simm.s32 $0x200;
	s30 =	simm.s32 $0x7  }
0x5: {  	s31 =	simm.s32 $0x100;
	s14 =	simm.s32 $0x2;
	s1 =	sand.u32 $0x1, s1  }
0x6: {  	[smem:$0x7FF] =	sst s4;
	s9 =	smul.u32 $0x50000, s6;
	s10 =	sadd.s32 $0x17000, s2  }
0x7: {  	s5 =	sshll.u32 s1, $0x4;
	_ =	strace $0x8000004A;
	[dreg:$0x4] =	wrdreg s10  }
0x8: {  	s1 =	ssub.s32 $0x2, s1;
	s7 =	sor.u32 s6, s5;
	s5 =	sadd.s32 $0xD000, s2  }
0x9: {  	s6 =	sadd.s32 $0x67800, s2;
	s9 =	sshrl.u32 s9, $0x2;
	s16 =	sshrl.u32 s1, $0x1  }
0xa: {  	s8 =	smul.u32 $0x14000, s7;
	s9 =	sadd.s32 s9, s3;
	s1 =	ssub.s32 s1, s16  }
0xb: {  	s16 =	simm.s32 $0x5;
	s10 =	sadd.s32 $0x4000, s9;
	s11 =	sadd.s32 $0x8000, s9  }
0xc: {  	s1 =	smax.u32 s1, $0x1;
	s28 =	sadd.s32 $0x10000, s9;
	s15 =	sshrl.u32 s8, $0x3  }
0xd: {  	s8 =	smul.u32 $0x2800, s7;
	[dreg:$0xe] =	wrdreg s1;
	s2 =	sadd.s32 s15, s2  }
0xe: {  	s1 =	simm.s32 $0x80;
	s7 =	simm.s32 $0x4;
	s20 =	sadd.s32 $0x71800, s2  }
0xf: {  	s15 =	simm.s32 $0x3;
	s21 =	sadd.s32 $0x72000, s2;
	[dreg:$0x9] =	wrdreg s20  }
0x10: {  	s17 =	sshrl.u32 s8, $0x3;
	s22 =	sadd.s32 $0x72800, s2;
	[dreg:$0xa] =	wrdreg s21  }
0x11: {  	s23 =	sadd.s32 $0x73000, s2;
	s2 =	sadd.s32 $0x73800, s2;
	[dreg:$0xb] =	wrdreg s22  }
0x12: {  	s12 =	sadd.s32 s5, s17;
	s18 =	sor.u32 $0x10, s17;
	[dreg:$0xc] =	wrdreg s23  }
0x13: {  	s13 =	sadd.s32 s6, s17;
	[dreg:$0xd] =	wrdreg s2;
	s24 =	sadd.s32 $0x4F0, s17  }
0x14: {  	s25 =	sadd.s32 $0x4E0, s17;
	s2 =	simm.s32 $0x1;
	[dreg:$0x5] =	wrdreg s12  }
0x15: {  	s17 =	simm.s32 $0x180;
	[dreg:$0x6] =	wrdreg s13;
	s19 =	sadd.s32 s5, s18  }
0x16: {  	s12 =	sadd.s32 s6, s18;
	s22 =	sadd.s32 s5, s24;
	s23 =	sadd.s32 s6, s24  }
0x17: {  	s26 =	sadd.s32 s5, s25;
	s25 =	sadd.s32 s6, s25;
	[dreg:$0x7] =	wrdreg s19  }
0x18: {  	s13 =	simm.s32 $0x4200;
	s18 =	simm.s32 $0x0;
	[dreg:$0x8] =	wrdreg s12  }
0x19: {  	[dreg:$0xf] =	wrdreg s26;
	s26 =	sadd.s32 $0xC000, s9;
	s12 =	simm.s32 $0x6  }
.LBB2_1:
0x1a: {  	s19 =	rddreg [dreg:$0x4]  }
0x1b: {  	[tilespmem:s29], [sflag:$0x7] =	stream.linear.gather [hbm4b:s19+s4], $0x4000, $0x38;
	[tilespmem:$0x1C200] =	vst v63  }
0x1c: {  	_ =	swait.ge [sflag:s30], $0x4000  }
0x1d: {  	[sflag:s30] =	ssyncset.done $0x0  }
0x1e: {  	[sflag:s30] =	ssyncadd.s32 $0xFFFFC000  }
0x1f: {  	[spmem:s9] =	stream.linear.scatter [tilespmem:s29], [sflag:$0x7], $0x4000, $0x38;
	[tilespmem:$0x1C200] =	vst v63  }
0x20: {  	_ =	swait.ge [sflag:s30], $0x4000  }
0x21: {  	[sflag:s30] =	ssyncset.done $0x0  }
0x22: {  	[sflag:s30] =	ssyncadd.s32 $0xFFFFC000  }
0x23: {  	[spmem:s10] =	stream.linear.scatter [tilespmem:s29], [sflag:$0x7], $0x4000, $0x38;
	[tilespmem:$0x1C200] =	vst v63  }
0x24: {  	_ =	swait.ge [sflag:s30], $0x4000  }
0x25: {  	[sflag:s30] =	ssyncset.done $0x0  }
0x26: {  	[sflag:s30] =	ssyncadd.s32 $0xFFFFC000  }
0x27: {  	[spmem:s11] =	stream.linear.scatter [tilespmem:s29], [sflag:$0x7], $0x4000, $0x38;
	[tilespmem:$0x1C200] =	vst v63  }
0x28: {  	_ =	swait.ge [sflag:s30], $0x4000  }
0x29: {  	[sflag:s30] =	ssyncset.done $0x0  }
0x2a: {  	[sflag:s30] =	ssyncadd.s32 $0xFFFFC000  }
0x2b: {  	[spmem:s26] =	stream.linear.scatter [tilespmem:s29], [sflag:$0x7], $0x4000, $0x38;
	[tilespmem:$0x1C200] =	vst v63  }
0x2c: {  	_ =	swait.ge [sflag:s30], $0x4000  }
0x2d: {  	[sflag:s30] =	ssyncset.done $0x0  }
0x2e: {  	[sflag:s30] =	ssyncadd.s32 $0xFFFFC000  }
0x2f: {  	[spmem:s28] =	stream.linear.scatter [tilespmem:s29], [sflag:$0x7], $0x4000, $0x38;
	[tilespmem:$0x1C200] =	vst v63  }
0x30: {  	_ =	swait.ge [sflag:s30], $0x4000  }
0x31: {  	[sflag:s30] =	ssyncset.done $0x0  }
0x32: {  	[sflag:s30] =	ssyncadd.s32 $0xFFFFC000  }
0x33: {  	[bflag:$0x0] =	sbarrier.arrive $0xFFFF  }
0x34: {  	s20 =	rddreg [dreg:$0x5]  }
0x35: {  	[tilespmem:s4], [sflag:$0x7] =	stream.linear.gather [hbm4b:s20+s4], $0x80, $0x38;
	[tilespmem:$0x1C200] =	vst v63  }
0x36: {  	_ =	swait.ge [sflag:s30], $0x80  }
0x37: {  	[sflag:s30] =	ssyncset.done $0x0  }
0x38: {  	s21 =	rddreg [dreg:$0x6];
	[sflag:s30] =	ssyncadd.s32 $0xFFFFFF80  }
0x39: {  	[tilespmem:s31], [sflag:$0x7] =	stream.linear.gather [hbm4b:s21+s4], $0x80, $0x38;
	[tilespmem:$0x1C200] =	vst v63  }
0x3a: {  	_ =	swait.ge [sflag:s30], $0x80  }
0x3b: {  	[sflag:s30] =	ssyncset.done $0x0  }
0x3c: {  	[sflag:s30] =	ssyncadd.s32 $0xFFFFFF80  }
0x3d: {  	[tilespmem:s29], [sflag:$0x1] =	stream.indirect.gather [hbm4b:s0+s1], $0x80, s4, s1, $0xb8;
	[tilespmem:$0x1C200] =	vst v63  }
0x3e: {  	s24 =	rddreg [dreg:$0x7]  }
0x3f: {  	[tilespmem:s1], [sflag:$0x4] =	stream.linear.gather [hbm4b:s24+s4], $0x80, $0x38;
	[tilespmem:$0x1C200] =	vst v63  }
0x40: {  	s20 =	rddreg [dreg:$0x8]  }
0x41: {  	[tilespmem:s17], [sflag:$0x6] =	stream.linear.gather [hbm4b:s20+s4], $0x80, $0x38;
	[tilespmem:$0x1C200] =	vst v63  }
0x42: {  	_ =	swait.ge [sflag:s2], $0x4000  }
0x43: {  	[sflag:s2] =	ssyncset.done $0x0  }
0x44: {  	[sflag:s2] =	ssyncadd.s32 $0xFFFFC000  }
0x45: {  	_ =	swait.ge [sflag:s7], $0x80  }
0x46: {  	[sflag:s7] =	ssyncset.done $0x0  }
0x47: {  	[sflag:s7] =	ssyncadd.s32 $0xFFFFFF80  }
0x48: {  	_ =	swait.ge [sflag:s12], $0x80  }
0x49: {  	s21 =	simm.s32 $0x100;
	[sflag:s12] =	ssyncset.done $0x0  }
0x4a: {  	s20 =	sand.u32 $0x7C00, s21;
	[sflag:s12] =	ssyncadd.s32 $0xFFFFFF80  }
0x4b: {  	[tilespmem:s13], [sflag:$0x2] =	stream.indirect.gather [hbm4b:s0+s1], $0x80, s1, s1, $0xb8;
	[tilespmem:$0x1C200] =	vst v63  }
0x4c: {  	s19 =	sand.u32 $0x300, s21;
	s20 =	sadd.s32 s8, s20  }
0x4d: {  	[spmem:s3] =	stream.indirect.scatter.add.f32 [tilespmem:s29], [sflag:$0x7], $0x80, s31, s1, $0xb8;
	[tilespmem:$0x1C200] =	vst v63  }
0x4e: {  	s19 =	sor.u32 s19, s20;
	_ =	swait.ge [sflag:s30], $0x4000  }
0x4f: {  	s19 =	sshrl.u32 s19, $0x3;
	[sflag:s30] =	ssyncset.done $0x0  }
0x50: {  	s24 =	sadd.s32 s5, s19;
	[sflag:s30] =	ssyncadd.s32 $0xFFFFC000  }
0x51: {  	[tilespmem:s4], [sflag:$0x3] =	stream.linear.gather [hbm4b:s24+s4], $0x80, $0x38;
	[tilespmem:$0x1C200] =	vst v63  }
0x52: {  	s19 =	sadd.s32 s6, s19  }
0x53: {  	[tilespmem:s31], [sflag:$0x5] =	stream.linear.gather [hbm4b:s19+s4], $0x80, $0x38;
	[tilespmem:$0x1C200] =	vst v63  }
0x54: {  	_ =	swait.ge [sflag:s14], $0x4000  }
0x55: {  	[sflag:s14] =	ssyncset.done $0x0  }
0x56: {  	[sflag:s14] =	ssyncadd.s32 $0xFFFFC000  }
0x57: {  	_ =	swait.ge [sflag:s15], $0x80  }
0x58: {  	[sflag:s15] =	ssyncset.done $0x0  }
0x59: {  	[sflag:s15] =	ssyncadd.s32 $0xFFFFFF80  }
0x5a: {  	_ =	swait.ge [sflag:s16], $0x80  }
0x5b: {  	[sflag:s16] =	ssyncset.done $0x0  }
0x5c: {  	s21 =	sand.u32 $0x7C00, s17;
	[sflag:s16] =	ssyncadd.s32 $0xFFFFFF80  }
0x5d: {  	[tilespmem:s29], [sflag:$0x1] =	stream.indirect.gather [hbm4b:s0+s1], $0x80, s4, s1, $0xb8;
	[tilespmem:$0x1C200] =	vst v63  }
0x5e: {  	s24 =	sand.u32 $0x380, s17;
	s19 =	sadd.s32 s8, s21  }
0x5f: {  	[spmem:s3] =	stream.indirect.scatter.add.f32 [tilespmem:s13], [sflag:$0x7], $0x80, s17, s1, $0xb8;
	[tilespmem:$0x1C200] =	vst v63  }
0x60: {  	s19 =	sor.u32 s24, s19;
	_ =	swait.ge [sflag:s30], $0x4000  }
0x61: {  	s20 =	sshrl.u32 s19, $0x3;
	[sflag:s30] =	ssyncset.done $0x0  }
0x62: {  	s19 =	sadd.s32 s5, s20;
	[sflag:s30] =	ssyncadd.s32 $0xFFFFC000  }
0x63: {  	[tilespmem:s1], [sflag:$0x4] =	stream.linear.gather [hbm4b:s19+s4], $0x80, $0x38;
	[tilespmem:$0x1C200] =	vst v63  }
0x64: {  	s21 =	sadd.s32 s6, s20;
	s19 =	simm.s32 $0x280  }
.LBB2_2:
0x65: {  	p0 =	sne.s32 s19, $0x2680;
	s20 =	smov.u32 s19;
	s19 =	sadd.s32 $0x100, s19  }
0x66: {  	[tilespmem:s17], [sflag:$0x6] =	stream.linear.gather [hbm4b:s21+s4], $0x80, $0x38;
	[tilespmem:$0x1C200] =	vst v63  }
0x67: {  	_ =	swait.ge [sflag:s2], $0x4000  }
0x68: {  	[sflag:s2] =	ssyncset.done $0x0  }
0x69: {  	[sflag:s2] =	ssyncadd.s32 $0xFFFFC000  }
0x6a: {  	_ =	swait.ge [sflag:s7], $0x80  }
0x6b: {  	[sflag:s7] =	ssyncset.done $0x0  }
0x6c: {  	[sflag:s7] =	ssyncadd.s32 $0xFFFFFF80  }
0x6d: {  	_ =	swait.ge [sflag:s12], $0x80  }
0x6e: {  	[sflag:s12] =	ssyncset.done $0x0  }
0x6f: {  	s21 =	sadd.s32 $0xFFFFFF80, s20;
	[sflag:s12] =	ssyncadd.s32 $0xFFFFFF80  }
0x70: {  	[tilespmem:s13], [sflag:$0x2] =	stream.indirect.gather [hbm4b:s0+s1], $0x80, s1, s1, $0xb8;
	[tilespmem:$0x1C200] =	vst v63  }
0x71: {  	s24 =	sand.u32 $0x7C00, s21;
	s21 =	sand.u32 $0x300, s21  }
0x72: {  	[spmem:s3] =	stream.indirect.scatter.add.f32 [tilespmem:s29], [sflag:$0x7], $0x80, s31, s1, $0xb8;
	[tilespmem:$0x1C200] =	vst v63  }
0x73: {  	s24 =	sadd.s32 s8, s24;
	_ =	swait.ge [sflag:s30], $0x4000  }
0x74: {  	s21 =	sor.u32 s21, s24;
	[sflag:s30] =	ssyncset.done $0x0  }
0x75: {  	s21 =	sshrl.u32 s21, $0x3;
	[sflag:s30] =	ssyncadd.s32 $0xFFFFC000  }
0x76: {  	s24 =	sadd.s32 s5, s21;
	s21 =	sadd.s32 s6, s21  }
0x77: {  	[tilespmem:s4], [sflag:$0x3] =	stream.linear.gather [hbm4b:s24+s4], $0x80, $0x38;
	[tilespmem:$0x1C200] =	vst v63  }
0x78: {  	_ = 	snop  }
0x79: {  	[tilespmem:s31], [sflag:$0x5] =	stream.linear.gather [hbm4b:s21+s4], $0x80, $0x38;
	[tilespmem:$0x1C200] =	vst v63  }
0x7a: {  	_ =	swait.ge [sflag:s14], $0x4000  }
0x7b: {  	[sflag:s14] =	ssyncset.done $0x0  }
0x7c: {  	[sflag:s14] =	ssyncadd.s32 $0xFFFFC000  }
0x7d: {  	_ =	swait.ge [sflag:s15], $0x80  }
0x7e: {  	[sflag:s15] =	ssyncset.done $0x0  }
0x7f: {  	[sflag:s15] =	ssyncadd.s32 $0xFFFFFF80  }
0x80: {  	_ =	swait.ge [sflag:s16], $0x80  }
0x81: {  	[sflag:s16] =	ssyncset.done $0x0  }
0x82: {  	s21 =	sand.u32 $0x7C00, s20;
	[sflag:s16] =	ssyncadd.s32 $0xFFFFFF80  }
0x83: {  	[tilespmem:s29], [sflag:$0x1] =	stream.indirect.gather [hbm4b:s0+s1], $0x80, s4, s1, $0xb8;
	[tilespmem:$0x1C200] =	vst v63  }
0x84: {  	s20 =	sand.u32 $0x380, s20;
	s21 =	sadd.s32 s8, s21  }
0x85: {  	[spmem:s3] =	stream.indirect.scatter.add.f32 [tilespmem:s13], [sflag:$0x7], $0x80, s17, s1, $0xb8;
	[tilespmem:$0x1C200] =	vst v63  }
.Ltmp0:
0x86: {  	_ = 	snop;
	(pc) =	sbr.rel @p0 .LBB2_2-.Ltmp0, $4  }
0x87: {  	s20 =	sor.u32 s20, s21;
	_ =	swait.ge [sflag:s30], $0x4000  }
0x88: {  	s20 =	sshrl.u32 s20, $0x3;
	[sflag:s30] =	ssyncset.done $0x0  }
0x89: {  	s24 =	sadd.s32 s5, s20;
	s21 =	sadd.s32 s6, s20;
	[sflag:s30] =	ssyncadd.s32 $0xFFFFC000  }
0x8a: {  	[tilespmem:s1], [sflag:$0x4] =	stream.linear.gather [hbm4b:s24+s4], $0x80, $0x38;
	[tilespmem:$0x1C200] =	vst v63  }
0x8b: {  	[tilespmem:s17], [sflag:$0x6] =	stream.linear.gather [hbm4b:s21+s4], $0x80, $0x38;
	[tilespmem:$0x1C200] =	vst v63  }
0x8c: {  	_ =	swait.ge [sflag:s2], $0x4000  }
0x8d: {  	[sflag:s2] =	ssyncset.done $0x0  }
0x8e: {  	[sflag:s2] =	ssyncadd.s32 $0xFFFFC000  }
0x8f: {  	_ =	swait.ge [sflag:s7], $0x80  }
0x90: {  	[sflag:s7] =	ssyncset.done $0x0  }
0x91: {  	[sflag:s7] =	ssyncadd.s32 $0xFFFFFF80  }
0x92: {  	_ =	swait.ge [sflag:s12], $0x80  }
0x93: {  	[sflag:s12] =	ssyncset.done $0x0  }
0x94: {  	[sflag:s12] =	ssyncadd.s32 $0xFFFFFF80  }
0x95: {  	[tilespmem:s13], [sflag:$0x2] =	stream.indirect.gather [hbm4b:s0+s1], $0x80, s1, s1, $0xb8;
	[tilespmem:$0x1C200] =	vst v63  }
0x96: {  	_ = 	snop  }
0x97: {  	[spmem:s3] =	stream.indirect.scatter.add.f32 [tilespmem:s29], [sflag:$0x7], $0x80, s31, s1, $0xb8;
	[tilespmem:$0x1C200] =	vst v63  }
0x98: {  	_ =	swait.ge [sflag:s30], $0x4000  }
0x99: {  	[sflag:s30] =	ssyncset.done $0x0  }
0x9a: {  	s19 =	rddreg [dreg:$0xf];
	[sflag:s30] =	ssyncadd.s32 $0xFFFFC000  }
0x9b: {  	[tilespmem:s4], [sflag:$0x3] =	stream.linear.gather [hbm4b:s19+s4], $0x80, $0x38;
	[tilespmem:$0x1C200] =	vst v63  }
0x9c: {  	_ = 	snop  }
0x9d: {  	[tilespmem:s31], [sflag:$0x5] =	stream.linear.gather [hbm4b:s25+s4], $0x80, $0x38;
	[tilespmem:$0x1C200] =	vst v63  }
0x9e: {  	_ =	swait.ge [sflag:s14], $0x4000  }
0x9f: {  	[sflag:s14] =	ssyncset.done $0x0  }
0xa0: {  	[sflag:s14] =	ssyncadd.s32 $0xFFFFC000  }
0xa1: {  	_ =	swait.ge [sflag:s15], $0x80  }
0xa2: {  	[sflag:s15] =	ssyncset.done $0x0  }
0xa3: {  	[sflag:s15] =	ssyncadd.s32 $0xFFFFFF80  }
0xa4: {  	_ =	swait.ge [sflag:s16], $0x80  }
0xa5: {  	[sflag:s16] =	ssyncset.done $0x0  }
0xa6: {  	[sflag:s16] =	ssyncadd.s32 $0xFFFFFF80  }
0xa7: {  	[tilespmem:s29], [sflag:$0x1] =	stream.indirect.gather [hbm4b:s0+s1], $0x80, s4, s1, $0xb8;
	[tilespmem:$0x1C200] =	vst v63  }
0xa8: {  	_ = 	snop  }
0xa9: {  	[spmem:s3] =	stream.indirect.scatter.add.f32 [tilespmem:s13], [sflag:$0x7], $0x80, s17, s1, $0xb8;
	[tilespmem:$0x1C200] =	vst v63  }
0xaa: {  	_ =	swait.ge [sflag:s30], $0x4000  }
0xab: {  	[sflag:s30] =	ssyncset.done $0x0  }
0xac: {  	[sflag:s30] =	ssyncadd.s32 $0xFFFFC000  }
0xad: {  	[tilespmem:s1], [sflag:$0x4] =	stream.linear.gather [hbm4b:s22+s4], $0x80, $0x38;
	[tilespmem:$0x1C200] =	vst v63  }
0xae: {  	_ = 	snop  }
0xaf: {  	[tilespmem:s17], [sflag:$0x6] =	stream.linear.gather [hbm4b:s23+s4], $0x80, $0x38;
	[tilespmem:$0x1C200] =	vst v63  }
0xb0: {  	_ =	swait.ge [sflag:s2], $0x4000  }
0xb1: {  	[sflag:s2] =	ssyncset.done $0x0  }
0xb2: {  	[sflag:s2] =	ssyncadd.s32 $0xFFFFC000  }
0xb3: {  	_ =	swait.ge [sflag:s7], $0x80  }
0xb4: {  	[sflag:s7] =	ssyncset.done $0x0  }
0xb5: {  	[sflag:s7] =	ssyncadd.s32 $0xFFFFFF80  }
0xb6: {  	_ =	swait.ge [sflag:s12], $0x80  }
0xb7: {  	[sflag:s12] =	ssyncset.done $0x0  }
0xb8: {  	[sflag:s12] =	ssyncadd.s32 $0xFFFFFF80  }
0xb9: {  	[tilespmem:s13], [sflag:$0x2] =	stream.indirect.gather [hbm4b:s0+s1], $0x80, s1, s1, $0xb8;
	[tilespmem:$0x1C200] =	vst v63  }
0xba: {  	_ = 	snop  }
0xbb: {  	[spmem:s3] =	stream.indirect.scatter.add.f32 [tilespmem:s29], [sflag:$0x7], $0x80, s31, s1, $0xb8;
	[tilespmem:$0x1C200] =	vst v63  }
0xbc: {  	_ =	swait.ge [sflag:s30], $0x4000  }
0xbd: {  	[sflag:s30] =	ssyncset.done $0x0  }
0xbe: {  	[sflag:s30] =	ssyncadd.s32 $0xFFFFC000  }
0xbf: {  	[tilespmem:s4], [sflag:$0x3] =	stream.linear.gather [hbm4b:s22+s4], $0x80, $0x38;
	[tilespmem:$0x1C200] =	vst v63  }
0xc0: {  	_ = 	snop  }
0xc1: {  	[tilespmem:s31], [sflag:$0x5] =	stream.linear.gather [hbm4b:s23+s4], $0x80, $0x38;
	[tilespmem:$0x1C200] =	vst v63  }
0xc2: {  	_ =	swait.ge [sflag:s14], $0x4000  }
0xc3: {  	[sflag:s14] =	ssyncset.done $0x0  }
0xc4: {  	[sflag:s14] =	ssyncadd.s32 $0xFFFFC000  }
0xc5: {  	_ =	swait.ge [sflag:s15], $0x80  }
0xc6: {  	[sflag:s15] =	ssyncset.done $0x0  }
0xc7: {  	[sflag:s15] =	ssyncadd.s32 $0xFFFFFF80  }
0xc8: {  	_ =	swait.ge [sflag:s16], $0x80  }
0xc9: {  	[sflag:s16] =	ssyncset.done $0x0  }
0xca: {  	[sflag:s16] =	ssyncadd.s32 $0xFFFFFF80  }
0xcb: {  	[tilespmem:s29], [sflag:$0x1] =	stream.indirect.gather [hbm4b:s0+s1], $0x80, s4, s1, $0xb8;
	[tilespmem:$0x1C200] =	vst v63  }
0xcc: {  	_ = 	snop  }
0xcd: {  	[spmem:s3] =	stream.indirect.scatter.add.f32 [tilespmem:s13], [sflag:$0x7], $0x80, s17, s1, $0xb8;
	[tilespmem:$0x1C200] =	vst v63  }
0xce: {  	_ =	swait.ge [sflag:s30], $0x4000  }
0xcf: {  	[sflag:s30] =	ssyncset.done $0x0  }
0xd0: {  	[sflag:s30] =	ssyncadd.s32 $0xFFFFC000  }
0xd1: {  	[tilespmem:s1], [sflag:$0x4] =	stream.linear.gather [hbm4b:s22+s4], $0x80, $0x38;
	[tilespmem:$0x1C200] =	vst v63  }
0xd2: {  	_ = 	snop  }
0xd3: {  	[tilespmem:s17], [sflag:$0x6] =	stream.linear.gather [hbm4b:s23+s4], $0x80, $0x38;
	[tilespmem:$0x1C200] =	vst v63  }
0xd4: {  	_ =	swait.ge [sflag:s2], $0x4000  }
0xd5: {  	[sflag:s2] =	ssyncset.done $0x0  }
0xd6: {  	[sflag:s2] =	ssyncadd.s32 $0xFFFFC000  }
0xd7: {  	_ =	swait.ge [sflag:s7], $0x80  }
0xd8: {  	[sflag:s7] =	ssyncset.done $0x0  }
0xd9: {  	[sflag:s7] =	ssyncadd.s32 $0xFFFFFF80  }
0xda: {  	_ =	swait.ge [sflag:s12], $0x80  }
0xdb: {  	[sflag:s12] =	ssyncset.done $0x0  }
0xdc: {  	[sflag:s12] =	ssyncadd.s32 $0xFFFFFF80  }
0xdd: {  	[bflag:$0x0] =	sbarrier.arrive $0xFFFF  }
0xde: {  	[tilespmem:s29], [sflag:$0x7] =	stream.linear.gather [spmem:s9], $0x4000, $0x38;
	[tilespmem:$0x1C200] =	vst v63  }
0xdf: {  	_ =	swait.ge [sflag:s30], $0x4000  }
0xe0: {  	[sflag:s30] =	ssyncset.done $0x0  }
0xe1: {  	s20 =	rddreg [dreg:$0x9];
	[sflag:s30] =	ssyncadd.s32 $0xFFFFC000  }
0xe2: {  	[hbm4b:s20+s4] =	stream.linear.scatter [tilespmem:s29], [sflag:$0x7], $0x4000, $0x38;
	[tilespmem:$0x1C200] =	vst v63  }
0xe3: {  	_ =	swait.ge [sflag:s30], $0x4000  }
0xe4: {  	[sflag:s30] =	ssyncset.done $0x0  }
0xe5: {  	[sflag:s30] =	ssyncadd.s32 $0xFFFFC000  }
0xe6: {  	[tilespmem:s29], [sflag:$0x7] =	stream.linear.gather [spmem:s10], $0x4000, $0x38;
	[tilespmem:$0x1C200] =	vst v63  }
0xe7: {  	_ =	swait.ge [sflag:s30], $0x4000  }
0xe8: {  	[sflag:s30] =	ssyncset.done $0x0  }
0xe9: {  	s21 =	rddreg [dreg:$0xa];
	[sflag:s30] =	ssyncadd.s32 $0xFFFFC000  }
0xea: {  	[hbm4b:s21+s4] =	stream.linear.scatter [tilespmem:s29], [sflag:$0x7], $0x4000, $0x38;
	[tilespmem:$0x1C200] =	vst v63  }
0xeb: {  	_ =	swait.ge [sflag:s30], $0x4000  }
0xec: {  	[sflag:s30] =	ssyncset.done $0x0  }
0xed: {  	[sflag:s30] =	ssyncadd.s32 $0xFFFFC000  }
0xee: {  	[tilespmem:s29], [sflag:$0x7] =	stream.linear.gather [spmem:s11], $0x4000, $0x38;
	[tilespmem:$0x1C200] =	vst v63  }
0xef: {  	_ =	swait.ge [sflag:s30], $0x4000  }
0xf0: {  	[sflag:s30] =	ssyncset.done $0x0  }
0xf1: {  	s24 =	rddreg [dreg:$0xb];
	[sflag:s30] =	ssyncadd.s32 $0xFFFFC000  }
0xf2: {  	[hbm4b:s24+s4] =	stream.linear.scatter [tilespmem:s29], [sflag:$0x7], $0x4000, $0x38;
	[tilespmem:$0x1C200] =	vst v63  }
0xf3: {  	_ =	swait.ge [sflag:s30], $0x4000  }
0xf4: {  	[sflag:s30] =	ssyncset.done $0x0  }
0xf5: {  	[sflag:s30] =	ssyncadd.s32 $0xFFFFC000  }
0xf6: {  	[tilespmem:s29], [sflag:$0x7] =	stream.linear.gather [spmem:s26], $0x4000, $0x38;
	[tilespmem:$0x1C200] =	vst v63  }
0xf7: {  	_ =	swait.ge [sflag:s30], $0x4000  }
0xf8: {  	[sflag:s30] =	ssyncset.done $0x0  }
0xf9: {  	s20 =	rddreg [dreg:$0xc];
	[sflag:s30] =	ssyncadd.s32 $0xFFFFC000  }
0xfa: {  	[hbm4b:s20+s4] =	stream.linear.scatter [tilespmem:s29], [sflag:$0x7], $0x4000, $0x38;
	[tilespmem:$0x1C200] =	vst v63  }
0xfb: {  	_ =	swait.ge [sflag:s30], $0x4000  }
0xfc: {  	[sflag:s30] =	ssyncset.done $0x0  }
0xfd: {  	[sflag:s30] =	ssyncadd.s32 $0xFFFFC000  }
0xfe: {  	[tilespmem:s29], [sflag:$0x7] =	stream.linear.gather [spmem:s28], $0x4000, $0x38;
	[tilespmem:$0x1C200] =	vst v63  }
0xff: {  	_ =	swait.ge [sflag:s30], $0x4000  }
0x100: {  	[sflag:s30] =	ssyncset.done $0x0  }
0x101: {  	s21 =	rddreg [dreg:$0xd];
	[sflag:s30] =	ssyncadd.s32 $0xFFFFC000  }
0x102: {  	[hbm4b:s21+s4] =	stream.linear.scatter [tilespmem:s29], [sflag:$0x7], $0x4000, $0x38;
	[tilespmem:$0x1C200] =	vst v63  }
0x103: {  	_ =	swait.ge [sflag:s30], $0x4000  }
0x104: {  	s18 =	sadd.s32 $0x1, s18;
	s24 =	rddreg [dreg:$0xe]  }
0x105: {  	p0 =	sne.s32 s18, s24  }
.Ltmp1:
0x106: {  	_ = 	snop;
	(pc) =	sbr.rel @p0 .LBB2_1-.Ltmp1, $3  }
0x107: {  	_ =	sdelay $0x1  }
0x108: {  	[sflag:s30] =	ssyncset.done $0x0  }
0x109: {  	[sflag:s30] =	ssyncadd.s32 $0xFFFFC000  }
0x10a: {  	_ =	sfence.sel $0x180000  }
0x10b: {  	[bflag:$0x0] =	sbarrier.arrive $0xFFFF  }
0x10c: {  	_ =	strace $0x9000004A  }
0x10d: {  	s0 =	stileid.u32;
	[bflag:$0x2] =	sbarrier.arrive $0xFFFF  }
0x10e: {  	p0 =	sne.s32 s0, $0x0;
	s0 =	rddreg [dreg:$0x3]  }
0x10f: {  	s0 =	sadd.s32 @!p0 $0x100000, s0  }
0x110: {  	[sflag:s0] =	ssyncadd.tile.s32 @!p0 $0x1;
	_ =	shalt  }
.Lfunc_end2:
_tile_overlayer_lowered:
.L_overlay_start_2:
0x111: {  	(tag) =	ssettag $0x2  }
0x112: {  	s0 =	rddreg [dreg:$0x0];
	s2 =	stileid.u32  }
0x113: {  	s1 =	rddreg [dreg:$0x1];
	p0 =	sne.s32 s2, $0x0  }
0x114: {  	s3 =	rddreg [dreg:$0x2];
	[bflag:$0x3] =	sbarrier.arrive $0xFFFF;
	s2 =	simm.s32 @!p0 $0x1C07  }
0x115: {  	[timem:s3], [sflag:s2] =	dma.local @!p0 [hbm:s0], s1  }
0x116: {  	s0 =	simm.s32 @!p0 $0x7  }
0x117: {  	_ =	swait.ge @!p0 [sflag:s0], s1  }
0x118: {  	s1 =	ssub.s32 @!p0 $0x0, s1;
	[sflag:s0] =	ssyncset.done @!p0 $0x0  }
0x119: {  	[sflag:s0] =	ssyncadd.s32 @!p0 s1  }
0x11a: {  	[bflag:$0x3] =	sbarrier.arrive $0xFFFF  }
0x11b: {  	_ =	shalt  }

</sc_bundles>
